<compile_context>
chip_gen: v7x
topology: tpu7x:2x2x1
jax: 0.10.2.dev20260603
libtpu: 0.0.44.dev20260713+nightly
codegen_flags: <defaults>
</compile_context>

<pallas_src>
import functools

import jax
import jax.numpy as jnp
from jax import lax
from jax.experimental import pallas as pl
from jax.experimental.pallas import tpu as pltpu
from jax.experimental.pallas import tpu_sc as plsc

N_ROWS = 320000
D = 128
N_CLS = 1000
PAD_CLS = 1024
N_CORES = 2
N_SUB = 16
N_WORK = N_CORES * N_SUB
ROWS_PER_W = N_ROWS // N_WORK
CHUNK = 200
SUB = 40
NSUB = CHUNK // SUB
NRING = 4
CHUNKS_PER_W = ROWS_PER_W // CHUNK
LPAD = 208
ROWS_PER_TILE = PAD_CLS // N_SUB


def _make_main():
  mesh = plsc.VectorSubcoreMesh(core_axis_name="c", subcore_axis_name="s")

  @functools.partial(
      pl.kernel,
      mesh=mesh,
      out_type=[
          jax.ShapeDtypeStruct((N_CORES * PAD_CLS, D), jnp.float32),
          jax.ShapeDtypeStruct((N_WORK, PAD_CLS), jnp.float32),
      ],
      scratch_types=[
          pltpu.VMEM((NRING, CHUNK, D), jnp.float32),
          pltpu.VMEM((NRING, NSUB, SUB), jnp.int32),
          pltpu.VMEM((LPAD,), jnp.int32),
          pltpu.VMEM((LPAD,), jnp.int32),
          pltpu.VMEM((LPAD,), jnp.int32),
          pltpu.VMEM((LPAD,), jnp.int32),
          pltpu.VMEM((PAD_CLS,), jnp.float32),
          pltpu.VMEM_SHARED((PAD_CLS, D), jnp.float32),
          pltpu.SemaphoreType.DMA,
          pltpu.SemaphoreType.DMA,
          pltpu.SemaphoreType.DMA,
          pltpu.SemaphoreType.DMA,
          pltpu.SemaphoreType.DMA,
          pltpu.SemaphoreType.DMA,
          pltpu.SemaphoreType.DMA,
          pltpu.SemaphoreType.DMA,
          pltpu.SemaphoreType.DMA,
          pltpu.SemaphoreType.DMA,
          pltpu.SemaphoreType.DMA,
          pltpu.SemaphoreType.DMA,
      ],
      compiler_params=pltpu.CompilerParams(needs_layout_passes=False),
  )
  def main(feat_hbm, lbl_hbm, zf_hbm,
           sums_hbm, cnts_hbm,
           fbuf, libuf, lfa, lfb, lfc, lfd, cnt_local, acc_sh,
           gf0, gf1, gf2, gf3, gl0, gl1, gl2, gl3, ss0, ss1, ss2, ss3):
    c = lax.axis_index("c")
    s = lax.axis_index("s")
    wid = s * N_CORES + c
    base = wid * ROWS_PER_W
    gf = (gf0, gf1, gf2, gf3)
    gl = (gl0, gl1, gl2, gl3)
    ss = (ss0, ss1, ss2, ss3)
    lf = (lfa, lfb, lfc, lfd)

    pltpu.sync_copy(zf_hbm, acc_sh.at[pl.ds(s * ROWS_PER_TILE, ROWS_PER_TILE)])

    def zbody(i, carry):
      cnt_local[pl.ds(i * 16, 16)] = jnp.zeros((16,), jnp.float32)
      return carry

    lax.fori_loop(0, PAD_CLS // 16, zbody, 0)
    plsc.subcore_barrier()

    ones16 = jnp.ones((16,), jnp.float32)
    tail_mask = lax.iota(jnp.int32, 16) < (CHUNK - (CHUNK // 16) * 16)

    def start_gather(j, r):
      off = base + j * CHUNK
      pltpu.async_copy(feat_hbm.at[pl.ds(off, CHUNK)], fbuf.at[r], gf[r])
      for k in range(NSUB):
        pltpu.async_copy(lbl_hbm.at[pl.ds(off + k * SUB, SUB)],
                         libuf.at[r, k], gl[r])
      pltpu.async_copy(lbl_hbm.at[pl.ds(off, LPAD)], lf[r], gl[r])

    def wait_gather(r):
      pltpu.make_async_copy(feat_hbm.at[pl.ds(0, CHUNK)], fbuf.at[r],
                            gf[r]).wait()
      for k in range(NSUB):
        pltpu.make_async_copy(lbl_hbm.at[pl.ds(0, SUB)], libuf.at[r, k],
                              gl[r]).wait()
      pltpu.make_async_copy(lbl_hbm.at[pl.ds(0, LPAD)], lf[r], gl[r]).wait()

    def start_scatter(r):
      for k in range(NSUB):
        pltpu.async_copy(fbuf.at[r, pl.ds(k * SUB, SUB)],
                         acc_sh.at[libuf.at[r, k]], ss[r], add=True)

    def wait_scatter(r):
      for k in range(NSUB):
        pltpu.make_async_copy(fbuf.at[r, pl.ds(k * SUB, SUB)],
                              acc_sh.at[libuf.at[r, k]], ss[r]).wait()

    def counts(r):
      nfull = CHUNK // 16
      for k in range(nfull):
        lv = lf[r][pl.ds(k * 16, 16)]
        plsc.addupdate_scatter(cnt_local, [lv], ones16)
      lv = lf[r][pl.ds(nfull * 16, 16)]
      plsc.addupdate_scatter(cnt_local, [lv], ones16, mask=tail_mask)

    for r in range(NRING - 1):
      start_gather(r, r)

    def body(t, carry):
      for r in range(NRING):
        j = NRING * t + r
        wait_gather(r)

        @pl.when(j != 0)
        def _():
          wait_scatter((r + NRING - 1) % NRING)

        @pl.when(j + NRING - 1 < CHUNKS_PER_W)
        def _():
          start_gather(j + NRING - 1, (r + NRING - 1) % NRING)

        start_scatter(r)
        counts(r)
      return carry

    lax.fori_loop(0, CHUNKS_PER_W // NRING, body, 0)

    wait_gather(0)
    wait_scatter(NRING - 1)
    start_scatter(0)
    counts(0)
    wait_gather(1)
    start_scatter(1)
    counts(1)
    wait_scatter(0)
    wait_scatter(1)

    plsc.subcore_barrier()
    outbase = c * PAD_CLS + s * ROWS_PER_TILE
    pltpu.sync_copy(acc_sh.at[pl.ds(s * ROWS_PER_TILE, ROWS_PER_TILE)],
                    sums_hbm.at[pl.ds(outbase, ROWS_PER_TILE)])
    pltpu.sync_copy(cnt_local, cnts_hbm.at[wid])

  return main


def _combine_body(s_ref, c_ref, o_ref):
  s0 = s_ref[0:PAD_CLS, :]
  s1 = s_ref[PAD_CLS:2 * PAD_CLS, :]
  cnt = jnp.sum(c_ref[...], axis=0)
  o_ref[...] = (s0 + s1) / cnt[:, None]


@jax.jit
def _run(support_features, support_labels):
  labels = support_labels.astype(jnp.int32)
  labels_p = jnp.pad(labels, (0, LPAD - CHUNK))
  zf = jnp.zeros((ROWS_PER_TILE, D), jnp.float32)
  sums, cnts = _make_main()(support_features, labels_p, zf)
  out = pl.pallas_call(
      _combine_body,
      out_shape=jax.ShapeDtypeStruct((PAD_CLS, D), jnp.float32),
  )(sums, cnts)
  return out[:N_CLS]


def kernel(support_features, support_labels, n_way):
  return _run(support_features, support_labels)

# --- scband reference (transcript-rebuilt; emitter-appended) ---
"""Pipeline reference for scband-prototype-computation-14972255994268 (READ-ONLY COPY).

The authoritative reference and input builder live on the scoring server;
editing this copy changes nothing except your own understanding.
"""

import jax, jax.numpy as jnp
import numpy as np


def setup_inputs(seed: int = 0) -> dict:
    key = jax.random.key(seed)
    k1, k2 = jax.random.split(key)
    support_features = jax.random.normal(k1, (320000, 128), dtype=jnp.float32)
    support_labels = jnp.sort(jax.random.randint(k2, (320000,), 0, 1000, dtype=jnp.int64))
    return {
        "support_features": support_features,
        "support_labels": support_labels,
        "n_way": 1000,
    }


def reference(support_features, support_labels, n_way):
    # Vanilla mode: per-class mean prototype.
    # torch loop `prototypes[c] = support_features[mask].mean(0)` is exactly a
    # segment mean: segment_sum / segment_count.
    num_segments = 1000
    sums = jax.ops.segment_sum(support_features, support_labels, num_segments=num_segments)
    counts = jax.ops.segment_sum(
        jnp.ones((support_features.shape[0],), dtype=support_features.dtype),
        support_labels,
        num_segments=num_segments,
    )
    prototypes = sums / counts[:, None]
    return prototypes * (n_way / n_way)

if __name__ == "__main__":
    import jax
    _d = setup_inputs()
    print(jax.jit(kernel)(*tuple(_d.values())))

</pallas_src>

<mosaic_0001>
#map = affine_map<(d0, d1) -> (0, 0)>
#map1 = affine_map<(d0, d1) -> (0)>
module attributes {stable_mosaic.version = 14 : i64} {
  func.func @main(%arg0: i32, %arg1: i32, %arg2: memref<320000x128xf32, #tpu.memory_space<hbm>>, %arg3: memref<320008xi32, #tpu.memory_space<hbm>>, %arg4: memref<64x128xf32, #tpu.memory_space<hbm>>, %arg5: memref<2048x128xf32, #tpu.memory_space<hbm>>, %arg6: memref<32x1024xf32, #tpu.memory_space<hbm>>, %arg7: memref<4x200x128xf32, #tpu.memory_space<vmem>>, %arg8: memref<4x5x40xi32, #tpu.memory_space<vmem>>, %arg9: memref<208xi32, #tpu.memory_space<vmem>>, %arg10: memref<208xi32, #tpu.memory_space<vmem>>, %arg11: memref<208xi32, #tpu.memory_space<vmem>>, %arg12: memref<208xi32, #tpu.memory_space<vmem>>, %arg13: memref<1024xf32, #tpu.memory_space<vmem>>, %arg14: memref<1024x128xf32, #tpu.memory_space<vmem_shared>>, %arg15: memref<!tpu.dma_semaphore, #tpu.memory_space<semaphore_mem>>, %arg16: memref<!tpu.dma_semaphore, #tpu.memory_space<semaphore_mem>>, %arg17: memref<!tpu.dma_semaphore, #tpu.memory_space<semaphore_mem>>, %arg18: memref<!tpu.dma_semaphore, #tpu.memory_space<semaphore_mem>>, %arg19: memref<!tpu.dma_semaphore, #tpu.memory_space<semaphore_mem>>, %arg20: memref<!tpu.dma_semaphore, #tpu.memory_space<semaphore_mem>>, %arg21: memref<!tpu.dma_semaphore, #tpu.memory_space<semaphore_mem>>, %arg22: memref<!tpu.dma_semaphore, #tpu.memory_space<semaphore_mem>>, %arg23: memref<!tpu.dma_semaphore, #tpu.memory_space<semaphore_mem>>, %arg24: memref<!tpu.dma_semaphore, #tpu.memory_space<semaphore_mem>>, %arg25: memref<!tpu.dma_semaphore, #tpu.memory_space<semaphore_mem>>, %arg26: memref<!tpu.dma_semaphore, #tpu.memory_space<semaphore_mem>>) attributes {dimension_semantics = [#tpu.dimension_semantics<core_parallel>, #tpu.dimension_semantics<subcore_parallel>], iteration_bounds = array<i64: 2, 16>, scalar_prefetch = 0 : i64, scratch_operands = 20 : i64, tpu.core_type = #tpu.core_type<sc_vector_subcore>, window_params = [{transform_indices = #map}, {transform_indices = #map1}, {transform_indices = #map}, {transform_indices = #map}, {transform_indices = #map}]} {
    %mul3A = arith.constant 2 : i32
    %mul3A_0 = arith.muli %arg1, %mul3A : i32
    %add3A = arith.addi %mul3A_0, %arg0 : i32
    %mul3A_1 = arith.constant 10000 : i32
    %mul3A_2 = arith.muli %add3A, %mul3A_1 : i32
    %mul3A_3 = arith.constant 64 : i32
    %mul3A_4 = arith.muli %arg1, %mul3A_3 : i32
    "tpu.region"() ({
      %run_scoped3A = tpu.sem_alloc : memref<!tpu.dma_semaphore, #tpu.memory_space<semaphore_mem>>
      %dma_start3A_790 = arith.constant 0 : i32
      %dma_start3A_791 = tpu.memref_slice %arg14[%mul3A_4, %dma_start3A_790] : memref<1024x128xf32, #tpu.memory_space<vmem_shared>> -> memref<64x128xf32, #tpu.memory_space<vmem_shared>>
      tpu.enqueue_dma source(%arg4 : memref<64x128xf32, #tpu.memory_space<hbm>>) target(%dma_start3A_791 : memref<64x128xf32, #tpu.memory_space<vmem_shared>>) target_semaphore(%run_scoped3A : memref<!tpu.dma_semaphore, #tpu.memory_space<semaphore_mem>>)
      %dma_wait3A_792 = arith.constant 0 : i32
      %dma_wait3A_793 = tpu.memref_slice %arg14[%mul3A_4, %dma_wait3A_792] : memref<1024x128xf32, #tpu.memory_space<vmem_shared>> -> memref<64x128xf32, #tpu.memory_space<vmem_shared>>
      tpu.wait_dma2 semaphore(%run_scoped3A : memref<!tpu.dma_semaphore, #tpu.memory_space<semaphore_mem>>) src(%arg4 : memref<64x128xf32, #tpu.memory_space<hbm>>) dst(%dma_wait3A_793 : memref<64x128xf32, #tpu.memory_space<vmem_shared>>)
      tpu.yield
    }) : () -> ()
    %scan3A = arith.constant 0 : i32
    %scan3A_5 = arith.constant 0 : i32
    %scan3A_6 = arith.constant 64 : i32
    %scan3A_7 = arith.addi %scan3A_5, %scan3A_6 : i32
    %scan3A_8 = arith.constant 1 : i32
    scf.for %scan3A_790 = %scan3A_5 to %scan3A_7 step %scan3A_8  : i32 {
      %broadcast_in_dim3A_791 = arith.constant 0.000000e+00 : f32
      %broadcast_in_dim3A_792 = vector.broadcast %broadcast_in_dim3A_791 : f32 to vector<16xf32>
      %mul3A_793 = arith.constant 16 : i32
      %mul3A_794 = arith.muli %scan3A_790, %mul3A_793 : i32
      %swap3A = arith.index_cast %mul3A_794 : i32 to index
      %swap3A_795 = tpu.vector_load %arg13[%swap3A] {strides = array<i32>} : memref<1024xf32, #tpu.memory_space<vmem>>, vector<16xf32>,
      tpu.vector_store %arg13[%swap3A], %broadcast_in_dim3A_792 {strides = array<i32>} : memref<1024xf32, #tpu.memory_space<vmem>>, vector<16xf32>,
    }
    %scan3A_9 = arith.constant 64 : i32
    %barrier3A = arith.constant 0 : index
    tpu.barrier barrier_id(%barrier3A)
    %broadcast_in_dim3A = arith.constant 1.000000e+00 : f32
    %broadcast_in_dim3A_10 = vector.broadcast %broadcast_in_dim3A : f32 to vector<16xf32>
    %iota3A = tpu.iota {dimensions = array<i32: 0>} : vector<16xi32>
    %lt3A = arith.constant 8 : i32
    %lt3A_11 = vector.broadcast %lt3A : i32 to vector<16xi32>
    %lt3A_12 = arith.cmpi slt, %iota3A, %lt3A_11 : vector<16xi32>
    %add3A_13 = arith.constant 0 : i32
    %add3A_14 = arith.addi %mul3A_2, %add3A_13 : i32
    %dma_start3A = arith.constant 0 : i32
    %dma_start3A_15 = arith.constant 0 : i32
    %dma_start3A_16 = arith.constant 0 : i32
    %dma_start3A_17 = tpu.memref_slice %arg7[%dma_start3A, %dma_start3A_15, %dma_start3A_16] : memref<4x200x128xf32, #tpu.memory_space<vmem>> -> memref<1x200x128xf32, #tpu.memory_space<vmem>>
    %dma_start3A_18 = tpu.memref_squeeze %dma_start3A_17 : memref<1x200x128xf32, #tpu.memory_space<vmem>> -> memref<200x128xf32, #tpu.memory_space<vmem>>
    %dma_start3A_19 = arith.constant 0 : i32
    %dma_start3A_20 = tpu.memref_slice %arg2[%add3A_14, %dma_start3A_19] : memref<320000x128xf32, #tpu.memory_space<hbm>> -> memref<200x128xf32, #tpu.memory_space<hbm>>
    %dma_start3A_21 = arith.constant 0 : i32
    %dma_start3A_22 = arith.constant 0 : i32
    %dma_start3A_23 = tpu.memref_slice %arg7[%dma_start3A, %dma_start3A_21, %dma_start3A_22] : memref<4x200x128xf32, #tpu.memory_space<vmem>> -> memref<1x200x128xf32, #tpu.memory_space<vmem>>
    %dma_start3A_24 = tpu.memref_squeeze %dma_start3A_23 : memref<1x200x128xf32, #tpu.memory_space<vmem>> -> memref<200x128xf32, #tpu.memory_space<vmem>>
    %dma_start3A_25 = arith.constant 0 : i32
    %dma_start3A_26 = tpu.memref_slice %arg2[%add3A_14, %dma_start3A_25] : memref<320000x128xf32, #tpu.memory_space<hbm>> -> memref<200x128xf32, #tpu.memory_space<hbm>>
    tpu.enqueue_dma source(%dma_start3A_26 : memref<200x128xf32, #tpu.memory_space<hbm>>) target(%dma_start3A_24 : memref<200x128xf32, #tpu.memory_space<vmem>>) target_semaphore(%arg15 : memref<!tpu.dma_semaphore, #tpu.memory_space<semaphore_mem>>)
    %add3A_27 = arith.constant 0 : i32
    %add3A_28 = arith.addi %add3A_14, %add3A_27 : i32
    %dma_start3A_29 = arith.constant 0 : i32
    %dma_start3A_30 = arith.constant 0 : i32
    %dma_start3A_31 = arith.constant 0 : i32
    %dma_start3A_32 = tpu.memref_slice %arg8[%dma_start3A_29, %dma_start3A_30, %dma_start3A_31] : memref<4x5x40xi32, #tpu.memory_space<vmem>> -> memref<1x1x40xi32, #tpu.memory_space<vmem>>
    %dma_start3A_33 = tpu.memref_squeeze %dma_start3A_32 : memref<1x1x40xi32, #tpu.memory_space<vmem>> -> memref<40xi32, #tpu.memory_space<vmem>>
    %dma_start3A_34 = tpu.memref_slice %arg3[%add3A_28] : memref<320008xi32, #tpu.memory_space<hbm>> -> memref<40xi32, #tpu.memory_space<hbm>>
    %dma_start3A_35 = arith.constant 0 : i32
    %dma_start3A_36 = tpu.memref_slice %arg8[%dma_start3A_29, %dma_start3A_30, %dma_start3A_35] : memref<4x5x40xi32, #tpu.memory_space<vmem>> -> memref<1x1x40xi32, #tpu.memory_space<vmem>>
    %dma_start3A_37 = tpu.memref_squeeze %dma_start3A_36 : memref<1x1x40xi32, #tpu.memory_space<vmem>> -> memref<40xi32, #tpu.memory_space<vmem>>
    %dma_start3A_38 = tpu.memref_slice %arg3[%add3A_28] : memref<320008xi32, #tpu.memory_space<hbm>> -> memref<40xi32, #tpu.memory_space<hbm>>
    tpu.enqueue_dma source(%dma_start3A_38 : memref<40xi32, #tpu.memory_space<hbm>>) target(%dma_start3A_37 : memref<40xi32, #tpu.memory_space<vmem>>) target_semaphore(%arg19 : memref<!tpu.dma_semaphore, #tpu.memory_space<semaphore_mem>>)
    %add3A_39 = arith.constant 40 : i32
    %add3A_40 = arith.addi %add3A_14, %add3A_39 : i32
    %dma_start3A_41 = arith.constant 0 : i32
    %dma_start3A_42 = arith.constant 1 : i32
    %dma_start3A_43 = arith.constant 0 : i32
    %dma_start3A_44 = tpu.memref_slice %arg8[%dma_start3A_41, %dma_start3A_42, %dma_start3A_43] : memref<4x5x40xi32, #tpu.memory_space<vmem>> -> memref<1x1x40xi32, #tpu.memory_space<vmem>>
    %dma_start3A_45 = tpu.memref_squeeze %dma_start3A_44 : memref<1x1x40xi32, #tpu.memory_space<vmem>> -> memref<40xi32, #tpu.memory_space<vmem>>
    %dma_start3A_46 = tpu.memref_slice %arg3[%add3A_40] : memref<320008xi32, #tpu.memory_space<hbm>> -> memref<40xi32, #tpu.memory_space<hbm>>
    %dma_start3A_47 = arith.constant 0 : i32
    %dma_start3A_48 = tpu.memref_slice %arg8[%dma_start3A_41, %dma_start3A_42, %dma_start3A_47] : memref<4x5x40xi32, #tpu.memory_space<vmem>> -> memref<1x1x40xi32, #tpu.memory_space<vmem>>
    %dma_start3A_49 = tpu.memref_squeeze %dma_start3A_48 : memref<1x1x40xi32, #tpu.memory_space<vmem>> -> memref<40xi32, #tpu.memory_space<vmem>>
    %dma_start3A_50 = tpu.memref_slice %arg3[%add3A_40] : memref<320008xi32, #tpu.memory_space<hbm>> -> memref<40xi32, #tpu.memory_space<hbm>>
    tpu.enqueue_dma source(%dma_start3A_50 : memref<40xi32, #tpu.memory_space<hbm>>) target(%dma_start3A_49 : memref<40xi32, #tpu.memory_space<vmem>>) target_semaphore(%arg19 : memref<!tpu.dma_semaphore, #tpu.memory_space<semaphore_mem>>)
    %add3A_51 = arith.constant 80 : i32
    %add3A_52 = arith.addi %add3A_14, %add3A_51 : i32
    %dma_start3A_53 = arith.constant 0 : i32
    %dma_start3A_54 = arith.constant 2 : i32
    %dma_start3A_55 = arith.constant 0 : i32
    %dma_start3A_56 = tpu.memref_slice %arg8[%dma_start3A_53, %dma_start3A_54, %dma_start3A_55] : memref<4x5x40xi32, #tpu.memory_space<vmem>> -> memref<1x1x40xi32, #tpu.memory_space<vmem>>
    %dma_start3A_57 = tpu.memref_squeeze %dma_start3A_56 : memref<1x1x40xi32, #tpu.memory_space<vmem>> -> memref<40xi32, #tpu.memory_space<vmem>>
    %dma_start3A_58 = tpu.memref_slice %arg3[%add3A_52] : memref<320008xi32, #tpu.memory_space<hbm>> -> memref<40xi32, #tpu.memory_space<hbm>>
    %dma_start3A_59 = arith.constant 0 : i32
    %dma_start3A_60 = tpu.memref_slice %arg8[%dma_start3A_53, %dma_start3A_54, %dma_start3A_59] : memref<4x5x40xi32, #tpu.memory_space<vmem>> -> memref<1x1x40xi32, #tpu.memory_space<vmem>>
    %dma_start3A_61 = tpu.memref_squeeze %dma_start3A_60 : memref<1x1x40xi32, #tpu.memory_space<vmem>> -> memref<40xi32, #tpu.memory_space<vmem>>
    %dma_start3A_62 = tpu.memref_slice %arg3[%add3A_52] : memref<320008xi32, #tpu.memory_space<hbm>> -> memref<40xi32, #tpu.memory_space<hbm>>
    tpu.enqueue_dma source(%dma_start3A_62 : memref<40xi32, #tpu.memory_space<hbm>>) target(%dma_start3A_61 : memref<40xi32, #tpu.memory_space<vmem>>) target_semaphore(%arg19 : memref<!tpu.dma_semaphore, #tpu.memory_space<semaphore_mem>>)
    %add3A_63 = arith.constant 120 : i32
    %add3A_64 = arith.addi %add3A_14, %add3A_63 : i32
    %dma_start3A_65 = arith.constant 0 : i32
    %dma_start3A_66 = arith.constant 3 : i32
    %dma_start3A_67 = arith.constant 0 : i32
    %dma_start3A_68 = tpu.memref_slice %arg8[%dma_start3A_65, %dma_start3A_66, %dma_start3A_67] : memref<4x5x40xi32, #tpu.memory_space<vmem>> -> memref<1x1x40xi32, #tpu.memory_space<vmem>>
    %dma_start3A_69 = tpu.memref_squeeze %dma_start3A_68 : memref<1x1x40xi32, #tpu.memory_space<vmem>> -> memref<40xi32, #tpu.memory_space<vmem>>
    %dma_start3A_70 = tpu.memref_slice %arg3[%add3A_64] : memref<320008xi32, #tpu.memory_space<hbm>> -> memref<40xi32, #tpu.memory_space<hbm>>
    %dma_start3A_71 = arith.constant 0 : i32
    %dma_start3A_72 = tpu.memref_slice %arg8[%dma_start3A_65, %dma_start3A_66, %dma_start3A_71] : memref<4x5x40xi32, #tpu.memory_space<vmem>> -> memref<1x1x40xi32, #tpu.memory_space<vmem>>
    %dma_start3A_73 = tpu.memref_squeeze %dma_start3A_72 : memref<1x1x40xi32, #tpu.memory_space<vmem>> -> memref<40xi32, #tpu.memory_space<vmem>>
    %dma_start3A_74 = tpu.memref_slice %arg3[%add3A_64] : memref<320008xi32, #tpu.memory_space<hbm>> -> memref<40xi32, #tpu.memory_space<hbm>>
    tpu.enqueue_dma source(%dma_start3A_74 : memref<40xi32, #tpu.memory_space<hbm>>) target(%dma_start3A_73 : memref<40xi32, #tpu.memory_space<vmem>>) target_semaphore(%arg19 : memref<!tpu.dma_semaphore, #tpu.memory_space<semaphore_mem>>)
    %add3A_75 = arith.constant 160 : i32
    %add3A_76 = arith.addi %add3A_14, %add3A_75 : i32
    %dma_start3A_77 = arith.constant 0 : i32
    %dma_start3A_78 = arith.constant 4 : i32
    %dma_start3A_79 = arith.constant 0 : i32
    %dma_start3A_80 = tpu.memref_slice %arg8[%dma_start3A_77, %dma_start3A_78, %dma_start3A_79] : memref<4x5x40xi32, #tpu.memory_space<vmem>> -> memref<1x1x40xi32, #tpu.memory_space<vmem>>
    %dma_start3A_81 = tpu.memref_squeeze %dma_start3A_80 : memref<1x1x40xi32, #tpu.memory_space<vmem>> -> memref<40xi32, #tpu.memory_space<vmem>>
    %dma_start3A_82 = tpu.memref_slice %arg3[%add3A_76] : memref<320008xi32, #tpu.memory_space<hbm>> -> memref<40xi32, #tpu.memory_space<hbm>>
    %dma_start3A_83 = arith.constant 0 : i32
    %dma_start3A_84 = tpu.memref_slice %arg8[%dma_start3A_77, %dma_start3A_78, %dma_start3A_83] : memref<4x5x40xi32, #tpu.memory_space<vmem>> -> memref<1x1x40xi32, #tpu.memory_space<vmem>>
    %dma_start3A_85 = tpu.memref_squeeze %dma_start3A_84 : memref<1x1x40xi32, #tpu.memory_space<vmem>> -> memref<40xi32, #tpu.memory_space<vmem>>
    %dma_start3A_86 = tpu.memref_slice %arg3[%add3A_76] : memref<320008xi32, #tpu.memory_space<hbm>> -> memref<40xi32, #tpu.memory_space<hbm>>
    tpu.enqueue_dma source(%dma_start3A_86 : memref<40xi32, #tpu.memory_space<hbm>>) target(%dma_start3A_85 : memref<40xi32, #tpu.memory_space<vmem>>) target_semaphore(%arg19 : memref<!tpu.dma_semaphore, #tpu.memory_space<semaphore_mem>>)
    %dma_start3A_87 = tpu.memref_slice %arg3[%add3A_14] : memref<320008xi32, #tpu.memory_space<hbm>> -> memref<208xi32, #tpu.memory_space<hbm>>
    %dma_start3A_88 = tpu.memref_slice %arg3[%add3A_14] : memref<320008xi32, #tpu.memory_space<hbm>> -> memref<208xi32, #tpu.memory_space<hbm>>
    tpu.enqueue_dma source(%dma_start3A_88 : memref<208xi32, #tpu.memory_space<hbm>>) target(%arg9 : memref<208xi32, #tpu.memory_space<vmem>>) target_semaphore(%arg19 : memref<!tpu.dma_semaphore, #tpu.memory_space<semaphore_mem>>)
    %add3A_89 = arith.constant 200 : i32
    %add3A_90 = arith.addi %mul3A_2, %add3A_89 : i32
    %dma_start3A_91 = arith.constant 1 : i32
    %dma_start3A_92 = arith.constant 0 : i32
    %dma_start3A_93 = arith.constant 0 : i32
    %dma_start3A_94 = tpu.memref_slice %arg7[%dma_start3A_91, %dma_start3A_92, %dma_start3A_93] : memref<4x200x128xf32, #tpu.memory_space<vmem>> -> memref<1x200x128xf32, #tpu.memory_space<vmem>>
    %dma_start3A_95 = tpu.memref_squeeze %dma_start3A_94 : memref<1x200x128xf32, #tpu.memory_space<vmem>> -> memref<200x128xf32, #tpu.memory_space<vmem>>
    %dma_start3A_96 = arith.constant 0 : i32
    %dma_start3A_97 = tpu.memref_slice %arg2[%add3A_90, %dma_start3A_96] : memref<320000x128xf32, #tpu.memory_space<hbm>> -> memref<200x128xf32, #tpu.memory_space<hbm>>
    %dma_start3A_98 = arith.constant 0 : i32
    %dma_start3A_99 = arith.constant 0 : i32
    %dma_start3A_100 = tpu.memref_slice %arg7[%dma_start3A_91, %dma_start3A_98, %dma_start3A_99] : memref<4x200x128xf32, #tpu.memory_space<vmem>> -> memref<1x200x128xf32, #tpu.memory_space<vmem>>
    %dma_start3A_101 = tpu.memref_squeeze %dma_start3A_100 : memref<1x200x128xf32, #tpu.memory_space<vmem>> -> memref<200x128xf32, #tpu.memory_space<vmem>>
    %dma_start3A_102 = arith.constant 0 : i32
    %dma_start3A_103 = tpu.memref_slice %arg2[%add3A_90, %dma_start3A_102] : memref<320000x128xf32, #tpu.memory_space<hbm>> -> memref<200x128xf32, #tpu.memory_space<hbm>>
    tpu.enqueue_dma source(%dma_start3A_103 : memref<200x128xf32, #tpu.memory_space<hbm>>) target(%dma_start3A_101 : memref<200x128xf32, #tpu.memory_space<vmem>>) target_semaphore(%arg16 : memref<!tpu.dma_semaphore, #tpu.memory_space<semaphore_mem>>)
    %add3A_104 = arith.constant 0 : i32
    %add3A_105 = arith.addi %add3A_90, %add3A_104 : i32
    %dma_start3A_106 = arith.constant 1 : i32
    %dma_start3A_107 = arith.constant 0 : i32
    %dma_start3A_108 = arith.constant 0 : i32
    %dma_start3A_109 = tpu.memref_slice %arg8[%dma_start3A_106, %dma_start3A_107, %dma_start3A_108] : memref<4x5x40xi32, #tpu.memory_space<vmem>> -> memref<1x1x40xi32, #tpu.memory_space<vmem>>
    %dma_start3A_110 = tpu.memref_squeeze %dma_start3A_109 : memref<1x1x40xi32, #tpu.memory_space<vmem>> -> memref<40xi32, #tpu.memory_space<vmem>>
    %dma_start3A_111 = tpu.memref_slice %arg3[%add3A_105] : memref<320008xi32, #tpu.memory_space<hbm>> -> memref<40xi32, #tpu.memory_space<hbm>>
    %dma_start3A_112 = arith.constant 0 : i32
    %dma_start3A_113 = tpu.memref_slice %arg8[%dma_start3A_106, %dma_start3A_107, %dma_start3A_112] : memref<4x5x40xi32, #tpu.memory_space<vmem>> -> memref<1x1x40xi32, #tpu.memory_space<vmem>>
    %dma_start3A_114 = tpu.memref_squeeze %dma_start3A_113 : memref<1x1x40xi32, #tpu.memory_space<vmem>> -> memref<40xi32, #tpu.memory_space<vmem>>
    %dma_start3A_115 = tpu.memref_slice %arg3[%add3A_105] : memref<320008xi32, #tpu.memory_space<hbm>> -> memref<40xi32, #tpu.memory_space<hbm>>
    tpu.enqueue_dma source(%dma_start3A_115 : memref<40xi32, #tpu.memory_space<hbm>>) target(%dma_start3A_114 : memref<40xi32, #tpu.memory_space<vmem>>) target_semaphore(%arg20 : memref<!tpu.dma_semaphore, #tpu.memory_space<semaphore_mem>>)
    %add3A_116 = arith.constant 40 : i32
    %add3A_117 = arith.addi %add3A_90, %add3A_116 : i32
    %dma_start3A_118 = arith.constant 1 : i32
    %dma_start3A_119 = arith.constant 1 : i32
    %dma_start3A_120 = arith.constant 0 : i32
    %dma_start3A_121 = tpu.memref_slice %arg8[%dma_start3A_118, %dma_start3A_119, %dma_start3A_120] : memref<4x5x40xi32, #tpu.memory_space<vmem>> -> memref<1x1x40xi32, #tpu.memory_space<vmem>>
    %dma_start3A_122 = tpu.memref_squeeze %dma_start3A_121 : memref<1x1x40xi32, #tpu.memory_space<vmem>> -> memref<40xi32, #tpu.memory_space<vmem>>
    %dma_start3A_123 = tpu.memref_slice %arg3[%add3A_117] : memref<320008xi32, #tpu.memory_space<hbm>> -> memref<40xi32, #tpu.memory_space<hbm>>
    %dma_start3A_124 = arith.constant 0 : i32
    %dma_start3A_125 = tpu.memref_slice %arg8[%dma_start3A_118, %dma_start3A_119, %dma_start3A_124] : memref<4x5x40xi32, #tpu.memory_space<vmem>> -> memref<1x1x40xi32, #tpu.memory_space<vmem>>
    %dma_start3A_126 = tpu.memref_squeeze %dma_start3A_125 : memref<1x1x40xi32, #tpu.memory_space<vmem>> -> memref<40xi32, #tpu.memory_space<vmem>>
    %dma_start3A_127 = tpu.memref_slice %arg3[%add3A_117] : memref<320008xi32, #tpu.memory_space<hbm>> -> memref<40xi32, #tpu.memory_space<hbm>>
    tpu.enqueue_dma source(%dma_start3A_127 : memref<40xi32, #tpu.memory_space<hbm>>) target(%dma_start3A_126 : memref<40xi32, #tpu.memory_space<vmem>>) target_semaphore(%arg20 : memref<!tpu.dma_semaphore, #tpu.memory_space<semaphore_mem>>)
    %add3A_128 = arith.constant 80 : i32
    %add3A_129 = arith.addi %add3A_90, %add3A_128 : i32
    %dma_start3A_130 = arith.constant 1 : i32
    %dma_start3A_131 = arith.constant 2 : i32
    %dma_start3A_132 = arith.constant 0 : i32
    %dma_start3A_133 = tpu.memref_slice %arg8[%dma_start3A_130, %dma_start3A_131, %dma_start3A_132] : memref<4x5x40xi32, #tpu.memory_space<vmem>> -> memref<1x1x40xi32, #tpu.memory_space<vmem>>
    %dma_start3A_134 = tpu.memref_squeeze %dma_start3A_133 : memref<1x1x40xi32, #tpu.memory_space<vmem>> -> memref<40xi32, #tpu.memory_space<vmem>>
    %dma_start3A_135 = tpu.memref_slice %arg3[%add3A_129] : memref<320008xi32, #tpu.memory_space<hbm>> -> memref<40xi32, #tpu.memory_space<hbm>>
    %dma_start3A_136 = arith.constant 0 : i32
    %dma_start3A_137 = tpu.memref_slice %arg8[%dma_start3A_130, %dma_start3A_131, %dma_start3A_136] : memref<4x5x40xi32, #tpu.memory_space<vmem>> -> memref<1x1x40xi32, #tpu.memory_space<vmem>>
    %dma_start3A_138 = tpu.memref_squeeze %dma_start3A_137 : memref<1x1x40xi32, #tpu.memory_space<vmem>> -> memref<40xi32, #tpu.memory_space<vmem>>
    %dma_start3A_139 = tpu.memref_slice %arg3[%add3A_129] : memref<320008xi32, #tpu.memory_space<hbm>> -> memref<40xi32, #tpu.memory_space<hbm>>
    tpu.enqueue_dma source(%dma_start3A_139 : memref<40xi32, #tpu.memory_space<hbm>>) target(%dma_start3A_138 : memref<40xi32, #tpu.memory_space<vmem>>) target_semaphore(%arg20 : memref<!tpu.dma_semaphore, #tpu.memory_space<semaphore_mem>>)
    %add3A_140 = arith.constant 120 : i32
    %add3A_141 = arith.addi %add3A_90, %add3A_140 : i32
    %dma_start3A_142 = arith.constant 1 : i32
    %dma_start3A_143 = arith.constant 3 : i32
    %dma_start3A_144 = arith.constant 0 : i32
    %dma_start3A_145 = tpu.memref_slice %arg8[%dma_start3A_142, %dma_start3A_143, %dma_start3A_144] : memref<4x5x40xi32, #tpu.memory_space<vmem>> -> memref<1x1x40xi32, #tpu.memory_space<vmem>>
    %dma_start3A_146 = tpu.memref_squeeze %dma_start3A_145 : memref<1x1x40xi32, #tpu.memory_space<vmem>> -> memref<40xi32, #tpu.memory_space<vmem>>
    %dma_start3A_147 = tpu.memref_slice %arg3[%add3A_141] : memref<320008xi32, #tpu.memory_space<hbm>> -> memref<40xi32, #tpu.memory_space<hbm>>
    %dma_start3A_148 = arith.constant 0 : i32
    %dma_start3A_149 = tpu.memref_slice %arg8[%dma_start3A_142, %dma_start3A_143, %dma_start3A_148] : memref<4x5x40xi32, #tpu.memory_space<vmem>> -> memref<1x1x40xi32, #tpu.memory_space<vmem>>
    %dma_start3A_150 = tpu.memref_squeeze %dma_start3A_149 : memref<1x1x40xi32, #tpu.memory_space<vmem>> -> memref<40xi32, #tpu.memory_space<vmem>>
    %dma_start3A_151 = tpu.memref_slice %arg3[%add3A_141] : memref<320008xi32, #tpu.memory_space<hbm>> -> memref<40xi32, #tpu.memory_space<hbm>>
    tpu.enqueue_dma source(%dma_start3A_151 : memref<40xi32, #tpu.memory_space<hbm>>) target(%dma_start3A_150 : memref<40xi32, #tpu.memory_space<vmem>>) target_semaphore(%arg20 : memref<!tpu.dma_semaphore, #tpu.memory_space<semaphore_mem>>)
    %add3A_152 = arith.constant 160 : i32
    %add3A_153 = arith.addi %add3A_90, %add3A_152 : i32
    %dma_start3A_154 = arith.constant 1 : i32
    %dma_start3A_155 = arith.constant 4 : i32
    %dma_start3A_156 = arith.constant 0 : i32
    %dma_start3A_157 = tpu.memref_slice %arg8[%dma_start3A_154, %dma_start3A_155, %dma_start3A_156] : memref<4x5x40xi32, #tpu.memory_space<vmem>> -> memref<1x1x40xi32, #tpu.memory_space<vmem>>
    %dma_start3A_158 = tpu.memref_squeeze %dma_start3A_157 : memref<1x1x40xi32, #tpu.memory_space<vmem>> -> memref<40xi32, #tpu.memory_space<vmem>>
    %dma_start3A_159 = tpu.memref_slice %arg3[%add3A_153] : memref<320008xi32, #tpu.memory_space<hbm>> -> memref<40xi32, #tpu.memory_space<hbm>>
    %dma_start3A_160 = arith.constant 0 : i32
    %dma_start3A_161 = tpu.memref_slice %arg8[%dma_start3A_154, %dma_start3A_155, %dma_start3A_160] : memref<4x5x40xi32, #tpu.memory_space<vmem>> -> memref<1x1x40xi32, #tpu.memory_space<vmem>>
    %dma_start3A_162 = tpu.memref_squeeze %dma_start3A_161 : memref<1x1x40xi32, #tpu.memory_space<vmem>> -> memref<40xi32, #tpu.memory_space<vmem>>
    %dma_start3A_163 = tpu.memref_slice %arg3[%add3A_153] : memref<320008xi32, #tpu.memory_space<hbm>> -> memref<40xi32, #tpu.memory_space<hbm>>
    tpu.enqueue_dma source(%dma_start3A_163 : memref<40xi32, #tpu.memory_space<hbm>>) target(%dma_start3A_162 : memref<40xi32, #tpu.memory_space<vmem>>) target_semaphore(%arg20 : memref<!tpu.dma_semaphore, #tpu.memory_space<semaphore_mem>>)
    %dma_start3A_164 = tpu.memref_slice %arg3[%add3A_90] : memref<320008xi32, #tpu.memory_space<hbm>> -> memref<208xi32, #tpu.memory_space<hbm>>
    %dma_start3A_165 = tpu.memref_slice %arg3[%add3A_90] : memref<320008xi32, #tpu.memory_space<hbm>> -> memref<208xi32, #tpu.memory_space<hbm>>
    tpu.enqueue_dma source(%dma_start3A_165 : memref<208xi32, #tpu.memory_space<hbm>>) target(%arg10 : memref<208xi32, #tpu.memory_space<vmem>>) target_semaphore(%arg20 : memref<!tpu.dma_semaphore, #tpu.memory_space<semaphore_mem>>)
    %add3A_166 = arith.constant 400 : i32
    %add3A_167 = arith.addi %mul3A_2, %add3A_166 : i32
    %dma_start3A_168 = arith.constant 2 : i32
    %dma_start3A_169 = arith.constant 0 : i32
    %dma_start3A_170 = arith.constant 0 : i32
    %dma_start3A_171 = tpu.memref_slice %arg7[%dma_start3A_168, %dma_start3A_169, %dma_start3A_170] : memref<4x200x128xf32, #tpu.memory_space<vmem>> -> memref<1x200x128xf32, #tpu.memory_space<vmem>>
    %dma_start3A_172 = tpu.memref_squeeze %dma_start3A_171 : memref<1x200x128xf32, #tpu.memory_space<vmem>> -> memref<200x128xf32, #tpu.memory_space<vmem>>
    %dma_start3A_173 = arith.constant 0 : i32
    %dma_start3A_174 = tpu.memref_slice %arg2[%add3A_167, %dma_start3A_173] : memref<320000x128xf32, #tpu.memory_space<hbm>> -> memref<200x128xf32, #tpu.memory_space<hbm>>
    %dma_start3A_175 = arith.constant 0 : i32
    %dma_start3A_176 = arith.constant 0 : i32
    %dma_start3A_177 = tpu.memref_slice %arg7[%dma_start3A_168, %dma_start3A_175, %dma_start3A_176] : memref<4x200x128xf32, #tpu.memory_space<vmem>> -> memref<1x200x128xf32, #tpu.memory_space<vmem>>
    %dma_start3A_178 = tpu.memref_squeeze %dma_start3A_177 : memref<1x200x128xf32, #tpu.memory_space<vmem>> -> memref<200x128xf32, #tpu.memory_space<vmem>>
    %dma_start3A_179 = arith.constant 0 : i32
    %dma_start3A_180 = tpu.memref_slice %arg2[%add3A_167, %dma_start3A_179] : memref<320000x128xf32, #tpu.memory_space<hbm>> -> memref<200x128xf32, #tpu.memory_space<hbm>>
    tpu.enqueue_dma source(%dma_start3A_180 : memref<200x128xf32, #tpu.memory_space<hbm>>) target(%dma_start3A_178 : memref<200x128xf32, #tpu.memory_space<vmem>>) target_semaphore(%arg17 : memref<!tpu.dma_semaphore, #tpu.memory_space<semaphore_mem>>)
    %add3A_181 = arith.constant 0 : i32
    %add3A_182 = arith.addi %add3A_167, %add3A_181 : i32
    %dma_start3A_183 = arith.constant 2 : i32
    %dma_start3A_184 = arith.constant 0 : i32
    %dma_start3A_185 = arith.constant 0 : i32
    %dma_start3A_186 = tpu.memref_slice %arg8[%dma_start3A_183, %dma_start3A_184, %dma_start3A_185] : memref<4x5x40xi32, #tpu.memory_space<vmem>> -> memref<1x1x40xi32, #tpu.memory_space<vmem>>
    %dma_start3A_187 = tpu.memref_squeeze %dma_start3A_186 : memref<1x1x40xi32, #tpu.memory_space<vmem>> -> memref<40xi32, #tpu.memory_space<vmem>>
    %dma_start3A_188 = tpu.memref_slice %arg3[%add3A_182] : memref<320008xi32, #tpu.memory_space<hbm>> -> memref<40xi32, #tpu.memory_space<hbm>>
    %dma_start3A_189 = arith.constant 0 : i32
    %dma_start3A_190 = tpu.memref_slice %arg8[%dma_start3A_183, %dma_start3A_184, %dma_start3A_189] : memref<4x5x40xi32, #tpu.memory_space<vmem>> -> memref<1x1x40xi32, #tpu.memory_space<vmem>>
    %dma_start3A_191 = tpu.memref_squeeze %dma_start3A_190 : memref<1x1x40xi32, #tpu.memory_space<vmem>> -> memref<40xi32, #tpu.memory_space<vmem>>
    %dma_start3A_192 = tpu.memref_slice %arg3[%add3A_182] : memref<320008xi32, #tpu.memory_space<hbm>> -> memref<40xi32, #tpu.memory_space<hbm>>
    tpu.enqueue_dma source(%dma_start3A_192 : memref<40xi32, #tpu.memory_space<hbm>>) target(%dma_start3A_191 : memref<40xi32, #tpu.memory_space<vmem>>) target_semaphore(%arg21 : memref<!tpu.dma_semaphore, #tpu.memory_space<semaphore_mem>>)
    %add3A_193 = arith.constant 40 : i32
    %add3A_194 = arith.addi %add3A_167, %add3A_193 : i32
    %dma_start3A_195 = arith.constant 2 : i32
    %dma_start3A_196 = arith.constant 1 : i32
    %dma_start3A_197 = arith.constant 0 : i32
    %dma_start3A_198 = tpu.memref_slice %arg8[%dma_start3A_195, %dma_start3A_196, %dma_start3A_197] : memref<4x5x40xi32, #tpu.memory_space<vmem>> -> memref<1x1x40xi32, #tpu.memory_space<vmem>>
    %dma_start3A_199 = tpu.memref_squeeze %dma_start3A_198 : memref<1x1x40xi32, #tpu.memory_space<vmem>> -> memref<40xi32, #tpu.memory_space<vmem>>
    %dma_start3A_200 = tpu.memref_slice %arg3[%add3A_194] : memref<320008xi32, #tpu.memory_space<hbm>> -> memref<40xi32, #tpu.memory_space<hbm>>
    %dma_start3A_201 = arith.constant 0 : i32
    %dma_start3A_202 = tpu.memref_slice %arg8[%dma_start3A_195, %dma_start3A_196, %dma_start3A_201] : memref<4x5x40xi32, #tpu.memory_space<vmem>> -> memref<1x1x40xi32, #tpu.memory_space<vmem>>
    %dma_start3A_203 = tpu.memref_squeeze %dma_start3A_202 : memref<1x1x40xi32, #tpu.memory_space<vmem>> -> memref<40xi32, #tpu.memory_space<vmem>>
    %dma_start3A_204 = tpu.memref_slice %arg3[%add3A_194] : memref<320008xi32, #tpu.memory_space<hbm>> -> memref<40xi32, #tpu.memory_space<hbm>>
    tpu.enqueue_dma source(%dma_start3A_204 : memref<40xi32, #tpu.memory_space<hbm>>) target(%dma_start3A_203 : memref<40xi32, #tpu.memory_space<vmem>>) target_semaphore(%arg21 : memref<!tpu.dma_semaphore, #tpu.memory_space<semaphore_mem>>)
    %add3A_205 = arith.constant 80 : i32
    %add3A_206 = arith.addi %add3A_167, %add3A_205 : i32
    %dma_start3A_207 = arith.constant 2 : i32
    %dma_start3A_208 = arith.constant 2 : i32
    %dma_start3A_209 = arith.constant 0 : i32
    %dma_start3A_210 = tpu.memref_slice %arg8[%dma_start3A_207, %dma_start3A_208, %dma_start3A_209] : memref<4x5x40xi32, #tpu.memory_space<vmem>> -> memref<1x1x40xi32, #tpu.memory_space<vmem>>
    %dma_start3A_211 = tpu.memref_squeeze %dma_start3A_210 : memref<1x1x40xi32, #tpu.memory_space<vmem>> -> memref<40xi32, #tpu.memory_space<vmem>>
    %dma_start3A_212 = tpu.memref_slice %arg3[%add3A_206] : memref<320008xi32, #tpu.memory_space<hbm>> -> memref<40xi32, #tpu.memory_space<hbm>>
    %dma_start3A_213 = arith.constant 0 : i32
    %dma_start3A_214 = tpu.memref_slice %arg8[%dma_start3A_207, %dma_start3A_208, %dma_start3A_213] : memref<4x5x40xi32, #tpu.memory_space<vmem>> -> memref<1x1x40xi32, #tpu.memory_space<vmem>>
    %dma_start3A_215 = tpu.memref_squeeze %dma_start3A_214 : memref<1x1x40xi32, #tpu.memory_space<vmem>> -> memref<40xi32, #tpu.memory_space<vmem>>
    %dma_start3A_216 = tpu.memref_slice %arg3[%add3A_206] : memref<320008xi32, #tpu.memory_space<hbm>> -> memref<40xi32, #tpu.memory_space<hbm>>
    tpu.enqueue_dma source(%dma_start3A_216 : memref<40xi32, #tpu.memory_space<hbm>>) target(%dma_start3A_215 : memref<40xi32, #tpu.memory_space<vmem>>) target_semaphore(%arg21 : memref<!tpu.dma_semaphore, #tpu.memory_space<semaphore_mem>>)
    %add3A_217 = arith.constant 120 : i32
    %add3A_218 = arith.addi %add3A_167, %add3A_217 : i32
    %dma_start3A_219 = arith.constant 2 : i32
    %dma_start3A_220 = arith.constant 3 : i32
    %dma_start3A_221 = arith.constant 0 : i32
    %dma_start3A_222 = tpu.memref_slice %arg8[%dma_start3A_219, %dma_start3A_220, %dma_start3A_221] : memref<4x5x40xi32, #tpu.memory_space<vmem>> -> memref<1x1x40xi32, #tpu.memory_space<vmem>>
    %dma_start3A_223 = tpu.memref_squeeze %dma_start3A_222 : memref<1x1x40xi32, #tpu.memory_space<vmem>> -> memref<40xi32, #tpu.memory_space<vmem>>
    %dma_start3A_224 = tpu.memref_slice %arg3[%add3A_218] : memref<320008xi32, #tpu.memory_space<hbm>> -> memref<40xi32, #tpu.memory_space<hbm>>
    %dma_start3A_225 = arith.constant 0 : i32
    %dma_start3A_226 = tpu.memref_slice %arg8[%dma_start3A_219, %dma_start3A_220, %dma_start3A_225] : memref<4x5x40xi32, #tpu.memory_space<vmem>> -> memref<1x1x40xi32, #tpu.memory_space<vmem>>
    %dma_start3A_227 = tpu.memref_squeeze %dma_start3A_226 : memref<1x1x40xi32, #tpu.memory_space<vmem>> -> memref<40xi32, #tpu.memory_space<vmem>>
    %dma_start3A_228 = tpu.memref_slice %arg3[%add3A_218] : memref<320008xi32, #tpu.memory_space<hbm>> -> memref<40xi32, #tpu.memory_space<hbm>>
    tpu.enqueue_dma source(%dma_start3A_228 : memref<40xi32, #tpu.memory_space<hbm>>) target(%dma_start3A_227 : memref<40xi32, #tpu.memory_space<vmem>>) target_semaphore(%arg21 : memref<!tpu.dma_semaphore, #tpu.memory_space<semaphore_mem>>)
    %add3A_229 = arith.constant 160 : i32
    %add3A_230 = arith.addi %add3A_167, %add3A_229 : i32
    %dma_start3A_231 = arith.constant 2 : i32
    %dma_start3A_232 = arith.constant 4 : i32
    %dma_start3A_233 = arith.constant 0 : i32
    %dma_start3A_234 = tpu.memref_slice %arg8[%dma_start3A_231, %dma_start3A_232, %dma_start3A_233] : memref<4x5x40xi32, #tpu.memory_space<vmem>> -> memref<1x1x40xi32, #tpu.memory_space<vmem>>
    %dma_start3A_235 = tpu.memref_squeeze %dma_start3A_234 : memref<1x1x40xi32, #tpu.memory_space<vmem>> -> memref<40xi32, #tpu.memory_space<vmem>>
    %dma_start3A_236 = tpu.memref_slice %arg3[%add3A_230] : memref<320008xi32, #tpu.memory_space<hbm>> -> memref<40xi32, #tpu.memory_space<hbm>>
    %dma_start3A_237 = arith.constant 0 : i32
    %dma_start3A_238 = tpu.memref_slice %arg8[%dma_start3A_231, %dma_start3A_232, %dma_start3A_237] : memref<4x5x40xi32, #tpu.memory_space<vmem>> -> memref<1x1x40xi32, #tpu.memory_space<vmem>>
    %dma_start3A_239 = tpu.memref_squeeze %dma_start3A_238 : memref<1x1x40xi32, #tpu.memory_space<vmem>> -> memref<40xi32, #tpu.memory_space<vmem>>
    %dma_start3A_240 = tpu.memref_slice %arg3[%add3A_230] : memref<320008xi32, #tpu.memory_space<hbm>> -> memref<40xi32, #tpu.memory_space<hbm>>
    tpu.enqueue_dma source(%dma_start3A_240 : memref<40xi32, #tpu.memory_space<hbm>>) target(%dma_start3A_239 : memref<40xi32, #tpu.memory_space<vmem>>) target_semaphore(%arg21 : memref<!tpu.dma_semaphore, #tpu.memory_space<semaphore_mem>>)
    %dma_start3A_241 = tpu.memref_slice %arg3[%add3A_167] : memref<320008xi32, #tpu.memory_space<hbm>> -> memref<208xi32, #tpu.memory_space<hbm>>
    %dma_start3A_242 = tpu.memref_slice %arg3[%add3A_167] : memref<320008xi32, #tpu.memory_space<hbm>> -> memref<208xi32, #tpu.memory_space<hbm>>
    tpu.enqueue_dma source(%dma_start3A_242 : memref<208xi32, #tpu.memory_space<hbm>>) target(%arg11 : memref<208xi32, #tpu.memory_space<vmem>>) target_semaphore(%arg21 : memref<!tpu.dma_semaphore, #tpu.memory_space<semaphore_mem>>)
    %scan3A_243 = arith.constant 0 : i32
    %scan3A_244 = arith.constant 0 : i32
    %scan3A_245 = arith.constant 12 : i32
    %scan3A_246 = arith.addi %scan3A_244, %scan3A_245 : i32
    %scan3A_247 = arith.constant 1 : i32
    scf.for %scan3A_790 = %scan3A_244 to %scan3A_246 step %scan3A_247  : i32 {
      %mul3A_791 = arith.constant 4 : i32
      %mul3A_792 = arith.muli %mul3A_791, %scan3A_790 : i32
      %add3A_793 = arith.constant 0 : i32
      %add3A_794 = arith.addi %mul3A_792, %add3A_793 : i32
      %dma_wait3A_795 = arith.constant 0 : i32
      %dma_wait3A_796 = arith.constant 0 : i32
      %dma_wait3A_797 = arith.constant 0 : i32
      %dma_wait3A_798 = tpu.memref_slice %arg7[%dma_wait3A_795, %dma_wait3A_796, %dma_wait3A_797] : memref<4x200x128xf32, #tpu.memory_space<vmem>> -> memref<1x200x128xf32, #tpu.memory_space<vmem>>
      %dma_wait3A_799 = tpu.memref_squeeze %dma_wait3A_798 : memref<1x200x128xf32, #tpu.memory_space<vmem>> -> memref<200x128xf32, #tpu.memory_space<vmem>>
      %dma_wait3A_800 = arith.constant 0 : i32
      %dma_wait3A_801 = arith.constant 0 : i32
      %dma_wait3A_802 = tpu.memref_slice %arg2[%dma_wait3A_800, %dma_wait3A_801] : memref<320000x128xf32, #tpu.memory_space<hbm>> -> memref<200x128xf32, #tpu.memory_space<hbm>>
      %dma_wait3A_803 = arith.constant 0 : i32
      %dma_wait3A_804 = arith.constant 0 : i32
      %dma_wait3A_805 = tpu.memref_slice %arg7[%dma_wait3A_795, %dma_wait3A_803, %dma_wait3A_804] : memref<4x200x128xf32, #tpu.memory_space<vmem>> -> memref<1x200x128xf32, #tpu.memory_space<vmem>>
      %dma_wait3A_806 = tpu.memref_squeeze %dma_wait3A_805 : memref<1x200x128xf32, #tpu.memory_space<vmem>> -> memref<200x128xf32, #tpu.memory_space<vmem>>
      %dma_wait3A_807 = arith.constant 0 : i32
      %dma_wait3A_808 = arith.constant 0 : i32
      %dma_wait3A_809 = tpu.memref_slice %arg2[%dma_wait3A_807, %dma_wait3A_808] : memref<320000x128xf32, #tpu.memory_space<hbm>> -> memref<200x128xf32, #tpu.memory_space<hbm>>
      tpu.wait_dma2 semaphore(%arg15 : memref<!tpu.dma_semaphore, #tpu.memory_space<semaphore_mem>>) src(%dma_wait3A_809 : memref<200x128xf32, #tpu.memory_space<hbm>>) dst(%dma_wait3A_806 : memref<200x128xf32, #tpu.memory_space<vmem>>)
      %dma_wait3A_810 = arith.constant 0 : i32
      %dma_wait3A_811 = arith.constant 0 : i32
      %dma_wait3A_812 = arith.constant 0 : i32
      %dma_wait3A_813 = tpu.memref_slice %arg8[%dma_wait3A_810, %dma_wait3A_811, %dma_wait3A_812] : memref<4x5x40xi32, #tpu.memory_space<vmem>> -> memref<1x1x40xi32, #tpu.memory_space<vmem>>
      %dma_wait3A_814 = tpu.memref_squeeze %dma_wait3A_813 : memref<1x1x40xi32, #tpu.memory_space<vmem>> -> memref<40xi32, #tpu.memory_space<vmem>>
      %dma_wait3A_815 = arith.constant 0 : i32
      %dma_wait3A_816 = tpu.memref_slice %arg3[%dma_wait3A_815] : memref<320008xi32, #tpu.memory_space<hbm>> -> memref<40xi32, #tpu.memory_space<hbm>>
      %dma_wait3A_817 = arith.constant 0 : i32
      %dma_wait3A_818 = tpu.memref_slice %arg8[%dma_wait3A_810, %dma_wait3A_811, %dma_wait3A_817] : memref<4x5x40xi32, #tpu.memory_space<vmem>> -> memref<1x1x40xi32, #tpu.memory_space<vmem>>
      %dma_wait3A_819 = tpu.memref_squeeze %dma_wait3A_818 : memref<1x1x40xi32, #tpu.memory_space<vmem>> -> memref<40xi32, #tpu.memory_space<vmem>>
      %dma_wait3A_820 = arith.constant 0 : i32
      %dma_wait3A_821 = tpu.memref_slice %arg3[%dma_wait3A_820] : memref<320008xi32, #tpu.memory_space<hbm>> -> memref<40xi32, #tpu.memory_space<hbm>>
      tpu.wait_dma2 semaphore(%arg19 : memref<!tpu.dma_semaphore, #tpu.memory_space<semaphore_mem>>) src(%dma_wait3A_821 : memref<40xi32, #tpu.memory_space<hbm>>) dst(%dma_wait3A_819 : memref<40xi32, #tpu.memory_space<vmem>>)
      %dma_wait3A_822 = arith.constant 0 : i32
      %dma_wait3A_823 = arith.constant 1 : i32
      %dma_wait3A_824 = arith.constant 0 : i32
      %dma_wait3A_825 = tpu.memref_slice %arg8[%dma_wait3A_822, %dma_wait3A_823, %dma_wait3A_824] : memref<4x5x40xi32, #tpu.memory_space<vmem>> -> memref<1x1x40xi32, #tpu.memory_space<vmem>>
      %dma_wait3A_826 = tpu.memref_squeeze %dma_wait3A_825 : memref<1x1x40xi32, #tpu.memory_space<vmem>> -> memref<40xi32, #tpu.memory_space<vmem>>
      %dma_wait3A_827 = arith.constant 0 : i32
      %dma_wait3A_828 = tpu.memref_slice %arg3[%dma_wait3A_827] : memref<320008xi32, #tpu.memory_space<hbm>> -> memref<40xi32, #tpu.memory_space<hbm>>
      %dma_wait3A_829 = arith.constant 0 : i32
      %dma_wait3A_830 = tpu.memref_slice %arg8[%dma_wait3A_822, %dma_wait3A_823, %dma_wait3A_829] : memref<4x5x40xi32, #tpu.memory_space<vmem>> -> memref<1x1x40xi32, #tpu.memory_space<vmem>>
      %dma_wait3A_831 = tpu.memref_squeeze %dma_wait3A_830 : memref<1x1x40xi32, #tpu.memory_space<vmem>> -> memref<40xi32, #tpu.memory_space<vmem>>
      %dma_wait3A_832 = arith.constant 0 : i32
      %dma_wait3A_833 = tpu.memref_slice %arg3[%dma_wait3A_832] : memref<320008xi32, #tpu.memory_space<hbm>> -> memref<40xi32, #tpu.memory_space<hbm>>
      tpu.wait_dma2 semaphore(%arg19 : memref<!tpu.dma_semaphore, #tpu.memory_space<semaphore_mem>>) src(%dma_wait3A_833 : memref<40xi32, #tpu.memory_space<hbm>>) dst(%dma_wait3A_831 : memref<40xi32, #tpu.memory_space<vmem>>)
      %dma_wait3A_834 = arith.constant 0 : i32
      %dma_wait3A_835 = arith.constant 2 : i32
      %dma_wait3A_836 = arith.constant 0 : i32
      %dma_wait3A_837 = tpu.memref_slice %arg8[%dma_wait3A_834, %dma_wait3A_835, %dma_wait3A_836] : memref<4x5x40xi32, #tpu.memory_space<vmem>> -> memref<1x1x40xi32, #tpu.memory_space<vmem>>
      %dma_wait3A_838 = tpu.memref_squeeze %dma_wait3A_837 : memref<1x1x40xi32, #tpu.memory_space<vmem>> -> memref<40xi32, #tpu.memory_space<vmem>>
      %dma_wait3A_839 = arith.constant 0 : i32
      %dma_wait3A_840 = tpu.memref_slice %arg3[%dma_wait3A_839] : memref<320008xi32, #tpu.memory_space<hbm>> -> memref<40xi32, #tpu.memory_space<hbm>>
      %dma_wait3A_841 = arith.constant 0 : i32
      %dma_wait3A_842 = tpu.memref_slice %arg8[%dma_wait3A_834, %dma_wait3A_835, %dma_wait3A_841] : memref<4x5x40xi32, #tpu.memory_space<vmem>> -> memref<1x1x40xi32, #tpu.memory_space<vmem>>
      %dma_wait3A_843 = tpu.memref_squeeze %dma_wait3A_842 : memref<1x1x40xi32, #tpu.memory_space<vmem>> -> memref<40xi32, #tpu.memory_space<vmem>>
      %dma_wait3A_844 = arith.constant 0 : i32
      %dma_wait3A_845 = tpu.memref_slice %arg3[%dma_wait3A_844] : memref<320008xi32, #tpu.memory_space<hbm>> -> memref<40xi32, #tpu.memory_space<hbm>>
      tpu.wait_dma2 semaphore(%arg19 : memref<!tpu.dma_semaphore, #tpu.memory_space<semaphore_mem>>) src(%dma_wait3A_845 : memref<40xi32, #tpu.memory_space<hbm>>) dst(%dma_wait3A_843 : memref<40xi32, #tpu.memory_space<vmem>>)
      %dma_wait3A_846 = arith.constant 0 : i32
      %dma_wait3A_847 = arith.constant 3 : i32
      %dma_wait3A_848 = arith.constant 0 : i32
      %dma_wait3A_849 = tpu.memref_slice %arg8[%dma_wait3A_846, %dma_wait3A_847, %dma_wait3A_848] : memref<4x5x40xi32, #tpu.memory_space<vmem>> -> memref<1x1x40xi32, #tpu.memory_space<vmem>>
      %dma_wait3A_850 = tpu.memref_squeeze %dma_wait3A_849 : memref<1x1x40xi32, #tpu.memory_space<vmem>> -> memref<40xi32, #tpu.memory_space<vmem>>
      %dma_wait3A_851 = arith.constant 0 : i32
      %dma_wait3A_852 = tpu.memref_slice %arg3[%dma_wait3A_851] : memref<320008xi32, #tpu.memory_space<hbm>> -> memref<40xi32, #tpu.memory_space<hbm>>
      %dma_wait3A_853 = arith.constant 0 : i32
      %dma_wait3A_854 = tpu.memref_slice %arg8[%dma_wait3A_846, %dma_wait3A_847, %dma_wait3A_853] : memref<4x5x40xi32, #tpu.memory_space<vmem>> -> memref<1x1x40xi32, #tpu.memory_space<vmem>>
      %dma_wait3A_855 = tpu.memref_squeeze %dma_wait3A_854 : memref<1x1x40xi32, #tpu.memory_space<vmem>> -> memref<40xi32, #tpu.memory_space<vmem>>
      %dma_wait3A_856 = arith.constant 0 : i32
      %dma_wait3A_857 = tpu.memref_slice %arg3[%dma_wait3A_856] : memref<320008xi32, #tpu.memory_space<hbm>> -> memref<40xi32, #tpu.memory_space<hbm>>
      tpu.wait_dma2 semaphore(%arg19 : memref<!tpu.dma_semaphore, #tpu.memory_space<semaphore_mem>>) src(%dma_wait3A_857 : memref<40xi32, #tpu.memory_space<hbm>>) dst(%dma_wait3A_855 : memref<40xi32, #tpu.memory_space<vmem>>)
      %dma_wait3A_858 = arith.constant 0 : i32
      %dma_wait3A_859 = arith.constant 4 : i32
      %dma_wait3A_860 = arith.constant 0 : i32
      %dma_wait3A_861 = tpu.memref_slice %arg8[%dma_wait3A_858, %dma_wait3A_859, %dma_wait3A_860] : memref<4x5x40xi32, #tpu.memory_space<vmem>> -> memref<1x1x40xi32, #tpu.memory_space<vmem>>
      %dma_wait3A_862 = tpu.memref_squeeze %dma_wait3A_861 : memref<1x1x40xi32, #tpu.memory_space<vmem>> -> memref<40xi32, #tpu.memory_space<vmem>>
      %dma_wait3A_863 = arith.constant 0 : i32
      %dma_wait3A_864 = tpu.memref_slice %arg3[%dma_wait3A_863] : memref<320008xi32, #tpu.memory_space<hbm>> -> memref<40xi32, #tpu.memory_space<hbm>>
      %dma_wait3A_865 = arith.constant 0 : i32
      %dma_wait3A_866 = tpu.memref_slice %arg8[%dma_wait3A_858, %dma_wait3A_859, %dma_wait3A_865] : memref<4x5x40xi32, #tpu.memory_space<vmem>> -> memref<1x1x40xi32, #tpu.memory_space<vmem>>
      %dma_wait3A_867 = tpu.memref_squeeze %dma_wait3A_866 : memref<1x1x40xi32, #tpu.memory_space<vmem>> -> memref<40xi32, #tpu.memory_space<vmem>>
      %dma_wait3A_868 = arith.constant 0 : i32
      %dma_wait3A_869 = tpu.memref_slice %arg3[%dma_wait3A_868] : memref<320008xi32, #tpu.memory_space<hbm>> -> memref<40xi32, #tpu.memory_space<hbm>>
      tpu.wait_dma2 semaphore(%arg19 : memref<!tpu.dma_semaphore, #tpu.memory_space<semaphore_mem>>) src(%dma_wait3A_869 : memref<40xi32, #tpu.memory_space<hbm>>) dst(%dma_wait3A_867 : memref<40xi32, #tpu.memory_space<vmem>>)
      %dma_wait3A_870 = arith.constant 0 : i32
      %dma_wait3A_871 = tpu.memref_slice %arg3[%dma_wait3A_870] : memref<320008xi32, #tpu.memory_space<hbm>> -> memref<208xi32, #tpu.memory_space<hbm>>
      %dma_wait3A_872 = arith.constant 0 : i32
      %dma_wait3A_873 = tpu.memref_slice %arg3[%dma_wait3A_872] : memref<320008xi32, #tpu.memory_space<hbm>> -> memref<208xi32, #tpu.memory_space<hbm>>
      tpu.wait_dma2 semaphore(%arg19 : memref<!tpu.dma_semaphore, #tpu.memory_space<semaphore_mem>>) src(%dma_wait3A_873 : memref<208xi32, #tpu.memory_space<hbm>>) dst(%arg9 : memref<208xi32, #tpu.memory_space<vmem>>)
      %ne3A = arith.constant 0 : i32
      %ne3A_874 = arith.cmpi ne, %add3A_794, %ne3A : i32
      %convert_element_type3A = arith.extui %ne3A_874 : i1 to i32
      %cond3A = arith.constant 0 : i32
      %cond3A_875 = arith.cmpi ne, %convert_element_type3A, %cond3A : i32
      scf.if %cond3A_875 {
        %dma_wait3A_1539 = arith.constant 3 : i32
        %dma_wait3A_1540 = arith.constant 3 : i32
        %dma_wait3A_1541 = arith.constant 0 : i32
        %dma_wait3A_1542 = arith.constant 0 : i32
        %dma_wait3A_1543 = arith.constant 0 : i32
        %dma_wait3A_1544 = tpu.memref_slice %arg7[%dma_wait3A_1539, %dma_wait3A_1542, %dma_wait3A_1543] : memref<4x200x128xf32, #tpu.memory_space<vmem>> -> memref<1x40x128xf32, #tpu.memory_space<vmem>>
        %dma_wait3A_1545 = tpu.memref_squeeze %dma_wait3A_1544 : memref<1x40x128xf32, #tpu.memory_space<vmem>> -> memref<40x128xf32, #tpu.memory_space<vmem>>
        %dma_wait3A_1546 = arith.constant 0 : i32
        %dma_wait3A_1547 = tpu.memref_slice %arg8[%dma_wait3A_1540, %dma_wait3A_1541, %dma_wait3A_1546] : memref<4x5x40xi32, #tpu.memory_space<vmem>> -> memref<1x1x40xi32, #tpu.memory_space<vmem>>
        %dma_wait3A_1548 = tpu.memref_squeeze %dma_wait3A_1547 : memref<1x1x40xi32, #tpu.memory_space<vmem>> -> memref<40xi32, #tpu.memory_space<vmem>>
        %dma_wait3A_1549 = arith.constant 0 : i32
        %dma_wait3A_1550 = arith.constant 0 : i32
        %dma_wait3A_1551 = tpu.memref_slice %arg14[%dma_wait3A_1549, %dma_wait3A_1550] : memref<1024x128xf32, #tpu.memory_space<vmem_shared>> -> memref<1024x128xf32, #tpu.memory_space<vmem_shared>>
        tpu.wait_indirect_dma semaphore(%arg26 : memref<!tpu.dma_semaphore, #tpu.memory_space<semaphore_mem>>) src(%dma_wait3A_1545 : memref<40x128xf32, #tpu.memory_space<vmem>>) dst(%dma_wait3A_1551 : memref<1024x128xf32, #tpu.memory_space<vmem_shared>>)
        %dma_wait3A_1552 = arith.constant 3 : i32
        %dma_wait3A_1553 = arith.constant 3 : i32
        %dma_wait3A_1554 = arith.constant 1 : i32
        %dma_wait3A_1555 = arith.constant 40 : i32
        %dma_wait3A_1556 = arith.constant 0 : i32
        %dma_wait3A_1557 = tpu.memref_slice %arg7[%dma_wait3A_1552, %dma_wait3A_1555, %dma_wait3A_1556] : memref<4x200x128xf32, #tpu.memory_space<vmem>> -> memref<1x40x128xf32, #tpu.memory_space<vmem>>
        %dma_wait3A_1558 = tpu.memref_squeeze %dma_wait3A_1557 : memref<1x40x128xf32, #tpu.memory_space<vmem>> -> memref<40x128xf32, #tpu.memory_space<vmem>>
        %dma_wait3A_1559 = arith.constant 0 : i32
        %dma_wait3A_1560 = tpu.memref_slice %arg8[%dma_wait3A_1553, %dma_wait3A_1554, %dma_wait3A_1559] : memref<4x5x40xi32, #tpu.memory_space<vmem>> -> memref<1x1x40xi32, #tpu.memory_space<vmem>>
        %dma_wait3A_1561 = tpu.memref_squeeze %dma_wait3A_1560 : memref<1x1x40xi32, #tpu.memory_space<vmem>> -> memref<40xi32, #tpu.memory_space<vmem>>
        %dma_wait3A_1562 = arith.constant 0 : i32
        %dma_wait3A_1563 = arith.constant 0 : i32
        %dma_wait3A_1564 = tpu.memref_slice %arg14[%dma_wait3A_1562, %dma_wait3A_1563] : memref<1024x128xf32, #tpu.memory_space<vmem_shared>> -> memref<1024x128xf32, #tpu.memory_space<vmem_shared>>
        tpu.wait_indirect_dma semaphore(%arg26 : memref<!tpu.dma_semaphore, #tpu.memory_space<semaphore_mem>>) src(%dma_wait3A_1558 : memref<40x128xf32, #tpu.memory_space<vmem>>) dst(%dma_wait3A_1564 : memref<1024x128xf32, #tpu.memory_space<vmem_shared>>)
        %dma_wait3A_1565 = arith.constant 3 : i32
        %dma_wait3A_1566 = arith.constant 3 : i32
        %dma_wait3A_1567 = arith.constant 2 : i32
        %dma_wait3A_1568 = arith.constant 80 : i32
        %dma_wait3A_1569 = arith.constant 0 : i32
        %dma_wait3A_1570 = tpu.memref_slice %arg7[%dma_wait3A_1565, %dma_wait3A_1568, %dma_wait3A_1569] : memref<4x200x128xf32, #tpu.memory_space<vmem>> -> memref<1x40x128xf32, #tpu.memory_space<vmem>>
        %dma_wait3A_1571 = tpu.memref_squeeze %dma_wait3A_1570 : memref<1x40x128xf32, #tpu.memory_space<vmem>> -> memref<40x128xf32, #tpu.memory_space<vmem>>
        %dma_wait3A_1572 = arith.constant 0 : i32
        %dma_wait3A_1573 = tpu.memref_slice %arg8[%dma_wait3A_1566, %dma_wait3A_1567, %dma_wait3A_1572] : memref<4x5x40xi32, #tpu.memory_space<vmem>> -> memref<1x1x40xi32, #tpu.memory_space<vmem>>
        %dma_wait3A_1574 = tpu.memref_squeeze %dma_wait3A_1573 : memref<1x1x40xi32, #tpu.memory_space<vmem>> -> memref<40xi32, #tpu.memory_space<vmem>>
        %dma_wait3A_1575 = arith.constant 0 : i32
        %dma_wait3A_1576 = arith.constant 0 : i32
        %dma_wait3A_1577 = tpu.memref_slice %arg14[%dma_wait3A_1575, %dma_wait3A_1576] : memref<1024x128xf32, #tpu.memory_space<vmem_shared>> -> memref<1024x128xf32, #tpu.memory_space<vmem_shared>>
        tpu.wait_indirect_dma semaphore(%arg26 : memref<!tpu.dma_semaphore, #tpu.memory_space<semaphore_mem>>) src(%dma_wait3A_1571 : memref<40x128xf32, #tpu.memory_space<vmem>>) dst(%dma_wait3A_1577 : memref<1024x128xf32, #tpu.memory_space<vmem_shared>>)
        %dma_wait3A_1578 = arith.constant 3 : i32
        %dma_wait3A_1579 = arith.constant 3 : i32
        %dma_wait3A_1580 = arith.constant 3 : i32
        %dma_wait3A_1581 = arith.constant 120 : i32
        %dma_wait3A_1582 = arith.constant 0 : i32
        %dma_wait3A_1583 = tpu.memref_slice %arg7[%dma_wait3A_1578, %dma_wait3A_1581, %dma_wait3A_1582] : memref<4x200x128xf32, #tpu.memory_space<vmem>> -> memref<1x40x128xf32, #tpu.memory_space<vmem>>
        %dma_wait3A_1584 = tpu.memref_squeeze %dma_wait3A_1583 : memref<1x40x128xf32, #tpu.memory_space<vmem>> -> memref<40x128xf32, #tpu.memory_space<vmem>>
        %dma_wait3A_1585 = arith.constant 0 : i32
        %dma_wait3A_1586 = tpu.memref_slice %arg8[%dma_wait3A_1579, %dma_wait3A_1580, %dma_wait3A_1585] : memref<4x5x40xi32, #tpu.memory_space<vmem>> -> memref<1x1x40xi32, #tpu.memory_space<vmem>>
        %dma_wait3A_1587 = tpu.memref_squeeze %dma_wait3A_1586 : memref<1x1x40xi32, #tpu.memory_space<vmem>> -> memref<40xi32, #tpu.memory_space<vmem>>
        %dma_wait3A_1588 = arith.constant 0 : i32
        %dma_wait3A_1589 = arith.constant 0 : i32
        %dma_wait3A_1590 = tpu.memref_slice %arg14[%dma_wait3A_1588, %dma_wait3A_1589] : memref<1024x128xf32, #tpu.memory_space<vmem_shared>> -> memref<1024x128xf32, #tpu.memory_space<vmem_shared>>
        tpu.wait_indirect_dma semaphore(%arg26 : memref<!tpu.dma_semaphore, #tpu.memory_space<semaphore_mem>>) src(%dma_wait3A_1584 : memref<40x128xf32, #tpu.memory_space<vmem>>) dst(%dma_wait3A_1590 : memref<1024x128xf32, #tpu.memory_space<vmem_shared>>)
        %dma_wait3A_1591 = arith.constant 3 : i32
        %dma_wait3A_1592 = arith.constant 3 : i32
        %dma_wait3A_1593 = arith.constant 4 : i32
        %dma_wait3A_1594 = arith.constant 160 : i32
        %dma_wait3A_1595 = arith.constant 0 : i32
        %dma_wait3A_1596 = tpu.memref_slice %arg7[%dma_wait3A_1591, %dma_wait3A_1594, %dma_wait3A_1595] : memref<4x200x128xf32, #tpu.memory_space<vmem>> -> memref<1x40x128xf32, #tpu.memory_space<vmem>>
        %dma_wait3A_1597 = tpu.memref_squeeze %dma_wait3A_1596 : memref<1x40x128xf32, #tpu.memory_space<vmem>> -> memref<40x128xf32, #tpu.memory_space<vmem>>
        %dma_wait3A_1598 = arith.constant 0 : i32
        %dma_wait3A_1599 = tpu.memref_slice %arg8[%dma_wait3A_1592, %dma_wait3A_1593, %dma_wait3A_1598] : memref<4x5x40xi32, #tpu.memory_space<vmem>> -> memref<1x1x40xi32, #tpu.memory_space<vmem>>
        %dma_wait3A_1600 = tpu.memref_squeeze %dma_wait3A_1599 : memref<1x1x40xi32, #tpu.memory_space<vmem>> -> memref<40xi32, #tpu.memory_space<vmem>>
        %dma_wait3A_1601 = arith.constant 0 : i32
        %dma_wait3A_1602 = arith.constant 0 : i32
        %dma_wait3A_1603 = tpu.memref_slice %arg14[%dma_wait3A_1601, %dma_wait3A_1602] : memref<1024x128xf32, #tpu.memory_space<vmem_shared>> -> memref<1024x128xf32, #tpu.memory_space<vmem_shared>>
        tpu.wait_indirect_dma semaphore(%arg26 : memref<!tpu.dma_semaphore, #tpu.memory_space<semaphore_mem>>) src(%dma_wait3A_1597 : memref<40x128xf32, #tpu.memory_space<vmem>>) dst(%dma_wait3A_1603 : memref<1024x128xf32, #tpu.memory_space<vmem_shared>>)
      } else {
      }
      %add3A_876 = arith.constant 4 : i32
      %add3A_877 = arith.addi %add3A_794, %add3A_876 : i32
      %sub3A = arith.constant 1 : i32
      %sub3A_878 = arith.subi %add3A_877, %sub3A : i32
      %lt3A_879 = arith.constant 50 : i32
      %lt3A_880 = arith.cmpi slt, %sub3A_878, %lt3A_879 : i32
      %convert_element_type3A_881 = arith.extui %lt3A_880 : i1 to i32
      %cond3A_882 = arith.constant 0 : i32
      %cond3A_883 = arith.cmpi ne, %convert_element_type3A_881, %cond3A_882 : i32
      scf.if %cond3A_883 {
        %add3A_1539 = arith.constant 4 : i32
        %add3A_1540 = arith.addi %add3A_794, %add3A_1539 : i32
        %sub3A_1541 = arith.constant 1 : i32
        %sub3A_1542 = arith.subi %add3A_1540, %sub3A_1541 : i32
        %mul3A_1543 = arith.constant 200 : i32
        %mul3A_1544 = arith.muli %sub3A_1542, %mul3A_1543 : i32
        %add3A_1545 = arith.addi %mul3A_2, %mul3A_1544 : i32
        %dma_start3A_1546 = arith.constant 3 : i32
        %dma_start3A_1547 = arith.constant 0 : i32
        %dma_start3A_1548 = arith.constant 0 : i32
        %dma_start3A_1549 = tpu.memref_slice %arg7[%dma_start3A_1546, %dma_start3A_1547, %dma_start3A_1548] : memref<4x200x128xf32, #tpu.memory_space<vmem>> -> memref<1x200x128xf32, #tpu.memory_space<vmem>>
        %dma_start3A_1550 = tpu.memref_squeeze %dma_start3A_1549 : memref<1x200x128xf32, #tpu.memory_space<vmem>> -> memref<200x128xf32, #tpu.memory_space<vmem>>
        %dma_start3A_1551 = arith.constant 0 : i32
        %dma_start3A_1552 = tpu.memref_slice %arg2[%add3A_1545, %dma_start3A_1551] : memref<320000x128xf32, #tpu.memory_space<hbm>> -> memref<200x128xf32, #tpu.memory_space<hbm>>
        %dma_start3A_1553 = arith.constant 0 : i32
        %dma_start3A_1554 = arith.constant 0 : i32
        %dma_start3A_1555 = tpu.memref_slice %arg7[%dma_start3A_1546, %dma_start3A_1553, %dma_start3A_1554] : memref<4x200x128xf32, #tpu.memory_space<vmem>> -> memref<1x200x128xf32, #tpu.memory_space<vmem>>
        %dma_start3A_1556 = tpu.memref_squeeze %dma_start3A_1555 : memref<1x200x128xf32, #tpu.memory_space<vmem>> -> memref<200x128xf32, #tpu.memory_space<vmem>>
        %dma_start3A_1557 = arith.constant 0 : i32
        %dma_start3A_1558 = tpu.memref_slice %arg2[%add3A_1545, %dma_start3A_1557] : memref<320000x128xf32, #tpu.memory_space<hbm>> -> memref<200x128xf32, #tpu.memory_space<hbm>>
        tpu.enqueue_dma source(%dma_start3A_1558 : memref<200x128xf32, #tpu.memory_space<hbm>>) target(%dma_start3A_1556 : memref<200x128xf32, #tpu.memory_space<vmem>>) target_semaphore(%arg18 : memref<!tpu.dma_semaphore, #tpu.memory_space<semaphore_mem>>)
        %add3A_1559 = arith.constant 0 : i32
        %add3A_1560 = arith.addi %add3A_1545, %add3A_1559 : i32
        %dma_start3A_1561 = arith.constant 3 : i32
        %dma_start3A_1562 = arith.constant 0 : i32
        %dma_start3A_1563 = arith.constant 0 : i32
        %dma_start3A_1564 = tpu.memref_slice %arg8[%dma_start3A_1561, %dma_start3A_1562, %dma_start3A_1563] : memref<4x5x40xi32, #tpu.memory_space<vmem>> -> memref<1x1x40xi32, #tpu.memory_space<vmem>>
        %dma_start3A_1565 = tpu.memref_squeeze %dma_start3A_1564 : memref<1x1x40xi32, #tpu.memory_space<vmem>> -> memref<40xi32, #tpu.memory_space<vmem>>
        %dma_start3A_1566 = tpu.memref_slice %arg3[%add3A_1560] : memref<320008xi32, #tpu.memory_space<hbm>> -> memref<40xi32, #tpu.memory_space<hbm>>
        %dma_start3A_1567 = arith.constant 0 : i32
        %dma_start3A_1568 = tpu.memref_slice %arg8[%dma_start3A_1561, %dma_start3A_1562, %dma_start3A_1567] : memref<4x5x40xi32, #tpu.memory_space<vmem>> -> memref<1x1x40xi32, #tpu.memory_space<vmem>>
        %dma_start3A_1569 = tpu.memref_squeeze %dma_start3A_1568 : memref<1x1x40xi32, #tpu.memory_space<vmem>> -> memref<40xi32, #tpu.memory_space<vmem>>
        %dma_start3A_1570 = tpu.memref_slice %arg3[%add3A_1560] : memref<320008xi32, #tpu.memory_space<hbm>> -> memref<40xi32, #tpu.memory_space<hbm>>
        tpu.enqueue_dma source(%dma_start3A_1570 : memref<40xi32, #tpu.memory_space<hbm>>) target(%dma_start3A_1569 : memref<40xi32, #tpu.memory_space<vmem>>) target_semaphore(%arg22 : memref<!tpu.dma_semaphore, #tpu.memory_space<semaphore_mem>>)
        %add3A_1571 = arith.constant 40 : i32
        %add3A_1572 = arith.addi %add3A_1545, %add3A_1571 : i32
        %dma_start3A_1573 = arith.constant 3 : i32
        %dma_start3A_1574 = arith.constant 1 : i32
        %dma_start3A_1575 = arith.constant 0 : i32
        %dma_start3A_1576 = tpu.memref_slice %arg8[%dma_start3A_1573, %dma_start3A_1574, %dma_start3A_1575] : memref<4x5x40xi32, #tpu.memory_space<vmem>> -> memref<1x1x40xi32, #tpu.memory_space<vmem>>
        %dma_start3A_1577 = tpu.memref_squeeze %dma_start3A_1576 : memref<1x1x40xi32, #tpu.memory_space<vmem>> -> memref<40xi32, #tpu.memory_space<vmem>>
        %dma_start3A_1578 = tpu.memref_slice %arg3[%add3A_1572] : memref<320008xi32, #tpu.memory_space<hbm>> -> memref<40xi32, #tpu.memory_space<hbm>>
        %dma_start3A_1579 = arith.constant 0 : i32
        %dma_start3A_1580 = tpu.memref_slice %arg8[%dma_start3A_1573, %dma_start3A_1574, %dma_start3A_1579] : memref<4x5x40xi32, #tpu.memory_space<vmem>> -> memref<1x1x40xi32, #tpu.memory_space<vmem>>
        %dma_start3A_1581 = tpu.memref_squeeze %dma_start3A_1580 : memref<1x1x40xi32, #tpu.memory_space<vmem>> -> memref<40xi32, #tpu.memory_space<vmem>>
        %dma_start3A_1582 = tpu.memref_slice %arg3[%add3A_1572] : memref<320008xi32, #tpu.memory_space<hbm>> -> memref<40xi32, #tpu.memory_space<hbm>>
        tpu.enqueue_dma source(%dma_start3A_1582 : memref<40xi32, #tpu.memory_space<hbm>>) target(%dma_start3A_1581 : memref<40xi32, #tpu.memory_space<vmem>>) target_semaphore(%arg22 : memref<!tpu.dma_semaphore, #tpu.memory_space<semaphore_mem>>)
        %add3A_1583 = arith.constant 80 : i32
        %add3A_1584 = arith.addi %add3A_1545, %add3A_1583 : i32
        %dma_start3A_1585 = arith.constant 3 : i32
        %dma_start3A_1586 = arith.constant 2 : i32
        %dma_start3A_1587 = arith.constant 0 : i32
        %dma_start3A_1588 = tpu.memref_slice %arg8[%dma_start3A_1585, %dma_start3A_1586, %dma_start3A_1587] : memref<4x5x40xi32, #tpu.memory_space<vmem>> -> memref<1x1x40xi32, #tpu.memory_space<vmem>>
        %dma_start3A_1589 = tpu.memref_squeeze %dma_start3A_1588 : memref<1x1x40xi32, #tpu.memory_space<vmem>> -> memref<40xi32, #tpu.memory_space<vmem>>
        %dma_start3A_1590 = tpu.memref_slice %arg3[%add3A_1584] : memref<320008xi32, #tpu.memory_space<hbm>> -> memref<40xi32, #tpu.memory_space<hbm>>
        %dma_start3A_1591 = arith.constant 0 : i32
        %dma_start3A_1592 = tpu.memref_slice %arg8[%dma_start3A_1585, %dma_start3A_1586, %dma_start3A_1591] : memref<4x5x40xi32, #tpu.memory_space<vmem>> -> memref<1x1x40xi32, #tpu.memory_space<vmem>>
        %dma_start3A_1593 = tpu.memref_squeeze %dma_start3A_1592 : memref<1x1x40xi32, #tpu.memory_space<vmem>> -> memref<40xi32, #tpu.memory_space<vmem>>
        %dma_start3A_1594 = tpu.memref_slice %arg3[%add3A_1584] : memref<320008xi32, #tpu.memory_space<hbm>> -> memref<40xi32, #tpu.memory_space<hbm>>
        tpu.enqueue_dma source(%dma_start3A_1594 : memref<40xi32, #tpu.memory_space<hbm>>) target(%dma_start3A_1593 : memref<40xi32, #tpu.memory_space<vmem>>) target_semaphore(%arg22 : memref<!tpu.dma_semaphore, #tpu.memory_space<semaphore_mem>>)
        %add3A_1595 = arith.constant 120 : i32
        %add3A_1596 = arith.addi %add3A_1545, %add3A_1595 : i32
        %dma_start3A_1597 = arith.constant 3 : i32
        %dma_start3A_1598 = arith.constant 3 : i32
        %dma_start3A_1599 = arith.constant 0 : i32
        %dma_start3A_1600 = tpu.memref_slice %arg8[%dma_start3A_1597, %dma_start3A_1598, %dma_start3A_1599] : memref<4x5x40xi32, #tpu.memory_space<vmem>> -> memref<1x1x40xi32, #tpu.memory_space<vmem>>
        %dma_start3A_1601 = tpu.memref_squeeze %dma_start3A_1600 : memref<1x1x40xi32, #tpu.memory_space<vmem>> -> memref<40xi32, #tpu.memory_space<vmem>>
        %dma_start3A_1602 = tpu.memref_slice %arg3[%add3A_1596] : memref<320008xi32, #tpu.memory_space<hbm>> -> memref<40xi32, #tpu.memory_space<hbm>>
        %dma_start3A_1603 = arith.constant 0 : i32
        %dma_start3A_1604 = tpu.memref_slice %arg8[%dma_start3A_1597, %dma_start3A_1598, %dma_start3A_1603] : memref<4x5x40xi32, #tpu.memory_space<vmem>> -> memref<1x1x40xi32, #tpu.memory_space<vmem>>
        %dma_start3A_1605 = tpu.memref_squeeze %dma_start3A_1604 : memref<1x1x40xi32, #tpu.memory_space<vmem>> -> memref<40xi32, #tpu.memory_space<vmem>>
        %dma_start3A_1606 = tpu.memref_slice %arg3[%add3A_1596] : memref<320008xi32, #tpu.memory_space<hbm>> -> memref<40xi32, #tpu.memory_space<hbm>>
        tpu.enqueue_dma source(%dma_start3A_1606 : memref<40xi32, #tpu.memory_space<hbm>>) target(%dma_start3A_1605 : memref<40xi32, #tpu.memory_space<vmem>>) target_semaphore(%arg22 : memref<!tpu.dma_semaphore, #tpu.memory_space<semaphore_mem>>)
        %add3A_1607 = arith.constant 160 : i32
        %add3A_1608 = arith.addi %add3A_1545, %add3A_1607 : i32
        %dma_start3A_1609 = arith.constant 3 : i32
        %dma_start3A_1610 = arith.constant 4 : i32
        %dma_start3A_1611 = arith.constant 0 : i32
        %dma_start3A_1612 = tpu.memref_slice %arg8[%dma_start3A_1609, %dma_start3A_1610, %dma_start3A_1611] : memref<4x5x40xi32, #tpu.memory_space<vmem>> -> memref<1x1x40xi32, #tpu.memory_space<vmem>>
        %dma_start3A_1613 = tpu.memref_squeeze %dma_start3A_1612 : memref<1x1x40xi32, #tpu.memory_space<vmem>> -> memref<40xi32, #tpu.memory_space<vmem>>
        %dma_start3A_1614 = tpu.memref_slice %arg3[%add3A_1608] : memref<320008xi32, #tpu.memory_space<hbm>> -> memref<40xi32, #tpu.memory_space<hbm>>
        %dma_start3A_1615 = arith.constant 0 : i32
        %dma_start3A_1616 = tpu.memref_slice %arg8[%dma_start3A_1609, %dma_start3A_1610, %dma_start3A_1615] : memref<4x5x40xi32, #tpu.memory_space<vmem>> -> memref<1x1x40xi32, #tpu.memory_space<vmem>>
        %dma_start3A_1617 = tpu.memref_squeeze %dma_start3A_1616 : memref<1x1x40xi32, #tpu.memory_space<vmem>> -> memref<40xi32, #tpu.memory_space<vmem>>
        %dma_start3A_1618 = tpu.memref_slice %arg3[%add3A_1608] : memref<320008xi32, #tpu.memory_space<hbm>> -> memref<40xi32, #tpu.memory_space<hbm>>
        tpu.enqueue_dma source(%dma_start3A_1618 : memref<40xi32, #tpu.memory_space<hbm>>) target(%dma_start3A_1617 : memref<40xi32, #tpu.memory_space<vmem>>) target_semaphore(%arg22 : memref<!tpu.dma_semaphore, #tpu.memory_space<semaphore_mem>>)
        %dma_start3A_1619 = tpu.memref_slice %arg3[%add3A_1545] : memref<320008xi32, #tpu.memory_space<hbm>> -> memref<208xi32, #tpu.memory_space<hbm>>
        %dma_start3A_1620 = tpu.memref_slice %arg3[%add3A_1545] : memref<320008xi32, #tpu.memory_space<hbm>> -> memref<208xi32, #tpu.memory_space<hbm>>
        tpu.enqueue_dma source(%dma_start3A_1620 : memref<208xi32, #tpu.memory_space<hbm>>) target(%arg12 : memref<208xi32, #tpu.memory_space<vmem>>) target_semaphore(%arg22 : memref<!tpu.dma_semaphore, #tpu.memory_space<semaphore_mem>>)
      } else {
      }
      %dma_start3A_884 = arith.constant 0 : i32
      %dma_start3A_885 = arith.constant 0 : i32
      %dma_start3A_886 = arith.constant 0 : i32
      %dma_start3A_887 = arith.constant 0 : i32
      %dma_start3A_888 = arith.constant 0 : i32
      %dma_start3A_889 = tpu.memref_slice %arg7[%dma_start3A_884, %dma_start3A_887, %dma_start3A_888] : memref<4x200x128xf32, #tpu.memory_space<vmem>> -> memref<1x40x128xf32, #tpu.memory_space<vmem>>
      %dma_start3A_890 = tpu.memref_squeeze %dma_start3A_889 : memref<1x40x128xf32, #tpu.memory_space<vmem>> -> memref<40x128xf32, #tpu.memory_space<vmem>>
      %dma_start3A_891 = arith.constant 0 : i32
      %dma_start3A_892 = tpu.memref_slice %arg8[%dma_start3A_885, %dma_start3A_886, %dma_start3A_891] : memref<4x5x40xi32, #tpu.memory_space<vmem>> -> memref<1x1x40xi32, #tpu.memory_space<vmem>>
      %dma_start3A_893 = tpu.memref_squeeze %dma_start3A_892 : memref<1x1x40xi32, #tpu.memory_space<vmem>> -> memref<40xi32, #tpu.memory_space<vmem>>
      %dma_start3A_894 = arith.constant 0 : i32
      %dma_start3A_895 = arith.constant 0 : i32
      %dma_start3A_896 = tpu.memref_slice %arg14[%dma_start3A_894, %dma_start3A_895] : memref<1024x128xf32, #tpu.memory_space<vmem_shared>> -> memref<1024x128xf32, #tpu.memory_space<vmem_shared>>
      tpu.enqueue_indirect_dma source(%dma_start3A_890 : memref<40x128xf32, #tpu.memory_space<vmem>>) target(%dma_start3A_896 : memref<1024x128xf32, #tpu.memory_space<vmem_shared>>) offsets(%dma_start3A_893 : memref<40xi32, #tpu.memory_space<vmem>>) semaphore(%arg23 : memref<!tpu.dma_semaphore, #tpu.memory_space<semaphore_mem>>) {add = true}
      %dma_start3A_897 = arith.constant 0 : i32
      %dma_start3A_898 = arith.constant 0 : i32
      %dma_start3A_899 = arith.constant 1 : i32
      %dma_start3A_900 = arith.constant 40 : i32
      %dma_start3A_901 = arith.constant 0 : i32
      %dma_start3A_902 = tpu.memref_slice %arg7[%dma_start3A_897, %dma_start3A_900, %dma_start3A_901] : memref<4x200x128xf32, #tpu.memory_space<vmem>> -> memref<1x40x128xf32, #tpu.memory_space<vmem>>
      %dma_start3A_903 = tpu.memref_squeeze %dma_start3A_902 : memref<1x40x128xf32, #tpu.memory_space<vmem>> -> memref<40x128xf32, #tpu.memory_space<vmem>>
      %dma_start3A_904 = arith.constant 0 : i32
      %dma_start3A_905 = tpu.memref_slice %arg8[%dma_start3A_898, %dma_start3A_899, %dma_start3A_904] : memref<4x5x40xi32, #tpu.memory_space<vmem>> -> memref<1x1x40xi32, #tpu.memory_space<vmem>>
      %dma_start3A_906 = tpu.memref_squeeze %dma_start3A_905 : memref<1x1x40xi32, #tpu.memory_space<vmem>> -> memref<40xi32, #tpu.memory_space<vmem>>
      %dma_start3A_907 = arith.constant 0 : i32
      %dma_start3A_908 = arith.constant 0 : i32
      %dma_start3A_909 = tpu.memref_slice %arg14[%dma_start3A_907, %dma_start3A_908] : memref<1024x128xf32, #tpu.memory_space<vmem_shared>> -> memref<1024x128xf32, #tpu.memory_space<vmem_shared>>
      tpu.enqueue_indirect_dma source(%dma_start3A_903 : memref<40x128xf32, #tpu.memory_space<vmem>>) target(%dma_start3A_909 : memref<1024x128xf32, #tpu.memory_space<vmem_shared>>) offsets(%dma_start3A_906 : memref<40xi32, #tpu.memory_space<vmem>>) semaphore(%arg23 : memref<!tpu.dma_semaphore, #tpu.memory_space<semaphore_mem>>) {add = true}
      %dma_start3A_910 = arith.constant 0 : i32
      %dma_start3A_911 = arith.constant 0 : i32
      %dma_start3A_912 = arith.constant 2 : i32
      %dma_start3A_913 = arith.constant 80 : i32
      %dma_start3A_914 = arith.constant 0 : i32
      %dma_start3A_915 = tpu.memref_slice %arg7[%dma_start3A_910, %dma_start3A_913, %dma_start3A_914] : memref<4x200x128xf32, #tpu.memory_space<vmem>> -> memref<1x40x128xf32, #tpu.memory_space<vmem>>
      %dma_start3A_916 = tpu.memref_squeeze %dma_start3A_915 : memref<1x40x128xf32, #tpu.memory_space<vmem>> -> memref<40x128xf32, #tpu.memory_space<vmem>>
      %dma_start3A_917 = arith.constant 0 : i32
      %dma_start3A_918 = tpu.memref_slice %arg8[%dma_start3A_911, %dma_start3A_912, %dma_start3A_917] : memref<4x5x40xi32, #tpu.memory_space<vmem>> -> memref<1x1x40xi32, #tpu.memory_space<vmem>>
      %dma_start3A_919 = tpu.memref_squeeze %dma_start3A_918 : memref<1x1x40xi32, #tpu.memory_space<vmem>> -> memref<40xi32, #tpu.memory_space<vmem>>
      %dma_start3A_920 = arith.constant 0 : i32
      %dma_start3A_921 = arith.constant 0 : i32
      %dma_start3A_922 = tpu.memref_slice %arg14[%dma_start3A_920, %dma_start3A_921] : memref<1024x128xf32, #tpu.memory_space<vmem_shared>> -> memref<1024x128xf32, #tpu.memory_space<vmem_shared>>
      tpu.enqueue_indirect_dma source(%dma_start3A_916 : memref<40x128xf32, #tpu.memory_space<vmem>>) target(%dma_start3A_922 : memref<1024x128xf32, #tpu.memory_space<vmem_shared>>) offsets(%dma_start3A_919 : memref<40xi32, #tpu.memory_space<vmem>>) semaphore(%arg23 : memref<!tpu.dma_semaphore, #tpu.memory_space<semaphore_mem>>) {add = true}
      %dma_start3A_923 = arith.constant 0 : i32
      %dma_start3A_924 = arith.constant 0 : i32
      %dma_start3A_925 = arith.constant 3 : i32
      %dma_start3A_926 = arith.constant 120 : i32
      %dma_start3A_927 = arith.constant 0 : i32
      %dma_start3A_928 = tpu.memref_slice %arg7[%dma_start3A_923, %dma_start3A_926, %dma_start3A_927] : memref<4x200x128xf32, #tpu.memory_space<vmem>> -> memref<1x40x128xf32, #tpu.memory_space<vmem>>
      %dma_start3A_929 = tpu.memref_squeeze %dma_start3A_928 : memref<1x40x128xf32, #tpu.memory_space<vmem>> -> memref<40x128xf32, #tpu.memory_space<vmem>>
      %dma_start3A_930 = arith.constant 0 : i32
      %dma_start3A_931 = tpu.memref_slice %arg8[%dma_start3A_924, %dma_start3A_925, %dma_start3A_930] : memref<4x5x40xi32, #tpu.memory_space<vmem>> -> memref<1x1x40xi32, #tpu.memory_space<vmem>>
      %dma_start3A_932 = tpu.memref_squeeze %dma_start3A_931 : memref<1x1x40xi32, #tpu.memory_space<vmem>> -> memref<40xi32, #tpu.memory_space<vmem>>
      %dma_start3A_933 = arith.constant 0 : i32
      %dma_start3A_934 = arith.constant 0 : i32
      %dma_start3A_935 = tpu.memref_slice %arg14[%dma_start3A_933, %dma_start3A_934] : memref<1024x128xf32, #tpu.memory_space<vmem_shared>> -> memref<1024x128xf32, #tpu.memory_space<vmem_shared>>
      tpu.enqueue_indirect_dma source(%dma_start3A_929 : memref<40x128xf32, #tpu.memory_space<vmem>>) target(%dma_start3A_935 : memref<1024x128xf32, #tpu.memory_space<vmem_shared>>) offsets(%dma_start3A_932 : memref<40xi32, #tpu.memory_space<vmem>>) semaphore(%arg23 : memref<!tpu.dma_semaphore, #tpu.memory_space<semaphore_mem>>) {add = true}
      %dma_start3A_936 = arith.constant 0 : i32
      %dma_start3A_937 = arith.constant 0 : i32
      %dma_start3A_938 = arith.constant 4 : i32
      %dma_start3A_939 = arith.constant 160 : i32
      %dma_start3A_940 = arith.constant 0 : i32
      %dma_start3A_941 = tpu.memref_slice %arg7[%dma_start3A_936, %dma_start3A_939, %dma_start3A_940] : memref<4x200x128xf32, #tpu.memory_space<vmem>> -> memref<1x40x128xf32, #tpu.memory_space<vmem>>
      %dma_start3A_942 = tpu.memref_squeeze %dma_start3A_941 : memref<1x40x128xf32, #tpu.memory_space<vmem>> -> memref<40x128xf32, #tpu.memory_space<vmem>>
      %dma_start3A_943 = arith.constant 0 : i32
      %dma_start3A_944 = tpu.memref_slice %arg8[%dma_start3A_937, %dma_start3A_938, %dma_start3A_943] : memref<4x5x40xi32, #tpu.memory_space<vmem>> -> memref<1x1x40xi32, #tpu.memory_space<vmem>>
      %dma_start3A_945 = tpu.memref_squeeze %dma_start3A_944 : memref<1x1x40xi32, #tpu.memory_space<vmem>> -> memref<40xi32, #tpu.memory_space<vmem>>
      %dma_start3A_946 = arith.constant 0 : i32
      %dma_start3A_947 = arith.constant 0 : i32
      %dma_start3A_948 = tpu.memref_slice %arg14[%dma_start3A_946, %dma_start3A_947] : memref<1024x128xf32, #tpu.memory_space<vmem_shared>> -> memref<1024x128xf32, #tpu.memory_space<vmem_shared>>
      tpu.enqueue_indirect_dma source(%dma_start3A_942 : memref<40x128xf32, #tpu.memory_space<vmem>>) target(%dma_start3A_948 : memref<1024x128xf32, #tpu.memory_space<vmem_shared>>) offsets(%dma_start3A_945 : memref<40xi32, #tpu.memory_space<vmem>>) semaphore(%arg23 : memref<!tpu.dma_semaphore, #tpu.memory_space<semaphore_mem>>) {add = true}
      %get3A_949 = arith.constant 0 : index
      %get3A_950 = tpu.vector_load %arg9[%get3A_949] {strides = array<i32>} : memref<208xi32, #tpu.memory_space<vmem>>, vector<16xi32>,
      tpu.vector_store_idx %arg13[%get3A_950], %broadcast_in_dim3A_10 {add = true} : memref<1024xf32, #tpu.memory_space<vmem>>[vector<16xi32>], vector<16xf32>,
      %get3A_951 = arith.constant 16 : index
      %get3A_952 = tpu.vector_load %arg9[%get3A_951] {strides = array<i32>} : memref<208xi32, #tpu.memory_space<vmem>>, vector<16xi32>,
      tpu.vector_store_idx %arg13[%get3A_952], %broadcast_in_dim3A_10 {add = true} : memref<1024xf32, #tpu.memory_space<vmem>>[vector<16xi32>], vector<16xf32>,
      %get3A_953 = arith.constant 32 : index
      %get3A_954 = tpu.vector_load %arg9[%get3A_953] {strides = array<i32>} : memref<208xi32, #tpu.memory_space<vmem>>, vector<16xi32>,
      tpu.vector_store_idx %arg13[%get3A_954], %broadcast_in_dim3A_10 {add = true} : memref<1024xf32, #tpu.memory_space<vmem>>[vector<16xi32>], vector<16xf32>,
      %get3A_955 = arith.constant 48 : index
      %get3A_956 = tpu.vector_load %arg9[%get3A_955] {strides = array<i32>} : memref<208xi32, #tpu.memory_space<vmem>>, vector<16xi32>,
      tpu.vector_store_idx %arg13[%get3A_956], %broadcast_in_dim3A_10 {add = true} : memref<1024xf32, #tpu.memory_space<vmem>>[vector<16xi32>], vector<16xf32>,
      %get3A_957 = arith.constant 64 : index
      %get3A_958 = tpu.vector_load %arg9[%get3A_957] {strides = array<i32>} : memref<208xi32, #tpu.memory_space<vmem>>, vector<16xi32>,
      tpu.vector_store_idx %arg13[%get3A_958], %broadcast_in_dim3A_10 {add = true} : memref<1024xf32, #tpu.memory_space<vmem>>[vector<16xi32>], vector<16xf32>,
      %get3A_959 = arith.constant 80 : index
      %get3A_960 = tpu.vector_load %arg9[%get3A_959] {strides = array<i32>} : memref<208xi32, #tpu.memory_space<vmem>>, vector<16xi32>,
      tpu.vector_store_idx %arg13[%get3A_960], %broadcast_in_dim3A_10 {add = true} : memref<1024xf32, #tpu.memory_space<vmem>>[vector<16xi32>], vector<16xf32>,
      %get3A_961 = arith.constant 96 : index
      %get3A_962 = tpu.vector_load %arg9[%get3A_961] {strides = array<i32>} : memref<208xi32, #tpu.memory_space<vmem>>, vector<16xi32>,
      tpu.vector_store_idx %arg13[%get3A_962], %broadcast_in_dim3A_10 {add = true} : memref<1024xf32, #tpu.memory_space<vmem>>[vector<16xi32>], vector<16xf32>,
      %get3A_963 = arith.constant 112 : index
      %get3A_964 = tpu.vector_load %arg9[%get3A_963] {strides = array<i32>} : memref<208xi32, #tpu.memory_space<vmem>>, vector<16xi32>,
      tpu.vector_store_idx %arg13[%get3A_964], %broadcast_in_dim3A_10 {add = true} : memref<1024xf32, #tpu.memory_space<vmem>>[vector<16xi32>], vector<16xf32>,
      %get3A_965 = arith.constant 128 : index
      %get3A_966 = tpu.vector_load %arg9[%get3A_965] {strides = array<i32>} : memref<208xi32, #tpu.memory_space<vmem>>, vector<16xi32>,
      tpu.vector_store_idx %arg13[%get3A_966], %broadcast_in_dim3A_10 {add = true} : memref<1024xf32, #tpu.memory_space<vmem>>[vector<16xi32>], vector<16xf32>,
      %get3A_967 = arith.constant 144 : index
      %get3A_968 = tpu.vector_load %arg9[%get3A_967] {strides = array<i32>} : memref<208xi32, #tpu.memory_space<vmem>>, vector<16xi32>,
      tpu.vector_store_idx %arg13[%get3A_968], %broadcast_in_dim3A_10 {add = true} : memref<1024xf32, #tpu.memory_space<vmem>>[vector<16xi32>], vector<16xf32>,
      %get3A_969 = arith.constant 160 : index
      %get3A_970 = tpu.vector_load %arg9[%get3A_969] {strides = array<i32>} : memref<208xi32, #tpu.memory_space<vmem>>, vector<16xi32>,
      tpu.vector_store_idx %arg13[%get3A_970], %broadcast_in_dim3A_10 {add = true} : memref<1024xf32, #tpu.memory_space<vmem>>[vector<16xi32>], vector<16xf32>,
      %get3A_971 = arith.constant 176 : index
      %get3A_972 = tpu.vector_load %arg9[%get3A_971] {strides = array<i32>} : memref<208xi32, #tpu.memory_space<vmem>>, vector<16xi32>,
      tpu.vector_store_idx %arg13[%get3A_972], %broadcast_in_dim3A_10 {add = true} : memref<1024xf32, #tpu.memory_space<vmem>>[vector<16xi32>], vector<16xf32>,
      %get3A_973 = arith.constant 192 : index
      %get3A_974 = tpu.vector_load %arg9[%get3A_973] {strides = array<i32>} : memref<208xi32, #tpu.memory_space<vmem>>, vector<16xi32>,
      tpu.vector_store_idx %arg13[%get3A_974], %broadcast_in_dim3A_10 masked %lt3A_12 {add = true} : memref<1024xf32, #tpu.memory_space<vmem>>[vector<16xi32>], vector<16xf32>, vector<16xi1>
      %mul3A_975 = arith.constant 4 : i32
      %mul3A_976 = arith.muli %mul3A_975, %scan3A_790 : i32
      %add3A_977 = arith.constant 1 : i32
      %add3A_978 = arith.addi %mul3A_976, %add3A_977 : i32
      %dma_wait3A_979 = arith.constant 1 : i32
      %dma_wait3A_980 = arith.constant 0 : i32
      %dma_wait3A_981 = arith.constant 0 : i32
      %dma_wait3A_982 = tpu.memref_slice %arg7[%dma_wait3A_979, %dma_wait3A_980, %dma_wait3A_981] : memref<4x200x128xf32, #tpu.memory_space<vmem>> -> memref<1x200x128xf32, #tpu.memory_space<vmem>>
      %dma_wait3A_983 = tpu.memref_squeeze %dma_wait3A_982 : memref<1x200x128xf32, #tpu.memory_space<vmem>> -> memref<200x128xf32, #tpu.memory_space<vmem>>
      %dma_wait3A_984 = arith.constant 0 : i32
      %dma_wait3A_985 = arith.constant 0 : i32
      %dma_wait3A_986 = tpu.memref_slice %arg2[%dma_wait3A_984, %dma_wait3A_985] : memref<320000x128xf32, #tpu.memory_space<hbm>> -> memref<200x128xf32, #tpu.memory_space<hbm>>
      %dma_wait3A_987 = arith.constant 0 : i32
      %dma_wait3A_988 = arith.constant 0 : i32
      %dma_wait3A_989 = tpu.memref_slice %arg7[%dma_wait3A_979, %dma_wait3A_987, %dma_wait3A_988] : memref<4x200x128xf32, #tpu.memory_space<vmem>> -> memref<1x200x128xf32, #tpu.memory_space<vmem>>
      %dma_wait3A_990 = tpu.memref_squeeze %dma_wait3A_989 : memref<1x200x128xf32, #tpu.memory_space<vmem>> -> memref<200x128xf32, #tpu.memory_space<vmem>>
      %dma_wait3A_991 = arith.constant 0 : i32
      %dma_wait3A_992 = arith.constant 0 : i32
      %dma_wait3A_993 = tpu.memref_slice %arg2[%dma_wait3A_991, %dma_wait3A_992] : memref<320000x128xf32, #tpu.memory_space<hbm>> -> memref<200x128xf32, #tpu.memory_space<hbm>>
      tpu.wait_dma2 semaphore(%arg16 : memref<!tpu.dma_semaphore, #tpu.memory_space<semaphore_mem>>) src(%dma_wait3A_993 : memref<200x128xf32, #tpu.memory_space<hbm>>) dst(%dma_wait3A_990 : memref<200x128xf32, #tpu.memory_space<vmem>>)
      %dma_wait3A_994 = arith.constant 1 : i32
      %dma_wait3A_995 = arith.constant 0 : i32
      %dma_wait3A_996 = arith.constant 0 : i32
      %dma_wait3A_997 = tpu.memref_slice %arg8[%dma_wait3A_994, %dma_wait3A_995, %dma_wait3A_996] : memref<4x5x40xi32, #tpu.memory_space<vmem>> -> memref<1x1x40xi32, #tpu.memory_space<vmem>>
      %dma_wait3A_998 = tpu.memref_squeeze %dma_wait3A_997 : memref<1x1x40xi32, #tpu.memory_space<vmem>> -> memref<40xi32, #tpu.memory_space<vmem>>
      %dma_wait3A_999 = arith.constant 0 : i32
      %dma_wait3A_1000 = tpu.memref_slice %arg3[%dma_wait3A_999] : memref<320008xi32, #tpu.memory_space<hbm>> -> memref<40xi32, #tpu.memory_space<hbm>>
      %dma_wait3A_1001 = arith.constant 0 : i32
      %dma_wait3A_1002 = tpu.memref_slice %arg8[%dma_wait3A_994, %dma_wait3A_995, %dma_wait3A_1001] : memref<4x5x40xi32, #tpu.memory_space<vmem>> -> memref<1x1x40xi32, #tpu.memory_space<vmem>>
      %dma_wait3A_1003 = tpu.memref_squeeze %dma_wait3A_1002 : memref<1x1x40xi32, #tpu.memory_space<vmem>> -> memref<40xi32, #tpu.memory_space<vmem>>
      %dma_wait3A_1004 = arith.constant 0 : i32
      %dma_wait3A_1005 = tpu.memref_slice %arg3[%dma_wait3A_1004] : memref<320008xi32, #tpu.memory_space<hbm>> -> memref<40xi32, #tpu.memory_space<hbm>>
      tpu.wait_dma2 semaphore(%arg20 : memref<!tpu.dma_semaphore, #tpu.memory_space<semaphore_mem>>) src(%dma_wait3A_1005 : memref<40xi32, #tpu.memory_space<hbm>>) dst(%dma_wait3A_1003 : memref<40xi32, #tpu.memory_space<vmem>>)
      %dma_wait3A_1006 = arith.constant 1 : i32
      %dma_wait3A_1007 = arith.constant 1 : i32
      %dma_wait3A_1008 = arith.constant 0 : i32
      %dma_wait3A_1009 = tpu.memref_slice %arg8[%dma_wait3A_1006, %dma_wait3A_1007, %dma_wait3A_1008] : memref<4x5x40xi32, #tpu.memory_space<vmem>> -> memref<1x1x40xi32, #tpu.memory_space<vmem>>
      %dma_wait3A_1010 = tpu.memref_squeeze %dma_wait3A_1009 : memref<1x1x40xi32, #tpu.memory_space<vmem>> -> memref<40xi32, #tpu.memory_space<vmem>>
      %dma_wait3A_1011 = arith.constant 0 : i32
      %dma_wait3A_1012 = tpu.memref_slice %arg3[%dma_wait3A_1011] : memref<320008xi32, #tpu.memory_space<hbm>> -> memref<40xi32, #tpu.memory_space<hbm>>
      %dma_wait3A_1013 = arith.constant 0 : i32
      %dma_wait3A_1014 = tpu.memref_slice %arg8[%dma_wait3A_1006, %dma_wait3A_1007, %dma_wait3A_1013] : memref<4x5x40xi32, #tpu.memory_space<vmem>> -> memref<1x1x40xi32, #tpu.memory_space<vmem>>
      %dma_wait3A_1015 = tpu.memref_squeeze %dma_wait3A_1014 : memref<1x1x40xi32, #tpu.memory_space<vmem>> -> memref<40xi32, #tpu.memory_space<vmem>>
      %dma_wait3A_1016 = arith.constant 0 : i32
      %dma_wait3A_1017 = tpu.memref_slice %arg3[%dma_wait3A_1016] : memref<320008xi32, #tpu.memory_space<hbm>> -> memref<40xi32, #tpu.memory_space<hbm>>
      tpu.wait_dma2 semaphore(%arg20 : memref<!tpu.dma_semaphore, #tpu.memory_space<semaphore_mem>>) src(%dma_wait3A_1017 : memref<40xi32, #tpu.memory_space<hbm>>) dst(%dma_wait3A_1015 : memref<40xi32, #tpu.memory_space<vmem>>)
      %dma_wait3A_1018 = arith.constant 1 : i32
      %dma_wait3A_1019 = arith.constant 2 : i32
      %dma_wait3A_1020 = arith.constant 0 : i32
      %dma_wait3A_1021 = tpu.memref_slice %arg8[%dma_wait3A_1018, %dma_wait3A_1019, %dma_wait3A_1020] : memref<4x5x40xi32, #tpu.memory_space<vmem>> -> memref<1x1x40xi32, #tpu.memory_space<vmem>>
      %dma_wait3A_1022 = tpu.memref_squeeze %dma_wait3A_1021 : memref<1x1x40xi32, #tpu.memory_space<vmem>> -> memref<40xi32, #tpu.memory_space<vmem>>
      %dma_wait3A_1023 = arith.constant 0 : i32
      %dma_wait3A_1024 = tpu.memref_slice %arg3[%dma_wait3A_1023] : memref<320008xi32, #tpu.memory_space<hbm>> -> memref<40xi32, #tpu.memory_space<hbm>>
      %dma_wait3A_1025 = arith.constant 0 : i32
      %dma_wait3A_1026 = tpu.memref_slice %arg8[%dma_wait3A_1018, %dma_wait3A_1019, %dma_wait3A_1025] : memref<4x5x40xi32, #tpu.memory_space<vmem>> -> memref<1x1x40xi32, #tpu.memory_space<vmem>>
      %dma_wait3A_1027 = tpu.memref_squeeze %dma_wait3A_1026 : memref<1x1x40xi32, #tpu.memory_space<vmem>> -> memref<40xi32, #tpu.memory_space<vmem>>
      %dma_wait3A_1028 = arith.constant 0 : i32
      %dma_wait3A_1029 = tpu.memref_slice %arg3[%dma_wait3A_1028] : memref<320008xi32, #tpu.memory_space<hbm>> -> memref<40xi32, #tpu.memory_space<hbm>>
      tpu.wait_dma2 semaphore(%arg20 : memref<!tpu.dma_semaphore, #tpu.memory_space<semaphore_mem>>) src(%dma_wait3A_1029 : memref<40xi32, #tpu.memory_space<hbm>>) dst(%dma_wait3A_1027 : memref<40xi32, #tpu.memory_space<vmem>>)
      %dma_wait3A_1030 = arith.constant 1 : i32
      %dma_wait3A_1031 = arith.constant 3 : i32
      %dma_wait3A_1032 = arith.constant 0 : i32
      %dma_wait3A_1033 = tpu.memref_slice %arg8[%dma_wait3A_1030, %dma_wait3A_1031, %dma_wait3A_1032] : memref<4x5x40xi32, #tpu.memory_space<vmem>> -> memref<1x1x40xi32, #tpu.memory_space<vmem>>
      %dma_wait3A_1034 = tpu.memref_squeeze %dma_wait3A_1033 : memref<1x1x40xi32, #tpu.memory_space<vmem>> -> memref<40xi32, #tpu.memory_space<vmem>>
      %dma_wait3A_1035 = arith.constant 0 : i32
      %dma_wait3A_1036 = tpu.memref_slice %arg3[%dma_wait3A_1035] : memref<320008xi32, #tpu.memory_space<hbm>> -> memref<40xi32, #tpu.memory_space<hbm>>
      %dma_wait3A_1037 = arith.constant 0 : i32
      %dma_wait3A_1038 = tpu.memref_slice %arg8[%dma_wait3A_1030, %dma_wait3A_1031, %dma_wait3A_1037] : memref<4x5x40xi32, #tpu.memory_space<vmem>> -> memref<1x1x40xi32, #tpu.memory_space<vmem>>
      %dma_wait3A_1039 = tpu.memref_squeeze %dma_wait3A_1038 : memref<1x1x40xi32, #tpu.memory_space<vmem>> -> memref<40xi32, #tpu.memory_space<vmem>>
      %dma_wait3A_1040 = arith.constant 0 : i32
      %dma_wait3A_1041 = tpu.memref_slice %arg3[%dma_wait3A_1040] : memref<320008xi32, #tpu.memory_space<hbm>> -> memref<40xi32, #tpu.memory_space<hbm>>
      tpu.wait_dma2 semaphore(%arg20 : memref<!tpu.dma_semaphore, #tpu.memory_space<semaphore_mem>>) src(%dma_wait3A_1041 : memref<40xi32, #tpu.memory_space<hbm>>) dst(%dma_wait3A_1039 : memref<40xi32, #tpu.memory_space<vmem>>)
      %dma_wait3A_1042 = arith.constant 1 : i32
      %dma_wait3A_1043 = arith.constant 4 : i32
      %dma_wait3A_1044 = arith.constant 0 : i32
      %dma_wait3A_1045 = tpu.memref_slice %arg8[%dma_wait3A_1042, %dma_wait3A_1043, %dma_wait3A_1044] : memref<4x5x40xi32, #tpu.memory_space<vmem>> -> memref<1x1x40xi32, #tpu.memory_space<vmem>>
      %dma_wait3A_1046 = tpu.memref_squeeze %dma_wait3A_1045 : memref<1x1x40xi32, #tpu.memory_space<vmem>> -> memref<40xi32, #tpu.memory_space<vmem>>
      %dma_wait3A_1047 = arith.constant 0 : i32
      %dma_wait3A_1048 = tpu.memref_slice %arg3[%dma_wait3A_1047] : memref<320008xi32, #tpu.memory_space<hbm>> -> memref<40xi32, #tpu.memory_space<hbm>>
      %dma_wait3A_1049 = arith.constant 0 : i32
      %dma_wait3A_1050 = tpu.memref_slice %arg8[%dma_wait3A_1042, %dma_wait3A_1043, %dma_wait3A_1049] : memref<4x5x40xi32, #tpu.memory_space<vmem>> -> memref<1x1x40xi32, #tpu.memory_space<vmem>>
      %dma_wait3A_1051 = tpu.memref_squeeze %dma_wait3A_1050 : memref<1x1x40xi32, #tpu.memory_space<vmem>> -> memref<40xi32, #tpu.memory_space<vmem>>
      %dma_wait3A_1052 = arith.constant 0 : i32
      %dma_wait3A_1053 = tpu.memref_slice %arg3[%dma_wait3A_1052] : memref<320008xi32, #tpu.memory_space<hbm>> -> memref<40xi32, #tpu.memory_space<hbm>>
      tpu.wait_dma2 semaphore(%arg20 : memref<!tpu.dma_semaphore, #tpu.memory_space<semaphore_mem>>) src(%dma_wait3A_1053 : memref<40xi32, #tpu.memory_space<hbm>>) dst(%dma_wait3A_1051 : memref<40xi32, #tpu.memory_space<vmem>>)
      %dma_wait3A_1054 = arith.constant 0 : i32
      %dma_wait3A_1055 = tpu.memref_slice %arg3[%dma_wait3A_1054] : memref<320008xi32, #tpu.memory_space<hbm>> -> memref<208xi32, #tpu.memory_space<hbm>>
      %dma_wait3A_1056 = arith.constant 0 : i32
      %dma_wait3A_1057 = tpu.memref_slice %arg3[%dma_wait3A_1056] : memref<320008xi32, #tpu.memory_space<hbm>> -> memref<208xi32, #tpu.memory_space<hbm>>
      tpu.wait_dma2 semaphore(%arg20 : memref<!tpu.dma_semaphore, #tpu.memory_space<semaphore_mem>>) src(%dma_wait3A_1057 : memref<208xi32, #tpu.memory_space<hbm>>) dst(%arg10 : memref<208xi32, #tpu.memory_space<vmem>>)
      %ne3A_1058 = arith.constant 0 : i32
      %ne3A_1059 = arith.cmpi ne, %add3A_978, %ne3A_1058 : i32
      %convert_element_type3A_1060 = arith.extui %ne3A_1059 : i1 to i32
      %cond3A_1061 = arith.constant 0 : i32
      %cond3A_1062 = arith.cmpi ne, %convert_element_type3A_1060, %cond3A_1061 : i32
      scf.if %cond3A_1062 {
        %dma_wait3A_1539 = arith.constant 0 : i32
        %dma_wait3A_1540 = arith.constant 0 : i32
        %dma_wait3A_1541 = arith.constant 0 : i32
        %dma_wait3A_1542 = arith.constant 0 : i32
        %dma_wait3A_1543 = arith.constant 0 : i32
        %dma_wait3A_1544 = tpu.memref_slice %arg7[%dma_wait3A_1539, %dma_wait3A_1542, %dma_wait3A_1543] : memref<4x200x128xf32, #tpu.memory_space<vmem>> -> memref<1x40x128xf32, #tpu.memory_space<vmem>>
        %dma_wait3A_1545 = tpu.memref_squeeze %dma_wait3A_1544 : memref<1x40x128xf32, #tpu.memory_space<vmem>> -> memref<40x128xf32, #tpu.memory_space<vmem>>
        %dma_wait3A_1546 = arith.constant 0 : i32
        %dma_wait3A_1547 = tpu.memref_slice %arg8[%dma_wait3A_1540, %dma_wait3A_1541, %dma_wait3A_1546] : memref<4x5x40xi32, #tpu.memory_space<vmem>> -> memref<1x1x40xi32, #tpu.memory_space<vmem>>
        %dma_wait3A_1548 = tpu.memref_squeeze %dma_wait3A_1547 : memref<1x1x40xi32, #tpu.memory_space<vmem>> -> memref<40xi32, #tpu.memory_space<vmem>>
        %dma_wait3A_1549 = arith.constant 0 : i32
        %dma_wait3A_1550 = arith.constant 0 : i32
        %dma_wait3A_1551 = tpu.memref_slice %arg14[%dma_wait3A_1549, %dma_wait3A_1550] : memref<1024x128xf32, #tpu.memory_space<vmem_shared>> -> memref<1024x128xf32, #tpu.memory_space<vmem_shared>>
        tpu.wait_indirect_dma semaphore(%arg23 : memref<!tpu.dma_semaphore, #tpu.memory_space<semaphore_mem>>) src(%dma_wait3A_1545 : memref<40x128xf32, #tpu.memory_space<vmem>>) dst(%dma_wait3A_1551 : memref<1024x128xf32, #tpu.memory_space<vmem_shared>>)
        %dma_wait3A_1552 = arith.constant 0 : i32
        %dma_wait3A_1553 = arith.constant 0 : i32
        %dma_wait3A_1554 = arith.constant 1 : i32
        %dma_wait3A_1555 = arith.constant 40 : i32
        %dma_wait3A_1556 = arith.constant 0 : i32
        %dma_wait3A_1557 = tpu.memref_slice %arg7[%dma_wait3A_1552, %dma_wait3A_1555, %dma_wait3A_1556] : memref<4x200x128xf32, #tpu.memory_space<vmem>> -> memref<1x40x128xf32, #tpu.memory_space<vmem>>
        %dma_wait3A_1558 = tpu.memref_squeeze %dma_wait3A_1557 : memref<1x40x128xf32, #tpu.memory_space<vmem>> -> memref<40x128xf32, #tpu.memory_space<vmem>>
        %dma_wait3A_1559 = arith.constant 0 : i32
        %dma_wait3A_1560 = tpu.memref_slice %arg8[%dma_wait3A_1553, %dma_wait3A_1554, %dma_wait3A_1559] : memref<4x5x40xi32, #tpu.memory_space<vmem>> -> memref<1x1x40xi32, #tpu.memory_space<vmem>>
        %dma_wait3A_1561 = tpu.memref_squeeze %dma_wait3A_1560 : memref<1x1x40xi32, #tpu.memory_space<vmem>> -> memref<40xi32, #tpu.memory_space<vmem>>
        %dma_wait3A_1562 = arith.constant 0 : i32
        %dma_wait3A_1563 = arith.constant 0 : i32
        %dma_wait3A_1564 = tpu.memref_slice %arg14[%dma_wait3A_1562, %dma_wait3A_1563] : memref<1024x128xf32, #tpu.memory_space<vmem_shared>> -> memref<1024x128xf32, #tpu.memory_space<vmem_shared>>
        tpu.wait_indirect_dma semaphore(%arg23 : memref<!tpu.dma_semaphore, #tpu.memory_space<semaphore_mem>>) src(%dma_wait3A_1558 : memref<40x128xf32, #tpu.memory_space<vmem>>) dst(%dma_wait3A_1564 : memref<1024x128xf32, #tpu.memory_space<vmem_shared>>)
        %dma_wait3A_1565 = arith.constant 0 : i32
        %dma_wait3A_1566 = arith.constant 0 : i32
        %dma_wait3A_1567 = arith.constant 2 : i32
        %dma_wait3A_1568 = arith.constant 80 : i32
        %dma_wait3A_1569 = arith.constant 0 : i32
        %dma_wait3A_1570 = tpu.memref_slice %arg7[%dma_wait3A_1565, %dma_wait3A_1568, %dma_wait3A_1569] : memref<4x200x128xf32, #tpu.memory_space<vmem>> -> memref<1x40x128xf32, #tpu.memory_space<vmem>>
        %dma_wait3A_1571 = tpu.memref_squeeze %dma_wait3A_1570 : memref<1x40x128xf32, #tpu.memory_space<vmem>> -> memref<40x128xf32, #tpu.memory_space<vmem>>
        %dma_wait3A_1572 = arith.constant 0 : i32
        %dma_wait3A_1573 = tpu.memref_slice %arg8[%dma_wait3A_1566, %dma_wait3A_1567, %dma_wait3A_1572] : memref<4x5x40xi32, #tpu.memory_space<vmem>> -> memref<1x1x40xi32, #tpu.memory_space<vmem>>
        %dma_wait3A_1574 = tpu.memref_squeeze %dma_wait3A_1573 : memref<1x1x40xi32, #tpu.memory_space<vmem>> -> memref<40xi32, #tpu.memory_space<vmem>>
        %dma_wait3A_1575 = arith.constant 0 : i32
        %dma_wait3A_1576 = arith.constant 0 : i32
        %dma_wait3A_1577 = tpu.memref_slice %arg14[%dma_wait3A_1575, %dma_wait3A_1576] : memref<1024x128xf32, #tpu.memory_space<vmem_shared>> -> memref<1024x128xf32, #tpu.memory_space<vmem_shared>>
        tpu.wait_indirect_dma semaphore(%arg23 : memref<!tpu.dma_semaphore, #tpu.memory_space<semaphore_mem>>) src(%dma_wait3A_1571 : memref<40x128xf32, #tpu.memory_space<vmem>>) dst(%dma_wait3A_1577 : memref<1024x128xf32, #tpu.memory_space<vmem_shared>>)
        %dma_wait3A_1578 = arith.constant 0 : i32
        %dma_wait3A_1579 = arith.constant 0 : i32
        %dma_wait3A_1580 = arith.constant 3 : i32
        %dma_wait3A_1581 = arith.constant 120 : i32
        %dma_wait3A_1582 = arith.constant 0 : i32
        %dma_wait3A_1583 = tpu.memref_slice %arg7[%dma_wait3A_1578, %dma_wait3A_1581, %dma_wait3A_1582] : memref<4x200x128xf32, #tpu.memory_space<vmem>> -> memref<1x40x128xf32, #tpu.memory_space<vmem>>
        %dma_wait3A_1584 = tpu.memref_squeeze %dma_wait3A_1583 : memref<1x40x128xf32, #tpu.memory_space<vmem>> -> memref<40x128xf32, #tpu.memory_space<vmem>>
        %dma_wait3A_1585 = arith.constant 0 : i32
        %dma_wait3A_1586 = tpu.memref_slice %arg8[%dma_wait3A_1579, %dma_wait3A_1580, %dma_wait3A_1585] : memref<4x5x40xi32, #tpu.memory_space<vmem>> -> memref<1x1x40xi32, #tpu.memory_space<vmem>>
        %dma_wait3A_1587 = tpu.memref_squeeze %dma_wait3A_1586 : memref<1x1x40xi32, #tpu.memory_space<vmem>> -> memref<40xi32, #tpu.memory_space<vmem>>
        %dma_wait3A_1588 = arith.constant 0 : i32
        %dma_wait3A_1589 = arith.constant 0 : i32
        %dma_wait3A_1590 = tpu.memref_slice %arg14[%dma_wait3A_1588, %dma_wait3A_1589] : memref<1024x128xf32, #tpu.memory_space<vmem_shared>> -> memref<1024x128xf32, #tpu.memory_space<vmem_shared>>
        tpu.wait_indirect_dma semaphore(%arg23 : memref<!tpu.dma_semaphore, #tpu.memory_space<semaphore_mem>>) src(%dma_wait3A_1584 : memref<40x128xf32, #tpu.memory_space<vmem>>) dst(%dma_wait3A_1590 : memref<1024x128xf32, #tpu.memory_space<vmem_shared>>)
        %dma_wait3A_1591 = arith.constant 0 : i32
        %dma_wait3A_1592 = arith.constant 0 : i32
        %dma_wait3A_1593 = arith.constant 4 : i32
        %dma_wait3A_1594 = arith.constant 160 : i32
        %dma_wait3A_1595 = arith.constant 0 : i32
        %dma_wait3A_1596 = tpu.memref_slice %arg7[%dma_wait3A_1591, %dma_wait3A_1594, %dma_wait3A_1595] : memref<4x200x128xf32, #tpu.memory_space<vmem>> -> memref<1x40x128xf32, #tpu.memory_space<vmem>>
        %dma_wait3A_1597 = tpu.memref_squeeze %dma_wait3A_1596 : memref<1x40x128xf32, #tpu.memory_space<vmem>> -> memref<40x128xf32, #tpu.memory_space<vmem>>
        %dma_wait3A_1598 = arith.constant 0 : i32
        %dma_wait3A_1599 = tpu.memref_slice %arg8[%dma_wait3A_1592, %dma_wait3A_1593, %dma_wait3A_1598] : memref<4x5x40xi32, #tpu.memory_space<vmem>> -> memref<1x1x40xi32, #tpu.memory_space<vmem>>
        %dma_wait3A_1600 = tpu.memref_squeeze %dma_wait3A_1599 : memref<1x1x40xi32, #tpu.memory_space<vmem>> -> memref<40xi32, #tpu.memory_space<vmem>>
        %dma_wait3A_1601 = arith.constant 0 : i32
        %dma_wait3A_1602 = arith.constant 0 : i32
        %dma_wait3A_1603 = tpu.memref_slice %arg14[%dma_wait3A_1601, %dma_wait3A_1602] : memref<1024x128xf32, #tpu.memory_space<vmem_shared>> -> memref<1024x128xf32, #tpu.memory_space<vmem_shared>>
        tpu.wait_indirect_dma semaphore(%arg23 : memref<!tpu.dma_semaphore, #tpu.memory_space<semaphore_mem>>) src(%dma_wait3A_1597 : memref<40x128xf32, #tpu.memory_space<vmem>>) dst(%dma_wait3A_1603 : memref<1024x128xf32, #tpu.memory_space<vmem_shared>>)
      } else {
      }
      %add3A_1063 = arith.constant 4 : i32
      %add3A_1064 = arith.addi %add3A_978, %add3A_1063 : i32
      %sub3A_1065 = arith.constant 1 : i32
      %sub3A_1066 = arith.subi %add3A_1064, %sub3A_1065 : i32
      %lt3A_1067 = arith.constant 50 : i32
      %lt3A_1068 = arith.cmpi slt, %sub3A_1066, %lt3A_1067 : i32
      %convert_element_type3A_1069 = arith.extui %lt3A_1068 : i1 to i32
      %cond3A_1070 = arith.constant 0 : i32
      %cond3A_1071 = arith.cmpi ne, %convert_element_type3A_1069, %cond3A_1070 : i32
      scf.if %cond3A_1071 {
        %add3A_1539 = arith.constant 4 : i32
        %add3A_1540 = arith.addi %add3A_978, %add3A_1539 : i32
        %sub3A_1541 = arith.constant 1 : i32
        %sub3A_1542 = arith.subi %add3A_1540, %sub3A_1541 : i32
        %mul3A_1543 = arith.constant 200 : i32
        %mul3A_1544 = arith.muli %sub3A_1542, %mul3A_1543 : i32
        %add3A_1545 = arith.addi %mul3A_2, %mul3A_1544 : i32
        %dma_start3A_1546 = arith.constant 0 : i32
        %dma_start3A_1547 = arith.constant 0 : i32
        %dma_start3A_1548 = arith.constant 0 : i32
        %dma_start3A_1549 = tpu.memref_slice %arg7[%dma_start3A_1546, %dma_start3A_1547, %dma_start3A_1548] : memref<4x200x128xf32, #tpu.memory_space<vmem>> -> memref<1x200x128xf32, #tpu.memory_space<vmem>>
        %dma_start3A_1550 = tpu.memref_squeeze %dma_start3A_1549 : memref<1x200x128xf32, #tpu.memory_space<vmem>> -> memref<200x128xf32, #tpu.memory_space<vmem>>
        %dma_start3A_1551 = arith.constant 0 : i32
        %dma_start3A_1552 = tpu.memref_slice %arg2[%add3A_1545, %dma_start3A_1551] : memref<320000x128xf32, #tpu.memory_space<hbm>> -> memref<200x128xf32, #tpu.memory_space<hbm>>
        %dma_start3A_1553 = arith.constant 0 : i32
        %dma_start3A_1554 = arith.constant 0 : i32
        %dma_start3A_1555 = tpu.memref_slice %arg7[%dma_start3A_1546, %dma_start3A_1553, %dma_start3A_1554] : memref<4x200x128xf32, #tpu.memory_space<vmem>> -> memref<1x200x128xf32, #tpu.memory_space<vmem>>
        %dma_start3A_1556 = tpu.memref_squeeze %dma_start3A_1555 : memref<1x200x128xf32, #tpu.memory_space<vmem>> -> memref<200x128xf32, #tpu.memory_space<vmem>>
        %dma_start3A_1557 = arith.constant 0 : i32
        %dma_start3A_1558 = tpu.memref_slice %arg2[%add3A_1545, %dma_start3A_1557] : memref<320000x128xf32, #tpu.memory_space<hbm>> -> memref<200x128xf32, #tpu.memory_space<hbm>>
        tpu.enqueue_dma source(%dma_start3A_1558 : memref<200x128xf32, #tpu.memory_space<hbm>>) target(%dma_start3A_1556 : memref<200x128xf32, #tpu.memory_space<vmem>>) target_semaphore(%arg15 : memref<!tpu.dma_semaphore, #tpu.memory_space<semaphore_mem>>)
        %add3A_1559 = arith.constant 0 : i32
        %add3A_1560 = arith.addi %add3A_1545, %add3A_1559 : i32
        %dma_start3A_1561 = arith.constant 0 : i32
        %dma_start3A_1562 = arith.constant 0 : i32
        %dma_start3A_1563 = arith.constant 0 : i32
        %dma_start3A_1564 = tpu.memref_slice %arg8[%dma_start3A_1561, %dma_start3A_1562, %dma_start3A_1563] : memref<4x5x40xi32, #tpu.memory_space<vmem>> -> memref<1x1x40xi32, #tpu.memory_space<vmem>>
        %dma_start3A_1565 = tpu.memref_squeeze %dma_start3A_1564 : memref<1x1x40xi32, #tpu.memory_space<vmem>> -> memref<40xi32, #tpu.memory_space<vmem>>
        %dma_start3A_1566 = tpu.memref_slice %arg3[%add3A_1560] : memref<320008xi32, #tpu.memory_space<hbm>> -> memref<40xi32, #tpu.memory_space<hbm>>
        %dma_start3A_1567 = arith.constant 0 : i32
        %dma_start3A_1568 = tpu.memref_slice %arg8[%dma_start3A_1561, %dma_start3A_1562, %dma_start3A_1567] : memref<4x5x40xi32, #tpu.memory_space<vmem>> -> memref<1x1x40xi32, #tpu.memory_space<vmem>>
        %dma_start3A_1569 = tpu.memref_squeeze %dma_start3A_1568 : memref<1x1x40xi32, #tpu.memory_space<vmem>> -> memref<40xi32, #tpu.memory_space<vmem>>
        %dma_start3A_1570 = tpu.memref_slice %arg3[%add3A_1560] : memref<320008xi32, #tpu.memory_space<hbm>> -> memref<40xi32, #tpu.memory_space<hbm>>
        tpu.enqueue_dma source(%dma_start3A_1570 : memref<40xi32, #tpu.memory_space<hbm>>) target(%dma_start3A_1569 : memref<40xi32, #tpu.memory_space<vmem>>) target_semaphore(%arg19 : memref<!tpu.dma_semaphore, #tpu.memory_space<semaphore_mem>>)
        %add3A_1571 = arith.constant 40 : i32
        %add3A_1572 = arith.addi %add3A_1545, %add3A_1571 : i32
        %dma_start3A_1573 = arith.constant 0 : i32
        %dma_start3A_1574 = arith.constant 1 : i32
        %dma_start3A_1575 = arith.constant 0 : i32
        %dma_start3A_1576 = tpu.memref_slice %arg8[%dma_start3A_1573, %dma_start3A_1574, %dma_start3A_1575] : memref<4x5x40xi32, #tpu.memory_space<vmem>> -> memref<1x1x40xi32, #tpu.memory_space<vmem>>
        %dma_start3A_1577 = tpu.memref_squeeze %dma_start3A_1576 : memref<1x1x40xi32, #tpu.memory_space<vmem>> -> memref<40xi32, #tpu.memory_space<vmem>>
        %dma_start3A_1578 = tpu.memref_slice %arg3[%add3A_1572] : memref<320008xi32, #tpu.memory_space<hbm>> -> memref<40xi32, #tpu.memory_space<hbm>>
        %dma_start3A_1579 = arith.constant 0 : i32
        %dma_start3A_1580 = tpu.memref_slice %arg8[%dma_start3A_1573, %dma_start3A_1574, %dma_start3A_1579] : memref<4x5x40xi32, #tpu.memory_space<vmem>> -> memref<1x1x40xi32, #tpu.memory_space<vmem>>
        %dma_start3A_1581 = tpu.memref_squeeze %dma_start3A_1580 : memref<1x1x40xi32, #tpu.memory_space<vmem>> -> memref<40xi32, #tpu.memory_space<vmem>>
        %dma_start3A_1582 = tpu.memref_slice %arg3[%add3A_1572] : memref<320008xi32, #tpu.memory_space<hbm>> -> memref<40xi32, #tpu.memory_space<hbm>>
        tpu.enqueue_dma source(%dma_start3A_1582 : memref<40xi32, #tpu.memory_space<hbm>>) target(%dma_start3A_1581 : memref<40xi32, #tpu.memory_space<vmem>>) target_semaphore(%arg19 : memref<!tpu.dma_semaphore, #tpu.memory_space<semaphore_mem>>)
        %add3A_1583 = arith.constant 80 : i32
        %add3A_1584 = arith.addi %add3A_1545, %add3A_1583 : i32
        %dma_start3A_1585 = arith.constant 0 : i32
        %dma_start3A_1586 = arith.constant 2 : i32
        %dma_start3A_1587 = arith.constant 0 : i32
        %dma_start3A_1588 = tpu.memref_slice %arg8[%dma_start3A_1585, %dma_start3A_1586, %dma_start3A_1587] : memref<4x5x40xi32, #tpu.memory_space<vmem>> -> memref<1x1x40xi32, #tpu.memory_space<vmem>>
        %dma_start3A_1589 = tpu.memref_squeeze %dma_start3A_1588 : memref<1x1x40xi32, #tpu.memory_space<vmem>> -> memref<40xi32, #tpu.memory_space<vmem>>
        %dma_start3A_1590 = tpu.memref_slice %arg3[%add3A_1584] : memref<320008xi32, #tpu.memory_space<hbm>> -> memref<40xi32, #tpu.memory_space<hbm>>
        %dma_start3A_1591 = arith.constant 0 : i32
        %dma_start3A_1592 = tpu.memref_slice %arg8[%dma_start3A_1585, %dma_start3A_1586, %dma_start3A_1591] : memref<4x5x40xi32, #tpu.memory_space<vmem>> -> memref<1x1x40xi32, #tpu.memory_space<vmem>>
        %dma_start3A_1593 = tpu.memref_squeeze %dma_start3A_1592 : memref<1x1x40xi32, #tpu.memory_space<vmem>> -> memref<40xi32, #tpu.memory_space<vmem>>
        %dma_start3A_1594 = tpu.memref_slice %arg3[%add3A_1584] : memref<320008xi32, #tpu.memory_space<hbm>> -> memref<40xi32, #tpu.memory_space<hbm>>
        tpu.enqueue_dma source(%dma_start3A_1594 : memref<40xi32, #tpu.memory_space<hbm>>) target(%dma_start3A_1593 : memref<40xi32, #tpu.memory_space<vmem>>) target_semaphore(%arg19 : memref<!tpu.dma_semaphore, #tpu.memory_space<semaphore_mem>>)
        %add3A_1595 = arith.constant 120 : i32
        %add3A_1596 = arith.addi %add3A_1545, %add3A_1595 : i32
        %dma_start3A_1597 = arith.constant 0 : i32
        %dma_start3A_1598 = arith.constant 3 : i32
        %dma_start3A_1599 = arith.constant 0 : i32
        %dma_start3A_1600 = tpu.memref_slice %arg8[%dma_start3A_1597, %dma_start3A_1598, %dma_start3A_1599] : memref<4x5x40xi32, #tpu.memory_space<vmem>> -> memref<1x1x40xi32, #tpu.memory_space<vmem>>
        %dma_start3A_1601 = tpu.memref_squeeze %dma_start3A_1600 : memref<1x1x40xi32, #tpu.memory_space<vmem>> -> memref<40xi32, #tpu.memory_space<vmem>>
        %dma_start3A_1602 = tpu.memref_slice %arg3[%add3A_1596] : memref<320008xi32, #tpu.memory_space<hbm>> -> memref<40xi32, #tpu.memory_space<hbm>>
        %dma_start3A_1603 = arith.constant 0 : i32
        %dma_start3A_1604 = tpu.memref_slice %arg8[%dma_start3A_1597, %dma_start3A_1598, %dma_start3A_1603] : memref<4x5x40xi32, #tpu.memory_space<vmem>> -> memref<1x1x40xi32, #tpu.memory_space<vmem>>
        %dma_start3A_1605 = tpu.memref_squeeze %dma_start3A_1604 : memref<1x1x40xi32, #tpu.memory_space<vmem>> -> memref<40xi32, #tpu.memory_space<vmem>>
        %dma_start3A_1606 = tpu.memref_slice %arg3[%add3A_1596] : memref<320008xi32, #tpu.memory_space<hbm>> -> memref<40xi32, #tpu.memory_space<hbm>>
        tpu.enqueue_dma source(%dma_start3A_1606 : memref<40xi32, #tpu.memory_space<hbm>>) target(%dma_start3A_1605 : memref<40xi32, #tpu.memory_space<vmem>>) target_semaphore(%arg19 : memref<!tpu.dma_semaphore, #tpu.memory_space<semaphore_mem>>)
        %add3A_1607 = arith.constant 160 : i32
        %add3A_1608 = arith.addi %add3A_1545, %add3A_1607 : i32
        %dma_start3A_1609 = arith.constant 0 : i32
        %dma_start3A_1610 = arith.constant 4 : i32
        %dma_start3A_1611 = arith.constant 0 : i32
        %dma_start3A_1612 = tpu.memref_slice %arg8[%dma_start3A_1609, %dma_start3A_1610, %dma_start3A_1611] : memref<4x5x40xi32, #tpu.memory_space<vmem>> -> memref<1x1x40xi32, #tpu.memory_space<vmem>>
        %dma_start3A_1613 = tpu.memref_squeeze %dma_start3A_1612 : memref<1x1x40xi32, #tpu.memory_space<vmem>> -> memref<40xi32, #tpu.memory_space<vmem>>
        %dma_start3A_1614 = tpu.memref_slice %arg3[%add3A_1608] : memref<320008xi32, #tpu.memory_space<hbm>> -> memref<40xi32, #tpu.memory_space<hbm>>
        %dma_start3A_1615 = arith.constant 0 : i32
        %dma_start3A_1616 = tpu.memref_slice %arg8[%dma_start3A_1609, %dma_start3A_1610, %dma_start3A_1615] : memref<4x5x40xi32, #tpu.memory_space<vmem>> -> memref<1x1x40xi32, #tpu.memory_space<vmem>>
        %dma_start3A_1617 = tpu.memref_squeeze %dma_start3A_1616 : memref<1x1x40xi32, #tpu.memory_space<vmem>> -> memref<40xi32, #tpu.memory_space<vmem>>
        %dma_start3A_1618 = tpu.memref_slice %arg3[%add3A_1608] : memref<320008xi32, #tpu.memory_space<hbm>> -> memref<40xi32, #tpu.memory_space<hbm>>
        tpu.enqueue_dma source(%dma_start3A_1618 : memref<40xi32, #tpu.memory_space<hbm>>) target(%dma_start3A_1617 : memref<40xi32, #tpu.memory_space<vmem>>) target_semaphore(%arg19 : memref<!tpu.dma_semaphore, #tpu.memory_space<semaphore_mem>>)
        %dma_start3A_1619 = tpu.memref_slice %arg3[%add3A_1545] : memref<320008xi32, #tpu.memory_space<hbm>> -> memref<208xi32, #tpu.memory_space<hbm>>
        %dma_start3A_1620 = tpu.memref_slice %arg3[%add3A_1545] : memref<320008xi32, #tpu.memory_space<hbm>> -> memref<208xi32, #tpu.memory_space<hbm>>
        tpu.enqueue_dma source(%dma_start3A_1620 : memref<208xi32, #tpu.memory_space<hbm>>) target(%arg9 : memref<208xi32, #tpu.memory_space<vmem>>) target_semaphore(%arg19 : memref<!tpu.dma_semaphore, #tpu.memory_space<semaphore_mem>>)
      } else {
      }
      %dma_start3A_1072 = arith.constant 1 : i32
      %dma_start3A_1073 = arith.constant 1 : i32
      %dma_start3A_1074 = arith.constant 0 : i32
      %dma_start3A_1075 = arith.constant 0 : i32
      %dma_start3A_1076 = arith.constant 0 : i32
      %dma_start3A_1077 = tpu.memref_slice %arg7[%dma_start3A_1072, %dma_start3A_1075, %dma_start3A_1076] : memref<4x200x128xf32, #tpu.memory_space<vmem>> -> memref<1x40x128xf32, #tpu.memory_space<vmem>>
      %dma_start3A_1078 = tpu.memref_squeeze %dma_start3A_1077 : memref<1x40x128xf32, #tpu.memory_space<vmem>> -> memref<40x128xf32, #tpu.memory_space<vmem>>
      %dma_start3A_1079 = arith.constant 0 : i32
      %dma_start3A_1080 = tpu.memref_slice %arg8[%dma_start3A_1073, %dma_start3A_1074, %dma_start3A_1079] : memref<4x5x40xi32, #tpu.memory_space<vmem>> -> memref<1x1x40xi32, #tpu.memory_space<vmem>>
      %dma_start3A_1081 = tpu.memref_squeeze %dma_start3A_1080 : memref<1x1x40xi32, #tpu.memory_space<vmem>> -> memref<40xi32, #tpu.memory_space<vmem>>
      %dma_start3A_1082 = arith.constant 0 : i32
      %dma_start3A_1083 = arith.constant 0 : i32
      %dma_start3A_1084 = tpu.memref_slice %arg14[%dma_start3A_1082, %dma_start3A_1083] : memref<1024x128xf32, #tpu.memory_space<vmem_shared>> -> memref<1024x128xf32, #tpu.memory_space<vmem_shared>>
      tpu.enqueue_indirect_dma source(%dma_start3A_1078 : memref<40x128xf32, #tpu.memory_space<vmem>>) target(%dma_start3A_1084 : memref<1024x128xf32, #tpu.memory_space<vmem_shared>>) offsets(%dma_start3A_1081 : memref<40xi32, #tpu.memory_space<vmem>>) semaphore(%arg24 : memref<!tpu.dma_semaphore, #tpu.memory_space<semaphore_mem>>) {add = true}
      %dma_start3A_1085 = arith.constant 1 : i32
      %dma_start3A_1086 = arith.constant 1 : i32
      %dma_start3A_1087 = arith.constant 1 : i32
      %dma_start3A_1088 = arith.constant 40 : i32
      %dma_start3A_1089 = arith.constant 0 : i32
      %dma_start3A_1090 = tpu.memref_slice %arg7[%dma_start3A_1085, %dma_start3A_1088, %dma_start3A_1089] : memref<4x200x128xf32, #tpu.memory_space<vmem>> -> memref<1x40x128xf32, #tpu.memory_space<vmem>>
      %dma_start3A_1091 = tpu.memref_squeeze %dma_start3A_1090 : memref<1x40x128xf32, #tpu.memory_space<vmem>> -> memref<40x128xf32, #tpu.memory_space<vmem>>
      %dma_start3A_1092 = arith.constant 0 : i32
      %dma_start3A_1093 = tpu.memref_slice %arg8[%dma_start3A_1086, %dma_start3A_1087, %dma_start3A_1092] : memref<4x5x40xi32, #tpu.memory_space<vmem>> -> memref<1x1x40xi32, #tpu.memory_space<vmem>>
      %dma_start3A_1094 = tpu.memref_squeeze %dma_start3A_1093 : memref<1x1x40xi32, #tpu.memory_space<vmem>> -> memref<40xi32, #tpu.memory_space<vmem>>
      %dma_start3A_1095 = arith.constant 0 : i32
      %dma_start3A_1096 = arith.constant 0 : i32
      %dma_start3A_1097 = tpu.memref_slice %arg14[%dma_start3A_1095, %dma_start3A_1096] : memref<1024x128xf32, #tpu.memory_space<vmem_shared>> -> memref<1024x128xf32, #tpu.memory_space<vmem_shared>>
      tpu.enqueue_indirect_dma source(%dma_start3A_1091 : memref<40x128xf32, #tpu.memory_space<vmem>>) target(%dma_start3A_1097 : memref<1024x128xf32, #tpu.memory_space<vmem_shared>>) offsets(%dma_start3A_1094 : memref<40xi32, #tpu.memory_space<vmem>>) semaphore(%arg24 : memref<!tpu.dma_semaphore, #tpu.memory_space<semaphore_mem>>) {add = true}
      %dma_start3A_1098 = arith.constant 1 : i32
      %dma_start3A_1099 = arith.constant 1 : i32
      %dma_start3A_1100 = arith.constant 2 : i32
      %dma_start3A_1101 = arith.constant 80 : i32
      %dma_start3A_1102 = arith.constant 0 : i32
      %dma_start3A_1103 = tpu.memref_slice %arg7[%dma_start3A_1098, %dma_start3A_1101, %dma_start3A_1102] : memref<4x200x128xf32, #tpu.memory_space<vmem>> -> memref<1x40x128xf32, #tpu.memory_space<vmem>>
      %dma_start3A_1104 = tpu.memref_squeeze %dma_start3A_1103 : memref<1x40x128xf32, #tpu.memory_space<vmem>> -> memref<40x128xf32, #tpu.memory_space<vmem>>
      %dma_start3A_1105 = arith.constant 0 : i32
      %dma_start3A_1106 = tpu.memref_slice %arg8[%dma_start3A_1099, %dma_start3A_1100, %dma_start3A_1105] : memref<4x5x40xi32, #tpu.memory_space<vmem>> -> memref<1x1x40xi32, #tpu.memory_space<vmem>>
      %dma_start3A_1107 = tpu.memref_squeeze %dma_start3A_1106 : memref<1x1x40xi32, #tpu.memory_space<vmem>> -> memref<40xi32, #tpu.memory_space<vmem>>
      %dma_start3A_1108 = arith.constant 0 : i32
      %dma_start3A_1109 = arith.constant 0 : i32
      %dma_start3A_1110 = tpu.memref_slice %arg14[%dma_start3A_1108, %dma_start3A_1109] : memref<1024x128xf32, #tpu.memory_space<vmem_shared>> -> memref<1024x128xf32, #tpu.memory_space<vmem_shared>>
      tpu.enqueue_indirect_dma source(%dma_start3A_1104 : memref<40x128xf32, #tpu.memory_space<vmem>>) target(%dma_start3A_1110 : memref<1024x128xf32, #tpu.memory_space<vmem_shared>>) offsets(%dma_start3A_1107 : memref<40xi32, #tpu.memory_space<vmem>>) semaphore(%arg24 : memref<!tpu.dma_semaphore, #tpu.memory_space<semaphore_mem>>) {add = true}
      %dma_start3A_1111 = arith.constant 1 : i32
      %dma_start3A_1112 = arith.constant 1 : i32
      %dma_start3A_1113 = arith.constant 3 : i32
      %dma_start3A_1114 = arith.constant 120 : i32
      %dma_start3A_1115 = arith.constant 0 : i32
      %dma_start3A_1116 = tpu.memref_slice %arg7[%dma_start3A_1111, %dma_start3A_1114, %dma_start3A_1115] : memref<4x200x128xf32, #tpu.memory_space<vmem>> -> memref<1x40x128xf32, #tpu.memory_space<vmem>>
      %dma_start3A_1117 = tpu.memref_squeeze %dma_start3A_1116 : memref<1x40x128xf32, #tpu.memory_space<vmem>> -> memref<40x128xf32, #tpu.memory_space<vmem>>
      %dma_start3A_1118 = arith.constant 0 : i32
      %dma_start3A_1119 = tpu.memref_slice %arg8[%dma_start3A_1112, %dma_start3A_1113, %dma_start3A_1118] : memref<4x5x40xi32, #tpu.memory_space<vmem>> -> memref<1x1x40xi32, #tpu.memory_space<vmem>>
      %dma_start3A_1120 = tpu.memref_squeeze %dma_start3A_1119 : memref<1x1x40xi32, #tpu.memory_space<vmem>> -> memref<40xi32, #tpu.memory_space<vmem>>
      %dma_start3A_1121 = arith.constant 0 : i32
      %dma_start3A_1122 = arith.constant 0 : i32
      %dma_start3A_1123 = tpu.memref_slice %arg14[%dma_start3A_1121, %dma_start3A_1122] : memref<1024x128xf32, #tpu.memory_space<vmem_shared>> -> memref<1024x128xf32, #tpu.memory_space<vmem_shared>>
      tpu.enqueue_indirect_dma source(%dma_start3A_1117 : memref<40x128xf32, #tpu.memory_space<vmem>>) target(%dma_start3A_1123 : memref<1024x128xf32, #tpu.memory_space<vmem_shared>>) offsets(%dma_start3A_1120 : memref<40xi32, #tpu.memory_space<vmem>>) semaphore(%arg24 : memref<!tpu.dma_semaphore, #tpu.memory_space<semaphore_mem>>) {add = true}
      %dma_start3A_1124 = arith.constant 1 : i32
      %dma_start3A_1125 = arith.constant 1 : i32
      %dma_start3A_1126 = arith.constant 4 : i32
      %dma_start3A_1127 = arith.constant 160 : i32
      %dma_start3A_1128 = arith.constant 0 : i32
      %dma_start3A_1129 = tpu.memref_slice %arg7[%dma_start3A_1124, %dma_start3A_1127, %dma_start3A_1128] : memref<4x200x128xf32, #tpu.memory_space<vmem>> -> memref<1x40x128xf32, #tpu.memory_space<vmem>>
      %dma_start3A_1130 = tpu.memref_squeeze %dma_start3A_1129 : memref<1x40x128xf32, #tpu.memory_space<vmem>> -> memref<40x128xf32, #tpu.memory_space<vmem>>
      %dma_start3A_1131 = arith.constant 0 : i32
      %dma_start3A_1132 = tpu.memref_slice %arg8[%dma_start3A_1125, %dma_start3A_1126, %dma_start3A_1131] : memref<4x5x40xi32, #tpu.memory_space<vmem>> -> memref<1x1x40xi32, #tpu.memory_space<vmem>>
      %dma_start3A_1133 = tpu.memref_squeeze %dma_start3A_1132 : memref<1x1x40xi32, #tpu.memory_space<vmem>> -> memref<40xi32, #tpu.memory_space<vmem>>
      %dma_start3A_1134 = arith.constant 0 : i32
      %dma_start3A_1135 = arith.constant 0 : i32
      %dma_start3A_1136 = tpu.memref_slice %arg14[%dma_start3A_1134, %dma_start3A_1135] : memref<1024x128xf32, #tpu.memory_space<vmem_shared>> -> memref<1024x128xf32, #tpu.memory_space<vmem_shared>>
      tpu.enqueue_indirect_dma source(%dma_start3A_1130 : memref<40x128xf32, #tpu.memory_space<vmem>>) target(%dma_start3A_1136 : memref<1024x128xf32, #tpu.memory_space<vmem_shared>>) offsets(%dma_start3A_1133 : memref<40xi32, #tpu.memory_space<vmem>>) semaphore(%arg24 : memref<!tpu.dma_semaphore, #tpu.memory_space<semaphore_mem>>) {add = true}
      %get3A_1137 = arith.constant 0 : index
      %get3A_1138 = tpu.vector_load %arg10[%get3A_1137] {strides = array<i32>} : memref<208xi32, #tpu.memory_space<vmem>>, vector<16xi32>,
      tpu.vector_store_idx %arg13[%get3A_1138], %broadcast_in_dim3A_10 {add = true} : memref<1024xf32, #tpu.memory_space<vmem>>[vector<16xi32>], vector<16xf32>,
      %get3A_1139 = arith.constant 16 : index
      %get3A_1140 = tpu.vector_load %arg10[%get3A_1139] {strides = array<i32>} : memref<208xi32, #tpu.memory_space<vmem>>, vector<16xi32>,
      tpu.vector_store_idx %arg13[%get3A_1140], %broadcast_in_dim3A_10 {add = true} : memref<1024xf32, #tpu.memory_space<vmem>>[vector<16xi32>], vector<16xf32>,
      %get3A_1141 = arith.constant 32 : index
      %get3A_1142 = tpu.vector_load %arg10[%get3A_1141] {strides = array<i32>} : memref<208xi32, #tpu.memory_space<vmem>>, vector<16xi32>,
      tpu.vector_store_idx %arg13[%get3A_1142], %broadcast_in_dim3A_10 {add = true} : memref<1024xf32, #tpu.memory_space<vmem>>[vector<16xi32>], vector<16xf32>,
      %get3A_1143 = arith.constant 48 : index
      %get3A_1144 = tpu.vector_load %arg10[%get3A_1143] {strides = array<i32>} : memref<208xi32, #tpu.memory_space<vmem>>, vector<16xi32>,
      tpu.vector_store_idx %arg13[%get3A_1144], %broadcast_in_dim3A_10 {add = true} : memref<1024xf32, #tpu.memory_space<vmem>>[vector<16xi32>], vector<16xf32>,
      %get3A_1145 = arith.constant 64 : index
      %get3A_1146 = tpu.vector_load %arg10[%get3A_1145] {strides = array<i32>} : memref<208xi32, #tpu.memory_space<vmem>>, vector<16xi32>,
      tpu.vector_store_idx %arg13[%get3A_1146], %broadcast_in_dim3A_10 {add = true} : memref<1024xf32, #tpu.memory_space<vmem>>[vector<16xi32>], vector<16xf32>,
      %get3A_1147 = arith.constant 80 : index
      %get3A_1148 = tpu.vector_load %arg10[%get3A_1147] {strides = array<i32>} : memref<208xi32, #tpu.memory_space<vmem>>, vector<16xi32>,
      tpu.vector_store_idx %arg13[%get3A_1148], %broadcast_in_dim3A_10 {add = true} : memref<1024xf32, #tpu.memory_space<vmem>>[vector<16xi32>], vector<16xf32>,
      %get3A_1149 = arith.constant 96 : index
      %get3A_1150 = tpu.vector_load %arg10[%get3A_1149] {strides = array<i32>} : memref<208xi32, #tpu.memory_space<vmem>>, vector<16xi32>,
      tpu.vector_store_idx %arg13[%get3A_1150], %broadcast_in_dim3A_10 {add = true} : memref<1024xf32, #tpu.memory_space<vmem>>[vector<16xi32>], vector<16xf32>,
      %get3A_1151 = arith.constant 112 : index
      %get3A_1152 = tpu.vector_load %arg10[%get3A_1151] {strides = array<i32>} : memref<208xi32, #tpu.memory_space<vmem>>, vector<16xi32>,
      tpu.vector_store_idx %arg13[%get3A_1152], %broadcast_in_dim3A_10 {add = true} : memref<1024xf32, #tpu.memory_space<vmem>>[vector<16xi32>], vector<16xf32>,
      %get3A_1153 = arith.constant 128 : index
      %get3A_1154 = tpu.vector_load %arg10[%get3A_1153] {strides = array<i32>} : memref<208xi32, #tpu.memory_space<vmem>>, vector<16xi32>,
      tpu.vector_store_idx %arg13[%get3A_1154], %broadcast_in_dim3A_10 {add = true} : memref<1024xf32, #tpu.memory_space<vmem>>[vector<16xi32>], vector<16xf32>,
      %get3A_1155 = arith.constant 144 : index
      %get3A_1156 = tpu.vector_load %arg10[%get3A_1155] {strides = array<i32>} : memref<208xi32, #tpu.memory_space<vmem>>, vector<16xi32>,
      tpu.vector_store_idx %arg13[%get3A_1156], %broadcast_in_dim3A_10 {add = true} : memref<1024xf32, #tpu.memory_space<vmem>>[vector<16xi32>], vector<16xf32>,
      %get3A_1157 = arith.constant 160 : index
      %get3A_1158 = tpu.vector_load %arg10[%get3A_1157] {strides = array<i32>} : memref<208xi32, #tpu.memory_space<vmem>>, vector<16xi32>,
      tpu.vector_store_idx %arg13[%get3A_1158], %broadcast_in_dim3A_10 {add = true} : memref<1024xf32, #tpu.memory_space<vmem>>[vector<16xi32>], vector<16xf32>,
      %get3A_1159 = arith.constant 176 : index
      %get3A_1160 = tpu.vector_load %arg10[%get3A_1159] {strides = array<i32>} : memref<208xi32, #tpu.memory_space<vmem>>, vector<16xi32>,
      tpu.vector_store_idx %arg13[%get3A_1160], %broadcast_in_dim3A_10 {add = true} : memref<1024xf32, #tpu.memory_space<vmem>>[vector<16xi32>], vector<16xf32>,
      %get3A_1161 = arith.constant 192 : index
      %get3A_1162 = tpu.vector_load %arg10[%get3A_1161] {strides = array<i32>} : memref<208xi32, #tpu.memory_space<vmem>>, vector<16xi32>,
      tpu.vector_store_idx %arg13[%get3A_1162], %broadcast_in_dim3A_10 masked %lt3A_12 {add = true} : memref<1024xf32, #tpu.memory_space<vmem>>[vector<16xi32>], vector<16xf32>, vector<16xi1>
      %mul3A_1163 = arith.constant 4 : i32
      %mul3A_1164 = arith.muli %mul3A_1163, %scan3A_790 : i32
      %add3A_1165 = arith.constant 2 : i32
      %add3A_1166 = arith.addi %mul3A_1164, %add3A_1165 : i32
      %dma_wait3A_1167 = arith.constant 2 : i32
      %dma_wait3A_1168 = arith.constant 0 : i32
      %dma_wait3A_1169 = arith.constant 0 : i32
      %dma_wait3A_1170 = tpu.memref_slice %arg7[%dma_wait3A_1167, %dma_wait3A_1168, %dma_wait3A_1169] : memref<4x200x128xf32, #tpu.memory_space<vmem>> -> memref<1x200x128xf32, #tpu.memory_space<vmem>>
      %dma_wait3A_1171 = tpu.memref_squeeze %dma_wait3A_1170 : memref<1x200x128xf32, #tpu.memory_space<vmem>> -> memref<200x128xf32, #tpu.memory_space<vmem>>
      %dma_wait3A_1172 = arith.constant 0 : i32
      %dma_wait3A_1173 = arith.constant 0 : i32
      %dma_wait3A_1174 = tpu.memref_slice %arg2[%dma_wait3A_1172, %dma_wait3A_1173] : memref<320000x128xf32, #tpu.memory_space<hbm>> -> memref<200x128xf32, #tpu.memory_space<hbm>>
      %dma_wait3A_1175 = arith.constant 0 : i32
      %dma_wait3A_1176 = arith.constant 0 : i32
      %dma_wait3A_1177 = tpu.memref_slice %arg7[%dma_wait3A_1167, %dma_wait3A_1175, %dma_wait3A_1176] : memref<4x200x128xf32, #tpu.memory_space<vmem>> -> memref<1x200x128xf32, #tpu.memory_space<vmem>>
      %dma_wait3A_1178 = tpu.memref_squeeze %dma_wait3A_1177 : memref<1x200x128xf32, #tpu.memory_space<vmem>> -> memref<200x128xf32, #tpu.memory_space<vmem>>
      %dma_wait3A_1179 = arith.constant 0 : i32
      %dma_wait3A_1180 = arith.constant 0 : i32
      %dma_wait3A_1181 = tpu.memref_slice %arg2[%dma_wait3A_1179, %dma_wait3A_1180] : memref<320000x128xf32, #tpu.memory_space<hbm>> -> memref<200x128xf32, #tpu.memory_space<hbm>>
      tpu.wait_dma2 semaphore(%arg17 : memref<!tpu.dma_semaphore, #tpu.memory_space<semaphore_mem>>) src(%dma_wait3A_1181 : memref<200x128xf32, #tpu.memory_space<hbm>>) dst(%dma_wait3A_1178 : memref<200x128xf32, #tpu.memory_space<vmem>>)
      %dma_wait3A_1182 = arith.constant 2 : i32
      %dma_wait3A_1183 = arith.constant 0 : i32
      %dma_wait3A_1184 = arith.constant 0 : i32
      %dma_wait3A_1185 = tpu.memref_slice %arg8[%dma_wait3A_1182, %dma_wait3A_1183, %dma_wait3A_1184] : memref<4x5x40xi32, #tpu.memory_space<vmem>> -> memref<1x1x40xi32, #tpu.memory_space<vmem>>
      %dma_wait3A_1186 = tpu.memref_squeeze %dma_wait3A_1185 : memref<1x1x40xi32, #tpu.memory_space<vmem>> -> memref<40xi32, #tpu.memory_space<vmem>>
      %dma_wait3A_1187 = arith.constant 0 : i32
      %dma_wait3A_1188 = tpu.memref_slice %arg3[%dma_wait3A_1187] : memref<320008xi32, #tpu.memory_space<hbm>> -> memref<40xi32, #tpu.memory_space<hbm>>
      %dma_wait3A_1189 = arith.constant 0 : i32
      %dma_wait3A_1190 = tpu.memref_slice %arg8[%dma_wait3A_1182, %dma_wait3A_1183, %dma_wait3A_1189] : memref<4x5x40xi32, #tpu.memory_space<vmem>> -> memref<1x1x40xi32, #tpu.memory_space<vmem>>
      %dma_wait3A_1191 = tpu.memref_squeeze %dma_wait3A_1190 : memref<1x1x40xi32, #tpu.memory_space<vmem>> -> memref<40xi32, #tpu.memory_space<vmem>>
      %dma_wait3A_1192 = arith.constant 0 : i32
      %dma_wait3A_1193 = tpu.memref_slice %arg3[%dma_wait3A_1192] : memref<320008xi32, #tpu.memory_space<hbm>> -> memref<40xi32, #tpu.memory_space<hbm>>
      tpu.wait_dma2 semaphore(%arg21 : memref<!tpu.dma_semaphore, #tpu.memory_space<semaphore_mem>>) src(%dma_wait3A_1193 : memref<40xi32, #tpu.memory_space<hbm>>) dst(%dma_wait3A_1191 : memref<40xi32, #tpu.memory_space<vmem>>)
      %dma_wait3A_1194 = arith.constant 2 : i32
      %dma_wait3A_1195 = arith.constant 1 : i32
      %dma_wait3A_1196 = arith.constant 0 : i32
      %dma_wait3A_1197 = tpu.memref_slice %arg8[%dma_wait3A_1194, %dma_wait3A_1195, %dma_wait3A_1196] : memref<4x5x40xi32, #tpu.memory_space<vmem>> -> memref<1x1x40xi32, #tpu.memory_space<vmem>>
      %dma_wait3A_1198 = tpu.memref_squeeze %dma_wait3A_1197 : memref<1x1x40xi32, #tpu.memory_space<vmem>> -> memref<40xi32, #tpu.memory_space<vmem>>
      %dma_wait3A_1199 = arith.constant 0 : i32
      %dma_wait3A_1200 = tpu.memref_slice %arg3[%dma_wait3A_1199] : memref<320008xi32, #tpu.memory_space<hbm>> -> memref<40xi32, #tpu.memory_space<hbm>>
      %dma_wait3A_1201 = arith.constant 0 : i32
      %dma_wait3A_1202 = tpu.memref_slice %arg8[%dma_wait3A_1194, %dma_wait3A_1195, %dma_wait3A_1201] : memref<4x5x40xi32, #tpu.memory_space<vmem>> -> memref<1x1x40xi32, #tpu.memory_space<vmem>>
      %dma_wait3A_1203 = tpu.memref_squeeze %dma_wait3A_1202 : memref<1x1x40xi32, #tpu.memory_space<vmem>> -> memref<40xi32, #tpu.memory_space<vmem>>
      %dma_wait3A_1204 = arith.constant 0 : i32
      %dma_wait3A_1205 = tpu.memref_slice %arg3[%dma_wait3A_1204] : memref<320008xi32, #tpu.memory_space<hbm>> -> memref<40xi32, #tpu.memory_space<hbm>>
      tpu.wait_dma2 semaphore(%arg21 : memref<!tpu.dma_semaphore, #tpu.memory_space<semaphore_mem>>) src(%dma_wait3A_1205 : memref<40xi32, #tpu.memory_space<hbm>>) dst(%dma_wait3A_1203 : memref<40xi32, #tpu.memory_space<vmem>>)
      %dma_wait3A_1206 = arith.constant 2 : i32
      %dma_wait3A_1207 = arith.constant 2 : i32
      %dma_wait3A_1208 = arith.constant 0 : i32
      %dma_wait3A_1209 = tpu.memref_slice %arg8[%dma_wait3A_1206, %dma_wait3A_1207, %dma_wait3A_1208] : memref<4x5x40xi32, #tpu.memory_space<vmem>> -> memref<1x1x40xi32, #tpu.memory_space<vmem>>
      %dma_wait3A_1210 = tpu.memref_squeeze %dma_wait3A_1209 : memref<1x1x40xi32, #tpu.memory_space<vmem>> -> memref<40xi32, #tpu.memory_space<vmem>>
      %dma_wait3A_1211 = arith.constant 0 : i32
      %dma_wait3A_1212 = tpu.memref_slice %arg3[%dma_wait3A_1211] : memref<320008xi32, #tpu.memory_space<hbm>> -> memref<40xi32, #tpu.memory_space<hbm>>
      %dma_wait3A_1213 = arith.constant 0 : i32
      %dma_wait3A_1214 = tpu.memref_slice %arg8[%dma_wait3A_1206, %dma_wait3A_1207, %dma_wait3A_1213] : memref<4x5x40xi32, #tpu.memory_space<vmem>> -> memref<1x1x40xi32, #tpu.memory_space<vmem>>
      %dma_wait3A_1215 = tpu.memref_squeeze %dma_wait3A_1214 : memref<1x1x40xi32, #tpu.memory_space<vmem>> -> memref<40xi32, #tpu.memory_space<vmem>>
      %dma_wait3A_1216 = arith.constant 0 : i32
      %dma_wait3A_1217 = tpu.memref_slice %arg3[%dma_wait3A_1216] : memref<320008xi32, #tpu.memory_space<hbm>> -> memref<40xi32, #tpu.memory_space<hbm>>
      tpu.wait_dma2 semaphore(%arg21 : memref<!tpu.dma_semaphore, #tpu.memory_space<semaphore_mem>>) src(%dma_wait3A_1217 : memref<40xi32, #tpu.memory_space<hbm>>) dst(%dma_wait3A_1215 : memref<40xi32, #tpu.memory_space<vmem>>)
      %dma_wait3A_1218 = arith.constant 2 : i32
      %dma_wait3A_1219 = arith.constant 3 : i32
      %dma_wait3A_1220 = arith.constant 0 : i32
      %dma_wait3A_1221 = tpu.memref_slice %arg8[%dma_wait3A_1218, %dma_wait3A_1219, %dma_wait3A_1220] : memref<4x5x40xi32, #tpu.memory_space<vmem>> -> memref<1x1x40xi32, #tpu.memory_space<vmem>>
      %dma_wait3A_1222 = tpu.memref_squeeze %dma_wait3A_1221 : memref<1x1x40xi32, #tpu.memory_space<vmem>> -> memref<40xi32, #tpu.memory_space<vmem>>
      %dma_wait3A_1223 = arith.constant 0 : i32
      %dma_wait3A_1224 = tpu.memref_slice %arg3[%dma_wait3A_1223] : memref<320008xi32, #tpu.memory_space<hbm>> -> memref<40xi32, #tpu.memory_space<hbm>>
      %dma_wait3A_1225 = arith.constant 0 : i32
      %dma_wait3A_1226 = tpu.memref_slice %arg8[%dma_wait3A_1218, %dma_wait3A_1219, %dma_wait3A_1225] : memref<4x5x40xi32, #tpu.memory_space<vmem>> -> memref<1x1x40xi32, #tpu.memory_space<vmem>>
      %dma_wait3A_1227 = tpu.memref_squeeze %dma_wait3A_1226 : memref<1x1x40xi32, #tpu.memory_space<vmem>> -> memref<40xi32, #tpu.memory_space<vmem>>
      %dma_wait3A_1228 = arith.constant 0 : i32
      %dma_wait3A_1229 = tpu.memref_slice %arg3[%dma_wait3A_1228] : memref<320008xi32, #tpu.memory_space<hbm>> -> memref<40xi32, #tpu.memory_space<hbm>>
      tpu.wait_dma2 semaphore(%arg21 : memref<!tpu.dma_semaphore, #tpu.memory_space<semaphore_mem>>) src(%dma_wait3A_1229 : memref<40xi32, #tpu.memory_space<hbm>>) dst(%dma_wait3A_1227 : memref<40xi32, #tpu.memory_space<vmem>>)
      %dma_wait3A_1230 = arith.constant 2 : i32
      %dma_wait3A_1231 = arith.constant 4 : i32
      %dma_wait3A_1232 = arith.constant 0 : i32
      %dma_wait3A_1233 = tpu.memref_slice %arg8[%dma_wait3A_1230, %dma_wait3A_1231, %dma_wait3A_1232] : memref<4x5x40xi32, #tpu.memory_space<vmem>> -> memref<1x1x40xi32, #tpu.memory_space<vmem>>
      %dma_wait3A_1234 = tpu.memref_squeeze %dma_wait3A_1233 : memref<1x1x40xi32, #tpu.memory_space<vmem>> -> memref<40xi32, #tpu.memory_space<vmem>>
      %dma_wait3A_1235 = arith.constant 0 : i32
      %dma_wait3A_1236 = tpu.memref_slice %arg3[%dma_wait3A_1235] : memref<320008xi32, #tpu.memory_space<hbm>> -> memref<40xi32, #tpu.memory_space<hbm>>
      %dma_wait3A_1237 = arith.constant 0 : i32
      %dma_wait3A_1238 = tpu.memref_slice %arg8[%dma_wait3A_1230, %dma_wait3A_1231, %dma_wait3A_1237] : memref<4x5x40xi32, #tpu.memory_space<vmem>> -> memref<1x1x40xi32, #tpu.memory_space<vmem>>
      %dma_wait3A_1239 = tpu.memref_squeeze %dma_wait3A_1238 : memref<1x1x40xi32, #tpu.memory_space<vmem>> -> memref<40xi32, #tpu.memory_space<vmem>>
      %dma_wait3A_1240 = arith.constant 0 : i32
      %dma_wait3A_1241 = tpu.memref_slice %arg3[%dma_wait3A_1240] : memref<320008xi32, #tpu.memory_space<hbm>> -> memref<40xi32, #tpu.memory_space<hbm>>
      tpu.wait_dma2 semaphore(%arg21 : memref<!tpu.dma_semaphore, #tpu.memory_space<semaphore_mem>>) src(%dma_wait3A_1241 : memref<40xi32, #tpu.memory_space<hbm>>) dst(%dma_wait3A_1239 : memref<40xi32, #tpu.memory_space<vmem>>)
      %dma_wait3A_1242 = arith.constant 0 : i32
      %dma_wait3A_1243 = tpu.memref_slice %arg3[%dma_wait3A_1242] : memref<320008xi32, #tpu.memory_space<hbm>> -> memref<208xi32, #tpu.memory_space<hbm>>
      %dma_wait3A_1244 = arith.constant 0 : i32
      %dma_wait3A_1245 = tpu.memref_slice %arg3[%dma_wait3A_1244] : memref<320008xi32, #tpu.memory_space<hbm>> -> memref<208xi32, #tpu.memory_space<hbm>>
      tpu.wait_dma2 semaphore(%arg21 : memref<!tpu.dma_semaphore, #tpu.memory_space<semaphore_mem>>) src(%dma_wait3A_1245 : memref<208xi32, #tpu.memory_space<hbm>>) dst(%arg11 : memref<208xi32, #tpu.memory_space<vmem>>)
      %ne3A_1246 = arith.constant 0 : i32
      %ne3A_1247 = arith.cmpi ne, %add3A_1166, %ne3A_1246 : i32
      %convert_element_type3A_1248 = arith.extui %ne3A_1247 : i1 to i32
      %cond3A_1249 = arith.constant 0 : i32
      %cond3A_1250 = arith.cmpi ne, %convert_element_type3A_1248, %cond3A_1249 : i32
      scf.if %cond3A_1250 {
        %dma_wait3A_1539 = arith.constant 1 : i32
        %dma_wait3A_1540 = arith.constant 1 : i32
        %dma_wait3A_1541 = arith.constant 0 : i32
        %dma_wait3A_1542 = arith.constant 0 : i32
        %dma_wait3A_1543 = arith.constant 0 : i32
        %dma_wait3A_1544 = tpu.memref_slice %arg7[%dma_wait3A_1539, %dma_wait3A_1542, %dma_wait3A_1543] : memref<4x200x128xf32, #tpu.memory_space<vmem>> -> memref<1x40x128xf32, #tpu.memory_space<vmem>>
        %dma_wait3A_1545 = tpu.memref_squeeze %dma_wait3A_1544 : memref<1x40x128xf32, #tpu.memory_space<vmem>> -> memref<40x128xf32, #tpu.memory_space<vmem>>
        %dma_wait3A_1546 = arith.constant 0 : i32
        %dma_wait3A_1547 = tpu.memref_slice %arg8[%dma_wait3A_1540, %dma_wait3A_1541, %dma_wait3A_1546] : memref<4x5x40xi32, #tpu.memory_space<vmem>> -> memref<1x1x40xi32, #tpu.memory_space<vmem>>
        %dma_wait3A_1548 = tpu.memref_squeeze %dma_wait3A_1547 : memref<1x1x40xi32, #tpu.memory_space<vmem>> -> memref<40xi32, #tpu.memory_space<vmem>>
        %dma_wait3A_1549 = arith.constant 0 : i32
        %dma_wait3A_1550 = arith.constant 0 : i32
        %dma_wait3A_1551 = tpu.memref_slice %arg14[%dma_wait3A_1549, %dma_wait3A_1550] : memref<1024x128xf32, #tpu.memory_space<vmem_shared>> -> memref<1024x128xf32, #tpu.memory_space<vmem_shared>>
        tpu.wait_indirect_dma semaphore(%arg24 : memref<!tpu.dma_semaphore, #tpu.memory_space<semaphore_mem>>) src(%dma_wait3A_1545 : memref<40x128xf32, #tpu.memory_space<vmem>>) dst(%dma_wait3A_1551 : memref<1024x128xf32, #tpu.memory_space<vmem_shared>>)
        %dma_wait3A_1552 = arith.constant 1 : i32
        %dma_wait3A_1553 = arith.constant 1 : i32
        %dma_wait3A_1554 = arith.constant 1 : i32
        %dma_wait3A_1555 = arith.constant 40 : i32
        %dma_wait3A_1556 = arith.constant 0 : i32
        %dma_wait3A_1557 = tpu.memref_slice %arg7[%dma_wait3A_1552, %dma_wait3A_1555, %dma_wait3A_1556] : memref<4x200x128xf32, #tpu.memory_space<vmem>> -> memref<1x40x128xf32, #tpu.memory_space<vmem>>
        %dma_wait3A_1558 = tpu.memref_squeeze %dma_wait3A_1557 : memref<1x40x128xf32, #tpu.memory_space<vmem>> -> memref<40x128xf32, #tpu.memory_space<vmem>>
        %dma_wait3A_1559 = arith.constant 0 : i32
        %dma_wait3A_1560 = tpu.memref_slice %arg8[%dma_wait3A_1553, %dma_wait3A_1554, %dma_wait3A_1559] : memref<4x5x40xi32, #tpu.memory_space<vmem>> -> memref<1x1x40xi32, #tpu.memory_space<vmem>>
        %dma_wait3A_1561 = tpu.memref_squeeze %dma_wait3A_1560 : memref<1x1x40xi32, #tpu.memory_space<vmem>> -> memref<40xi32, #tpu.memory_space<vmem>>
        %dma_wait3A_1562 = arith.constant 0 : i32
        %dma_wait3A_1563 = arith.constant 0 : i32
        %dma_wait3A_1564 = tpu.memref_slice %arg14[%dma_wait3A_1562, %dma_wait3A_1563] : memref<1024x128xf32, #tpu.memory_space<vmem_shared>> -> memref<1024x128xf32, #tpu.memory_space<vmem_shared>>
        tpu.wait_indirect_dma semaphore(%arg24 : memref<!tpu.dma_semaphore, #tpu.memory_space<semaphore_mem>>) src(%dma_wait3A_1558 : memref<40x128xf32, #tpu.memory_space<vmem>>) dst(%dma_wait3A_1564 : memref<1024x128xf32, #tpu.memory_space<vmem_shared>>)
        %dma_wait3A_1565 = arith.constant 1 : i32
        %dma_wait3A_1566 = arith.constant 1 : i32
        %dma_wait3A_1567 = arith.constant 2 : i32
        %dma_wait3A_1568 = arith.constant 80 : i32
        %dma_wait3A_1569 = arith.constant 0 : i32
        %dma_wait3A_1570 = tpu.memref_slice %arg7[%dma_wait3A_1565, %dma_wait3A_1568, %dma_wait3A_1569] : memref<4x200x128xf32, #tpu.memory_space<vmem>> -> memref<1x40x128xf32, #tpu.memory_space<vmem>>
        %dma_wait3A_1571 = tpu.memref_squeeze %dma_wait3A_1570 : memref<1x40x128xf32, #tpu.memory_space<vmem>> -> memref<40x128xf32, #tpu.memory_space<vmem>>
        %dma_wait3A_1572 = arith.constant 0 : i32
        %dma_wait3A_1573 = tpu.memref_slice %arg8[%dma_wait3A_1566, %dma_wait3A_1567, %dma_wait3A_1572] : memref<4x5x40xi32, #tpu.memory_space<vmem>> -> memref<1x1x40xi32, #tpu.memory_space<vmem>>
        %dma_wait3A_1574 = tpu.memref_squeeze %dma_wait3A_1573 : memref<1x1x40xi32, #tpu.memory_space<vmem>> -> memref<40xi32, #tpu.memory_space<vmem>>
        %dma_wait3A_1575 = arith.constant 0 : i32
        %dma_wait3A_1576 = arith.constant 0 : i32
        %dma_wait3A_1577 = tpu.memref_slice %arg14[%dma_wait3A_1575, %dma_wait3A_1576] : memref<1024x128xf32, #tpu.memory_space<vmem_shared>> -> memref<1024x128xf32, #tpu.memory_space<vmem_shared>>
        tpu.wait_indirect_dma semaphore(%arg24 : memref<!tpu.dma_semaphore, #tpu.memory_space<semaphore_mem>>) src(%dma_wait3A_1571 : memref<40x128xf32, #tpu.memory_space<vmem>>) dst(%dma_wait3A_1577 : memref<1024x128xf32, #tpu.memory_space<vmem_shared>>)
        %dma_wait3A_1578 = arith.constant 1 : i32
        %dma_wait3A_1579 = arith.constant 1 : i32
        %dma_wait3A_1580 = arith.constant 3 : i32
        %dma_wait3A_1581 = arith.constant 120 : i32
        %dma_wait3A_1582 = arith.constant 0 : i32
        %dma_wait3A_1583 = tpu.memref_slice %arg7[%dma_wait3A_1578, %dma_wait3A_1581, %dma_wait3A_1582] : memref<4x200x128xf32, #tpu.memory_space<vmem>> -> memref<1x40x128xf32, #tpu.memory_space<vmem>>
        %dma_wait3A_1584 = tpu.memref_squeeze %dma_wait3A_1583 : memref<1x40x128xf32, #tpu.memory_space<vmem>> -> memref<40x128xf32, #tpu.memory_space<vmem>>
        %dma_wait3A_1585 = arith.constant 0 : i32
        %dma_wait3A_1586 = tpu.memref_slice %arg8[%dma_wait3A_1579, %dma_wait3A_1580, %dma_wait3A_1585] : memref<4x5x40xi32, #tpu.memory_space<vmem>> -> memref<1x1x40xi32, #tpu.memory_space<vmem>>
        %dma_wait3A_1587 = tpu.memref_squeeze %dma_wait3A_1586 : memref<1x1x40xi32, #tpu.memory_space<vmem>> -> memref<40xi32, #tpu.memory_space<vmem>>
        %dma_wait3A_1588 = arith.constant 0 : i32
        %dma_wait3A_1589 = arith.constant 0 : i32
        %dma_wait3A_1590 = tpu.memref_slice %arg14[%dma_wait3A_1588, %dma_wait3A_1589] : memref<1024x128xf32, #tpu.memory_space<vmem_shared>> -> memref<1024x128xf32, #tpu.memory_space<vmem_shared>>
        tpu.wait_indirect_dma semaphore(%arg24 : memref<!tpu.dma_semaphore, #tpu.memory_space<semaphore_mem>>) src(%dma_wait3A_1584 : memref<40x128xf32, #tpu.memory_space<vmem>>) dst(%dma_wait3A_1590 : memref<1024x128xf32, #tpu.memory_space<vmem_shared>>)
        %dma_wait3A_1591 = arith.constant 1 : i32
        %dma_wait3A_1592 = arith.constant 1 : i32
        %dma_wait3A_1593 = arith.constant 4 : i32
        %dma_wait3A_1594 = arith.constant 160 : i32
        %dma_wait3A_1595 = arith.constant 0 : i32
        %dma_wait3A_1596 = tpu.memref_slice %arg7[%dma_wait3A_1591, %dma_wait3A_1594, %dma_wait3A_1595] : memref<4x200x128xf32, #tpu.memory_space<vmem>> -> memref<1x40x128xf32, #tpu.memory_space<vmem>>
        %dma_wait3A_1597 = tpu.memref_squeeze %dma_wait3A_1596 : memref<1x40x128xf32, #tpu.memory_space<vmem>> -> memref<40x128xf32, #tpu.memory_space<vmem>>
        %dma_wait3A_1598 = arith.constant 0 : i32
        %dma_wait3A_1599 = tpu.memref_slice %arg8[%dma_wait3A_1592, %dma_wait3A_1593, %dma_wait3A_1598] : memref<4x5x40xi32, #tpu.memory_space<vmem>> -> memref<1x1x40xi32, #tpu.memory_space<vmem>>
        %dma_wait3A_1600 = tpu.memref_squeeze %dma_wait3A_1599 : memref<1x1x40xi32, #tpu.memory_space<vmem>> -> memref<40xi32, #tpu.memory_space<vmem>>
        %dma_wait3A_1601 = arith.constant 0 : i32
        %dma_wait3A_1602 = arith.constant 0 : i32
        %dma_wait3A_1603 = tpu.memref_slice %arg14[%dma_wait3A_1601, %dma_wait3A_1602] : memref<1024x128xf32, #tpu.memory_space<vmem_shared>> -> memref<1024x128xf32, #tpu.memory_space<vmem_shared>>
        tpu.wait_indirect_dma semaphore(%arg24 : memref<!tpu.dma_semaphore, #tpu.memory_space<semaphore_mem>>) src(%dma_wait3A_1597 : memref<40x128xf32, #tpu.memory_space<vmem>>) dst(%dma_wait3A_1603 : memref<1024x128xf32, #tpu.memory_space<vmem_shared>>)
      } else {
      }
      %add3A_1251 = arith.constant 4 : i32
      %add3A_1252 = arith.addi %add3A_1166, %add3A_1251 : i32
      %sub3A_1253 = arith.constant 1 : i32
      %sub3A_1254 = arith.subi %add3A_1252, %sub3A_1253 : i32
      %lt3A_1255 = arith.constant 50 : i32
      %lt3A_1256 = arith.cmpi slt, %sub3A_1254, %lt3A_1255 : i32
      %convert_element_type3A_1257 = arith.extui %lt3A_1256 : i1 to i32
      %cond3A_1258 = arith.constant 0 : i32
      %cond3A_1259 = arith.cmpi ne, %convert_element_type3A_1257, %cond3A_1258 : i32
      scf.if %cond3A_1259 {
        %add3A_1539 = arith.constant 4 : i32
        %add3A_1540 = arith.addi %add3A_1166, %add3A_1539 : i32
        %sub3A_1541 = arith.constant 1 : i32
        %sub3A_1542 = arith.subi %add3A_1540, %sub3A_1541 : i32
        %mul3A_1543 = arith.constant 200 : i32
        %mul3A_1544 = arith.muli %sub3A_1542, %mul3A_1543 : i32
        %add3A_1545 = arith.addi %mul3A_2, %mul3A_1544 : i32
        %dma_start3A_1546 = arith.constant 1 : i32
        %dma_start3A_1547 = arith.constant 0 : i32
        %dma_start3A_1548 = arith.constant 0 : i32
        %dma_start3A_1549 = tpu.memref_slice %arg7[%dma_start3A_1546, %dma_start3A_1547, %dma_start3A_1548] : memref<4x200x128xf32, #tpu.memory_space<vmem>> -> memref<1x200x128xf32, #tpu.memory_space<vmem>>
        %dma_start3A_1550 = tpu.memref_squeeze %dma_start3A_1549 : memref<1x200x128xf32, #tpu.memory_space<vmem>> -> memref<200x128xf32, #tpu.memory_space<vmem>>
        %dma_start3A_1551 = arith.constant 0 : i32
        %dma_start3A_1552 = tpu.memref_slice %arg2[%add3A_1545, %dma_start3A_1551] : memref<320000x128xf32, #tpu.memory_space<hbm>> -> memref<200x128xf32, #tpu.memory_space<hbm>>
        %dma_start3A_1553 = arith.constant 0 : i32
        %dma_start3A_1554 = arith.constant 0 : i32
        %dma_start3A_1555 = tpu.memref_slice %arg7[%dma_start3A_1546, %dma_start3A_1553, %dma_start3A_1554] : memref<4x200x128xf32, #tpu.memory_space<vmem>> -> memref<1x200x128xf32, #tpu.memory_space<vmem>>
        %dma_start3A_1556 = tpu.memref_squeeze %dma_start3A_1555 : memref<1x200x128xf32, #tpu.memory_space<vmem>> -> memref<200x128xf32, #tpu.memory_space<vmem>>
        %dma_start3A_1557 = arith.constant 0 : i32
        %dma_start3A_1558 = tpu.memref_slice %arg2[%add3A_1545, %dma_start3A_1557] : memref<320000x128xf32, #tpu.memory_space<hbm>> -> memref<200x128xf32, #tpu.memory_space<hbm>>
        tpu.enqueue_dma source(%dma_start3A_1558 : memref<200x128xf32, #tpu.memory_space<hbm>>) target(%dma_start3A_1556 : memref<200x128xf32, #tpu.memory_space<vmem>>) target_semaphore(%arg16 : memref<!tpu.dma_semaphore, #tpu.memory_space<semaphore_mem>>)
        %add3A_1559 = arith.constant 0 : i32
        %add3A_1560 = arith.addi %add3A_1545, %add3A_1559 : i32
        %dma_start3A_1561 = arith.constant 1 : i32
        %dma_start3A_1562 = arith.constant 0 : i32
        %dma_start3A_1563 = arith.constant 0 : i32
        %dma_start3A_1564 = tpu.memref_slice %arg8[%dma_start3A_1561, %dma_start3A_1562, %dma_start3A_1563] : memref<4x5x40xi32, #tpu.memory_space<vmem>> -> memref<1x1x40xi32, #tpu.memory_space<vmem>>
        %dma_start3A_1565 = tpu.memref_squeeze %dma_start3A_1564 : memref<1x1x40xi32, #tpu.memory_space<vmem>> -> memref<40xi32, #tpu.memory_space<vmem>>
        %dma_start3A_1566 = tpu.memref_slice %arg3[%add3A_1560] : memref<320008xi32, #tpu.memory_space<hbm>> -> memref<40xi32, #tpu.memory_space<hbm>>
        %dma_start3A_1567 = arith.constant 0 : i32
        %dma_start3A_1568 = tpu.memref_slice %arg8[%dma_start3A_1561, %dma_start3A_1562, %dma_start3A_1567] : memref<4x5x40xi32, #tpu.memory_space<vmem>> -> memref<1x1x40xi32, #tpu.memory_space<vmem>>
        %dma_start3A_1569 = tpu.memref_squeeze %dma_start3A_1568 : memref<1x1x40xi32, #tpu.memory_space<vmem>> -> memref<40xi32, #tpu.memory_space<vmem>>
        %dma_start3A_1570 = tpu.memref_slice %arg3[%add3A_1560] : memref<320008xi32, #tpu.memory_space<hbm>> -> memref<40xi32, #tpu.memory_space<hbm>>
        tpu.enqueue_dma source(%dma_start3A_1570 : memref<40xi32, #tpu.memory_space<hbm>>) target(%dma_start3A_1569 : memref<40xi32, #tpu.memory_space<vmem>>) target_semaphore(%arg20 : memref<!tpu.dma_semaphore, #tpu.memory_space<semaphore_mem>>)
        %add3A_1571 = arith.constant 40 : i32
        %add3A_1572 = arith.addi %add3A_1545, %add3A_1571 : i32
        %dma_start3A_1573 = arith.constant 1 : i32
        %dma_start3A_1574 = arith.constant 1 : i32
        %dma_start3A_1575 = arith.constant 0 : i32
        %dma_start3A_1576 = tpu.memref_slice %arg8[%dma_start3A_1573, %dma_start3A_1574, %dma_start3A_1575] : memref<4x5x40xi32, #tpu.memory_space<vmem>> -> memref<1x1x40xi32, #tpu.memory_space<vmem>>
        %dma_start3A_1577 = tpu.memref_squeeze %dma_start3A_1576 : memref<1x1x40xi32, #tpu.memory_space<vmem>> -> memref<40xi32, #tpu.memory_space<vmem>>
        %dma_start3A_1578 = tpu.memref_slice %arg3[%add3A_1572] : memref<320008xi32, #tpu.memory_space<hbm>> -> memref<40xi32, #tpu.memory_space<hbm>>
        %dma_start3A_1579 = arith.constant 0 : i32
        %dma_start3A_1580 = tpu.memref_slice %arg8[%dma_start3A_1573, %dma_start3A_1574, %dma_start3A_1579] : memref<4x5x40xi32, #tpu.memory_space<vmem>> -> memref<1x1x40xi32, #tpu.memory_space<vmem>>
        %dma_start3A_1581 = tpu.memref_squeeze %dma_start3A_1580 : memref<1x1x40xi32, #tpu.memory_space<vmem>> -> memref<40xi32, #tpu.memory_space<vmem>>
        %dma_start3A_1582 = tpu.memref_slice %arg3[%add3A_1572] : memref<320008xi32, #tpu.memory_space<hbm>> -> memref<40xi32, #tpu.memory_space<hbm>>
        tpu.enqueue_dma source(%dma_start3A_1582 : memref<40xi32, #tpu.memory_space<hbm>>) target(%dma_start3A_1581 : memref<40xi32, #tpu.memory_space<vmem>>) target_semaphore(%arg20 : memref<!tpu.dma_semaphore, #tpu.memory_space<semaphore_mem>>)
        %add3A_1583 = arith.constant 80 : i32
        %add3A_1584 = arith.addi %add3A_1545, %add3A_1583 : i32
        %dma_start3A_1585 = arith.constant 1 : i32
        %dma_start3A_1586 = arith.constant 2 : i32
        %dma_start3A_1587 = arith.constant 0 : i32
        %dma_start3A_1588 = tpu.memref_slice %arg8[%dma_start3A_1585, %dma_start3A_1586, %dma_start3A_1587] : memref<4x5x40xi32, #tpu.memory_space<vmem>> -> memref<1x1x40xi32, #tpu.memory_space<vmem>>
        %dma_start3A_1589 = tpu.memref_squeeze %dma_start3A_1588 : memref<1x1x40xi32, #tpu.memory_space<vmem>> -> memref<40xi32, #tpu.memory_space<vmem>>
        %dma_start3A_1590 = tpu.memref_slice %arg3[%add3A_1584] : memref<320008xi32, #tpu.memory_space<hbm>> -> memref<40xi32, #tpu.memory_space<hbm>>
        %dma_start3A_1591 = arith.constant 0 : i32
        %dma_start3A_1592 = tpu.memref_slice %arg8[%dma_start3A_1585, %dma_start3A_1586, %dma_start3A_1591] : memref<4x5x40xi32, #tpu.memory_space<vmem>> -> memref<1x1x40xi32, #tpu.memory_space<vmem>>
        %dma_start3A_1593 = tpu.memref_squeeze %dma_start3A_1592 : memref<1x1x40xi32, #tpu.memory_space<vmem>> -> memref<40xi32, #tpu.memory_space<vmem>>
        %dma_start3A_1594 = tpu.memref_slice %arg3[%add3A_1584] : memref<320008xi32, #tpu.memory_space<hbm>> -> memref<40xi32, #tpu.memory_space<hbm>>
        tpu.enqueue_dma source(%dma_start3A_1594 : memref<40xi32, #tpu.memory_space<hbm>>) target(%dma_start3A_1593 : memref<40xi32, #tpu.memory_space<vmem>>) target_semaphore(%arg20 : memref<!tpu.dma_semaphore, #tpu.memory_space<semaphore_mem>>)
        %add3A_1595 = arith.constant 120 : i32
        %add3A_1596 = arith.addi %add3A_1545, %add3A_1595 : i32
        %dma_start3A_1597 = arith.constant 1 : i32
        %dma_start3A_1598 = arith.constant 3 : i32
        %dma_start3A_1599 = arith.constant 0 : i32
        %dma_start3A_1600 = tpu.memref_slice %arg8[%dma_start3A_1597, %dma_start3A_1598, %dma_start3A_1599] : memref<4x5x40xi32, #tpu.memory_space<vmem>> -> memref<1x1x40xi32, #tpu.memory_space<vmem>>
        %dma_start3A_1601 = tpu.memref_squeeze %dma_start3A_1600 : memref<1x1x40xi32, #tpu.memory_space<vmem>> -> memref<40xi32, #tpu.memory_space<vmem>>
        %dma_start3A_1602 = tpu.memref_slice %arg3[%add3A_1596] : memref<320008xi32, #tpu.memory_space<hbm>> -> memref<40xi32, #tpu.memory_space<hbm>>
        %dma_start3A_1603 = arith.constant 0 : i32
        %dma_start3A_1604 = tpu.memref_slice %arg8[%dma_start3A_1597, %dma_start3A_1598, %dma_start3A_1603] : memref<4x5x40xi32, #tpu.memory_space<vmem>> -> memref<1x1x40xi32, #tpu.memory_space<vmem>>
        %dma_start3A_1605 = tpu.memref_squeeze %dma_start3A_1604 : memref<1x1x40xi32, #tpu.memory_space<vmem>> -> memref<40xi32, #tpu.memory_space<vmem>>
        %dma_start3A_1606 = tpu.memref_slice %arg3[%add3A_1596] : memref<320008xi32, #tpu.memory_space<hbm>> -> memref<40xi32, #tpu.memory_space<hbm>>
        tpu.enqueue_dma source(%dma_start3A_1606 : memref<40xi32, #tpu.memory_space<hbm>>) target(%dma_start3A_1605 : memref<40xi32, #tpu.memory_space<vmem>>) target_semaphore(%arg20 : memref<!tpu.dma_semaphore, #tpu.memory_space<semaphore_mem>>)
        %add3A_1607 = arith.constant 160 : i32
        %add3A_1608 = arith.addi %add3A_1545, %add3A_1607 : i32
        %dma_start3A_1609 = arith.constant 1 : i32
        %dma_start3A_1610 = arith.constant 4 : i32
        %dma_start3A_1611 = arith.constant 0 : i32
        %dma_start3A_1612 = tpu.memref_slice %arg8[%dma_start3A_1609, %dma_start3A_1610, %dma_start3A_1611] : memref<4x5x40xi32, #tpu.memory_space<vmem>> -> memref<1x1x40xi32, #tpu.memory_space<vmem>>
        %dma_start3A_1613 = tpu.memref_squeeze %dma_start3A_1612 : memref<1x1x40xi32, #tpu.memory_space<vmem>> -> memref<40xi32, #tpu.memory_space<vmem>>
        %dma_start3A_1614 = tpu.memref_slice %arg3[%add3A_1608] : memref<320008xi32, #tpu.memory_space<hbm>> -> memref<40xi32, #tpu.memory_space<hbm>>
        %dma_start3A_1615 = arith.constant 0 : i32
        %dma_start3A_1616 = tpu.memref_slice %arg8[%dma_start3A_1609, %dma_start3A_1610, %dma_start3A_1615] : memref<4x5x40xi32, #tpu.memory_space<vmem>> -> memref<1x1x40xi32, #tpu.memory_space<vmem>>
        %dma_start3A_1617 = tpu.memref_squeeze %dma_start3A_1616 : memref<1x1x40xi32, #tpu.memory_space<vmem>> -> memref<40xi32, #tpu.memory_space<vmem>>
        %dma_start3A_1618 = tpu.memref_slice %arg3[%add3A_1608] : memref<320008xi32, #tpu.memory_space<hbm>> -> memref<40xi32, #tpu.memory_space<hbm>>
        tpu.enqueue_dma source(%dma_start3A_1618 : memref<40xi32, #tpu.memory_space<hbm>>) target(%dma_start3A_1617 : memref<40xi32, #tpu.memory_space<vmem>>) target_semaphore(%arg20 : memref<!tpu.dma_semaphore, #tpu.memory_space<semaphore_mem>>)
        %dma_start3A_1619 = tpu.memref_slice %arg3[%add3A_1545] : memref<320008xi32, #tpu.memory_space<hbm>> -> memref<208xi32, #tpu.memory_space<hbm>>
        %dma_start3A_1620 = tpu.memref_slice %arg3[%add3A_1545] : memref<320008xi32, #tpu.memory_space<hbm>> -> memref<208xi32, #tpu.memory_space<hbm>>
        tpu.enqueue_dma source(%dma_start3A_1620 : memref<208xi32, #tpu.memory_space<hbm>>) target(%arg10 : memref<208xi32, #tpu.memory_space<vmem>>) target_semaphore(%arg20 : memref<!tpu.dma_semaphore, #tpu.memory_space<semaphore_mem>>)
      } else {
      }
      %dma_start3A_1260 = arith.constant 2 : i32
      %dma_start3A_1261 = arith.constant 2 : i32
      %dma_start3A_1262 = arith.constant 0 : i32
      %dma_start3A_1263 = arith.constant 0 : i32
      %dma_start3A_1264 = arith.constant 0 : i32
      %dma_start3A_1265 = tpu.memref_slice %arg7[%dma_start3A_1260, %dma_start3A_1263, %dma_start3A_1264] : memref<4x200x128xf32, #tpu.memory_space<vmem>> -> memref<1x40x128xf32, #tpu.memory_space<vmem>>
      %dma_start3A_1266 = tpu.memref_squeeze %dma_start3A_1265 : memref<1x40x128xf32, #tpu.memory_space<vmem>> -> memref<40x128xf32, #tpu.memory_space<vmem>>
      %dma_start3A_1267 = arith.constant 0 : i32
      %dma_start3A_1268 = tpu.memref_slice %arg8[%dma_start3A_1261, %dma_start3A_1262, %dma_start3A_1267] : memref<4x5x40xi32, #tpu.memory_space<vmem>> -> memref<1x1x40xi32, #tpu.memory_space<vmem>>
      %dma_start3A_1269 = tpu.memref_squeeze %dma_start3A_1268 : memref<1x1x40xi32, #tpu.memory_space<vmem>> -> memref<40xi32, #tpu.memory_space<vmem>>
      %dma_start3A_1270 = arith.constant 0 : i32
      %dma_start3A_1271 = arith.constant 0 : i32
      %dma_start3A_1272 = tpu.memref_slice %arg14[%dma_start3A_1270, %dma_start3A_1271] : memref<1024x128xf32, #tpu.memory_space<vmem_shared>> -> memref<1024x128xf32, #tpu.memory_space<vmem_shared>>
      tpu.enqueue_indirect_dma source(%dma_start3A_1266 : memref<40x128xf32, #tpu.memory_space<vmem>>) target(%dma_start3A_1272 : memref<1024x128xf32, #tpu.memory_space<vmem_shared>>) offsets(%dma_start3A_1269 : memref<40xi32, #tpu.memory_space<vmem>>) semaphore(%arg25 : memref<!tpu.dma_semaphore, #tpu.memory_space<semaphore_mem>>) {add = true}
      %dma_start3A_1273 = arith.constant 2 : i32
      %dma_start3A_1274 = arith.constant 2 : i32
      %dma_start3A_1275 = arith.constant 1 : i32
      %dma_start3A_1276 = arith.constant 40 : i32
      %dma_start3A_1277 = arith.constant 0 : i32
      %dma_start3A_1278 = tpu.memref_slice %arg7[%dma_start3A_1273, %dma_start3A_1276, %dma_start3A_1277] : memref<4x200x128xf32, #tpu.memory_space<vmem>> -> memref<1x40x128xf32, #tpu.memory_space<vmem>>
      %dma_start3A_1279 = tpu.memref_squeeze %dma_start3A_1278 : memref<1x40x128xf32, #tpu.memory_space<vmem>> -> memref<40x128xf32, #tpu.memory_space<vmem>>
      %dma_start3A_1280 = arith.constant 0 : i32
      %dma_start3A_1281 = tpu.memref_slice %arg8[%dma_start3A_1274, %dma_start3A_1275, %dma_start3A_1280] : memref<4x5x40xi32, #tpu.memory_space<vmem>> -> memref<1x1x40xi32, #tpu.memory_space<vmem>>
      %dma_start3A_1282 = tpu.memref_squeeze %dma_start3A_1281 : memref<1x1x40xi32, #tpu.memory_space<vmem>> -> memref<40xi32, #tpu.memory_space<vmem>>
      %dma_start3A_1283 = arith.constant 0 : i32
      %dma_start3A_1284 = arith.constant 0 : i32
      %dma_start3A_1285 = tpu.memref_slice %arg14[%dma_start3A_1283, %dma_start3A_1284] : memref<1024x128xf32, #tpu.memory_space<vmem_shared>> -> memref<1024x128xf32, #tpu.memory_space<vmem_shared>>
      tpu.enqueue_indirect_dma source(%dma_start3A_1279 : memref<40x128xf32, #tpu.memory_space<vmem>>) target(%dma_start3A_1285 : memref<1024x128xf32, #tpu.memory_space<vmem_shared>>) offsets(%dma_start3A_1282 : memref<40xi32, #tpu.memory_space<vmem>>) semaphore(%arg25 : memref<!tpu.dma_semaphore, #tpu.memory_space<semaphore_mem>>) {add = true}
      %dma_start3A_1286 = arith.constant 2 : i32
      %dma_start3A_1287 = arith.constant 2 : i32
      %dma_start3A_1288 = arith.constant 2 : i32
      %dma_start3A_1289 = arith.constant 80 : i32
      %dma_start3A_1290 = arith.constant 0 : i32
      %dma_start3A_1291 = tpu.memref_slice %arg7[%dma_start3A_1286, %dma_start3A_1289, %dma_start3A_1290] : memref<4x200x128xf32, #tpu.memory_space<vmem>> -> memref<1x40x128xf32, #tpu.memory_space<vmem>>
      %dma_start3A_1292 = tpu.memref_squeeze %dma_start3A_1291 : memref<1x40x128xf32, #tpu.memory_space<vmem>> -> memref<40x128xf32, #tpu.memory_space<vmem>>
      %dma_start3A_1293 = arith.constant 0 : i32
      %dma_start3A_1294 = tpu.memref_slice %arg8[%dma_start3A_1287, %dma_start3A_1288, %dma_start3A_1293] : memref<4x5x40xi32, #tpu.memory_space<vmem>> -> memref<1x1x40xi32, #tpu.memory_space<vmem>>
      %dma_start3A_1295 = tpu.memref_squeeze %dma_start3A_1294 : memref<1x1x40xi32, #tpu.memory_space<vmem>> -> memref<40xi32, #tpu.memory_space<vmem>>
      %dma_start3A_1296 = arith.constant 0 : i32
      %dma_start3A_1297 = arith.constant 0 : i32
      %dma_start3A_1298 = tpu.memref_slice %arg14[%dma_start3A_1296, %dma_start3A_1297] : memref<1024x128xf32, #tpu.memory_space<vmem_shared>> -> memref<1024x128xf32, #tpu.memory_space<vmem_shared>>
      tpu.enqueue_indirect_dma source(%dma_start3A_1292 : memref<40x128xf32, #tpu.memory_space<vmem>>) target(%dma_start3A_1298 : memref<1024x128xf32, #tpu.memory_space<vmem_shared>>) offsets(%dma_start3A_1295 : memref<40xi32, #tpu.memory_space<vmem>>) semaphore(%arg25 : memref<!tpu.dma_semaphore, #tpu.memory_space<semaphore_mem>>) {add = true}
      %dma_start3A_1299 = arith.constant 2 : i32
      %dma_start3A_1300 = arith.constant 2 : i32
      %dma_start3A_1301 = arith.constant 3 : i32
      %dma_start3A_1302 = arith.constant 120 : i32
      %dma_start3A_1303 = arith.constant 0 : i32
      %dma_start3A_1304 = tpu.memref_slice %arg7[%dma_start3A_1299, %dma_start3A_1302, %dma_start3A_1303] : memref<4x200x128xf32, #tpu.memory_space<vmem>> -> memref<1x40x128xf32, #tpu.memory_space<vmem>>
      %dma_start3A_1305 = tpu.memref_squeeze %dma_start3A_1304 : memref<1x40x128xf32, #tpu.memory_space<vmem>> -> memref<40x128xf32, #tpu.memory_space<vmem>>
      %dma_start3A_1306 = arith.constant 0 : i32
      %dma_start3A_1307 = tpu.memref_slice %arg8[%dma_start3A_1300, %dma_start3A_1301, %dma_start3A_1306] : memref<4x5x40xi32, #tpu.memory_space<vmem>> -> memref<1x1x40xi32, #tpu.memory_space<vmem>>
      %dma_start3A_1308 = tpu.memref_squeeze %dma_start3A_1307 : memref<1x1x40xi32, #tpu.memory_space<vmem>> -> memref<40xi32, #tpu.memory_space<vmem>>
      %dma_start3A_1309 = arith.constant 0 : i32
      %dma_start3A_1310 = arith.constant 0 : i32
      %dma_start3A_1311 = tpu.memref_slice %arg14[%dma_start3A_1309, %dma_start3A_1310] : memref<1024x128xf32, #tpu.memory_space<vmem_shared>> -> memref<1024x128xf32, #tpu.memory_space<vmem_shared>>
      tpu.enqueue_indirect_dma source(%dma_start3A_1305 : memref<40x128xf32, #tpu.memory_space<vmem>>) target(%dma_start3A_1311 : memref<1024x128xf32, #tpu.memory_space<vmem_shared>>) offsets(%dma_start3A_1308 : memref<40xi32, #tpu.memory_space<vmem>>) semaphore(%arg25 : memref<!tpu.dma_semaphore, #tpu.memory_space<semaphore_mem>>) {add = true}
      %dma_start3A_1312 = arith.constant 2 : i32
      %dma_start3A_1313 = arith.constant 2 : i32
      %dma_start3A_1314 = arith.constant 4 : i32
      %dma_start3A_1315 = arith.constant 160 : i32
      %dma_start3A_1316 = arith.constant 0 : i32
      %dma_start3A_1317 = tpu.memref_slice %arg7[%dma_start3A_1312, %dma_start3A_1315, %dma_start3A_1316] : memref<4x200x128xf32, #tpu.memory_space<vmem>> -> memref<1x40x128xf32, #tpu.memory_space<vmem>>
      %dma_start3A_1318 = tpu.memref_squeeze %dma_start3A_1317 : memref<1x40x128xf32, #tpu.memory_space<vmem>> -> memref<40x128xf32, #tpu.memory_space<vmem>>
      %dma_start3A_1319 = arith.constant 0 : i32
      %dma_start3A_1320 = tpu.memref_slice %arg8[%dma_start3A_1313, %dma_start3A_1314, %dma_start3A_1319] : memref<4x5x40xi32, #tpu.memory_space<vmem>> -> memref<1x1x40xi32, #tpu.memory_space<vmem>>
      %dma_start3A_1321 = tpu.memref_squeeze %dma_start3A_1320 : memref<1x1x40xi32, #tpu.memory_space<vmem>> -> memref<40xi32, #tpu.memory_space<vmem>>
      %dma_start3A_1322 = arith.constant 0 : i32
      %dma_start3A_1323 = arith.constant 0 : i32
      %dma_start3A_1324 = tpu.memref_slice %arg14[%dma_start3A_1322, %dma_start3A_1323] : memref<1024x128xf32, #tpu.memory_space<vmem_shared>> -> memref<1024x128xf32, #tpu.memory_space<vmem_shared>>
      tpu.enqueue_indirect_dma source(%dma_start3A_1318 : memref<40x128xf32, #tpu.memory_space<vmem>>) target(%dma_start3A_1324 : memref<1024x128xf32, #tpu.memory_space<vmem_shared>>) offsets(%dma_start3A_1321 : memref<40xi32, #tpu.memory_space<vmem>>) semaphore(%arg25 : memref<!tpu.dma_semaphore, #tpu.memory_space<semaphore_mem>>) {add = true}
      %get3A_1325 = arith.constant 0 : index
      %get3A_1326 = tpu.vector_load %arg11[%get3A_1325] {strides = array<i32>} : memref<208xi32, #tpu.memory_space<vmem>>, vector<16xi32>,
      tpu.vector_store_idx %arg13[%get3A_1326], %broadcast_in_dim3A_10 {add = true} : memref<1024xf32, #tpu.memory_space<vmem>>[vector<16xi32>], vector<16xf32>,
      %get3A_1327 = arith.constant 16 : index
      %get3A_1328 = tpu.vector_load %arg11[%get3A_1327] {strides = array<i32>} : memref<208xi32, #tpu.memory_space<vmem>>, vector<16xi32>,
      tpu.vector_store_idx %arg13[%get3A_1328], %broadcast_in_dim3A_10 {add = true} : memref<1024xf32, #tpu.memory_space<vmem>>[vector<16xi32>], vector<16xf32>,
      %get3A_1329 = arith.constant 32 : index
      %get3A_1330 = tpu.vector_load %arg11[%get3A_1329] {strides = array<i32>} : memref<208xi32, #tpu.memory_space<vmem>>, vector<16xi32>,
      tpu.vector_store_idx %arg13[%get3A_1330], %broadcast_in_dim3A_10 {add = true} : memref<1024xf32, #tpu.memory_space<vmem>>[vector<16xi32>], vector<16xf32>,
      %get3A_1331 = arith.constant 48 : index
      %get3A_1332 = tpu.vector_load %arg11[%get3A_1331] {strides = array<i32>} : memref<208xi32, #tpu.memory_space<vmem>>, vector<16xi32>,
      tpu.vector_store_idx %arg13[%get3A_1332], %broadcast_in_dim3A_10 {add = true} : memref<1024xf32, #tpu.memory_space<vmem>>[vector<16xi32>], vector<16xf32>,
      %get3A_1333 = arith.constant 64 : index
      %get3A_1334 = tpu.vector_load %arg11[%get3A_1333] {strides = array<i32>} : memref<208xi32, #tpu.memory_space<vmem>>, vector<16xi32>,
      tpu.vector_store_idx %arg13[%get3A_1334], %broadcast_in_dim3A_10 {add = true} : memref<1024xf32, #tpu.memory_space<vmem>>[vector<16xi32>], vector<16xf32>,
      %get3A_1335 = arith.constant 80 : index
      %get3A_1336 = tpu.vector_load %arg11[%get3A_1335] {strides = array<i32>} : memref<208xi32, #tpu.memory_space<vmem>>, vector<16xi32>,
      tpu.vector_store_idx %arg13[%get3A_1336], %broadcast_in_dim3A_10 {add = true} : memref<1024xf32, #tpu.memory_space<vmem>>[vector<16xi32>], vector<16xf32>,
      %get3A_1337 = arith.constant 96 : index
      %get3A_1338 = tpu.vector_load %arg11[%get3A_1337] {strides = array<i32>} : memref<208xi32, #tpu.memory_space<vmem>>, vector<16xi32>,
      tpu.vector_store_idx %arg13[%get3A_1338], %broadcast_in_dim3A_10 {add = true} : memref<1024xf32, #tpu.memory_space<vmem>>[vector<16xi32>], vector<16xf32>,
      %get3A_1339 = arith.constant 112 : index
      %get3A_1340 = tpu.vector_load %arg11[%get3A_1339] {strides = array<i32>} : memref<208xi32, #tpu.memory_space<vmem>>, vector<16xi32>,
      tpu.vector_store_idx %arg13[%get3A_1340], %broadcast_in_dim3A_10 {add = true} : memref<1024xf32, #tpu.memory_space<vmem>>[vector<16xi32>], vector<16xf32>,
      %get3A_1341 = arith.constant 128 : index
      %get3A_1342 = tpu.vector_load %arg11[%get3A_1341] {strides = array<i32>} : memref<208xi32, #tpu.memory_space<vmem>>, vector<16xi32>,
      tpu.vector_store_idx %arg13[%get3A_1342], %broadcast_in_dim3A_10 {add = true} : memref<1024xf32, #tpu.memory_space<vmem>>[vector<16xi32>], vector<16xf32>,
      %get3A_1343 = arith.constant 144 : index
      %get3A_1344 = tpu.vector_load %arg11[%get3A_1343] {strides = array<i32>} : memref<208xi32, #tpu.memory_space<vmem>>, vector<16xi32>,
      tpu.vector_store_idx %arg13[%get3A_1344], %broadcast_in_dim3A_10 {add = true} : memref<1024xf32, #tpu.memory_space<vmem>>[vector<16xi32>], vector<16xf32>,
      %get3A_1345 = arith.constant 160 : index
      %get3A_1346 = tpu.vector_load %arg11[%get3A_1345] {strides = array<i32>} : memref<208xi32, #tpu.memory_space<vmem>>, vector<16xi32>,
      tpu.vector_store_idx %arg13[%get3A_1346], %broadcast_in_dim3A_10 {add = true} : memref<1024xf32, #tpu.memory_space<vmem>>[vector<16xi32>], vector<16xf32>,
      %get3A_1347 = arith.constant 176 : index
      %get3A_1348 = tpu.vector_load %arg11[%get3A_1347] {strides = array<i32>} : memref<208xi32, #tpu.memory_space<vmem>>, vector<16xi32>,
      tpu.vector_store_idx %arg13[%get3A_1348], %broadcast_in_dim3A_10 {add = true} : memref<1024xf32, #tpu.memory_space<vmem>>[vector<16xi32>], vector<16xf32>,
      %get3A_1349 = arith.constant 192 : index
      %get3A_1350 = tpu.vector_load %arg11[%get3A_1349] {strides = array<i32>} : memref<208xi32, #tpu.memory_space<vmem>>, vector<16xi32>,
      tpu.vector_store_idx %arg13[%get3A_1350], %broadcast_in_dim3A_10 masked %lt3A_12 {add = true} : memref<1024xf32, #tpu.memory_space<vmem>>[vector<16xi32>], vector<16xf32>, vector<16xi1>
      %mul3A_1351 = arith.constant 4 : i32
      %mul3A_1352 = arith.muli %mul3A_1351, %scan3A_790 : i32
      %add3A_1353 = arith.constant 3 : i32
      %add3A_1354 = arith.addi %mul3A_1352, %add3A_1353 : i32
      %dma_wait3A_1355 = arith.constant 3 : i32
      %dma_wait3A_1356 = arith.constant 0 : i32
      %dma_wait3A_1357 = arith.constant 0 : i32
      %dma_wait3A_1358 = tpu.memref_slice %arg7[%dma_wait3A_1355, %dma_wait3A_1356, %dma_wait3A_1357] : memref<4x200x128xf32, #tpu.memory_space<vmem>> -> memref<1x200x128xf32, #tpu.memory_space<vmem>>
      %dma_wait3A_1359 = tpu.memref_squeeze %dma_wait3A_1358 : memref<1x200x128xf32, #tpu.memory_space<vmem>> -> memref<200x128xf32, #tpu.memory_space<vmem>>
      %dma_wait3A_1360 = arith.constant 0 : i32
      %dma_wait3A_1361 = arith.constant 0 : i32
      %dma_wait3A_1362 = tpu.memref_slice %arg2[%dma_wait3A_1360, %dma_wait3A_1361] : memref<320000x128xf32, #tpu.memory_space<hbm>> -> memref<200x128xf32, #tpu.memory_space<hbm>>
      %dma_wait3A_1363 = arith.constant 0 : i32
      %dma_wait3A_1364 = arith.constant 0 : i32
      %dma_wait3A_1365 = tpu.memref_slice %arg7[%dma_wait3A_1355, %dma_wait3A_1363, %dma_wait3A_1364] : memref<4x200x128xf32, #tpu.memory_space<vmem>> -> memref<1x200x128xf32, #tpu.memory_space<vmem>>
      %dma_wait3A_1366 = tpu.memref_squeeze %dma_wait3A_1365 : memref<1x200x128xf32, #tpu.memory_space<vmem>> -> memref<200x128xf32, #tpu.memory_space<vmem>>
      %dma_wait3A_1367 = arith.constant 0 : i32
      %dma_wait3A_1368 = arith.constant 0 : i32
      %dma_wait3A_1369 = tpu.memref_slice %arg2[%dma_wait3A_1367, %dma_wait3A_1368] : memref<320000x128xf32, #tpu.memory_space<hbm>> -> memref<200x128xf32, #tpu.memory_space<hbm>>
      tpu.wait_dma2 semaphore(%arg18 : memref<!tpu.dma_semaphore, #tpu.memory_space<semaphore_mem>>) src(%dma_wait3A_1369 : memref<200x128xf32, #tpu.memory_space<hbm>>) dst(%dma_wait3A_1366 : memref<200x128xf32, #tpu.memory_space<vmem>>)
      %dma_wait3A_1370 = arith.constant 3 : i32
      %dma_wait3A_1371 = arith.constant 0 : i32
      %dma_wait3A_1372 = arith.constant 0 : i32
      %dma_wait3A_1373 = tpu.memref_slice %arg8[%dma_wait3A_1370, %dma_wait3A_1371, %dma_wait3A_1372] : memref<4x5x40xi32, #tpu.memory_space<vmem>> -> memref<1x1x40xi32, #tpu.memory_space<vmem>>
      %dma_wait3A_1374 = tpu.memref_squeeze %dma_wait3A_1373 : memref<1x1x40xi32, #tpu.memory_space<vmem>> -> memref<40xi32, #tpu.memory_space<vmem>>
      %dma_wait3A_1375 = arith.constant 0 : i32
      %dma_wait3A_1376 = tpu.memref_slice %arg3[%dma_wait3A_1375] : memref<320008xi32, #tpu.memory_space<hbm>> -> memref<40xi32, #tpu.memory_space<hbm>>
      %dma_wait3A_1377 = arith.constant 0 : i32
      %dma_wait3A_1378 = tpu.memref_slice %arg8[%dma_wait3A_1370, %dma_wait3A_1371, %dma_wait3A_1377] : memref<4x5x40xi32, #tpu.memory_space<vmem>> -> memref<1x1x40xi32, #tpu.memory_space<vmem>>
      %dma_wait3A_1379 = tpu.memref_squeeze %dma_wait3A_1378 : memref<1x1x40xi32, #tpu.memory_space<vmem>> -> memref<40xi32, #tpu.memory_space<vmem>>
      %dma_wait3A_1380 = arith.constant 0 : i32
      %dma_wait3A_1381 = tpu.memref_slice %arg3[%dma_wait3A_1380] : memref<320008xi32, #tpu.memory_space<hbm>> -> memref<40xi32, #tpu.memory_space<hbm>>
      tpu.wait_dma2 semaphore(%arg22 : memref<!tpu.dma_semaphore, #tpu.memory_space<semaphore_mem>>) src(%dma_wait3A_1381 : memref<40xi32, #tpu.memory_space<hbm>>) dst(%dma_wait3A_1379 : memref<40xi32, #tpu.memory_space<vmem>>)
      %dma_wait3A_1382 = arith.constant 3 : i32
      %dma_wait3A_1383 = arith.constant 1 : i32
      %dma_wait3A_1384 = arith.constant 0 : i32
      %dma_wait3A_1385 = tpu.memref_slice %arg8[%dma_wait3A_1382, %dma_wait3A_1383, %dma_wait3A_1384] : memref<4x5x40xi32, #tpu.memory_space<vmem>> -> memref<1x1x40xi32, #tpu.memory_space<vmem>>
      %dma_wait3A_1386 = tpu.memref_squeeze %dma_wait3A_1385 : memref<1x1x40xi32, #tpu.memory_space<vmem>> -> memref<40xi32, #tpu.memory_space<vmem>>
      %dma_wait3A_1387 = arith.constant 0 : i32
      %dma_wait3A_1388 = tpu.memref_slice %arg3[%dma_wait3A_1387] : memref<320008xi32, #tpu.memory_space<hbm>> -> memref<40xi32, #tpu.memory_space<hbm>>
      %dma_wait3A_1389 = arith.constant 0 : i32
      %dma_wait3A_1390 = tpu.memref_slice %arg8[%dma_wait3A_1382, %dma_wait3A_1383, %dma_wait3A_1389] : memref<4x5x40xi32, #tpu.memory_space<vmem>> -> memref<1x1x40xi32, #tpu.memory_space<vmem>>
      %dma_wait3A_1391 = tpu.memref_squeeze %dma_wait3A_1390 : memref<1x1x40xi32, #tpu.memory_space<vmem>> -> memref<40xi32, #tpu.memory_space<vmem>>
      %dma_wait3A_1392 = arith.constant 0 : i32
      %dma_wait3A_1393 = tpu.memref_slice %arg3[%dma_wait3A_1392] : memref<320008xi32, #tpu.memory_space<hbm>> -> memref<40xi32, #tpu.memory_space<hbm>>
      tpu.wait_dma2 semaphore(%arg22 : memref<!tpu.dma_semaphore, #tpu.memory_space<semaphore_mem>>) src(%dma_wait3A_1393 : memref<40xi32, #tpu.memory_space<hbm>>) dst(%dma_wait3A_1391 : memref<40xi32, #tpu.memory_space<vmem>>)
      %dma_wait3A_1394 = arith.constant 3 : i32
      %dma_wait3A_1395 = arith.constant 2 : i32
      %dma_wait3A_1396 = arith.constant 0 : i32
      %dma_wait3A_1397 = tpu.memref_slice %arg8[%dma_wait3A_1394, %dma_wait3A_1395, %dma_wait3A_1396] : memref<4x5x40xi32, #tpu.memory_space<vmem>> -> memref<1x1x40xi32, #tpu.memory_space<vmem>>
      %dma_wait3A_1398 = tpu.memref_squeeze %dma_wait3A_1397 : memref<1x1x40xi32, #tpu.memory_space<vmem>> -> memref<40xi32, #tpu.memory_space<vmem>>
      %dma_wait3A_1399 = arith.constant 0 : i32
      %dma_wait3A_1400 = tpu.memref_slice %arg3[%dma_wait3A_1399] : memref<320008xi32, #tpu.memory_space<hbm>> -> memref<40xi32, #tpu.memory_space<hbm>>
      %dma_wait3A_1401 = arith.constant 0 : i32
      %dma_wait3A_1402 = tpu.memref_slice %arg8[%dma_wait3A_1394, %dma_wait3A_1395, %dma_wait3A_1401] : memref<4x5x40xi32, #tpu.memory_space<vmem>> -> memref<1x1x40xi32, #tpu.memory_space<vmem>>
      %dma_wait3A_1403 = tpu.memref_squeeze %dma_wait3A_1402 : memref<1x1x40xi32, #tpu.memory_space<vmem>> -> memref<40xi32, #tpu.memory_space<vmem>>
      %dma_wait3A_1404 = arith.constant 0 : i32
      %dma_wait3A_1405 = tpu.memref_slice %arg3[%dma_wait3A_1404] : memref<320008xi32, #tpu.memory_space<hbm>> -> memref<40xi32, #tpu.memory_space<hbm>>
      tpu.wait_dma2 semaphore(%arg22 : memref<!tpu.dma_semaphore, #tpu.memory_space<semaphore_mem>>) src(%dma_wait3A_1405 : memref<40xi32, #tpu.memory_space<hbm>>) dst(%dma_wait3A_1403 : memref<40xi32, #tpu.memory_space<vmem>>)
      %dma_wait3A_1406 = arith.constant 3 : i32
      %dma_wait3A_1407 = arith.constant 3 : i32
      %dma_wait3A_1408 = arith.constant 0 : i32
      %dma_wait3A_1409 = tpu.memref_slice %arg8[%dma_wait3A_1406, %dma_wait3A_1407, %dma_wait3A_1408] : memref<4x5x40xi32, #tpu.memory_space<vmem>> -> memref<1x1x40xi32, #tpu.memory_space<vmem>>
      %dma_wait3A_1410 = tpu.memref_squeeze %dma_wait3A_1409 : memref<1x1x40xi32, #tpu.memory_space<vmem>> -> memref<40xi32, #tpu.memory_space<vmem>>
      %dma_wait3A_1411 = arith.constant 0 : i32
      %dma_wait3A_1412 = tpu.memref_slice %arg3[%dma_wait3A_1411] : memref<320008xi32, #tpu.memory_space<hbm>> -> memref<40xi32, #tpu.memory_space<hbm>>
      %dma_wait3A_1413 = arith.constant 0 : i32
      %dma_wait3A_1414 = tpu.memref_slice %arg8[%dma_wait3A_1406, %dma_wait3A_1407, %dma_wait3A_1413] : memref<4x5x40xi32, #tpu.memory_space<vmem>> -> memref<1x1x40xi32, #tpu.memory_space<vmem>>
      %dma_wait3A_1415 = tpu.memref_squeeze %dma_wait3A_1414 : memref<1x1x40xi32, #tpu.memory_space<vmem>> -> memref<40xi32, #tpu.memory_space<vmem>>
      %dma_wait3A_1416 = arith.constant 0 : i32
      %dma_wait3A_1417 = tpu.memref_slice %arg3[%dma_wait3A_1416] : memref<320008xi32, #tpu.memory_space<hbm>> -> memref<40xi32, #tpu.memory_space<hbm>>
      tpu.wait_dma2 semaphore(%arg22 : memref<!tpu.dma_semaphore, #tpu.memory_space<semaphore_mem>>) src(%dma_wait3A_1417 : memref<40xi32, #tpu.memory_space<hbm>>) dst(%dma_wait3A_1415 : memref<40xi32, #tpu.memory_space<vmem>>)
      %dma_wait3A_1418 = arith.constant 3 : i32
      %dma_wait3A_1419 = arith.constant 4 : i32
      %dma_wait3A_1420 = arith.constant 0 : i32
      %dma_wait3A_1421 = tpu.memref_slice %arg8[%dma_wait3A_1418, %dma_wait3A_1419, %dma_wait3A_1420] : memref<4x5x40xi32, #tpu.memory_space<vmem>> -> memref<1x1x40xi32, #tpu.memory_space<vmem>>
      %dma_wait3A_1422 = tpu.memref_squeeze %dma_wait3A_1421 : memref<1x1x40xi32, #tpu.memory_space<vmem>> -> memref<40xi32, #tpu.memory_space<vmem>>
      %dma_wait3A_1423 = arith.constant 0 : i32
      %dma_wait3A_1424 = tpu.memref_slice %arg3[%dma_wait3A_1423] : memref<320008xi32, #tpu.memory_space<hbm>> -> memref<40xi32, #tpu.memory_space<hbm>>
      %dma_wait3A_1425 = arith.constant 0 : i32
      %dma_wait3A_1426 = tpu.memref_slice %arg8[%dma_wait3A_1418, %dma_wait3A_1419, %dma_wait3A_1425] : memref<4x5x40xi32, #tpu.memory_space<vmem>> -> memref<1x1x40xi32, #tpu.memory_space<vmem>>
      %dma_wait3A_1427 = tpu.memref_squeeze %dma_wait3A_1426 : memref<1x1x40xi32, #tpu.memory_space<vmem>> -> memref<40xi32, #tpu.memory_space<vmem>>
      %dma_wait3A_1428 = arith.constant 0 : i32
      %dma_wait3A_1429 = tpu.memref_slice %arg3[%dma_wait3A_1428] : memref<320008xi32, #tpu.memory_space<hbm>> -> memref<40xi32, #tpu.memory_space<hbm>>
      tpu.wait_dma2 semaphore(%arg22 : memref<!tpu.dma_semaphore, #tpu.memory_space<semaphore_mem>>) src(%dma_wait3A_1429 : memref<40xi32, #tpu.memory_space<hbm>>) dst(%dma_wait3A_1427 : memref<40xi32, #tpu.memory_space<vmem>>)
      %dma_wait3A_1430 = arith.constant 0 : i32
      %dma_wait3A_1431 = tpu.memref_slice %arg3[%dma_wait3A_1430] : memref<320008xi32, #tpu.memory_space<hbm>> -> memref<208xi32, #tpu.memory_space<hbm>>
      %dma_wait3A_1432 = arith.constant 0 : i32
      %dma_wait3A_1433 = tpu.memref_slice %arg3[%dma_wait3A_1432] : memref<320008xi32, #tpu.memory_space<hbm>> -> memref<208xi32, #tpu.memory_space<hbm>>
      tpu.wait_dma2 semaphore(%arg22 : memref<!tpu.dma_semaphore, #tpu.memory_space<semaphore_mem>>) src(%dma_wait3A_1433 : memref<208xi32, #tpu.memory_space<hbm>>) dst(%arg12 : memref<208xi32, #tpu.memory_space<vmem>>)
      %ne3A_1434 = arith.constant 0 : i32
      %ne3A_1435 = arith.cmpi ne, %add3A_1354, %ne3A_1434 : i32
      %convert_element_type3A_1436 = arith.extui %ne3A_1435 : i1 to i32
      %cond3A_1437 = arith.constant 0 : i32
      %cond3A_1438 = arith.cmpi ne, %convert_element_type3A_1436, %cond3A_1437 : i32
      scf.if %cond3A_1438 {
        %dma_wait3A_1539 = arith.constant 2 : i32
        %dma_wait3A_1540 = arith.constant 2 : i32
        %dma_wait3A_1541 = arith.constant 0 : i32
        %dma_wait3A_1542 = arith.constant 0 : i32
        %dma_wait3A_1543 = arith.constant 0 : i32
        %dma_wait3A_1544 = tpu.memref_slice %arg7[%dma_wait3A_1539, %dma_wait3A_1542, %dma_wait3A_1543] : memref<4x200x128xf32, #tpu.memory_space<vmem>> -> memref<1x40x128xf32, #tpu.memory_space<vmem>>
        %dma_wait3A_1545 = tpu.memref_squeeze %dma_wait3A_1544 : memref<1x40x128xf32, #tpu.memory_space<vmem>> -> memref<40x128xf32, #tpu.memory_space<vmem>>
        %dma_wait3A_1546 = arith.constant 0 : i32
        %dma_wait3A_1547 = tpu.memref_slice %arg8[%dma_wait3A_1540, %dma_wait3A_1541, %dma_wait3A_1546] : memref<4x5x40xi32, #tpu.memory_space<vmem>> -> memref<1x1x40xi32, #tpu.memory_space<vmem>>
        %dma_wait3A_1548 = tpu.memref_squeeze %dma_wait3A_1547 : memref<1x1x40xi32, #tpu.memory_space<vmem>> -> memref<40xi32, #tpu.memory_space<vmem>>
        %dma_wait3A_1549 = arith.constant 0 : i32
        %dma_wait3A_1550 = arith.constant 0 : i32
        %dma_wait3A_1551 = tpu.memref_slice %arg14[%dma_wait3A_1549, %dma_wait3A_1550] : memref<1024x128xf32, #tpu.memory_space<vmem_shared>> -> memref<1024x128xf32, #tpu.memory_space<vmem_shared>>
        tpu.wait_indirect_dma semaphore(%arg25 : memref<!tpu.dma_semaphore, #tpu.memory_space<semaphore_mem>>) src(%dma_wait3A_1545 : memref<40x128xf32, #tpu.memory_space<vmem>>) dst(%dma_wait3A_1551 : memref<1024x128xf32, #tpu.memory_space<vmem_shared>>)
        %dma_wait3A_1552 = arith.constant 2 : i32
        %dma_wait3A_1553 = arith.constant 2 : i32
        %dma_wait3A_1554 = arith.constant 1 : i32
        %dma_wait3A_1555 = arith.constant 40 : i32
        %dma_wait3A_1556 = arith.constant 0 : i32
        %dma_wait3A_1557 = tpu.memref_slice %arg7[%dma_wait3A_1552, %dma_wait3A_1555, %dma_wait3A_1556] : memref<4x200x128xf32, #tpu.memory_space<vmem>> -> memref<1x40x128xf32, #tpu.memory_space<vmem>>
        %dma_wait3A_1558 = tpu.memref_squeeze %dma_wait3A_1557 : memref<1x40x128xf32, #tpu.memory_space<vmem>> -> memref<40x128xf32, #tpu.memory_space<vmem>>
        %dma_wait3A_1559 = arith.constant 0 : i32
        %dma_wait3A_1560 = tpu.memref_slice %arg8[%dma_wait3A_1553, %dma_wait3A_1554, %dma_wait3A_1559] : memref<4x5x40xi32, #tpu.memory_space<vmem>> -> memref<1x1x40xi32, #tpu.memory_space<vmem>>
        %dma_wait3A_1561 = tpu.memref_squeeze %dma_wait3A_1560 : memref<1x1x40xi32, #tpu.memory_space<vmem>> -> memref<40xi32, #tpu.memory_space<vmem>>
        %dma_wait3A_1562 = arith.constant 0 : i32
        %dma_wait3A_1563 = arith.constant 0 : i32
        %dma_wait3A_1564 = tpu.memref_slice %arg14[%dma_wait3A_1562, %dma_wait3A_1563] : memref<1024x128xf32, #tpu.memory_space<vmem_shared>> -> memref<1024x128xf32, #tpu.memory_space<vmem_shared>>
        tpu.wait_indirect_dma semaphore(%arg25 : memref<!tpu.dma_semaphore, #tpu.memory_space<semaphore_mem>>) src(%dma_wait3A_1558 : memref<40x128xf32, #tpu.memory_space<vmem>>) dst(%dma_wait3A_1564 : memref<1024x128xf32, #tpu.memory_space<vmem_shared>>)
        %dma_wait3A_1565 = arith.constant 2 : i32
        %dma_wait3A_1566 = arith.constant 2 : i32
        %dma_wait3A_1567 = arith.constant 2 : i32
        %dma_wait3A_1568 = arith.constant 80 : i32
        %dma_wait3A_1569 = arith.constant 0 : i32
        %dma_wait3A_1570 = tpu.memref_slice %arg7[%dma_wait3A_1565, %dma_wait3A_1568, %dma_wait3A_1569] : memref<4x200x128xf32, #tpu.memory_space<vmem>> -> memref<1x40x128xf32, #tpu.memory_space<vmem>>
        %dma_wait3A_1571 = tpu.memref_squeeze %dma_wait3A_1570 : memref<1x40x128xf32, #tpu.memory_space<vmem>> -> memref<40x128xf32, #tpu.memory_space<vmem>>
        %dma_wait3A_1572 = arith.constant 0 : i32
        %dma_wait3A_1573 = tpu.memref_slice %arg8[%dma_wait3A_1566, %dma_wait3A_1567, %dma_wait3A_1572] : memref<4x5x40xi32, #tpu.memory_space<vmem>> -> memref<1x1x40xi32, #tpu.memory_space<vmem>>
        %dma_wait3A_1574 = tpu.memref_squeeze %dma_wait3A_1573 : memref<1x1x40xi32, #tpu.memory_space<vmem>> -> memref<40xi32, #tpu.memory_space<vmem>>
        %dma_wait3A_1575 = arith.constant 0 : i32
        %dma_wait3A_1576 = arith.constant 0 : i32
        %dma_wait3A_1577 = tpu.memref_slice %arg14[%dma_wait3A_1575, %dma_wait3A_1576] : memref<1024x128xf32, #tpu.memory_space<vmem_shared>> -> memref<1024x128xf32, #tpu.memory_space<vmem_shared>>
        tpu.wait_indirect_dma semaphore(%arg25 : memref<!tpu.dma_semaphore, #tpu.memory_space<semaphore_mem>>) src(%dma_wait3A_1571 : memref<40x128xf32, #tpu.memory_space<vmem>>) dst(%dma_wait3A_1577 : memref<1024x128xf32, #tpu.memory_space<vmem_shared>>)
        %dma_wait3A_1578 = arith.constant 2 : i32
        %dma_wait3A_1579 = arith.constant 2 : i32
        %dma_wait3A_1580 = arith.constant 3 : i32
        %dma_wait3A_1581 = arith.constant 120 : i32
        %dma_wait3A_1582 = arith.constant 0 : i32
        %dma_wait3A_1583 = tpu.memref_slice %arg7[%dma_wait3A_1578, %dma_wait3A_1581, %dma_wait3A_1582] : memref<4x200x128xf32, #tpu.memory_space<vmem>> -> memref<1x40x128xf32, #tpu.memory_space<vmem>>
        %dma_wait3A_1584 = tpu.memref_squeeze %dma_wait3A_1583 : memref<1x40x128xf32, #tpu.memory_space<vmem>> -> memref<40x128xf32, #tpu.memory_space<vmem>>
        %dma_wait3A_1585 = arith.constant 0 : i32
        %dma_wait3A_1586 = tpu.memref_slice %arg8[%dma_wait3A_1579, %dma_wait3A_1580, %dma_wait3A_1585] : memref<4x5x40xi32, #tpu.memory_space<vmem>> -> memref<1x1x40xi32, #tpu.memory_space<vmem>>
        %dma_wait3A_1587 = tpu.memref_squeeze %dma_wait3A_1586 : memref<1x1x40xi32, #tpu.memory_space<vmem>> -> memref<40xi32, #tpu.memory_space<vmem>>
        %dma_wait3A_1588 = arith.constant 0 : i32
        %dma_wait3A_1589 = arith.constant 0 : i32
        %dma_wait3A_1590 = tpu.memref_slice %arg14[%dma_wait3A_1588, %dma_wait3A_1589] : memref<1024x128xf32, #tpu.memory_space<vmem_shared>> -> memref<1024x128xf32, #tpu.memory_space<vmem_shared>>
        tpu.wait_indirect_dma semaphore(%arg25 : memref<!tpu.dma_semaphore, #tpu.memory_space<semaphore_mem>>) src(%dma_wait3A_1584 : memref<40x128xf32, #tpu.memory_space<vmem>>) dst(%dma_wait3A_1590 : memref<1024x128xf32, #tpu.memory_space<vmem_shared>>)
        %dma_wait3A_1591 = arith.constant 2 : i32
        %dma_wait3A_1592 = arith.constant 2 : i32
        %dma_wait3A_1593 = arith.constant 4 : i32
        %dma_wait3A_1594 = arith.constant 160 : i32
        %dma_wait3A_1595 = arith.constant 0 : i32
        %dma_wait3A_1596 = tpu.memref_slice %arg7[%dma_wait3A_1591, %dma_wait3A_1594, %dma_wait3A_1595] : memref<4x200x128xf32, #tpu.memory_space<vmem>> -> memref<1x40x128xf32, #tpu.memory_space<vmem>>
        %dma_wait3A_1597 = tpu.memref_squeeze %dma_wait3A_1596 : memref<1x40x128xf32, #tpu.memory_space<vmem>> -> memref<40x128xf32, #tpu.memory_space<vmem>>
        %dma_wait3A_1598 = arith.constant 0 : i32
        %dma_wait3A_1599 = tpu.memref_slice %arg8[%dma_wait3A_1592, %dma_wait3A_1593, %dma_wait3A_1598] : memref<4x5x40xi32, #tpu.memory_space<vmem>> -> memref<1x1x40xi32, #tpu.memory_space<vmem>>
        %dma_wait3A_1600 = tpu.memref_squeeze %dma_wait3A_1599 : memref<1x1x40xi32, #tpu.memory_space<vmem>> -> memref<40xi32, #tpu.memory_space<vmem>>
        %dma_wait3A_1601 = arith.constant 0 : i32
        %dma_wait3A_1602 = arith.constant 0 : i32
        %dma_wait3A_1603 = tpu.memref_slice %arg14[%dma_wait3A_1601, %dma_wait3A_1602] : memref<1024x128xf32, #tpu.memory_space<vmem_shared>> -> memref<1024x128xf32, #tpu.memory_space<vmem_shared>>
        tpu.wait_indirect_dma semaphore(%arg25 : memref<!tpu.dma_semaphore, #tpu.memory_space<semaphore_mem>>) src(%dma_wait3A_1597 : memref<40x128xf32, #tpu.memory_space<vmem>>) dst(%dma_wait3A_1603 : memref<1024x128xf32, #tpu.memory_space<vmem_shared>>)
      } else {
      }
      %add3A_1439 = arith.constant 4 : i32
      %add3A_1440 = arith.addi %add3A_1354, %add3A_1439 : i32
      %sub3A_1441 = arith.constant 1 : i32
      %sub3A_1442 = arith.subi %add3A_1440, %sub3A_1441 : i32
      %lt3A_1443 = arith.constant 50 : i32
      %lt3A_1444 = arith.cmpi slt, %sub3A_1442, %lt3A_1443 : i32
      %convert_element_type3A_1445 = arith.extui %lt3A_1444 : i1 to i32
      %cond3A_1446 = arith.constant 0 : i32
      %cond3A_1447 = arith.cmpi ne, %convert_element_type3A_1445, %cond3A_1446 : i32
      scf.if %cond3A_1447 {
        %add3A_1539 = arith.constant 4 : i32
        %add3A_1540 = arith.addi %add3A_1354, %add3A_1539 : i32
        %sub3A_1541 = arith.constant 1 : i32
        %sub3A_1542 = arith.subi %add3A_1540, %sub3A_1541 : i32
        %mul3A_1543 = arith.constant 200 : i32
        %mul3A_1544 = arith.muli %sub3A_1542, %mul3A_1543 : i32
        %add3A_1545 = arith.addi %mul3A_2, %mul3A_1544 : i32
        %dma_start3A_1546 = arith.constant 2 : i32
        %dma_start3A_1547 = arith.constant 0 : i32
        %dma_start3A_1548 = arith.constant 0 : i32
        %dma_start3A_1549 = tpu.memref_slice %arg7[%dma_start3A_1546, %dma_start3A_1547, %dma_start3A_1548] : memref<4x200x128xf32, #tpu.memory_space<vmem>> -> memref<1x200x128xf32, #tpu.memory_space<vmem>>
        %dma_start3A_1550 = tpu.memref_squeeze %dma_start3A_1549 : memref<1x200x128xf32, #tpu.memory_space<vmem>> -> memref<200x128xf32, #tpu.memory_space<vmem>>
        %dma_start3A_1551 = arith.constant 0 : i32
        %dma_start3A_1552 = tpu.memref_slice %arg2[%add3A_1545, %dma_start3A_1551] : memref<320000x128xf32, #tpu.memory_space<hbm>> -> memref<200x128xf32, #tpu.memory_space<hbm>>
        %dma_start3A_1553 = arith.constant 0 : i32
        %dma_start3A_1554 = arith.constant 0 : i32
        %dma_start3A_1555 = tpu.memref_slice %arg7[%dma_start3A_1546, %dma_start3A_1553, %dma_start3A_1554] : memref<4x200x128xf32, #tpu.memory_space<vmem>> -> memref<1x200x128xf32, #tpu.memory_space<vmem>>
        %dma_start3A_1556 = tpu.memref_squeeze %dma_start3A_1555 : memref<1x200x128xf32, #tpu.memory_space<vmem>> -> memref<200x128xf32, #tpu.memory_space<vmem>>
        %dma_start3A_1557 = arith.constant 0 : i32
        %dma_start3A_1558 = tpu.memref_slice %arg2[%add3A_1545, %dma_start3A_1557] : memref<320000x128xf32, #tpu.memory_space<hbm>> -> memref<200x128xf32, #tpu.memory_space<hbm>>
        tpu.enqueue_dma source(%dma_start3A_1558 : memref<200x128xf32, #tpu.memory_space<hbm>>) target(%dma_start3A_1556 : memref<200x128xf32, #tpu.memory_space<vmem>>) target_semaphore(%arg17 : memref<!tpu.dma_semaphore, #tpu.memory_space<semaphore_mem>>)
        %add3A_1559 = arith.constant 0 : i32
        %add3A_1560 = arith.addi %add3A_1545, %add3A_1559 : i32
        %dma_start3A_1561 = arith.constant 2 : i32
        %dma_start3A_1562 = arith.constant 0 : i32
        %dma_start3A_1563 = arith.constant 0 : i32
        %dma_start3A_1564 = tpu.memref_slice %arg8[%dma_start3A_1561, %dma_start3A_1562, %dma_start3A_1563] : memref<4x5x40xi32, #tpu.memory_space<vmem>> -> memref<1x1x40xi32, #tpu.memory_space<vmem>>
        %dma_start3A_1565 = tpu.memref_squeeze %dma_start3A_1564 : memref<1x1x40xi32, #tpu.memory_space<vmem>> -> memref<40xi32, #tpu.memory_space<vmem>>
        %dma_start3A_1566 = tpu.memref_slice %arg3[%add3A_1560] : memref<320008xi32, #tpu.memory_space<hbm>> -> memref<40xi32, #tpu.memory_space<hbm>>
        %dma_start3A_1567 = arith.constant 0 : i32
        %dma_start3A_1568 = tpu.memref_slice %arg8[%dma_start3A_1561, %dma_start3A_1562, %dma_start3A_1567] : memref<4x5x40xi32, #tpu.memory_space<vmem>> -> memref<1x1x40xi32, #tpu.memory_space<vmem>>
        %dma_start3A_1569 = tpu.memref_squeeze %dma_start3A_1568 : memref<1x1x40xi32, #tpu.memory_space<vmem>> -> memref<40xi32, #tpu.memory_space<vmem>>
        %dma_start3A_1570 = tpu.memref_slice %arg3[%add3A_1560] : memref<320008xi32, #tpu.memory_space<hbm>> -> memref<40xi32, #tpu.memory_space<hbm>>
        tpu.enqueue_dma source(%dma_start3A_1570 : memref<40xi32, #tpu.memory_space<hbm>>) target(%dma_start3A_1569 : memref<40xi32, #tpu.memory_space<vmem>>) target_semaphore(%arg21 : memref<!tpu.dma_semaphore, #tpu.memory_space<semaphore_mem>>)
        %add3A_1571 = arith.constant 40 : i32
        %add3A_1572 = arith.addi %add3A_1545, %add3A_1571 : i32
        %dma_start3A_1573 = arith.constant 2 : i32
        %dma_start3A_1574 = arith.constant 1 : i32
        %dma_start3A_1575 = arith.constant 0 : i32
        %dma_start3A_1576 = tpu.memref_slice %arg8[%dma_start3A_1573, %dma_start3A_1574, %dma_start3A_1575] : memref<4x5x40xi32, #tpu.memory_space<vmem>> -> memref<1x1x40xi32, #tpu.memory_space<vmem>>
        %dma_start3A_1577 = tpu.memref_squeeze %dma_start3A_1576 : memref<1x1x40xi32, #tpu.memory_space<vmem>> -> memref<40xi32, #tpu.memory_space<vmem>>
        %dma_start3A_1578 = tpu.memref_slice %arg3[%add3A_1572] : memref<320008xi32, #tpu.memory_space<hbm>> -> memref<40xi32, #tpu.memory_space<hbm>>
        %dma_start3A_1579 = arith.constant 0 : i32
        %dma_start3A_1580 = tpu.memref_slice %arg8[%dma_start3A_1573, %dma_start3A_1574, %dma_start3A_1579] : memref<4x5x40xi32, #tpu.memory_space<vmem>> -> memref<1x1x40xi32, #tpu.memory_space<vmem>>
        %dma_start3A_1581 = tpu.memref_squeeze %dma_start3A_1580 : memref<1x1x40xi32, #tpu.memory_space<vmem>> -> memref<40xi32, #tpu.memory_space<vmem>>
        %dma_start3A_1582 = tpu.memref_slice %arg3[%add3A_1572] : memref<320008xi32, #tpu.memory_space<hbm>> -> memref<40xi32, #tpu.memory_space<hbm>>
        tpu.enqueue_dma source(%dma_start3A_1582 : memref<40xi32, #tpu.memory_space<hbm>>) target(%dma_start3A_1581 : memref<40xi32, #tpu.memory_space<vmem>>) target_semaphore(%arg21 : memref<!tpu.dma_semaphore, #tpu.memory_space<semaphore_mem>>)
        %add3A_1583 = arith.constant 80 : i32
        %add3A_1584 = arith.addi %add3A_1545, %add3A_1583 : i32
        %dma_start3A_1585 = arith.constant 2 : i32
        %dma_start3A_1586 = arith.constant 2 : i32
        %dma_start3A_1587 = arith.constant 0 : i32
        %dma_start3A_1588 = tpu.memref_slice %arg8[%dma_start3A_1585, %dma_start3A_1586, %dma_start3A_1587] : memref<4x5x40xi32, #tpu.memory_space<vmem>> -> memref<1x1x40xi32, #tpu.memory_space<vmem>>
        %dma_start3A_1589 = tpu.memref_squeeze %dma_start3A_1588 : memref<1x1x40xi32, #tpu.memory_space<vmem>> -> memref<40xi32, #tpu.memory_space<vmem>>
        %dma_start3A_1590 = tpu.memref_slice %arg3[%add3A_1584] : memref<320008xi32, #tpu.memory_space<hbm>> -> memref<40xi32, #tpu.memory_space<hbm>>
        %dma_start3A_1591 = arith.constant 0 : i32
        %dma_start3A_1592 = tpu.memref_slice %arg8[%dma_start3A_1585, %dma_start3A_1586, %dma_start3A_1591] : memref<4x5x40xi32, #tpu.memory_space<vmem>> -> memref<1x1x40xi32, #tpu.memory_space<vmem>>
        %dma_start3A_1593 = tpu.memref_squeeze %dma_start3A_1592 : memref<1x1x40xi32, #tpu.memory_space<vmem>> -> memref<40xi32, #tpu.memory_space<vmem>>
        %dma_start3A_1594 = tpu.memref_slice %arg3[%add3A_1584] : memref<320008xi32, #tpu.memory_space<hbm>> -> memref<40xi32, #tpu.memory_space<hbm>>
        tpu.enqueue_dma source(%dma_start3A_1594 : memref<40xi32, #tpu.memory_space<hbm>>) target(%dma_start3A_1593 : memref<40xi32, #tpu.memory_space<vmem>>) target_semaphore(%arg21 : memref<!tpu.dma_semaphore, #tpu.memory_space<semaphore_mem>>)
        %add3A_1595 = arith.constant 120 : i32
        %add3A_1596 = arith.addi %add3A_1545, %add3A_1595 : i32
        %dma_start3A_1597 = arith.constant 2 : i32
        %dma_start3A_1598 = arith.constant 3 : i32
        %dma_start3A_1599 = arith.constant 0 : i32
        %dma_start3A_1600 = tpu.memref_slice %arg8[%dma_start3A_1597, %dma_start3A_1598, %dma_start3A_1599] : memref<4x5x40xi32, #tpu.memory_space<vmem>> -> memref<1x1x40xi32, #tpu.memory_space<vmem>>
        %dma_start3A_1601 = tpu.memref_squeeze %dma_start3A_1600 : memref<1x1x40xi32, #tpu.memory_space<vmem>> -> memref<40xi32, #tpu.memory_space<vmem>>
        %dma_start3A_1602 = tpu.memref_slice %arg3[%add3A_1596] : memref<320008xi32, #tpu.memory_space<hbm>> -> memref<40xi32, #tpu.memory_space<hbm>>
        %dma_start3A_1603 = arith.constant 0 : i32
        %dma_start3A_1604 = tpu.memref_slice %arg8[%dma_start3A_1597, %dma_start3A_1598, %dma_start3A_1603] : memref<4x5x40xi32, #tpu.memory_space<vmem>> -> memref<1x1x40xi32, #tpu.memory_space<vmem>>
        %dma_start3A_1605 = tpu.memref_squeeze %dma_start3A_1604 : memref<1x1x40xi32, #tpu.memory_space<vmem>> -> memref<40xi32, #tpu.memory_space<vmem>>
        %dma_start3A_1606 = tpu.memref_slice %arg3[%add3A_1596] : memref<320008xi32, #tpu.memory_space<hbm>> -> memref<40xi32, #tpu.memory_space<hbm>>
        tpu.enqueue_dma source(%dma_start3A_1606 : memref<40xi32, #tpu.memory_space<hbm>>) target(%dma_start3A_1605 : memref<40xi32, #tpu.memory_space<vmem>>) target_semaphore(%arg21 : memref<!tpu.dma_semaphore, #tpu.memory_space<semaphore_mem>>)
        %add3A_1607 = arith.constant 160 : i32
        %add3A_1608 = arith.addi %add3A_1545, %add3A_1607 : i32
        %dma_start3A_1609 = arith.constant 2 : i32
        %dma_start3A_1610 = arith.constant 4 : i32
        %dma_start3A_1611 = arith.constant 0 : i32
        %dma_start3A_1612 = tpu.memref_slice %arg8[%dma_start3A_1609, %dma_start3A_1610, %dma_start3A_1611] : memref<4x5x40xi32, #tpu.memory_space<vmem>> -> memref<1x1x40xi32, #tpu.memory_space<vmem>>
        %dma_start3A_1613 = tpu.memref_squeeze %dma_start3A_1612 : memref<1x1x40xi32, #tpu.memory_space<vmem>> -> memref<40xi32, #tpu.memory_space<vmem>>
        %dma_start3A_1614 = tpu.memref_slice %arg3[%add3A_1608] : memref<320008xi32, #tpu.memory_space<hbm>> -> memref<40xi32, #tpu.memory_space<hbm>>
        %dma_start3A_1615 = arith.constant 0 : i32
        %dma_start3A_1616 = tpu.memref_slice %arg8[%dma_start3A_1609, %dma_start3A_1610, %dma_start3A_1615] : memref<4x5x40xi32, #tpu.memory_space<vmem>> -> memref<1x1x40xi32, #tpu.memory_space<vmem>>
        %dma_start3A_1617 = tpu.memref_squeeze %dma_start3A_1616 : memref<1x1x40xi32, #tpu.memory_space<vmem>> -> memref<40xi32, #tpu.memory_space<vmem>>
        %dma_start3A_1618 = tpu.memref_slice %arg3[%add3A_1608] : memref<320008xi32, #tpu.memory_space<hbm>> -> memref<40xi32, #tpu.memory_space<hbm>>
        tpu.enqueue_dma source(%dma_start3A_1618 : memref<40xi32, #tpu.memory_space<hbm>>) target(%dma_start3A_1617 : memref<40xi32, #tpu.memory_space<vmem>>) target_semaphore(%arg21 : memref<!tpu.dma_semaphore, #tpu.memory_space<semaphore_mem>>)
        %dma_start3A_1619 = tpu.memref_slice %arg3[%add3A_1545] : memref<320008xi32, #tpu.memory_space<hbm>> -> memref<208xi32, #tpu.memory_space<hbm>>
        %dma_start3A_1620 = tpu.memref_slice %arg3[%add3A_1545] : memref<320008xi32, #tpu.memory_space<hbm>> -> memref<208xi32, #tpu.memory_space<hbm>>
        tpu.enqueue_dma source(%dma_start3A_1620 : memref<208xi32, #tpu.memory_space<hbm>>) target(%arg11 : memref<208xi32, #tpu.memory_space<vmem>>) target_semaphore(%arg21 : memref<!tpu.dma_semaphore, #tpu.memory_space<semaphore_mem>>)
      } else {
      }
      %dma_start3A_1448 = arith.constant 3 : i32
      %dma_start3A_1449 = arith.constant 3 : i32
      %dma_start3A_1450 = arith.constant 0 : i32
      %dma_start3A_1451 = arith.constant 0 : i32
      %dma_start3A_1452 = arith.constant 0 : i32
      %dma_start3A_1453 = tpu.memref_slice %arg7[%dma_start3A_1448, %dma_start3A_1451, %dma_start3A_1452] : memref<4x200x128xf32, #tpu.memory_space<vmem>> -> memref<1x40x128xf32, #tpu.memory_space<vmem>>
      %dma_start3A_1454 = tpu.memref_squeeze %dma_start3A_1453 : memref<1x40x128xf32, #tpu.memory_space<vmem>> -> memref<40x128xf32, #tpu.memory_space<vmem>>
      %dma_start3A_1455 = arith.constant 0 : i32
      %dma_start3A_1456 = tpu.memref_slice %arg8[%dma_start3A_1449, %dma_start3A_1450, %dma_start3A_1455] : memref<4x5x40xi32, #tpu.memory_space<vmem>> -> memref<1x1x40xi32, #tpu.memory_space<vmem>>
      %dma_start3A_1457 = tpu.memref_squeeze %dma_start3A_1456 : memref<1x1x40xi32, #tpu.memory_space<vmem>> -> memref<40xi32, #tpu.memory_space<vmem>>
      %dma_start3A_1458 = arith.constant 0 : i32
      %dma_start3A_1459 = arith.constant 0 : i32
      %dma_start3A_1460 = tpu.memref_slice %arg14[%dma_start3A_1458, %dma_start3A_1459] : memref<1024x128xf32, #tpu.memory_space<vmem_shared>> -> memref<1024x128xf32, #tpu.memory_space<vmem_shared>>
      tpu.enqueue_indirect_dma source(%dma_start3A_1454 : memref<40x128xf32, #tpu.memory_space<vmem>>) target(%dma_start3A_1460 : memref<1024x128xf32, #tpu.memory_space<vmem_shared>>) offsets(%dma_start3A_1457 : memref<40xi32, #tpu.memory_space<vmem>>) semaphore(%arg26 : memref<!tpu.dma_semaphore, #tpu.memory_space<semaphore_mem>>) {add = true}
      %dma_start3A_1461 = arith.constant 3 : i32
      %dma_start3A_1462 = arith.constant 3 : i32
      %dma_start3A_1463 = arith.constant 1 : i32
      %dma_start3A_1464 = arith.constant 40 : i32
      %dma_start3A_1465 = arith.constant 0 : i32
      %dma_start3A_1466 = tpu.memref_slice %arg7[%dma_start3A_1461, %dma_start3A_1464, %dma_start3A_1465] : memref<4x200x128xf32, #tpu.memory_space<vmem>> -> memref<1x40x128xf32, #tpu.memory_space<vmem>>
      %dma_start3A_1467 = tpu.memref_squeeze %dma_start3A_1466 : memref<1x40x128xf32, #tpu.memory_space<vmem>> -> memref<40x128xf32, #tpu.memory_space<vmem>>
      %dma_start3A_1468 = arith.constant 0 : i32
      %dma_start3A_1469 = tpu.memref_slice %arg8[%dma_start3A_1462, %dma_start3A_1463, %dma_start3A_1468] : memref<4x5x40xi32, #tpu.memory_space<vmem>> -> memref<1x1x40xi32, #tpu.memory_space<vmem>>
      %dma_start3A_1470 = tpu.memref_squeeze %dma_start3A_1469 : memref<1x1x40xi32, #tpu.memory_space<vmem>> -> memref<40xi32, #tpu.memory_space<vmem>>
      %dma_start3A_1471 = arith.constant 0 : i32
      %dma_start3A_1472 = arith.constant 0 : i32
      %dma_start3A_1473 = tpu.memref_slice %arg14[%dma_start3A_1471, %dma_start3A_1472] : memref<1024x128xf32, #tpu.memory_space<vmem_shared>> -> memref<1024x128xf32, #tpu.memory_space<vmem_shared>>
      tpu.enqueue_indirect_dma source(%dma_start3A_1467 : memref<40x128xf32, #tpu.memory_space<vmem>>) target(%dma_start3A_1473 : memref<1024x128xf32, #tpu.memory_space<vmem_shared>>) offsets(%dma_start3A_1470 : memref<40xi32, #tpu.memory_space<vmem>>) semaphore(%arg26 : memref<!tpu.dma_semaphore, #tpu.memory_space<semaphore_mem>>) {add = true}
      %dma_start3A_1474 = arith.constant 3 : i32
      %dma_start3A_1475 = arith.constant 3 : i32
      %dma_start3A_1476 = arith.constant 2 : i32
      %dma_start3A_1477 = arith.constant 80 : i32
      %dma_start3A_1478 = arith.constant 0 : i32
      %dma_start3A_1479 = tpu.memref_slice %arg7[%dma_start3A_1474, %dma_start3A_1477, %dma_start3A_1478] : memref<4x200x128xf32, #tpu.memory_space<vmem>> -> memref<1x40x128xf32, #tpu.memory_space<vmem>>
      %dma_start3A_1480 = tpu.memref_squeeze %dma_start3A_1479 : memref<1x40x128xf32, #tpu.memory_space<vmem>> -> memref<40x128xf32, #tpu.memory_space<vmem>>
      %dma_start3A_1481 = arith.constant 0 : i32
      %dma_start3A_1482 = tpu.memref_slice %arg8[%dma_start3A_1475, %dma_start3A_1476, %dma_start3A_1481] : memref<4x5x40xi32, #tpu.memory_space<vmem>> -> memref<1x1x40xi32, #tpu.memory_space<vmem>>
      %dma_start3A_1483 = tpu.memref_squeeze %dma_start3A_1482 : memref<1x1x40xi32, #tpu.memory_space<vmem>> -> memref<40xi32, #tpu.memory_space<vmem>>
      %dma_start3A_1484 = arith.constant 0 : i32
      %dma_start3A_1485 = arith.constant 0 : i32
      %dma_start3A_1486 = tpu.memref_slice %arg14[%dma_start3A_1484, %dma_start3A_1485] : memref<1024x128xf32, #tpu.memory_space<vmem_shared>> -> memref<1024x128xf32, #tpu.memory_space<vmem_shared>>
      tpu.enqueue_indirect_dma source(%dma_start3A_1480 : memref<40x128xf32, #tpu.memory_space<vmem>>) target(%dma_start3A_1486 : memref<1024x128xf32, #tpu.memory_space<vmem_shared>>) offsets(%dma_start3A_1483 : memref<40xi32, #tpu.memory_space<vmem>>) semaphore(%arg26 : memref<!tpu.dma_semaphore, #tpu.memory_space<semaphore_mem>>) {add = true}
      %dma_start3A_1487 = arith.constant 3 : i32
      %dma_start3A_1488 = arith.constant 3 : i32
      %dma_start3A_1489 = arith.constant 3 : i32
      %dma_start3A_1490 = arith.constant 120 : i32
      %dma_start3A_1491 = arith.constant 0 : i32
      %dma_start3A_1492 = tpu.memref_slice %arg7[%dma_start3A_1487, %dma_start3A_1490, %dma_start3A_1491] : memref<4x200x128xf32, #tpu.memory_space<vmem>> -> memref<1x40x128xf32, #tpu.memory_space<vmem>>
      %dma_start3A_1493 = tpu.memref_squeeze %dma_start3A_1492 : memref<1x40x128xf32, #tpu.memory_space<vmem>> -> memref<40x128xf32, #tpu.memory_space<vmem>>
      %dma_start3A_1494 = arith.constant 0 : i32
      %dma_start3A_1495 = tpu.memref_slice %arg8[%dma_start3A_1488, %dma_start3A_1489, %dma_start3A_1494] : memref<4x5x40xi32, #tpu.memory_space<vmem>> -> memref<1x1x40xi32, #tpu.memory_space<vmem>>
      %dma_start3A_1496 = tpu.memref_squeeze %dma_start3A_1495 : memref<1x1x40xi32, #tpu.memory_space<vmem>> -> memref<40xi32, #tpu.memory_space<vmem>>
      %dma_start3A_1497 = arith.constant 0 : i32
      %dma_start3A_1498 = arith.constant 0 : i32
      %dma_start3A_1499 = tpu.memref_slice %arg14[%dma_start3A_1497, %dma_start3A_1498] : memref<1024x128xf32, #tpu.memory_space<vmem_shared>> -> memref<1024x128xf32, #tpu.memory_space<vmem_shared>>
      tpu.enqueue_indirect_dma source(%dma_start3A_1493 : memref<40x128xf32, #tpu.memory_space<vmem>>) target(%dma_start3A_1499 : memref<1024x128xf32, #tpu.memory_space<vmem_shared>>) offsets(%dma_start3A_1496 : memref<40xi32, #tpu.memory_space<vmem>>) semaphore(%arg26 : memref<!tpu.dma_semaphore, #tpu.memory_space<semaphore_mem>>) {add = true}
      %dma_start3A_1500 = arith.constant 3 : i32
      %dma_start3A_1501 = arith.constant 3 : i32
      %dma_start3A_1502 = arith.constant 4 : i32
      %dma_start3A_1503 = arith.constant 160 : i32
      %dma_start3A_1504 = arith.constant 0 : i32
      %dma_start3A_1505 = tpu.memref_slice %arg7[%dma_start3A_1500, %dma_start3A_1503, %dma_start3A_1504] : memref<4x200x128xf32, #tpu.memory_space<vmem>> -> memref<1x40x128xf32, #tpu.memory_space<vmem>>
      %dma_start3A_1506 = tpu.memref_squeeze %dma_start3A_1505 : memref<1x40x128xf32, #tpu.memory_space<vmem>> -> memref<40x128xf32, #tpu.memory_space<vmem>>
      %dma_start3A_1507 = arith.constant 0 : i32
      %dma_start3A_1508 = tpu.memref_slice %arg8[%dma_start3A_1501, %dma_start3A_1502, %dma_start3A_1507] : memref<4x5x40xi32, #tpu.memory_space<vmem>> -> memref<1x1x40xi32, #tpu.memory_space<vmem>>
      %dma_start3A_1509 = tpu.memref_squeeze %dma_start3A_1508 : memref<1x1x40xi32, #tpu.memory_space<vmem>> -> memref<40xi32, #tpu.memory_space<vmem>>
      %dma_start3A_1510 = arith.constant 0 : i32
      %dma_start3A_1511 = arith.constant 0 : i32
      %dma_start3A_1512 = tpu.memref_slice %arg14[%dma_start3A_1510, %dma_start3A_1511] : memref<1024x128xf32, #tpu.memory_space<vmem_shared>> -> memref<1024x128xf32, #tpu.memory_space<vmem_shared>>
      tpu.enqueue_indirect_dma source(%dma_start3A_1506 : memref<40x128xf32, #tpu.memory_space<vmem>>) target(%dma_start3A_1512 : memref<1024x128xf32, #tpu.memory_space<vmem_shared>>) offsets(%dma_start3A_1509 : memref<40xi32, #tpu.memory_space<vmem>>) semaphore(%arg26 : memref<!tpu.dma_semaphore, #tpu.memory_space<semaphore_mem>>) {add = true}
      %get3A_1513 = arith.constant 0 : index
      %get3A_1514 = tpu.vector_load %arg12[%get3A_1513] {strides = array<i32>} : memref<208xi32, #tpu.memory_space<vmem>>, vector<16xi32>,
      tpu.vector_store_idx %arg13[%get3A_1514], %broadcast_in_dim3A_10 {add = true} : memref<1024xf32, #tpu.memory_space<vmem>>[vector<16xi32>], vector<16xf32>,
      %get3A_1515 = arith.constant 16 : index
      %get3A_1516 = tpu.vector_load %arg12[%get3A_1515] {strides = array<i32>} : memref<208xi32, #tpu.memory_space<vmem>>, vector<16xi32>,
      tpu.vector_store_idx %arg13[%get3A_1516], %broadcast_in_dim3A_10 {add = true} : memref<1024xf32, #tpu.memory_space<vmem>>[vector<16xi32>], vector<16xf32>,
      %get3A_1517 = arith.constant 32 : index
      %get3A_1518 = tpu.vector_load %arg12[%get3A_1517] {strides = array<i32>} : memref<208xi32, #tpu.memory_space<vmem>>, vector<16xi32>,
      tpu.vector_store_idx %arg13[%get3A_1518], %broadcast_in_dim3A_10 {add = true} : memref<1024xf32, #tpu.memory_space<vmem>>[vector<16xi32>], vector<16xf32>,
      %get3A_1519 = arith.constant 48 : index
      %get3A_1520 = tpu.vector_load %arg12[%get3A_1519] {strides = array<i32>} : memref<208xi32, #tpu.memory_space<vmem>>, vector<16xi32>,
      tpu.vector_store_idx %arg13[%get3A_1520], %broadcast_in_dim3A_10 {add = true} : memref<1024xf32, #tpu.memory_space<vmem>>[vector<16xi32>], vector<16xf32>,
      %get3A_1521 = arith.constant 64 : index
      %get3A_1522 = tpu.vector_load %arg12[%get3A_1521] {strides = array<i32>} : memref<208xi32, #tpu.memory_space<vmem>>, vector<16xi32>,
      tpu.vector_store_idx %arg13[%get3A_1522], %broadcast_in_dim3A_10 {add = true} : memref<1024xf32, #tpu.memory_space<vmem>>[vector<16xi32>], vector<16xf32>,
      %get3A_1523 = arith.constant 80 : index
      %get3A_1524 = tpu.vector_load %arg12[%get3A_1523] {strides = array<i32>} : memref<208xi32, #tpu.memory_space<vmem>>, vector<16xi32>,
      tpu.vector_store_idx %arg13[%get3A_1524], %broadcast_in_dim3A_10 {add = true} : memref<1024xf32, #tpu.memory_space<vmem>>[vector<16xi32>], vector<16xf32>,
      %get3A_1525 = arith.constant 96 : index
      %get3A_1526 = tpu.vector_load %arg12[%get3A_1525] {strides = array<i32>} : memref<208xi32, #tpu.memory_space<vmem>>, vector<16xi32>,
      tpu.vector_store_idx %arg13[%get3A_1526], %broadcast_in_dim3A_10 {add = true} : memref<1024xf32, #tpu.memory_space<vmem>>[vector<16xi32>], vector<16xf32>,
      %get3A_1527 = arith.constant 112 : index
      %get3A_1528 = tpu.vector_load %arg12[%get3A_1527] {strides = array<i32>} : memref<208xi32, #tpu.memory_space<vmem>>, vector<16xi32>,
      tpu.vector_store_idx %arg13[%get3A_1528], %broadcast_in_dim3A_10 {add = true} : memref<1024xf32, #tpu.memory_space<vmem>>[vector<16xi32>], vector<16xf32>,
      %get3A_1529 = arith.constant 128 : index
      %get3A_1530 = tpu.vector_load %arg12[%get3A_1529] {strides = array<i32>} : memref<208xi32, #tpu.memory_space<vmem>>, vector<16xi32>,
      tpu.vector_store_idx %arg13[%get3A_1530], %broadcast_in_dim3A_10 {add = true} : memref<1024xf32, #tpu.memory_space<vmem>>[vector<16xi32>], vector<16xf32>,
      %get3A_1531 = arith.constant 144 : index
      %get3A_1532 = tpu.vector_load %arg12[%get3A_1531] {strides = array<i32>} : memref<208xi32, #tpu.memory_space<vmem>>, vector<16xi32>,
      tpu.vector_store_idx %arg13[%get3A_1532], %broadcast_in_dim3A_10 {add = true} : memref<1024xf32, #tpu.memory_space<vmem>>[vector<16xi32>], vector<16xf32>,
      %get3A_1533 = arith.constant 160 : index
      %get3A_1534 = tpu.vector_load %arg12[%get3A_1533] {strides = array<i32>} : memref<208xi32, #tpu.memory_space<vmem>>, vector<16xi32>,
      tpu.vector_store_idx %arg13[%get3A_1534], %broadcast_in_dim3A_10 {add = true} : memref<1024xf32, #tpu.memory_space<vmem>>[vector<16xi32>], vector<16xf32>,
      %get3A_1535 = arith.constant 176 : index
      %get3A_1536 = tpu.vector_load %arg12[%get3A_1535] {strides = array<i32>} : memref<208xi32, #tpu.memory_space<vmem>>, vector<16xi32>,
      tpu.vector_store_idx %arg13[%get3A_1536], %broadcast_in_dim3A_10 {add = true} : memref<1024xf32, #tpu.memory_space<vmem>>[vector<16xi32>], vector<16xf32>,
      %get3A_1537 = arith.constant 192 : index
      %get3A_1538 = tpu.vector_load %arg12[%get3A_1537] {strides = array<i32>} : memref<208xi32, #tpu.memory_space<vmem>>, vector<16xi32>,
      tpu.vector_store_idx %arg13[%get3A_1538], %broadcast_in_dim3A_10 masked %lt3A_12 {add = true} : memref<1024xf32, #tpu.memory_space<vmem>>[vector<16xi32>], vector<16xf32>, vector<16xi1>
    }
    %scan3A_248 = arith.constant 12 : i32
    %dma_wait3A = arith.constant 0 : i32
    %dma_wait3A_249 = arith.constant 0 : i32
    %dma_wait3A_250 = arith.constant 0 : i32
    %dma_wait3A_251 = tpu.memref_slice %arg7[%dma_wait3A, %dma_wait3A_249, %dma_wait3A_250] : memref<4x200x128xf32, #tpu.memory_space<vmem>> -> memref<1x200x128xf32, #tpu.memory_space<vmem>>
    %dma_wait3A_252 = tpu.memref_squeeze %dma_wait3A_251 : memref<1x200x128xf32, #tpu.memory_space<vmem>> -> memref<200x128xf32, #tpu.memory_space<vmem>>
    %dma_wait3A_253 = arith.constant 0 : i32
    %dma_wait3A_254 = arith.constant 0 : i32
    %dma_wait3A_255 = tpu.memref_slice %arg2[%dma_wait3A_253, %dma_wait3A_254] : memref<320000x128xf32, #tpu.memory_space<hbm>> -> memref<200x128xf32, #tpu.memory_space<hbm>>
    %dma_wait3A_256 = arith.constant 0 : i32
    %dma_wait3A_257 = arith.constant 0 : i32
    %dma_wait3A_258 = tpu.memref_slice %arg7[%dma_wait3A, %dma_wait3A_256, %dma_wait3A_257] : memref<4x200x128xf32, #tpu.memory_space<vmem>> -> memref<1x200x128xf32, #tpu.memory_space<vmem>>
    %dma_wait3A_259 = tpu.memref_squeeze %dma_wait3A_258 : memref<1x200x128xf32, #tpu.memory_space<vmem>> -> memref<200x128xf32, #tpu.memory_space<vmem>>
    %dma_wait3A_260 = arith.constant 0 : i32
    %dma_wait3A_261 = arith.constant 0 : i32
    %dma_wait3A_262 = tpu.memref_slice %arg2[%dma_wait3A_260, %dma_wait3A_261] : memref<320000x128xf32, #tpu.memory_space<hbm>> -> memref<200x128xf32, #tpu.memory_space<hbm>>
    tpu.wait_dma2 semaphore(%arg15 : memref<!tpu.dma_semaphore, #tpu.memory_space<semaphore_mem>>) src(%dma_wait3A_262 : memref<200x128xf32, #tpu.memory_space<hbm>>) dst(%dma_wait3A_259 : memref<200x128xf32, #tpu.memory_space<vmem>>)
    %dma_wait3A_263 = arith.constant 0 : i32
    %dma_wait3A_264 = arith.constant 0 : i32
    %dma_wait3A_265 = arith.constant 0 : i32
    %dma_wait3A_266 = tpu.memref_slice %arg8[%dma_wait3A_263, %dma_wait3A_264, %dma_wait3A_265] : memref<4x5x40xi32, #tpu.memory_space<vmem>> -> memref<1x1x40xi32, #tpu.memory_space<vmem>>
    %dma_wait3A_267 = tpu.memref_squeeze %dma_wait3A_266 : memref<1x1x40xi32, #tpu.memory_space<vmem>> -> memref<40xi32, #tpu.memory_space<vmem>>
    %dma_wait3A_268 = arith.constant 0 : i32
    %dma_wait3A_269 = tpu.memref_slice %arg3[%dma_wait3A_268] : memref<320008xi32, #tpu.memory_space<hbm>> -> memref<40xi32, #tpu.memory_space<hbm>>
    %dma_wait3A_270 = arith.constant 0 : i32
    %dma_wait3A_271 = tpu.memref_slice %arg8[%dma_wait3A_263, %dma_wait3A_264, %dma_wait3A_270] : memref<4x5x40xi32, #tpu.memory_space<vmem>> -> memref<1x1x40xi32, #tpu.memory_space<vmem>>
    %dma_wait3A_272 = tpu.memref_squeeze %dma_wait3A_271 : memref<1x1x40xi32, #tpu.memory_space<vmem>> -> memref<40xi32, #tpu.memory_space<vmem>>
    %dma_wait3A_273 = arith.constant 0 : i32
    %dma_wait3A_274 = tpu.memref_slice %arg3[%dma_wait3A_273] : memref<320008xi32, #tpu.memory_space<hbm>> -> memref<40xi32, #tpu.memory_space<hbm>>
    tpu.wait_dma2 semaphore(%arg19 : memref<!tpu.dma_semaphore, #tpu.memory_space<semaphore_mem>>) src(%dma_wait3A_274 : memref<40xi32, #tpu.memory_space<hbm>>) dst(%dma_wait3A_272 : memref<40xi32, #tpu.memory_space<vmem>>)
    %dma_wait3A_275 = arith.constant 0 : i32
    %dma_wait3A_276 = arith.constant 1 : i32
    %dma_wait3A_277 = arith.constant 0 : i32
    %dma_wait3A_278 = tpu.memref_slice %arg8[%dma_wait3A_275, %dma_wait3A_276, %dma_wait3A_277] : memref<4x5x40xi32, #tpu.memory_space<vmem>> -> memref<1x1x40xi32, #tpu.memory_space<vmem>>
    %dma_wait3A_279 = tpu.memref_squeeze %dma_wait3A_278 : memref<1x1x40xi32, #tpu.memory_space<vmem>> -> memref<40xi32, #tpu.memory_space<vmem>>
    %dma_wait3A_280 = arith.constant 0 : i32
    %dma_wait3A_281 = tpu.memref_slice %arg3[%dma_wait3A_280] : memref<320008xi32, #tpu.memory_space<hbm>> -> memref<40xi32, #tpu.memory_space<hbm>>
    %dma_wait3A_282 = arith.constant 0 : i32
    %dma_wait3A_283 = tpu.memref_slice %arg8[%dma_wait3A_275, %dma_wait3A_276, %dma_wait3A_282] : memref<4x5x40xi32, #tpu.memory_space<vmem>> -> memref<1x1x40xi32, #tpu.memory_space<vmem>>
    %dma_wait3A_284 = tpu.memref_squeeze %dma_wait3A_283 : memref<1x1x40xi32, #tpu.memory_space<vmem>> -> memref<40xi32, #tpu.memory_space<vmem>>
    %dma_wait3A_285 = arith.constant 0 : i32
    %dma_wait3A_286 = tpu.memref_slice %arg3[%dma_wait3A_285] : memref<320008xi32, #tpu.memory_space<hbm>> -> memref<40xi32, #tpu.memory_space<hbm>>
    tpu.wait_dma2 semaphore(%arg19 : memref<!tpu.dma_semaphore, #tpu.memory_space<semaphore_mem>>) src(%dma_wait3A_286 : memref<40xi32, #tpu.memory_space<hbm>>) dst(%dma_wait3A_284 : memref<40xi32, #tpu.memory_space<vmem>>)
    %dma_wait3A_287 = arith.constant 0 : i32
    %dma_wait3A_288 = arith.constant 2 : i32
    %dma_wait3A_289 = arith.constant 0 : i32
    %dma_wait3A_290 = tpu.memref_slice %arg8[%dma_wait3A_287, %dma_wait3A_288, %dma_wait3A_289] : memref<4x5x40xi32, #tpu.memory_space<vmem>> -> memref<1x1x40xi32, #tpu.memory_space<vmem>>
    %dma_wait3A_291 = tpu.memref_squeeze %dma_wait3A_290 : memref<1x1x40xi32, #tpu.memory_space<vmem>> -> memref<40xi32, #tpu.memory_space<vmem>>
    %dma_wait3A_292 = arith.constant 0 : i32
    %dma_wait3A_293 = tpu.memref_slice %arg3[%dma_wait3A_292] : memref<320008xi32, #tpu.memory_space<hbm>> -> memref<40xi32, #tpu.memory_space<hbm>>
    %dma_wait3A_294 = arith.constant 0 : i32
    %dma_wait3A_295 = tpu.memref_slice %arg8[%dma_wait3A_287, %dma_wait3A_288, %dma_wait3A_294] : memref<4x5x40xi32, #tpu.memory_space<vmem>> -> memref<1x1x40xi32, #tpu.memory_space<vmem>>
    %dma_wait3A_296 = tpu.memref_squeeze %dma_wait3A_295 : memref<1x1x40xi32, #tpu.memory_space<vmem>> -> memref<40xi32, #tpu.memory_space<vmem>>
    %dma_wait3A_297 = arith.constant 0 : i32
    %dma_wait3A_298 = tpu.memref_slice %arg3[%dma_wait3A_297] : memref<320008xi32, #tpu.memory_space<hbm>> -> memref<40xi32, #tpu.memory_space<hbm>>
    tpu.wait_dma2 semaphore(%arg19 : memref<!tpu.dma_semaphore, #tpu.memory_space<semaphore_mem>>) src(%dma_wait3A_298 : memref<40xi32, #tpu.memory_space<hbm>>) dst(%dma_wait3A_296 : memref<40xi32, #tpu.memory_space<vmem>>)
    %dma_wait3A_299 = arith.constant 0 : i32
    %dma_wait3A_300 = arith.constant 3 : i32
    %dma_wait3A_301 = arith.constant 0 : i32
    %dma_wait3A_302 = tpu.memref_slice %arg8[%dma_wait3A_299, %dma_wait3A_300, %dma_wait3A_301] : memref<4x5x40xi32, #tpu.memory_space<vmem>> -> memref<1x1x40xi32, #tpu.memory_space<vmem>>
    %dma_wait3A_303 = tpu.memref_squeeze %dma_wait3A_302 : memref<1x1x40xi32, #tpu.memory_space<vmem>> -> memref<40xi32, #tpu.memory_space<vmem>>
    %dma_wait3A_304 = arith.constant 0 : i32
    %dma_wait3A_305 = tpu.memref_slice %arg3[%dma_wait3A_304] : memref<320008xi32, #tpu.memory_space<hbm>> -> memref<40xi32, #tpu.memory_space<hbm>>
    %dma_wait3A_306 = arith.constant 0 : i32
    %dma_wait3A_307 = tpu.memref_slice %arg8[%dma_wait3A_299, %dma_wait3A_300, %dma_wait3A_306] : memref<4x5x40xi32, #tpu.memory_space<vmem>> -> memref<1x1x40xi32, #tpu.memory_space<vmem>>
    %dma_wait3A_308 = tpu.memref_squeeze %dma_wait3A_307 : memref<1x1x40xi32, #tpu.memory_space<vmem>> -> memref<40xi32, #tpu.memory_space<vmem>>
    %dma_wait3A_309 = arith.constant 0 : i32
    %dma_wait3A_310 = tpu.memref_slice %arg3[%dma_wait3A_309] : memref<320008xi32, #tpu.memory_space<hbm>> -> memref<40xi32, #tpu.memory_space<hbm>>
    tpu.wait_dma2 semaphore(%arg19 : memref<!tpu.dma_semaphore, #tpu.memory_space<semaphore_mem>>) src(%dma_wait3A_310 : memref<40xi32, #tpu.memory_space<hbm>>) dst(%dma_wait3A_308 : memref<40xi32, #tpu.memory_space<vmem>>)
    %dma_wait3A_311 = arith.constant 0 : i32
    %dma_wait3A_312 = arith.constant 4 : i32
    %dma_wait3A_313 = arith.constant 0 : i32
    %dma_wait3A_314 = tpu.memref_slice %arg8[%dma_wait3A_311, %dma_wait3A_312, %dma_wait3A_313] : memref<4x5x40xi32, #tpu.memory_space<vmem>> -> memref<1x1x40xi32, #tpu.memory_space<vmem>>
    %dma_wait3A_315 = tpu.memref_squeeze %dma_wait3A_314 : memref<1x1x40xi32, #tpu.memory_space<vmem>> -> memref<40xi32, #tpu.memory_space<vmem>>
    %dma_wait3A_316 = arith.constant 0 : i32
    %dma_wait3A_317 = tpu.memref_slice %arg3[%dma_wait3A_316] : memref<320008xi32, #tpu.memory_space<hbm>> -> memref<40xi32, #tpu.memory_space<hbm>>
    %dma_wait3A_318 = arith.constant 0 : i32
    %dma_wait3A_319 = tpu.memref_slice %arg8[%dma_wait3A_311, %dma_wait3A_312, %dma_wait3A_318] : memref<4x5x40xi32, #tpu.memory_space<vmem>> -> memref<1x1x40xi32, #tpu.memory_space<vmem>>
    %dma_wait3A_320 = tpu.memref_squeeze %dma_wait3A_319 : memref<1x1x40xi32, #tpu.memory_space<vmem>> -> memref<40xi32, #tpu.memory_space<vmem>>
    %dma_wait3A_321 = arith.constant 0 : i32
    %dma_wait3A_322 = tpu.memref_slice %arg3[%dma_wait3A_321] : memref<320008xi32, #tpu.memory_space<hbm>> -> memref<40xi32, #tpu.memory_space<hbm>>
    tpu.wait_dma2 semaphore(%arg19 : memref<!tpu.dma_semaphore, #tpu.memory_space<semaphore_mem>>) src(%dma_wait3A_322 : memref<40xi32, #tpu.memory_space<hbm>>) dst(%dma_wait3A_320 : memref<40xi32, #tpu.memory_space<vmem>>)
    %dma_wait3A_323 = arith.constant 0 : i32
    %dma_wait3A_324 = tpu.memref_slice %arg3[%dma_wait3A_323] : memref<320008xi32, #tpu.memory_space<hbm>> -> memref<208xi32, #tpu.memory_space<hbm>>
    %dma_wait3A_325 = arith.constant 0 : i32
    %dma_wait3A_326 = tpu.memref_slice %arg3[%dma_wait3A_325] : memref<320008xi32, #tpu.memory_space<hbm>> -> memref<208xi32, #tpu.memory_space<hbm>>
    tpu.wait_dma2 semaphore(%arg19 : memref<!tpu.dma_semaphore, #tpu.memory_space<semaphore_mem>>) src(%dma_wait3A_326 : memref<208xi32, #tpu.memory_space<hbm>>) dst(%arg9 : memref<208xi32, #tpu.memory_space<vmem>>)
    %dma_wait3A_327 = arith.constant 3 : i32
    %dma_wait3A_328 = arith.constant 3 : i32
    %dma_wait3A_329 = arith.constant 0 : i32
    %dma_wait3A_330 = arith.constant 0 : i32
    %dma_wait3A_331 = arith.constant 0 : i32
    %dma_wait3A_332 = tpu.memref_slice %arg7[%dma_wait3A_327, %dma_wait3A_330, %dma_wait3A_331] : memref<4x200x128xf32, #tpu.memory_space<vmem>> -> memref<1x40x128xf32, #tpu.memory_space<vmem>>
    %dma_wait3A_333 = tpu.memref_squeeze %dma_wait3A_332 : memref<1x40x128xf32, #tpu.memory_space<vmem>> -> memref<40x128xf32, #tpu.memory_space<vmem>>
    %dma_wait3A_334 = arith.constant 0 : i32
    %dma_wait3A_335 = tpu.memref_slice %arg8[%dma_wait3A_328, %dma_wait3A_329, %dma_wait3A_334] : memref<4x5x40xi32, #tpu.memory_space<vmem>> -> memref<1x1x40xi32, #tpu.memory_space<vmem>>
    %dma_wait3A_336 = tpu.memref_squeeze %dma_wait3A_335 : memref<1x1x40xi32, #tpu.memory_space<vmem>> -> memref<40xi32, #tpu.memory_space<vmem>>
    %dma_wait3A_337 = arith.constant 0 : i32
    %dma_wait3A_338 = arith.constant 0 : i32
    %dma_wait3A_339 = tpu.memref_slice %arg14[%dma_wait3A_337, %dma_wait3A_338] : memref<1024x128xf32, #tpu.memory_space<vmem_shared>> -> memref<1024x128xf32, #tpu.memory_space<vmem_shared>>
    tpu.wait_indirect_dma semaphore(%arg26 : memref<!tpu.dma_semaphore, #tpu.memory_space<semaphore_mem>>) src(%dma_wait3A_333 : memref<40x128xf32, #tpu.memory_space<vmem>>) dst(%dma_wait3A_339 : memref<1024x128xf32, #tpu.memory_space<vmem_shared>>)
    %dma_wait3A_340 = arith.constant 3 : i32
    %dma_wait3A_341 = arith.constant 3 : i32
    %dma_wait3A_342 = arith.constant 1 : i32
    %dma_wait3A_343 = arith.constant 40 : i32
    %dma_wait3A_344 = arith.constant 0 : i32
    %dma_wait3A_345 = tpu.memref_slice %arg7[%dma_wait3A_340, %dma_wait3A_343, %dma_wait3A_344] : memref<4x200x128xf32, #tpu.memory_space<vmem>> -> memref<1x40x128xf32, #tpu.memory_space<vmem>>
    %dma_wait3A_346 = tpu.memref_squeeze %dma_wait3A_345 : memref<1x40x128xf32, #tpu.memory_space<vmem>> -> memref<40x128xf32, #tpu.memory_space<vmem>>
    %dma_wait3A_347 = arith.constant 0 : i32
    %dma_wait3A_348 = tpu.memref_slice %arg8[%dma_wait3A_341, %dma_wait3A_342, %dma_wait3A_347] : memref<4x5x40xi32, #tpu.memory_space<vmem>> -> memref<1x1x40xi32, #tpu.memory_space<vmem>>
    %dma_wait3A_349 = tpu.memref_squeeze %dma_wait3A_348 : memref<1x1x40xi32, #tpu.memory_space<vmem>> -> memref<40xi32, #tpu.memory_space<vmem>>
    %dma_wait3A_350 = arith.constant 0 : i32
    %dma_wait3A_351 = arith.constant 0 : i32
    %dma_wait3A_352 = tpu.memref_slice %arg14[%dma_wait3A_350, %dma_wait3A_351] : memref<1024x128xf32, #tpu.memory_space<vmem_shared>> -> memref<1024x128xf32, #tpu.memory_space<vmem_shared>>
    tpu.wait_indirect_dma semaphore(%arg26 : memref<!tpu.dma_semaphore, #tpu.memory_space<semaphore_mem>>) src(%dma_wait3A_346 : memref<40x128xf32, #tpu.memory_space<vmem>>) dst(%dma_wait3A_352 : memref<1024x128xf32, #tpu.memory_space<vmem_shared>>)
    %dma_wait3A_353 = arith.constant 3 : i32
    %dma_wait3A_354 = arith.constant 3 : i32
    %dma_wait3A_355 = arith.constant 2 : i32
    %dma_wait3A_356 = arith.constant 80 : i32
    %dma_wait3A_357 = arith.constant 0 : i32
    %dma_wait3A_358 = tpu.memref_slice %arg7[%dma_wait3A_353, %dma_wait3A_356, %dma_wait3A_357] : memref<4x200x128xf32, #tpu.memory_space<vmem>> -> memref<1x40x128xf32, #tpu.memory_space<vmem>>
    %dma_wait3A_359 = tpu.memref_squeeze %dma_wait3A_358 : memref<1x40x128xf32, #tpu.memory_space<vmem>> -> memref<40x128xf32, #tpu.memory_space<vmem>>
    %dma_wait3A_360 = arith.constant 0 : i32
    %dma_wait3A_361 = tpu.memref_slice %arg8[%dma_wait3A_354, %dma_wait3A_355, %dma_wait3A_360] : memref<4x5x40xi32, #tpu.memory_space<vmem>> -> memref<1x1x40xi32, #tpu.memory_space<vmem>>
    %dma_wait3A_362 = tpu.memref_squeeze %dma_wait3A_361 : memref<1x1x40xi32, #tpu.memory_space<vmem>> -> memref<40xi32, #tpu.memory_space<vmem>>
    %dma_wait3A_363 = arith.constant 0 : i32
    %dma_wait3A_364 = arith.constant 0 : i32
    %dma_wait3A_365 = tpu.memref_slice %arg14[%dma_wait3A_363, %dma_wait3A_364] : memref<1024x128xf32, #tpu.memory_space<vmem_shared>> -> memref<1024x128xf32, #tpu.memory_space<vmem_shared>>
    tpu.wait_indirect_dma semaphore(%arg26 : memref<!tpu.dma_semaphore, #tpu.memory_space<semaphore_mem>>) src(%dma_wait3A_359 : memref<40x128xf32, #tpu.memory_space<vmem>>) dst(%dma_wait3A_365 : memref<1024x128xf32, #tpu.memory_space<vmem_shared>>)
    %dma_wait3A_366 = arith.constant 3 : i32
    %dma_wait3A_367 = arith.constant 3 : i32
    %dma_wait3A_368 = arith.constant 3 : i32
    %dma_wait3A_369 = arith.constant 120 : i32
    %dma_wait3A_370 = arith.constant 0 : i32
    %dma_wait3A_371 = tpu.memref_slice %arg7[%dma_wait3A_366, %dma_wait3A_369, %dma_wait3A_370] : memref<4x200x128xf32, #tpu.memory_space<vmem>> -> memref<1x40x128xf32, #tpu.memory_space<vmem>>
    %dma_wait3A_372 = tpu.memref_squeeze %dma_wait3A_371 : memref<1x40x128xf32, #tpu.memory_space<vmem>> -> memref<40x128xf32, #tpu.memory_space<vmem>>
    %dma_wait3A_373 = arith.constant 0 : i32
    %dma_wait3A_374 = tpu.memref_slice %arg8[%dma_wait3A_367, %dma_wait3A_368, %dma_wait3A_373] : memref<4x5x40xi32, #tpu.memory_space<vmem>> -> memref<1x1x40xi32, #tpu.memory_space<vmem>>
    %dma_wait3A_375 = tpu.memref_squeeze %dma_wait3A_374 : memref<1x1x40xi32, #tpu.memory_space<vmem>> -> memref<40xi32, #tpu.memory_space<vmem>>
    %dma_wait3A_376 = arith.constant 0 : i32
    %dma_wait3A_377 = arith.constant 0 : i32
    %dma_wait3A_378 = tpu.memref_slice %arg14[%dma_wait3A_376, %dma_wait3A_377] : memref<1024x128xf32, #tpu.memory_space<vmem_shared>> -> memref<1024x128xf32, #tpu.memory_space<vmem_shared>>
    tpu.wait_indirect_dma semaphore(%arg26 : memref<!tpu.dma_semaphore, #tpu.memory_space<semaphore_mem>>) src(%dma_wait3A_372 : memref<40x128xf32, #tpu.memory_space<vmem>>) dst(%dma_wait3A_378 : memref<1024x128xf32, #tpu.memory_space<vmem_shared>>)
    %dma_wait3A_379 = arith.constant 3 : i32
    %dma_wait3A_380 = arith.constant 3 : i32
    %dma_wait3A_381 = arith.constant 4 : i32
    %dma_wait3A_382 = arith.constant 160 : i32
    %dma_wait3A_383 = arith.constant 0 : i32
    %dma_wait3A_384 = tpu.memref_slice %arg7[%dma_wait3A_379, %dma_wait3A_382, %dma_wait3A_383] : memref<4x200x128xf32, #tpu.memory_space<vmem>> -> memref<1x40x128xf32, #tpu.memory_space<vmem>>
    %dma_wait3A_385 = tpu.memref_squeeze %dma_wait3A_384 : memref<1x40x128xf32, #tpu.memory_space<vmem>> -> memref<40x128xf32, #tpu.memory_space<vmem>>
    %dma_wait3A_386 = arith.constant 0 : i32
    %dma_wait3A_387 = tpu.memref_slice %arg8[%dma_wait3A_380, %dma_wait3A_381, %dma_wait3A_386] : memref<4x5x40xi32, #tpu.memory_space<vmem>> -> memref<1x1x40xi32, #tpu.memory_space<vmem>>
    %dma_wait3A_388 = tpu.memref_squeeze %dma_wait3A_387 : memref<1x1x40xi32, #tpu.memory_space<vmem>> -> memref<40xi32, #tpu.memory_space<vmem>>
    %dma_wait3A_389 = arith.constant 0 : i32
    %dma_wait3A_390 = arith.constant 0 : i32
    %dma_wait3A_391 = tpu.memref_slice %arg14[%dma_wait3A_389, %dma_wait3A_390] : memref<1024x128xf32, #tpu.memory_space<vmem_shared>> -> memref<1024x128xf32, #tpu.memory_space<vmem_shared>>
    tpu.wait_indirect_dma semaphore(%arg26 : memref<!tpu.dma_semaphore, #tpu.memory_space<semaphore_mem>>) src(%dma_wait3A_385 : memref<40x128xf32, #tpu.memory_space<vmem>>) dst(%dma_wait3A_391 : memref<1024x128xf32, #tpu.memory_space<vmem_shared>>)
    %dma_start3A_392 = arith.constant 0 : i32
    %dma_start3A_393 = arith.constant 0 : i32
    %dma_start3A_394 = arith.constant 0 : i32
    %dma_start3A_395 = arith.constant 0 : i32
    %dma_start3A_396 = arith.constant 0 : i32
    %dma_start3A_397 = tpu.memref_slice %arg7[%dma_start3A_392, %dma_start3A_395, %dma_start3A_396] : memref<4x200x128xf32, #tpu.memory_space<vmem>> -> memref<1x40x128xf32, #tpu.memory_space<vmem>>
    %dma_start3A_398 = tpu.memref_squeeze %dma_start3A_397 : memref<1x40x128xf32, #tpu.memory_space<vmem>> -> memref<40x128xf32, #tpu.memory_space<vmem>>
    %dma_start3A_399 = arith.constant 0 : i32
    %dma_start3A_400 = tpu.memref_slice %arg8[%dma_start3A_393, %dma_start3A_394, %dma_start3A_399] : memref<4x5x40xi32, #tpu.memory_space<vmem>> -> memref<1x1x40xi32, #tpu.memory_space<vmem>>
    %dma_start3A_401 = tpu.memref_squeeze %dma_start3A_400 : memref<1x1x40xi32, #tpu.memory_space<vmem>> -> memref<40xi32, #tpu.memory_space<vmem>>
    %dma_start3A_402 = arith.constant 0 : i32
    %dma_start3A_403 = arith.constant 0 : i32
    %dma_start3A_404 = tpu.memref_slice %arg14[%dma_start3A_402, %dma_start3A_403] : memref<1024x128xf32, #tpu.memory_space<vmem_shared>> -> memref<1024x128xf32, #tpu.memory_space<vmem_shared>>
    tpu.enqueue_indirect_dma source(%dma_start3A_398 : memref<40x128xf32, #tpu.memory_space<vmem>>) target(%dma_start3A_404 : memref<1024x128xf32, #tpu.memory_space<vmem_shared>>) offsets(%dma_start3A_401 : memref<40xi32, #tpu.memory_space<vmem>>) semaphore(%arg23 : memref<!tpu.dma_semaphore, #tpu.memory_space<semaphore_mem>>) {add = true}
    %dma_start3A_405 = arith.constant 0 : i32
    %dma_start3A_406 = arith.constant 0 : i32
    %dma_start3A_407 = arith.constant 1 : i32
    %dma_start3A_408 = arith.constant 40 : i32
    %dma_start3A_409 = arith.constant 0 : i32
    %dma_start3A_410 = tpu.memref_slice %arg7[%dma_start3A_405, %dma_start3A_408, %dma_start3A_409] : memref<4x200x128xf32, #tpu.memory_space<vmem>> -> memref<1x40x128xf32, #tpu.memory_space<vmem>>
    %dma_start3A_411 = tpu.memref_squeeze %dma_start3A_410 : memref<1x40x128xf32, #tpu.memory_space<vmem>> -> memref<40x128xf32, #tpu.memory_space<vmem>>
    %dma_start3A_412 = arith.constant 0 : i32
    %dma_start3A_413 = tpu.memref_slice %arg8[%dma_start3A_406, %dma_start3A_407, %dma_start3A_412] : memref<4x5x40xi32, #tpu.memory_space<vmem>> -> memref<1x1x40xi32, #tpu.memory_space<vmem>>
    %dma_start3A_414 = tpu.memref_squeeze %dma_start3A_413 : memref<1x1x40xi32, #tpu.memory_space<vmem>> -> memref<40xi32, #tpu.memory_space<vmem>>
    %dma_start3A_415 = arith.constant 0 : i32
    %dma_start3A_416 = arith.constant 0 : i32
    %dma_start3A_417 = tpu.memref_slice %arg14[%dma_start3A_415, %dma_start3A_416] : memref<1024x128xf32, #tpu.memory_space<vmem_shared>> -> memref<1024x128xf32, #tpu.memory_space<vmem_shared>>
    tpu.enqueue_indirect_dma source(%dma_start3A_411 : memref<40x128xf32, #tpu.memory_space<vmem>>) target(%dma_start3A_417 : memref<1024x128xf32, #tpu.memory_space<vmem_shared>>) offsets(%dma_start3A_414 : memref<40xi32, #tpu.memory_space<vmem>>) semaphore(%arg23 : memref<!tpu.dma_semaphore, #tpu.memory_space<semaphore_mem>>) {add = true}
    %dma_start3A_418 = arith.constant 0 : i32
    %dma_start3A_419 = arith.constant 0 : i32
    %dma_start3A_420 = arith.constant 2 : i32
    %dma_start3A_421 = arith.constant 80 : i32
    %dma_start3A_422 = arith.constant 0 : i32
    %dma_start3A_423 = tpu.memref_slice %arg7[%dma_start3A_418, %dma_start3A_421, %dma_start3A_422] : memref<4x200x128xf32, #tpu.memory_space<vmem>> -> memref<1x40x128xf32, #tpu.memory_space<vmem>>
    %dma_start3A_424 = tpu.memref_squeeze %dma_start3A_423 : memref<1x40x128xf32, #tpu.memory_space<vmem>> -> memref<40x128xf32, #tpu.memory_space<vmem>>
    %dma_start3A_425 = arith.constant 0 : i32
    %dma_start3A_426 = tpu.memref_slice %arg8[%dma_start3A_419, %dma_start3A_420, %dma_start3A_425] : memref<4x5x40xi32, #tpu.memory_space<vmem>> -> memref<1x1x40xi32, #tpu.memory_space<vmem>>
    %dma_start3A_427 = tpu.memref_squeeze %dma_start3A_426 : memref<1x1x40xi32, #tpu.memory_space<vmem>> -> memref<40xi32, #tpu.memory_space<vmem>>
    %dma_start3A_428 = arith.constant 0 : i32
    %dma_start3A_429 = arith.constant 0 : i32
    %dma_start3A_430 = tpu.memref_slice %arg14[%dma_start3A_428, %dma_start3A_429] : memref<1024x128xf32, #tpu.memory_space<vmem_shared>> -> memref<1024x128xf32, #tpu.memory_space<vmem_shared>>
    tpu.enqueue_indirect_dma source(%dma_start3A_424 : memref<40x128xf32, #tpu.memory_space<vmem>>) target(%dma_start3A_430 : memref<1024x128xf32, #tpu.memory_space<vmem_shared>>) offsets(%dma_start3A_427 : memref<40xi32, #tpu.memory_space<vmem>>) semaphore(%arg23 : memref<!tpu.dma_semaphore, #tpu.memory_space<semaphore_mem>>) {add = true}
    %dma_start3A_431 = arith.constant 0 : i32
    %dma_start3A_432 = arith.constant 0 : i32
    %dma_start3A_433 = arith.constant 3 : i32
    %dma_start3A_434 = arith.constant 120 : i32
    %dma_start3A_435 = arith.constant 0 : i32
    %dma_start3A_436 = tpu.memref_slice %arg7[%dma_start3A_431, %dma_start3A_434, %dma_start3A_435] : memref<4x200x128xf32, #tpu.memory_space<vmem>> -> memref<1x40x128xf32, #tpu.memory_space<vmem>>
    %dma_start3A_437 = tpu.memref_squeeze %dma_start3A_436 : memref<1x40x128xf32, #tpu.memory_space<vmem>> -> memref<40x128xf32, #tpu.memory_space<vmem>>
    %dma_start3A_438 = arith.constant 0 : i32
    %dma_start3A_439 = tpu.memref_slice %arg8[%dma_start3A_432, %dma_start3A_433, %dma_start3A_438] : memref<4x5x40xi32, #tpu.memory_space<vmem>> -> memref<1x1x40xi32, #tpu.memory_space<vmem>>
    %dma_start3A_440 = tpu.memref_squeeze %dma_start3A_439 : memref<1x1x40xi32, #tpu.memory_space<vmem>> -> memref<40xi32, #tpu.memory_space<vmem>>
    %dma_start3A_441 = arith.constant 0 : i32
    %dma_start3A_442 = arith.constant 0 : i32
    %dma_start3A_443 = tpu.memref_slice %arg14[%dma_start3A_441, %dma_start3A_442] : memref<1024x128xf32, #tpu.memory_space<vmem_shared>> -> memref<1024x128xf32, #tpu.memory_space<vmem_shared>>
    tpu.enqueue_indirect_dma source(%dma_start3A_437 : memref<40x128xf32, #tpu.memory_space<vmem>>) target(%dma_start3A_443 : memref<1024x128xf32, #tpu.memory_space<vmem_shared>>) offsets(%dma_start3A_440 : memref<40xi32, #tpu.memory_space<vmem>>) semaphore(%arg23 : memref<!tpu.dma_semaphore, #tpu.memory_space<semaphore_mem>>) {add = true}
    %dma_start3A_444 = arith.constant 0 : i32
    %dma_start3A_445 = arith.constant 0 : i32
    %dma_start3A_446 = arith.constant 4 : i32
    %dma_start3A_447 = arith.constant 160 : i32
    %dma_start3A_448 = arith.constant 0 : i32
    %dma_start3A_449 = tpu.memref_slice %arg7[%dma_start3A_444, %dma_start3A_447, %dma_start3A_448] : memref<4x200x128xf32, #tpu.memory_space<vmem>> -> memref<1x40x128xf32, #tpu.memory_space<vmem>>
    %dma_start3A_450 = tpu.memref_squeeze %dma_start3A_449 : memref<1x40x128xf32, #tpu.memory_space<vmem>> -> memref<40x128xf32, #tpu.memory_space<vmem>>
    %dma_start3A_451 = arith.constant 0 : i32
    %dma_start3A_452 = tpu.memref_slice %arg8[%dma_start3A_445, %dma_start3A_446, %dma_start3A_451] : memref<4x5x40xi32, #tpu.memory_space<vmem>> -> memref<1x1x40xi32, #tpu.memory_space<vmem>>
    %dma_start3A_453 = tpu.memref_squeeze %dma_start3A_452 : memref<1x1x40xi32, #tpu.memory_space<vmem>> -> memref<40xi32, #tpu.memory_space<vmem>>
    %dma_start3A_454 = arith.constant 0 : i32
    %dma_start3A_455 = arith.constant 0 : i32
    %dma_start3A_456 = tpu.memref_slice %arg14[%dma_start3A_454, %dma_start3A_455] : memref<1024x128xf32, #tpu.memory_space<vmem_shared>> -> memref<1024x128xf32, #tpu.memory_space<vmem_shared>>
    tpu.enqueue_indirect_dma source(%dma_start3A_450 : memref<40x128xf32, #tpu.memory_space<vmem>>) target(%dma_start3A_456 : memref<1024x128xf32, #tpu.memory_space<vmem_shared>>) offsets(%dma_start3A_453 : memref<40xi32, #tpu.memory_space<vmem>>) semaphore(%arg23 : memref<!tpu.dma_semaphore, #tpu.memory_space<semaphore_mem>>) {add = true}
    %get3A = arith.constant 0 : index
    %get3A_457 = tpu.vector_load %arg9[%get3A] {strides = array<i32>} : memref<208xi32, #tpu.memory_space<vmem>>, vector<16xi32>,
    tpu.vector_store_idx %arg13[%get3A_457], %broadcast_in_dim3A_10 {add = true} : memref<1024xf32, #tpu.memory_space<vmem>>[vector<16xi32>], vector<16xf32>,
    %get3A_458 = arith.constant 16 : index
    %get3A_459 = tpu.vector_load %arg9[%get3A_458] {strides = array<i32>} : memref<208xi32, #tpu.memory_space<vmem>>, vector<16xi32>,
    tpu.vector_store_idx %arg13[%get3A_459], %broadcast_in_dim3A_10 {add = true} : memref<1024xf32, #tpu.memory_space<vmem>>[vector<16xi32>], vector<16xf32>,
    %get3A_460 = arith.constant 32 : index
    %get3A_461 = tpu.vector_load %arg9[%get3A_460] {strides = array<i32>} : memref<208xi32, #tpu.memory_space<vmem>>, vector<16xi32>,
    tpu.vector_store_idx %arg13[%get3A_461], %broadcast_in_dim3A_10 {add = true} : memref<1024xf32, #tpu.memory_space<vmem>>[vector<16xi32>], vector<16xf32>,
    %get3A_462 = arith.constant 48 : index
    %get3A_463 = tpu.vector_load %arg9[%get3A_462] {strides = array<i32>} : memref<208xi32, #tpu.memory_space<vmem>>, vector<16xi32>,
    tpu.vector_store_idx %arg13[%get3A_463], %broadcast_in_dim3A_10 {add = true} : memref<1024xf32, #tpu.memory_space<vmem>>[vector<16xi32>], vector<16xf32>,
    %get3A_464 = arith.constant 64 : index
    %get3A_465 = tpu.vector_load %arg9[%get3A_464] {strides = array<i32>} : memref<208xi32, #tpu.memory_space<vmem>>, vector<16xi32>,
    tpu.vector_store_idx %arg13[%get3A_465], %broadcast_in_dim3A_10 {add = true} : memref<1024xf32, #tpu.memory_space<vmem>>[vector<16xi32>], vector<16xf32>,
    %get3A_466 = arith.constant 80 : index
    %get3A_467 = tpu.vector_load %arg9[%get3A_466] {strides = array<i32>} : memref<208xi32, #tpu.memory_space<vmem>>, vector<16xi32>,
    tpu.vector_store_idx %arg13[%get3A_467], %broadcast_in_dim3A_10 {add = true} : memref<1024xf32, #tpu.memory_space<vmem>>[vector<16xi32>], vector<16xf32>,
    %get3A_468 = arith.constant 96 : index
    %get3A_469 = tpu.vector_load %arg9[%get3A_468] {strides = array<i32>} : memref<208xi32, #tpu.memory_space<vmem>>, vector<16xi32>,
    tpu.vector_store_idx %arg13[%get3A_469], %broadcast_in_dim3A_10 {add = true} : memref<1024xf32, #tpu.memory_space<vmem>>[vector<16xi32>], vector<16xf32>,
    %get3A_470 = arith.constant 112 : index
    %get3A_471 = tpu.vector_load %arg9[%get3A_470] {strides = array<i32>} : memref<208xi32, #tpu.memory_space<vmem>>, vector<16xi32>,
    tpu.vector_store_idx %arg13[%get3A_471], %broadcast_in_dim3A_10 {add = true} : memref<1024xf32, #tpu.memory_space<vmem>>[vector<16xi32>], vector<16xf32>,
    %get3A_472 = arith.constant 128 : index
    %get3A_473 = tpu.vector_load %arg9[%get3A_472] {strides = array<i32>} : memref<208xi32, #tpu.memory_space<vmem>>, vector<16xi32>,
    tpu.vector_store_idx %arg13[%get3A_473], %broadcast_in_dim3A_10 {add = true} : memref<1024xf32, #tpu.memory_space<vmem>>[vector<16xi32>], vector<16xf32>,
    %get3A_474 = arith.constant 144 : index
    %get3A_475 = tpu.vector_load %arg9[%get3A_474] {strides = array<i32>} : memref<208xi32, #tpu.memory_space<vmem>>, vector<16xi32>,
    tpu.vector_store_idx %arg13[%get3A_475], %broadcast_in_dim3A_10 {add = true} : memref<1024xf32, #tpu.memory_space<vmem>>[vector<16xi32>], vector<16xf32>,
    %get3A_476 = arith.constant 160 : index
    %get3A_477 = tpu.vector_load %arg9[%get3A_476] {strides = array<i32>} : memref<208xi32, #tpu.memory_space<vmem>>, vector<16xi32>,
    tpu.vector_store_idx %arg13[%get3A_477], %broadcast_in_dim3A_10 {add = true} : memref<1024xf32, #tpu.memory_space<vmem>>[vector<16xi32>], vector<16xf32>,
    %get3A_478 = arith.constant 176 : index
    %get3A_479 = tpu.vector_load %arg9[%get3A_478] {strides = array<i32>} : memref<208xi32, #tpu.memory_space<vmem>>, vector<16xi32>,
    tpu.vector_store_idx %arg13[%get3A_479], %broadcast_in_dim3A_10 {add = true} : memref<1024xf32, #tpu.memory_space<vmem>>[vector<16xi32>], vector<16xf32>,
    %get3A_480 = arith.constant 192 : index
    %get3A_481 = tpu.vector_load %arg9[%get3A_480] {strides = array<i32>} : memref<208xi32, #tpu.memory_space<vmem>>, vector<16xi32>,
    tpu.vector_store_idx %arg13[%get3A_481], %broadcast_in_dim3A_10 masked %lt3A_12 {add = true} : memref<1024xf32, #tpu.memory_space<vmem>>[vector<16xi32>], vector<16xf32>, vector<16xi1>
    %dma_wait3A_482 = arith.constant 1 : i32
    %dma_wait3A_483 = arith.constant 0 : i32
    %dma_wait3A_484 = arith.constant 0 : i32
    %dma_wait3A_485 = tpu.memref_slice %arg7[%dma_wait3A_482, %dma_wait3A_483, %dma_wait3A_484] : memref<4x200x128xf32, #tpu.memory_space<vmem>> -> memref<1x200x128xf32, #tpu.memory_space<vmem>>
    %dma_wait3A_486 = tpu.memref_squeeze %dma_wait3A_485 : memref<1x200x128xf32, #tpu.memory_space<vmem>> -> memref<200x128xf32, #tpu.memory_space<vmem>>
    %dma_wait3A_487 = arith.constant 0 : i32
    %dma_wait3A_488 = arith.constant 0 : i32
    %dma_wait3A_489 = tpu.memref_slice %arg2[%dma_wait3A_487, %dma_wait3A_488] : memref<320000x128xf32, #tpu.memory_space<hbm>> -> memref<200x128xf32, #tpu.memory_space<hbm>>
    %dma_wait3A_490 = arith.constant 0 : i32
    %dma_wait3A_491 = arith.constant 0 : i32
    %dma_wait3A_492 = tpu.memref_slice %arg7[%dma_wait3A_482, %dma_wait3A_490, %dma_wait3A_491] : memref<4x200x128xf32, #tpu.memory_space<vmem>> -> memref<1x200x128xf32, #tpu.memory_space<vmem>>
    %dma_wait3A_493 = tpu.memref_squeeze %dma_wait3A_492 : memref<1x200x128xf32, #tpu.memory_space<vmem>> -> memref<200x128xf32, #tpu.memory_space<vmem>>
    %dma_wait3A_494 = arith.constant 0 : i32
    %dma_wait3A_495 = arith.constant 0 : i32
    %dma_wait3A_496 = tpu.memref_slice %arg2[%dma_wait3A_494, %dma_wait3A_495] : memref<320000x128xf32, #tpu.memory_space<hbm>> -> memref<200x128xf32, #tpu.memory_space<hbm>>
    tpu.wait_dma2 semaphore(%arg16 : memref<!tpu.dma_semaphore, #tpu.memory_space<semaphore_mem>>) src(%dma_wait3A_496 : memref<200x128xf32, #tpu.memory_space<hbm>>) dst(%dma_wait3A_493 : memref<200x128xf32, #tpu.memory_space<vmem>>)
    %dma_wait3A_497 = arith.constant 1 : i32
    %dma_wait3A_498 = arith.constant 0 : i32
    %dma_wait3A_499 = arith.constant 0 : i32
    %dma_wait3A_500 = tpu.memref_slice %arg8[%dma_wait3A_497, %dma_wait3A_498, %dma_wait3A_499] : memref<4x5x40xi32, #tpu.memory_space<vmem>> -> memref<1x1x40xi32, #tpu.memory_space<vmem>>
    %dma_wait3A_501 = tpu.memref_squeeze %dma_wait3A_500 : memref<1x1x40xi32, #tpu.memory_space<vmem>> -> memref<40xi32, #tpu.memory_space<vmem>>
    %dma_wait3A_502 = arith.constant 0 : i32
    %dma_wait3A_503 = tpu.memref_slice %arg3[%dma_wait3A_502] : memref<320008xi32, #tpu.memory_space<hbm>> -> memref<40xi32, #tpu.memory_space<hbm>>
    %dma_wait3A_504 = arith.constant 0 : i32
    %dma_wait3A_505 = tpu.memref_slice %arg8[%dma_wait3A_497, %dma_wait3A_498, %dma_wait3A_504] : memref<4x5x40xi32, #tpu.memory_space<vmem>> -> memref<1x1x40xi32, #tpu.memory_space<vmem>>
    %dma_wait3A_506 = tpu.memref_squeeze %dma_wait3A_505 : memref<1x1x40xi32, #tpu.memory_space<vmem>> -> memref<40xi32, #tpu.memory_space<vmem>>
    %dma_wait3A_507 = arith.constant 0 : i32
    %dma_wait3A_508 = tpu.memref_slice %arg3[%dma_wait3A_507] : memref<320008xi32, #tpu.memory_space<hbm>> -> memref<40xi32, #tpu.memory_space<hbm>>
    tpu.wait_dma2 semaphore(%arg20 : memref<!tpu.dma_semaphore, #tpu.memory_space<semaphore_mem>>) src(%dma_wait3A_508 : memref<40xi32, #tpu.memory_space<hbm>>) dst(%dma_wait3A_506 : memref<40xi32, #tpu.memory_space<vmem>>)
    %dma_wait3A_509 = arith.constant 1 : i32
    %dma_wait3A_510 = arith.constant 1 : i32
    %dma_wait3A_511 = arith.constant 0 : i32
    %dma_wait3A_512 = tpu.memref_slice %arg8[%dma_wait3A_509, %dma_wait3A_510, %dma_wait3A_511] : memref<4x5x40xi32, #tpu.memory_space<vmem>> -> memref<1x1x40xi32, #tpu.memory_space<vmem>>
    %dma_wait3A_513 = tpu.memref_squeeze %dma_wait3A_512 : memref<1x1x40xi32, #tpu.memory_space<vmem>> -> memref<40xi32, #tpu.memory_space<vmem>>
    %dma_wait3A_514 = arith.constant 0 : i32
    %dma_wait3A_515 = tpu.memref_slice %arg3[%dma_wait3A_514] : memref<320008xi32, #tpu.memory_space<hbm>> -> memref<40xi32, #tpu.memory_space<hbm>>
    %dma_wait3A_516 = arith.constant 0 : i32
    %dma_wait3A_517 = tpu.memref_slice %arg8[%dma_wait3A_509, %dma_wait3A_510, %dma_wait3A_516] : memref<4x5x40xi32, #tpu.memory_space<vmem>> -> memref<1x1x40xi32, #tpu.memory_space<vmem>>
    %dma_wait3A_518 = tpu.memref_squeeze %dma_wait3A_517 : memref<1x1x40xi32, #tpu.memory_space<vmem>> -> memref<40xi32, #tpu.memory_space<vmem>>
    %dma_wait3A_519 = arith.constant 0 : i32
    %dma_wait3A_520 = tpu.memref_slice %arg3[%dma_wait3A_519] : memref<320008xi32, #tpu.memory_space<hbm>> -> memref<40xi32, #tpu.memory_space<hbm>>
    tpu.wait_dma2 semaphore(%arg20 : memref<!tpu.dma_semaphore, #tpu.memory_space<semaphore_mem>>) src(%dma_wait3A_520 : memref<40xi32, #tpu.memory_space<hbm>>) dst(%dma_wait3A_518 : memref<40xi32, #tpu.memory_space<vmem>>)
    %dma_wait3A_521 = arith.constant 1 : i32
    %dma_wait3A_522 = arith.constant 2 : i32
    %dma_wait3A_523 = arith.constant 0 : i32
    %dma_wait3A_524 = tpu.memref_slice %arg8[%dma_wait3A_521, %dma_wait3A_522, %dma_wait3A_523] : memref<4x5x40xi32, #tpu.memory_space<vmem>> -> memref<1x1x40xi32, #tpu.memory_space<vmem>>
    %dma_wait3A_525 = tpu.memref_squeeze %dma_wait3A_524 : memref<1x1x40xi32, #tpu.memory_space<vmem>> -> memref<40xi32, #tpu.memory_space<vmem>>
    %dma_wait3A_526 = arith.constant 0 : i32
    %dma_wait3A_527 = tpu.memref_slice %arg3[%dma_wait3A_526] : memref<320008xi32, #tpu.memory_space<hbm>> -> memref<40xi32, #tpu.memory_space<hbm>>
    %dma_wait3A_528 = arith.constant 0 : i32
    %dma_wait3A_529 = tpu.memref_slice %arg8[%dma_wait3A_521, %dma_wait3A_522, %dma_wait3A_528] : memref<4x5x40xi32, #tpu.memory_space<vmem>> -> memref<1x1x40xi32, #tpu.memory_space<vmem>>
    %dma_wait3A_530 = tpu.memref_squeeze %dma_wait3A_529 : memref<1x1x40xi32, #tpu.memory_space<vmem>> -> memref<40xi32, #tpu.memory_space<vmem>>
    %dma_wait3A_531 = arith.constant 0 : i32
    %dma_wait3A_532 = tpu.memref_slice %arg3[%dma_wait3A_531] : memref<320008xi32, #tpu.memory_space<hbm>> -> memref<40xi32, #tpu.memory_space<hbm>>
    tpu.wait_dma2 semaphore(%arg20 : memref<!tpu.dma_semaphore, #tpu.memory_space<semaphore_mem>>) src(%dma_wait3A_532 : memref<40xi32, #tpu.memory_space<hbm>>) dst(%dma_wait3A_530 : memref<40xi32, #tpu.memory_space<vmem>>)
    %dma_wait3A_533 = arith.constant 1 : i32
    %dma_wait3A_534 = arith.constant 3 : i32
    %dma_wait3A_535 = arith.constant 0 : i32
    %dma_wait3A_536 = tpu.memref_slice %arg8[%dma_wait3A_533, %dma_wait3A_534, %dma_wait3A_535] : memref<4x5x40xi32, #tpu.memory_space<vmem>> -> memref<1x1x40xi32, #tpu.memory_space<vmem>>
    %dma_wait3A_537 = tpu.memref_squeeze %dma_wait3A_536 : memref<1x1x40xi32, #tpu.memory_space<vmem>> -> memref<40xi32, #tpu.memory_space<vmem>>
    %dma_wait3A_538 = arith.constant 0 : i32
    %dma_wait3A_539 = tpu.memref_slice %arg3[%dma_wait3A_538] : memref<320008xi32, #tpu.memory_space<hbm>> -> memref<40xi32, #tpu.memory_space<hbm>>
    %dma_wait3A_540 = arith.constant 0 : i32
    %dma_wait3A_541 = tpu.memref_slice %arg8[%dma_wait3A_533, %dma_wait3A_534, %dma_wait3A_540] : memref<4x5x40xi32, #tpu.memory_space<vmem>> -> memref<1x1x40xi32, #tpu.memory_space<vmem>>
    %dma_wait3A_542 = tpu.memref_squeeze %dma_wait3A_541 : memref<1x1x40xi32, #tpu.memory_space<vmem>> -> memref<40xi32, #tpu.memory_space<vmem>>
    %dma_wait3A_543 = arith.constant 0 : i32
    %dma_wait3A_544 = tpu.memref_slice %arg3[%dma_wait3A_543] : memref<320008xi32, #tpu.memory_space<hbm>> -> memref<40xi32, #tpu.memory_space<hbm>>
    tpu.wait_dma2 semaphore(%arg20 : memref<!tpu.dma_semaphore, #tpu.memory_space<semaphore_mem>>) src(%dma_wait3A_544 : memref<40xi32, #tpu.memory_space<hbm>>) dst(%dma_wait3A_542 : memref<40xi32, #tpu.memory_space<vmem>>)
    %dma_wait3A_545 = arith.constant 1 : i32
    %dma_wait3A_546 = arith.constant 4 : i32
    %dma_wait3A_547 = arith.constant 0 : i32
    %dma_wait3A_548 = tpu.memref_slice %arg8[%dma_wait3A_545, %dma_wait3A_546, %dma_wait3A_547] : memref<4x5x40xi32, #tpu.memory_space<vmem>> -> memref<1x1x40xi32, #tpu.memory_space<vmem>>
    %dma_wait3A_549 = tpu.memref_squeeze %dma_wait3A_548 : memref<1x1x40xi32, #tpu.memory_space<vmem>> -> memref<40xi32, #tpu.memory_space<vmem>>
    %dma_wait3A_550 = arith.constant 0 : i32
    %dma_wait3A_551 = tpu.memref_slice %arg3[%dma_wait3A_550] : memref<320008xi32, #tpu.memory_space<hbm>> -> memref<40xi32, #tpu.memory_space<hbm>>
    %dma_wait3A_552 = arith.constant 0 : i32
    %dma_wait3A_553 = tpu.memref_slice %arg8[%dma_wait3A_545, %dma_wait3A_546, %dma_wait3A_552] : memref<4x5x40xi32, #tpu.memory_space<vmem>> -> memref<1x1x40xi32, #tpu.memory_space<vmem>>
    %dma_wait3A_554 = tpu.memref_squeeze %dma_wait3A_553 : memref<1x1x40xi32, #tpu.memory_space<vmem>> -> memref<40xi32, #tpu.memory_space<vmem>>
    %dma_wait3A_555 = arith.constant 0 : i32
    %dma_wait3A_556 = tpu.memref_slice %arg3[%dma_wait3A_555] : memref<320008xi32, #tpu.memory_space<hbm>> -> memref<40xi32, #tpu.memory_space<hbm>>
    tpu.wait_dma2 semaphore(%arg20 : memref<!tpu.dma_semaphore, #tpu.memory_space<semaphore_mem>>) src(%dma_wait3A_556 : memref<40xi32, #tpu.memory_space<hbm>>) dst(%dma_wait3A_554 : memref<40xi32, #tpu.memory_space<vmem>>)
    %dma_wait3A_557 = arith.constant 0 : i32
    %dma_wait3A_558 = tpu.memref_slice %arg3[%dma_wait3A_557] : memref<320008xi32, #tpu.memory_space<hbm>> -> memref<208xi32, #tpu.memory_space<hbm>>
    %dma_wait3A_559 = arith.constant 0 : i32
    %dma_wait3A_560 = tpu.memref_slice %arg3[%dma_wait3A_559] : memref<320008xi32, #tpu.memory_space<hbm>> -> memref<208xi32, #tpu.memory_space<hbm>>
    tpu.wait_dma2 semaphore(%arg20 : memref<!tpu.dma_semaphore, #tpu.memory_space<semaphore_mem>>) src(%dma_wait3A_560 : memref<208xi32, #tpu.memory_space<hbm>>) dst(%arg10 : memref<208xi32, #tpu.memory_space<vmem>>)
    %dma_start3A_561 = arith.constant 1 : i32
    %dma_start3A_562 = arith.constant 1 : i32
    %dma_start3A_563 = arith.constant 0 : i32
    %dma_start3A_564 = arith.constant 0 : i32
    %dma_start3A_565 = arith.constant 0 : i32
    %dma_start3A_566 = tpu.memref_slice %arg7[%dma_start3A_561, %dma_start3A_564, %dma_start3A_565] : memref<4x200x128xf32, #tpu.memory_space<vmem>> -> memref<1x40x128xf32, #tpu.memory_space<vmem>>
    %dma_start3A_567 = tpu.memref_squeeze %dma_start3A_566 : memref<1x40x128xf32, #tpu.memory_space<vmem>> -> memref<40x128xf32, #tpu.memory_space<vmem>>
    %dma_start3A_568 = arith.constant 0 : i32
    %dma_start3A_569 = tpu.memref_slice %arg8[%dma_start3A_562, %dma_start3A_563, %dma_start3A_568] : memref<4x5x40xi32, #tpu.memory_space<vmem>> -> memref<1x1x40xi32, #tpu.memory_space<vmem>>
    %dma_start3A_570 = tpu.memref_squeeze %dma_start3A_569 : memref<1x1x40xi32, #tpu.memory_space<vmem>> -> memref<40xi32, #tpu.memory_space<vmem>>
    %dma_start3A_571 = arith.constant 0 : i32
    %dma_start3A_572 = arith.constant 0 : i32
    %dma_start3A_573 = tpu.memref_slice %arg14[%dma_start3A_571, %dma_start3A_572] : memref<1024x128xf32, #tpu.memory_space<vmem_shared>> -> memref<1024x128xf32, #tpu.memory_space<vmem_shared>>
    tpu.enqueue_indirect_dma source(%dma_start3A_567 : memref<40x128xf32, #tpu.memory_space<vmem>>) target(%dma_start3A_573 : memref<1024x128xf32, #tpu.memory_space<vmem_shared>>) offsets(%dma_start3A_570 : memref<40xi32, #tpu.memory_space<vmem>>) semaphore(%arg24 : memref<!tpu.dma_semaphore, #tpu.memory_space<semaphore_mem>>) {add = true}
    %dma_start3A_574 = arith.constant 1 : i32
    %dma_start3A_575 = arith.constant 1 : i32
    %dma_start3A_576 = arith.constant 1 : i32
    %dma_start3A_577 = arith.constant 40 : i32
    %dma_start3A_578 = arith.constant 0 : i32
    %dma_start3A_579 = tpu.memref_slice %arg7[%dma_start3A_574, %dma_start3A_577, %dma_start3A_578] : memref<4x200x128xf32, #tpu.memory_space<vmem>> -> memref<1x40x128xf32, #tpu.memory_space<vmem>>
    %dma_start3A_580 = tpu.memref_squeeze %dma_start3A_579 : memref<1x40x128xf32, #tpu.memory_space<vmem>> -> memref<40x128xf32, #tpu.memory_space<vmem>>
    %dma_start3A_581 = arith.constant 0 : i32
    %dma_start3A_582 = tpu.memref_slice %arg8[%dma_start3A_575, %dma_start3A_576, %dma_start3A_581] : memref<4x5x40xi32, #tpu.memory_space<vmem>> -> memref<1x1x40xi32, #tpu.memory_space<vmem>>
    %dma_start3A_583 = tpu.memref_squeeze %dma_start3A_582 : memref<1x1x40xi32, #tpu.memory_space<vmem>> -> memref<40xi32, #tpu.memory_space<vmem>>
    %dma_start3A_584 = arith.constant 0 : i32
    %dma_start3A_585 = arith.constant 0 : i32
    %dma_start3A_586 = tpu.memref_slice %arg14[%dma_start3A_584, %dma_start3A_585] : memref<1024x128xf32, #tpu.memory_space<vmem_shared>> -> memref<1024x128xf32, #tpu.memory_space<vmem_shared>>
    tpu.enqueue_indirect_dma source(%dma_start3A_580 : memref<40x128xf32, #tpu.memory_space<vmem>>) target(%dma_start3A_586 : memref<1024x128xf32, #tpu.memory_space<vmem_shared>>) offsets(%dma_start3A_583 : memref<40xi32, #tpu.memory_space<vmem>>) semaphore(%arg24 : memref<!tpu.dma_semaphore, #tpu.memory_space<semaphore_mem>>) {add = true}
    %dma_start3A_587 = arith.constant 1 : i32
    %dma_start3A_588 = arith.constant 1 : i32
    %dma_start3A_589 = arith.constant 2 : i32
    %dma_start3A_590 = arith.constant 80 : i32
    %dma_start3A_591 = arith.constant 0 : i32
    %dma_start3A_592 = tpu.memref_slice %arg7[%dma_start3A_587, %dma_start3A_590, %dma_start3A_591] : memref<4x200x128xf32, #tpu.memory_space<vmem>> -> memref<1x40x128xf32, #tpu.memory_space<vmem>>
    %dma_start3A_593 = tpu.memref_squeeze %dma_start3A_592 : memref<1x40x128xf32, #tpu.memory_space<vmem>> -> memref<40x128xf32, #tpu.memory_space<vmem>>
    %dma_start3A_594 = arith.constant 0 : i32
    %dma_start3A_595 = tpu.memref_slice %arg8[%dma_start3A_588, %dma_start3A_589, %dma_start3A_594] : memref<4x5x40xi32, #tpu.memory_space<vmem>> -> memref<1x1x40xi32, #tpu.memory_space<vmem>>
    %dma_start3A_596 = tpu.memref_squeeze %dma_start3A_595 : memref<1x1x40xi32, #tpu.memory_space<vmem>> -> memref<40xi32, #tpu.memory_space<vmem>>
    %dma_start3A_597 = arith.constant 0 : i32
    %dma_start3A_598 = arith.constant 0 : i32
    %dma_start3A_599 = tpu.memref_slice %arg14[%dma_start3A_597, %dma_start3A_598] : memref<1024x128xf32, #tpu.memory_space<vmem_shared>> -> memref<1024x128xf32, #tpu.memory_space<vmem_shared>>
    tpu.enqueue_indirect_dma source(%dma_start3A_593 : memref<40x128xf32, #tpu.memory_space<vmem>>) target(%dma_start3A_599 : memref<1024x128xf32, #tpu.memory_space<vmem_shared>>) offsets(%dma_start3A_596 : memref<40xi32, #tpu.memory_space<vmem>>) semaphore(%arg24 : memref<!tpu.dma_semaphore, #tpu.memory_space<semaphore_mem>>) {add = true}
    %dma_start3A_600 = arith.constant 1 : i32
    %dma_start3A_601 = arith.constant 1 : i32
    %dma_start3A_602 = arith.constant 3 : i32
    %dma_start3A_603 = arith.constant 120 : i32
    %dma_start3A_604 = arith.constant 0 : i32
    %dma_start3A_605 = tpu.memref_slice %arg7[%dma_start3A_600, %dma_start3A_603, %dma_start3A_604] : memref<4x200x128xf32, #tpu.memory_space<vmem>> -> memref<1x40x128xf32, #tpu.memory_space<vmem>>
    %dma_start3A_606 = tpu.memref_squeeze %dma_start3A_605 : memref<1x40x128xf32, #tpu.memory_space<vmem>> -> memref<40x128xf32, #tpu.memory_space<vmem>>
    %dma_start3A_607 = arith.constant 0 : i32
    %dma_start3A_608 = tpu.memref_slice %arg8[%dma_start3A_601, %dma_start3A_602, %dma_start3A_607] : memref<4x5x40xi32, #tpu.memory_space<vmem>> -> memref<1x1x40xi32, #tpu.memory_space<vmem>>
    %dma_start3A_609 = tpu.memref_squeeze %dma_start3A_608 : memref<1x1x40xi32, #tpu.memory_space<vmem>> -> memref<40xi32, #tpu.memory_space<vmem>>
    %dma_start3A_610 = arith.constant 0 : i32
    %dma_start3A_611 = arith.constant 0 : i32
    %dma_start3A_612 = tpu.memref_slice %arg14[%dma_start3A_610, %dma_start3A_611] : memref<1024x128xf32, #tpu.memory_space<vmem_shared>> -> memref<1024x128xf32, #tpu.memory_space<vmem_shared>>
    tpu.enqueue_indirect_dma source(%dma_start3A_606 : memref<40x128xf32, #tpu.memory_space<vmem>>) target(%dma_start3A_612 : memref<1024x128xf32, #tpu.memory_space<vmem_shared>>) offsets(%dma_start3A_609 : memref<40xi32, #tpu.memory_space<vmem>>) semaphore(%arg24 : memref<!tpu.dma_semaphore, #tpu.memory_space<semaphore_mem>>) {add = true}
    %dma_start3A_613 = arith.constant 1 : i32
    %dma_start3A_614 = arith.constant 1 : i32
    %dma_start3A_615 = arith.constant 4 : i32
    %dma_start3A_616 = arith.constant 160 : i32
    %dma_start3A_617 = arith.constant 0 : i32
    %dma_start3A_618 = tpu.memref_slice %arg7[%dma_start3A_613, %dma_start3A_616, %dma_start3A_617] : memref<4x200x128xf32, #tpu.memory_space<vmem>> -> memref<1x40x128xf32, #tpu.memory_space<vmem>>
    %dma_start3A_619 = tpu.memref_squeeze %dma_start3A_618 : memref<1x40x128xf32, #tpu.memory_space<vmem>> -> memref<40x128xf32, #tpu.memory_space<vmem>>
    %dma_start3A_620 = arith.constant 0 : i32
    %dma_start3A_621 = tpu.memref_slice %arg8[%dma_start3A_614, %dma_start3A_615, %dma_start3A_620] : memref<4x5x40xi32, #tpu.memory_space<vmem>> -> memref<1x1x40xi32, #tpu.memory_space<vmem>>
    %dma_start3A_622 = tpu.memref_squeeze %dma_start3A_621 : memref<1x1x40xi32, #tpu.memory_space<vmem>> -> memref<40xi32, #tpu.memory_space<vmem>>
    %dma_start3A_623 = arith.constant 0 : i32
    %dma_start3A_624 = arith.constant 0 : i32
    %dma_start3A_625 = tpu.memref_slice %arg14[%dma_start3A_623, %dma_start3A_624] : memref<1024x128xf32, #tpu.memory_space<vmem_shared>> -> memref<1024x128xf32, #tpu.memory_space<vmem_shared>>
    tpu.enqueue_indirect_dma source(%dma_start3A_619 : memref<40x128xf32, #tpu.memory_space<vmem>>) target(%dma_start3A_625 : memref<1024x128xf32, #tpu.memory_space<vmem_shared>>) offsets(%dma_start3A_622 : memref<40xi32, #tpu.memory_space<vmem>>) semaphore(%arg24 : memref<!tpu.dma_semaphore, #tpu.memory_space<semaphore_mem>>) {add = true}
    %get3A_626 = arith.constant 0 : index
    %get3A_627 = tpu.vector_load %arg10[%get3A_626] {strides = array<i32>} : memref<208xi32, #tpu.memory_space<vmem>>, vector<16xi32>,
    tpu.vector_store_idx %arg13[%get3A_627], %broadcast_in_dim3A_10 {add = true} : memref<1024xf32, #tpu.memory_space<vmem>>[vector<16xi32>], vector<16xf32>,
    %get3A_628 = arith.constant 16 : index
    %get3A_629 = tpu.vector_load %arg10[%get3A_628] {strides = array<i32>} : memref<208xi32, #tpu.memory_space<vmem>>, vector<16xi32>,
    tpu.vector_store_idx %arg13[%get3A_629], %broadcast_in_dim3A_10 {add = true} : memref<1024xf32, #tpu.memory_space<vmem>>[vector<16xi32>], vector<16xf32>,
    %get3A_630 = arith.constant 32 : index
    %get3A_631 = tpu.vector_load %arg10[%get3A_630] {strides = array<i32>} : memref<208xi32, #tpu.memory_space<vmem>>, vector<16xi32>,
    tpu.vector_store_idx %arg13[%get3A_631], %broadcast_in_dim3A_10 {add = true} : memref<1024xf32, #tpu.memory_space<vmem>>[vector<16xi32>], vector<16xf32>,
    %get3A_632 = arith.constant 48 : index
    %get3A_633 = tpu.vector_load %arg10[%get3A_632] {strides = array<i32>} : memref<208xi32, #tpu.memory_space<vmem>>, vector<16xi32>,
    tpu.vector_store_idx %arg13[%get3A_633], %broadcast_in_dim3A_10 {add = true} : memref<1024xf32, #tpu.memory_space<vmem>>[vector<16xi32>], vector<16xf32>,
    %get3A_634 = arith.constant 64 : index
    %get3A_635 = tpu.vector_load %arg10[%get3A_634] {strides = array<i32>} : memref<208xi32, #tpu.memory_space<vmem>>, vector<16xi32>,
    tpu.vector_store_idx %arg13[%get3A_635], %broadcast_in_dim3A_10 {add = true} : memref<1024xf32, #tpu.memory_space<vmem>>[vector<16xi32>], vector<16xf32>,
    %get3A_636 = arith.constant 80 : index
    %get3A_637 = tpu.vector_load %arg10[%get3A_636] {strides = array<i32>} : memref<208xi32, #tpu.memory_space<vmem>>, vector<16xi32>,
    tpu.vector_store_idx %arg13[%get3A_637], %broadcast_in_dim3A_10 {add = true} : memref<1024xf32, #tpu.memory_space<vmem>>[vector<16xi32>], vector<16xf32>,
    %get3A_638 = arith.constant 96 : index
    %get3A_639 = tpu.vector_load %arg10[%get3A_638] {strides = array<i32>} : memref<208xi32, #tpu.memory_space<vmem>>, vector<16xi32>,
    tpu.vector_store_idx %arg13[%get3A_639], %broadcast_in_dim3A_10 {add = true} : memref<1024xf32, #tpu.memory_space<vmem>>[vector<16xi32>], vector<16xf32>,
    %get3A_640 = arith.constant 112 : index
    %get3A_641 = tpu.vector_load %arg10[%get3A_640] {strides = array<i32>} : memref<208xi32, #tpu.memory_space<vmem>>, vector<16xi32>,
    tpu.vector_store_idx %arg13[%get3A_641], %broadcast_in_dim3A_10 {add = true} : memref<1024xf32, #tpu.memory_space<vmem>>[vector<16xi32>], vector<16xf32>,
    %get3A_642 = arith.constant 128 : index
    %get3A_643 = tpu.vector_load %arg10[%get3A_642] {strides = array<i32>} : memref<208xi32, #tpu.memory_space<vmem>>, vector<16xi32>,
    tpu.vector_store_idx %arg13[%get3A_643], %broadcast_in_dim3A_10 {add = true} : memref<1024xf32, #tpu.memory_space<vmem>>[vector<16xi32>], vector<16xf32>,
    %get3A_644 = arith.constant 144 : index
    %get3A_645 = tpu.vector_load %arg10[%get3A_644] {strides = array<i32>} : memref<208xi32, #tpu.memory_space<vmem>>, vector<16xi32>,
    tpu.vector_store_idx %arg13[%get3A_645], %broadcast_in_dim3A_10 {add = true} : memref<1024xf32, #tpu.memory_space<vmem>>[vector<16xi32>], vector<16xf32>,
    %get3A_646 = arith.constant 160 : index
    %get3A_647 = tpu.vector_load %arg10[%get3A_646] {strides = array<i32>} : memref<208xi32, #tpu.memory_space<vmem>>, vector<16xi32>,
    tpu.vector_store_idx %arg13[%get3A_647], %broadcast_in_dim3A_10 {add = true} : memref<1024xf32, #tpu.memory_space<vmem>>[vector<16xi32>], vector<16xf32>,
    %get3A_648 = arith.constant 176 : index
    %get3A_649 = tpu.vector_load %arg10[%get3A_648] {strides = array<i32>} : memref<208xi32, #tpu.memory_space<vmem>>, vector<16xi32>,
    tpu.vector_store_idx %arg13[%get3A_649], %broadcast_in_dim3A_10 {add = true} : memref<1024xf32, #tpu.memory_space<vmem>>[vector<16xi32>], vector<16xf32>,
    %get3A_650 = arith.constant 192 : index
    %get3A_651 = tpu.vector_load %arg10[%get3A_650] {strides = array<i32>} : memref<208xi32, #tpu.memory_space<vmem>>, vector<16xi32>,
    tpu.vector_store_idx %arg13[%get3A_651], %broadcast_in_dim3A_10 masked %lt3A_12 {add = true} : memref<1024xf32, #tpu.memory_space<vmem>>[vector<16xi32>], vector<16xf32>, vector<16xi1>
    %dma_wait3A_652 = arith.constant 0 : i32
    %dma_wait3A_653 = arith.constant 0 : i32
    %dma_wait3A_654 = arith.constant 0 : i32
    %dma_wait3A_655 = arith.constant 0 : i32
    %dma_wait3A_656 = arith.constant 0 : i32
    %dma_wait3A_657 = tpu.memref_slice %arg7[%dma_wait3A_652, %dma_wait3A_655, %dma_wait3A_656] : memref<4x200x128xf32, #tpu.memory_space<vmem>> -> memref<1x40x128xf32, #tpu.memory_space<vmem>>
    %dma_wait3A_658 = tpu.memref_squeeze %dma_wait3A_657 : memref<1x40x128xf32, #tpu.memory_space<vmem>> -> memref<40x128xf32, #tpu.memory_space<vmem>>
    %dma_wait3A_659 = arith.constant 0 : i32
    %dma_wait3A_660 = tpu.memref_slice %arg8[%dma_wait3A_653, %dma_wait3A_654, %dma_wait3A_659] : memref<4x5x40xi32, #tpu.memory_space<vmem>> -> memref<1x1x40xi32, #tpu.memory_space<vmem>>
    %dma_wait3A_661 = tpu.memref_squeeze %dma_wait3A_660 : memref<1x1x40xi32, #tpu.memory_space<vmem>> -> memref<40xi32, #tpu.memory_space<vmem>>
    %dma_wait3A_662 = arith.constant 0 : i32
    %dma_wait3A_663 = arith.constant 0 : i32
    %dma_wait3A_664 = tpu.memref_slice %arg14[%dma_wait3A_662, %dma_wait3A_663] : memref<1024x128xf32, #tpu.memory_space<vmem_shared>> -> memref<1024x128xf32, #tpu.memory_space<vmem_shared>>
    tpu.wait_indirect_dma semaphore(%arg23 : memref<!tpu.dma_semaphore, #tpu.memory_space<semaphore_mem>>) src(%dma_wait3A_658 : memref<40x128xf32, #tpu.memory_space<vmem>>) dst(%dma_wait3A_664 : memref<1024x128xf32, #tpu.memory_space<vmem_shared>>)
    %dma_wait3A_665 = arith.constant 0 : i32
    %dma_wait3A_666 = arith.constant 0 : i32
    %dma_wait3A_667 = arith.constant 1 : i32
    %dma_wait3A_668 = arith.constant 40 : i32
    %dma_wait3A_669 = arith.constant 0 : i32
    %dma_wait3A_670 = tpu.memref_slice %arg7[%dma_wait3A_665, %dma_wait3A_668, %dma_wait3A_669] : memref<4x200x128xf32, #tpu.memory_space<vmem>> -> memref<1x40x128xf32, #tpu.memory_space<vmem>>
    %dma_wait3A_671 = tpu.memref_squeeze %dma_wait3A_670 : memref<1x40x128xf32, #tpu.memory_space<vmem>> -> memref<40x128xf32, #tpu.memory_space<vmem>>
    %dma_wait3A_672 = arith.constant 0 : i32
    %dma_wait3A_673 = tpu.memref_slice %arg8[%dma_wait3A_666, %dma_wait3A_667, %dma_wait3A_672] : memref<4x5x40xi32, #tpu.memory_space<vmem>> -> memref<1x1x40xi32, #tpu.memory_space<vmem>>
    %dma_wait3A_674 = tpu.memref_squeeze %dma_wait3A_673 : memref<1x1x40xi32, #tpu.memory_space<vmem>> -> memref<40xi32, #tpu.memory_space<vmem>>
    %dma_wait3A_675 = arith.constant 0 : i32
    %dma_wait3A_676 = arith.constant 0 : i32
    %dma_wait3A_677 = tpu.memref_slice %arg14[%dma_wait3A_675, %dma_wait3A_676] : memref<1024x128xf32, #tpu.memory_space<vmem_shared>> -> memref<1024x128xf32, #tpu.memory_space<vmem_shared>>
    tpu.wait_indirect_dma semaphore(%arg23 : memref<!tpu.dma_semaphore, #tpu.memory_space<semaphore_mem>>) src(%dma_wait3A_671 : memref<40x128xf32, #tpu.memory_space<vmem>>) dst(%dma_wait3A_677 : memref<1024x128xf32, #tpu.memory_space<vmem_shared>>)
    %dma_wait3A_678 = arith.constant 0 : i32
    %dma_wait3A_679 = arith.constant 0 : i32
    %dma_wait3A_680 = arith.constant 2 : i32
    %dma_wait3A_681 = arith.constant 80 : i32
    %dma_wait3A_682 = arith.constant 0 : i32
    %dma_wait3A_683 = tpu.memref_slice %arg7[%dma_wait3A_678, %dma_wait3A_681, %dma_wait3A_682] : memref<4x200x128xf32, #tpu.memory_space<vmem>> -> memref<1x40x128xf32, #tpu.memory_space<vmem>>
    %dma_wait3A_684 = tpu.memref_squeeze %dma_wait3A_683 : memref<1x40x128xf32, #tpu.memory_space<vmem>> -> memref<40x128xf32, #tpu.memory_space<vmem>>
    %dma_wait3A_685 = arith.constant 0 : i32
    %dma_wait3A_686 = tpu.memref_slice %arg8[%dma_wait3A_679, %dma_wait3A_680, %dma_wait3A_685] : memref<4x5x40xi32, #tpu.memory_space<vmem>> -> memref<1x1x40xi32, #tpu.memory_space<vmem>>
    %dma_wait3A_687 = tpu.memref_squeeze %dma_wait3A_686 : memref<1x1x40xi32, #tpu.memory_space<vmem>> -> memref<40xi32, #tpu.memory_space<vmem>>
    %dma_wait3A_688 = arith.constant 0 : i32
    %dma_wait3A_689 = arith.constant 0 : i32
    %dma_wait3A_690 = tpu.memref_slice %arg14[%dma_wait3A_688, %dma_wait3A_689] : memref<1024x128xf32, #tpu.memory_space<vmem_shared>> -> memref<1024x128xf32, #tpu.memory_space<vmem_shared>>
    tpu.wait_indirect_dma semaphore(%arg23 : memref<!tpu.dma_semaphore, #tpu.memory_space<semaphore_mem>>) src(%dma_wait3A_684 : memref<40x128xf32, #tpu.memory_space<vmem>>) dst(%dma_wait3A_690 : memref<1024x128xf32, #tpu.memory_space<vmem_shared>>)
    %dma_wait3A_691 = arith.constant 0 : i32
    %dma_wait3A_692 = arith.constant 0 : i32
    %dma_wait3A_693 = arith.constant 3 : i32
    %dma_wait3A_694 = arith.constant 120 : i32
    %dma_wait3A_695 = arith.constant 0 : i32
    %dma_wait3A_696 = tpu.memref_slice %arg7[%dma_wait3A_691, %dma_wait3A_694, %dma_wait3A_695] : memref<4x200x128xf32, #tpu.memory_space<vmem>> -> memref<1x40x128xf32, #tpu.memory_space<vmem>>
    %dma_wait3A_697 = tpu.memref_squeeze %dma_wait3A_696 : memref<1x40x128xf32, #tpu.memory_space<vmem>> -> memref<40x128xf32, #tpu.memory_space<vmem>>
    %dma_wait3A_698 = arith.constant 0 : i32
    %dma_wait3A_699 = tpu.memref_slice %arg8[%dma_wait3A_692, %dma_wait3A_693, %dma_wait3A_698] : memref<4x5x40xi32, #tpu.memory_space<vmem>> -> memref<1x1x40xi32, #tpu.memory_space<vmem>>
    %dma_wait3A_700 = tpu.memref_squeeze %dma_wait3A_699 : memref<1x1x40xi32, #tpu.memory_space<vmem>> -> memref<40xi32, #tpu.memory_space<vmem>>
    %dma_wait3A_701 = arith.constant 0 : i32
    %dma_wait3A_702 = arith.constant 0 : i32
    %dma_wait3A_703 = tpu.memref_slice %arg14[%dma_wait3A_701, %dma_wait3A_702] : memref<1024x128xf32, #tpu.memory_space<vmem_shared>> -> memref<1024x128xf32, #tpu.memory_space<vmem_shared>>
    tpu.wait_indirect_dma semaphore(%arg23 : memref<!tpu.dma_semaphore, #tpu.memory_space<semaphore_mem>>) src(%dma_wait3A_697 : memref<40x128xf32, #tpu.memory_space<vmem>>) dst(%dma_wait3A_703 : memref<1024x128xf32, #tpu.memory_space<vmem_shared>>)
    %dma_wait3A_704 = arith.constant 0 : i32
    %dma_wait3A_705 = arith.constant 0 : i32
    %dma_wait3A_706 = arith.constant 4 : i32
    %dma_wait3A_707 = arith.constant 160 : i32
    %dma_wait3A_708 = arith.constant 0 : i32
    %dma_wait3A_709 = tpu.memref_slice %arg7[%dma_wait3A_704, %dma_wait3A_707, %dma_wait3A_708] : memref<4x200x128xf32, #tpu.memory_space<vmem>> -> memref<1x40x128xf32, #tpu.memory_space<vmem>>
    %dma_wait3A_710 = tpu.memref_squeeze %dma_wait3A_709 : memref<1x40x128xf32, #tpu.memory_space<vmem>> -> memref<40x128xf32, #tpu.memory_space<vmem>>
    %dma_wait3A_711 = arith.constant 0 : i32
    %dma_wait3A_712 = tpu.memref_slice %arg8[%dma_wait3A_705, %dma_wait3A_706, %dma_wait3A_711] : memref<4x5x40xi32, #tpu.memory_space<vmem>> -> memref<1x1x40xi32, #tpu.memory_space<vmem>>
    %dma_wait3A_713 = tpu.memref_squeeze %dma_wait3A_712 : memref<1x1x40xi32, #tpu.memory_space<vmem>> -> memref<40xi32, #tpu.memory_space<vmem>>
    %dma_wait3A_714 = arith.constant 0 : i32
    %dma_wait3A_715 = arith.constant 0 : i32
    %dma_wait3A_716 = tpu.memref_slice %arg14[%dma_wait3A_714, %dma_wait3A_715] : memref<1024x128xf32, #tpu.memory_space<vmem_shared>> -> memref<1024x128xf32, #tpu.memory_space<vmem_shared>>
    tpu.wait_indirect_dma semaphore(%arg23 : memref<!tpu.dma_semaphore, #tpu.memory_space<semaphore_mem>>) src(%dma_wait3A_710 : memref<40x128xf32, #tpu.memory_space<vmem>>) dst(%dma_wait3A_716 : memref<1024x128xf32, #tpu.memory_space<vmem_shared>>)
    %dma_wait3A_717 = arith.constant 1 : i32
    %dma_wait3A_718 = arith.constant 1 : i32
    %dma_wait3A_719 = arith.constant 0 : i32
    %dma_wait3A_720 = arith.constant 0 : i32
    %dma_wait3A_721 = arith.constant 0 : i32
    %dma_wait3A_722 = tpu.memref_slice %arg7[%dma_wait3A_717, %dma_wait3A_720, %dma_wait3A_721] : memref<4x200x128xf32, #tpu.memory_space<vmem>> -> memref<1x40x128xf32, #tpu.memory_space<vmem>>
    %dma_wait3A_723 = tpu.memref_squeeze %dma_wait3A_722 : memref<1x40x128xf32, #tpu.memory_space<vmem>> -> memref<40x128xf32, #tpu.memory_space<vmem>>
    %dma_wait3A_724 = arith.constant 0 : i32
    %dma_wait3A_725 = tpu.memref_slice %arg8[%dma_wait3A_718, %dma_wait3A_719, %dma_wait3A_724] : memref<4x5x40xi32, #tpu.memory_space<vmem>> -> memref<1x1x40xi32, #tpu.memory_space<vmem>>
    %dma_wait3A_726 = tpu.memref_squeeze %dma_wait3A_725 : memref<1x1x40xi32, #tpu.memory_space<vmem>> -> memref<40xi32, #tpu.memory_space<vmem>>
    %dma_wait3A_727 = arith.constant 0 : i32
    %dma_wait3A_728 = arith.constant 0 : i32
    %dma_wait3A_729 = tpu.memref_slice %arg14[%dma_wait3A_727, %dma_wait3A_728] : memref<1024x128xf32, #tpu.memory_space<vmem_shared>> -> memref<1024x128xf32, #tpu.memory_space<vmem_shared>>
    tpu.wait_indirect_dma semaphore(%arg24 : memref<!tpu.dma_semaphore, #tpu.memory_space<semaphore_mem>>) src(%dma_wait3A_723 : memref<40x128xf32, #tpu.memory_space<vmem>>) dst(%dma_wait3A_729 : memref<1024x128xf32, #tpu.memory_space<vmem_shared>>)
    %dma_wait3A_730 = arith.constant 1 : i32
    %dma_wait3A_731 = arith.constant 1 : i32
    %dma_wait3A_732 = arith.constant 1 : i32
    %dma_wait3A_733 = arith.constant 40 : i32
    %dma_wait3A_734 = arith.constant 0 : i32
    %dma_wait3A_735 = tpu.memref_slice %arg7[%dma_wait3A_730, %dma_wait3A_733, %dma_wait3A_734] : memref<4x200x128xf32, #tpu.memory_space<vmem>> -> memref<1x40x128xf32, #tpu.memory_space<vmem>>
    %dma_wait3A_736 = tpu.memref_squeeze %dma_wait3A_735 : memref<1x40x128xf32, #tpu.memory_space<vmem>> -> memref<40x128xf32, #tpu.memory_space<vmem>>
    %dma_wait3A_737 = arith.constant 0 : i32
    %dma_wait3A_738 = tpu.memref_slice %arg8[%dma_wait3A_731, %dma_wait3A_732, %dma_wait3A_737] : memref<4x5x40xi32, #tpu.memory_space<vmem>> -> memref<1x1x40xi32, #tpu.memory_space<vmem>>
    %dma_wait3A_739 = tpu.memref_squeeze %dma_wait3A_738 : memref<1x1x40xi32, #tpu.memory_space<vmem>> -> memref<40xi32, #tpu.memory_space<vmem>>
    %dma_wait3A_740 = arith.constant 0 : i32
    %dma_wait3A_741 = arith.constant 0 : i32
    %dma_wait3A_742 = tpu.memref_slice %arg14[%dma_wait3A_740, %dma_wait3A_741] : memref<1024x128xf32, #tpu.memory_space<vmem_shared>> -> memref<1024x128xf32, #tpu.memory_space<vmem_shared>>
    tpu.wait_indirect_dma semaphore(%arg24 : memref<!tpu.dma_semaphore, #tpu.memory_space<semaphore_mem>>) src(%dma_wait3A_736 : memref<40x128xf32, #tpu.memory_space<vmem>>) dst(%dma_wait3A_742 : memref<1024x128xf32, #tpu.memory_space<vmem_shared>>)
    %dma_wait3A_743 = arith.constant 1 : i32
    %dma_wait3A_744 = arith.constant 1 : i32
    %dma_wait3A_745 = arith.constant 2 : i32
    %dma_wait3A_746 = arith.constant 80 : i32
    %dma_wait3A_747 = arith.constant 0 : i32
    %dma_wait3A_748 = tpu.memref_slice %arg7[%dma_wait3A_743, %dma_wait3A_746, %dma_wait3A_747] : memref<4x200x128xf32, #tpu.memory_space<vmem>> -> memref<1x40x128xf32, #tpu.memory_space<vmem>>
    %dma_wait3A_749 = tpu.memref_squeeze %dma_wait3A_748 : memref<1x40x128xf32, #tpu.memory_space<vmem>> -> memref<40x128xf32, #tpu.memory_space<vmem>>
    %dma_wait3A_750 = arith.constant 0 : i32
    %dma_wait3A_751 = tpu.memref_slice %arg8[%dma_wait3A_744, %dma_wait3A_745, %dma_wait3A_750] : memref<4x5x40xi32, #tpu.memory_space<vmem>> -> memref<1x1x40xi32, #tpu.memory_space<vmem>>
    %dma_wait3A_752 = tpu.memref_squeeze %dma_wait3A_751 : memref<1x1x40xi32, #tpu.memory_space<vmem>> -> memref<40xi32, #tpu.memory_space<vmem>>
    %dma_wait3A_753 = arith.constant 0 : i32
    %dma_wait3A_754 = arith.constant 0 : i32
    %dma_wait3A_755 = tpu.memref_slice %arg14[%dma_wait3A_753, %dma_wait3A_754] : memref<1024x128xf32, #tpu.memory_space<vmem_shared>> -> memref<1024x128xf32, #tpu.memory_space<vmem_shared>>
    tpu.wait_indirect_dma semaphore(%arg24 : memref<!tpu.dma_semaphore, #tpu.memory_space<semaphore_mem>>) src(%dma_wait3A_749 : memref<40x128xf32, #tpu.memory_space<vmem>>) dst(%dma_wait3A_755 : memref<1024x128xf32, #tpu.memory_space<vmem_shared>>)
    %dma_wait3A_756 = arith.constant 1 : i32
    %dma_wait3A_757 = arith.constant 1 : i32
    %dma_wait3A_758 = arith.constant 3 : i32
    %dma_wait3A_759 = arith.constant 120 : i32
    %dma_wait3A_760 = arith.constant 0 : i32
    %dma_wait3A_761 = tpu.memref_slice %arg7[%dma_wait3A_756, %dma_wait3A_759, %dma_wait3A_760] : memref<4x200x128xf32, #tpu.memory_space<vmem>> -> memref<1x40x128xf32, #tpu.memory_space<vmem>>
    %dma_wait3A_762 = tpu.memref_squeeze %dma_wait3A_761 : memref<1x40x128xf32, #tpu.memory_space<vmem>> -> memref<40x128xf32, #tpu.memory_space<vmem>>
    %dma_wait3A_763 = arith.constant 0 : i32
    %dma_wait3A_764 = tpu.memref_slice %arg8[%dma_wait3A_757, %dma_wait3A_758, %dma_wait3A_763] : memref<4x5x40xi32, #tpu.memory_space<vmem>> -> memref<1x1x40xi32, #tpu.memory_space<vmem>>
    %dma_wait3A_765 = tpu.memref_squeeze %dma_wait3A_764 : memref<1x1x40xi32, #tpu.memory_space<vmem>> -> memref<40xi32, #tpu.memory_space<vmem>>
    %dma_wait3A_766 = arith.constant 0 : i32
    %dma_wait3A_767 = arith.constant 0 : i32
    %dma_wait3A_768 = tpu.memref_slice %arg14[%dma_wait3A_766, %dma_wait3A_767] : memref<1024x128xf32, #tpu.memory_space<vmem_shared>> -> memref<1024x128xf32, #tpu.memory_space<vmem_shared>>
    tpu.wait_indirect_dma semaphore(%arg24 : memref<!tpu.dma_semaphore, #tpu.memory_space<semaphore_mem>>) src(%dma_wait3A_762 : memref<40x128xf32, #tpu.memory_space<vmem>>) dst(%dma_wait3A_768 : memref<1024x128xf32, #tpu.memory_space<vmem_shared>>)
    %dma_wait3A_769 = arith.constant 1 : i32
    %dma_wait3A_770 = arith.constant 1 : i32
    %dma_wait3A_771 = arith.constant 4 : i32
    %dma_wait3A_772 = arith.constant 160 : i32
    %dma_wait3A_773 = arith.constant 0 : i32
    %dma_wait3A_774 = tpu.memref_slice %arg7[%dma_wait3A_769, %dma_wait3A_772, %dma_wait3A_773] : memref<4x200x128xf32, #tpu.memory_space<vmem>> -> memref<1x40x128xf32, #tpu.memory_space<vmem>>
    %dma_wait3A_775 = tpu.memref_squeeze %dma_wait3A_774 : memref<1x40x128xf32, #tpu.memory_space<vmem>> -> memref<40x128xf32, #tpu.memory_space<vmem>>
    %dma_wait3A_776 = arith.constant 0 : i32
    %dma_wait3A_777 = tpu.memref_slice %arg8[%dma_wait3A_770, %dma_wait3A_771, %dma_wait3A_776] : memref<4x5x40xi32, #tpu.memory_space<vmem>> -> memref<1x1x40xi32, #tpu.memory_space<vmem>>
    %dma_wait3A_778 = tpu.memref_squeeze %dma_wait3A_777 : memref<1x1x40xi32, #tpu.memory_space<vmem>> -> memref<40xi32, #tpu.memory_space<vmem>>
    %dma_wait3A_779 = arith.constant 0 : i32
    %dma_wait3A_780 = arith.constant 0 : i32
    %dma_wait3A_781 = tpu.memref_slice %arg14[%dma_wait3A_779, %dma_wait3A_780] : memref<1024x128xf32, #tpu.memory_space<vmem_shared>> -> memref<1024x128xf32, #tpu.memory_space<vmem_shared>>
    tpu.wait_indirect_dma semaphore(%arg24 : memref<!tpu.dma_semaphore, #tpu.memory_space<semaphore_mem>>) src(%dma_wait3A_775 : memref<40x128xf32, #tpu.memory_space<vmem>>) dst(%dma_wait3A_781 : memref<1024x128xf32, #tpu.memory_space<vmem_shared>>)
    %barrier3A_782 = arith.constant 0 : index
    tpu.barrier barrier_id(%barrier3A_782)
    %mul3A_783 = arith.constant 1024 : i32
    %mul3A_784 = arith.muli %arg0, %mul3A_783 : i32
    %mul3A_785 = arith.constant 64 : i32
    %mul3A_786 = arith.muli %arg1, %mul3A_785 : i32
    %add3A_787 = arith.addi %mul3A_784, %mul3A_786 : i32
    %mul3A_788 = arith.constant 64 : i32
    %mul3A_789 = arith.muli %arg1, %mul3A_788 : i32
    "tpu.region"() ({
      %run_scoped3A = tpu.sem_alloc : memref<!tpu.dma_semaphore, #tpu.memory_space<semaphore_mem>>
      %dma_start3A_790 = arith.constant 0 : i32
      %dma_start3A_791 = tpu.memref_slice %arg5[%add3A_787, %dma_start3A_790] : memref<2048x128xf32, #tpu.memory_space<hbm>> -> memref<64x128xf32, #tpu.memory_space<hbm>>
      %dma_start3A_792 = arith.constant 0 : i32
      %dma_start3A_793 = tpu.memref_slice %arg14[%mul3A_789, %dma_start3A_792] : memref<1024x128xf32, #tpu.memory_space<vmem_shared>> -> memref<64x128xf32, #tpu.memory_space<vmem_shared>>
      tpu.enqueue_dma source(%dma_start3A_793 : memref<64x128xf32, #tpu.memory_space<vmem_shared>>) target(%dma_start3A_791 : memref<64x128xf32, #tpu.memory_space<hbm>>) target_semaphore(%run_scoped3A : memref<!tpu.dma_semaphore, #tpu.memory_space<semaphore_mem>>)
      %dma_wait3A_794 = arith.constant 0 : i32
      %dma_wait3A_795 = tpu.memref_slice %arg5[%add3A_787, %dma_wait3A_794] : memref<2048x128xf32, #tpu.memory_space<hbm>> -> memref<64x128xf32, #tpu.memory_space<hbm>>
      %dma_wait3A_796 = arith.constant 0 : i32
      %dma_wait3A_797 = tpu.memref_slice %arg14[%mul3A_789, %dma_wait3A_796] : memref<1024x128xf32, #tpu.memory_space<vmem_shared>> -> memref<64x128xf32, #tpu.memory_space<vmem_shared>>
      tpu.wait_dma2 semaphore(%run_scoped3A : memref<!tpu.dma_semaphore, #tpu.memory_space<semaphore_mem>>) src(%dma_wait3A_797 : memref<64x128xf32, #tpu.memory_space<vmem_shared>>) dst(%dma_wait3A_795 : memref<64x128xf32, #tpu.memory_space<hbm>>)
      tpu.yield
    }) : () -> ()
    "tpu.region"() ({
      %run_scoped3A = tpu.sem_alloc : memref<!tpu.dma_semaphore, #tpu.memory_space<semaphore_mem>>
      %dma_start3A_790 = arith.constant 0 : i32
      %dma_start3A_791 = tpu.memref_slice %arg6[%add3A, %dma_start3A_790] : memref<32x1024xf32, #tpu.memory_space<hbm>> -> memref<1x1024xf32, #tpu.memory_space<hbm>>
      %dma_start3A_792 = tpu.memref_squeeze %dma_start3A_791 : memref<1x1024xf32, #tpu.memory_space<hbm>> -> memref<1024xf32, #tpu.memory_space<hbm>>
      %dma_start3A_793 = arith.constant 0 : i32
      %dma_start3A_794 = tpu.memref_slice %arg6[%add3A, %dma_start3A_793] : memref<32x1024xf32, #tpu.memory_space<hbm>> -> memref<1x1024xf32, #tpu.memory_space<hbm>>
      %dma_start3A_795 = tpu.memref_squeeze %dma_start3A_794 : memref<1x1024xf32, #tpu.memory_space<hbm>> -> memref<1024xf32, #tpu.memory_space<hbm>>
      tpu.enqueue_dma source(%arg13 : memref<1024xf32, #tpu.memory_space<vmem>>) target(%dma_start3A_795 : memref<1024xf32, #tpu.memory_space<hbm>>) target_semaphore(%run_scoped3A : memref<!tpu.dma_semaphore, #tpu.memory_space<semaphore_mem>>)
      %dma_wait3A_796 = arith.constant 0 : i32
      %dma_wait3A_797 = tpu.memref_slice %arg6[%add3A, %dma_wait3A_796] : memref<32x1024xf32, #tpu.memory_space<hbm>> -> memref<1x1024xf32, #tpu.memory_space<hbm>>
      %dma_wait3A_798 = tpu.memref_squeeze %dma_wait3A_797 : memref<1x1024xf32, #tpu.memory_space<hbm>> -> memref<1024xf32, #tpu.memory_space<hbm>>
      %dma_wait3A_799 = arith.constant 0 : i32
      %dma_wait3A_800 = tpu.memref_slice %arg6[%add3A, %dma_wait3A_799] : memref<32x1024xf32, #tpu.memory_space<hbm>> -> memref<1x1024xf32, #tpu.memory_space<hbm>>
      %dma_wait3A_801 = tpu.memref_squeeze %dma_wait3A_800 : memref<1x1024xf32, #tpu.memory_space<hbm>> -> memref<1024xf32, #tpu.memory_space<hbm>>
      tpu.wait_dma2 semaphore(%run_scoped3A : memref<!tpu.dma_semaphore, #tpu.memory_space<semaphore_mem>>) src(%arg13 : memref<1024xf32, #tpu.memory_space<vmem>>) dst(%dma_wait3A_801 : memref<1024xf32, #tpu.memory_space<hbm>>)
      tpu.yield
    }) : () -> ()
    return
  }
}

module attributes {stable_mosaic.version = 14 : i64} {
  func.func @_combine_body(%arg0: memref<2048x128xf32, #tpu.memory_space<vmem>>, %arg1: memref<32x1024xf32, #tpu.memory_space<vmem>>, %arg2: memref<1024x128xf32, #tpu.memory_space<vmem>>) attributes {dimension_semantics = [], scalar_prefetch = 0 : i64, scratch_operands = 0 : i64, tpu.core_type = #tpu.core_type<tc>} {
    %get3A = arith.constant 0 : index
    %get3A_0 = arith.constant 0 : index
    %get3A_1 = vector.load %arg0[%get3A, %get3A_0] : memref<2048x128xf32, #tpu.memory_space<vmem>>, vector<1024x128xf32>
    %get3A_2 = arith.constant 1024 : index
    %get3A_3 = arith.constant 0 : index
    %get3A_4 = vector.load %arg0[%get3A_2, %get3A_3] : memref<2048x128xf32, #tpu.memory_space<vmem>>, vector<1024x128xf32>
    %get3A_5 = arith.constant 0 : index
    %get3A_6 = arith.constant 0 : index
    %get3A_7 = vector.load %arg1[%get3A_5, %get3A_6] : memref<32x1024xf32, #tpu.memory_space<vmem>>, vector<32x1024xf32>
    %reduce_sum3A = arith.constant dense<0.000000e+00> : vector<1024xf32>
    %reduce_sum3A_8 = vector.multi_reduction <add>, %get3A_7, %reduce_sum3A [0] : vector<32x1024xf32> to vector<1024xf32>
    %add3A = arith.addf %get3A_1, %get3A_4 : vector<1024x128xf32>
    %broadcast_in_dim3A = vector.shape_cast %reduce_sum3A_8 : vector<1024xf32> to vector<1024x1xf32>
    %div3A = vector.broadcast %broadcast_in_dim3A : vector<1024x1xf32> to vector<1024x128xf32>
    %div3A_9 = arith.divf %add3A, %div3A : vector<1024x128xf32>
    %swap3A = arith.constant 0 : index
    %swap3A_10 = arith.constant 0 : index
    %swap3A_11 = vector.load %arg2[%swap3A, %swap3A_10] : memref<1024x128xf32, #tpu.memory_space<vmem>>, vector<1024x128xf32>
    tpu.vector_store %arg2[%swap3A, %swap3A_10], %div3A_9 {strides = array<i32>} : memref<1024x128xf32, #tpu.memory_space<vmem>>, vector<1024x128xf32>,
    return
  }
}

</mosaic_0001>

<sc_bundles>
// kernel: _run.4.cloned.1.call-start
scs
__scs_entry_jumppad:
0x0: {  	(pc) =	sbr.rel $0x88, $3  }
0x1: {  	(tag) =	ssettag $0x0;
	lr =	simm.s32 $0x1  }
0x2: {  	[smem:$0x3F9F] =	sst lr;
	_ =	strace $0xD0000000  }
0x3: {  	_ = 	snop  }
0x4: {  	_ = 	snop  }
0x5: {  	_ = 	snop  }
0x6: {  	_ = 	snop  }
0x7: {  	_ = 	snop  }
__scs_overlays_trampoline_lowered:
0x8: {  	[smem:$0x3FAE] =	sst s0  }
0x9: {  	[smem:$0x3FAF] =	sst s1  }
0xa: {  	[smem:$0x3FB0] =	sst s2  }
0xb: {  	[smem:$0x3FB1] =	sst s3  }
0xc: {  	[smem:$0x3FB2] =	sst s4  }
0xd: {  	[smem:$0x3FB3] =	sst s5  }
0xe: {  	[smem:$0x3FB4] =	sst s6  }
0xf: {  	[smem:$0x3FB5] =	sst s7  }
0x10: {  	[smem:$0x3FB6] =	sst s8  }
0x11: {  	[smem:$0x3FB7] =	sst s9;
	s0 =	simm.s32 @!p0 $0x0  }
0x12: {  	s1 =	sld [smem:$0x3F9D];
	s0 =	simm.s32 @p0 $0x1  }
0x13: {  	[smem:$0x3FB8] =	sst s0;
	s0 =	simm.s32 @!p1 $0x0  }
0x14: {  	s2 =	sld [smem:$0x3F9C];
	s0 =	simm.s32 @p1 $0x1  }
0x15: {  	[smem:$0x3FB9] =	sst s0;
	s0 =	simm.s32 @!p2 $0x0  }
0x16: {  	s3 =	sld [smem:$0x3FDB];
	s0 =	simm.s32 @p2 $0x1  }
0x17: {  	s4 =	simm.s32 $0x1BF5;
	[smem:$0x3FBB] =	sst s0  }
0x18: {  	s0 =	sld [smem:$0x3F9E];
	_ =	swait.ge [sflag:s4], $0x0  }
0x19: {  	s7 =	sld [smem:$0x3F9F]  }
0x1a: {  	s8 =	sadd.s32 $0xFFFFE003, lr  }
0x1b: {  	s9 =	sadd.s32 $0xFFFFFEF7, lr;
	s5 =	simm.s32 $0xFFFFFFFF;
	p2 =	slt.u32 s8, $0xFFFFF086  }
0x1c: {  	p1 =	slt.u32 s9, $0xF7A;
	s5 =	simm.s32 @!p2 $0x0  }
0x1d: {  	s5 =	simm.s32 @p1 $0x1;
	p0 =	seq.s32 s7, s2  }
0x1e: {  	s7 =	smul.u32 @!p0 $0xF7A, s2;
	p2 =	seq.s32 @!p0 s5, $0x0  }
0x1f: {  	s9 =	smul.u32 $0xF7A, s1;
	s8 =	simm.s32 @!p0 $0x1BF5;
	p2 =	por !p2, p0  }
0x20: {  	[sflag:s8] =	ssyncset.s32 @!p0 $0xFFFFF086;
	s6 =	sadd.s32 @!p0 s3, s7;
	s7 =	simm.s32 @!p0 $0x108  }
0x21: {  	s3 =	sadd.s32 s3, s9;
	s6 =	sadd.s32 @!p0 $0x88, s6;
	s7 =	simm.s32 @p2 $0x1082  }
0x22: {  	[simem:s7], [sflag:s8] =	dma.local @!p0 [hbm:s6], $0xF7A  }
0x23: {  	s9 =	sor.u32 $0xD0000000, s2;
	s6 =	simm.s32 $0x108;
	_ =	swait.ge @!p0 [sflag:s8], $0x0  }
0x24: {  	s3 =	sadd.s32 $0x88, s3;
	s6 =	simm.s32 @!p1 $0x1082;
	[sflag:s4] =	ssyncset.s32 $0xFFFFF086  }
0x25: {  	[simem:s6], [sflag:s4] =	dma.local [hbm:s3], $0xF7A  }
0x26: {  	[smem:$0x3F9F] =	sst s1;
	(tag) =	ssettag s2;
	_ =	strace s9  }
0x27: {  	s1 =	sld [smem:$0x3FAF]  }
0x28: {  	s2 =	sld [smem:$0x3FB0]  }
0x29: {  	s4 =	sld [smem:$0x3FB2]  }
0x2a: {  	p0 =	seq.s32 s5, $0x0;
	s5 =	sld [smem:$0x3FB3]  }
0x2b: {  	s6 =	sld [smem:$0x3FB4]  }
0x2c: {  	s7 =	sld [smem:$0x3FB5]  }
0x2d: {  	s3 =	simm.s32 $0x108;
	s8 =	sld [smem:$0x3FB6]  }
0x2e: {  	s3 =	simm.s32 @!p0 $0x1082;
	s9 =	sld [smem:$0x3FB7]  }
0x2f: {  	lr =	sadd.s32 s0, s3;
	s0 =	sld [smem:$0x3FAE]  }
0x30: {  	s3 =	sld [smem:$0x3FB1]  }
0x31: {  	[smem:$0x3FBA] =	sst s10  }
0x32: {  	s10 =	sld [smem:$0x3FB8];
	_ =	sdelay $0x3  }
0x33: {  	p0 =	seq.s32 s10, $0x1;
	s10 =	sld [smem:$0x3FBA];
	_ =	sdelay $0x3  }
0x34: {  	[smem:$0x3FBA] =	sst s10  }
0x35: {  	s10 =	sld [smem:$0x3FB9];
	_ =	sdelay $0x3  }
0x36: {  	p1 =	seq.s32 s10, $0x1;
	s10 =	sld [smem:$0x3FBA];
	_ =	sdelay $0x3  }
0x37: {  	[smem:$0x3FBA] =	sst s10  }
0x38: {  	s10 =	sld [smem:$0x3FBB]  }
0x39: {  	_ = 	snop;
	(pc) =	sbr.ind lr, $3  }
0x3a: {  	_ = 	snop  }
0x3b: {  	_ = 	snop  }
0x3c: {  	p2 =	seq.s32 s10, $0x1;
	s10 =	sld [smem:$0x3FBA]  }
0x3d: {  	_ =	shalt  }
0x3e: {  	_ =	shalt  }
0x3f: {  	_ =	shalt  }
0x40: {  	_ =	shalt  }
0x41: {  	_ =	shalt  }
0x42: {  	_ =	shalt  }
0x43: {  	_ =	shalt  }
0x44: {  	_ =	shalt  }
0x45: {  	_ =	shalt  }
0x46: {  	_ =	shalt  }
0x47: {  	_ =	shalt  }
0x48: {  	_ =	shalt  }
0x49: {  	_ =	shalt  }
0x4a: {  	_ =	shalt  }
0x4b: {  	_ =	shalt  }
0x4c: {  	_ =	shalt  }
0x4d: {  	_ =	shalt  }
0x4e: {  	_ =	shalt  }
0x4f: {  	_ =	shalt  }
0x50: {  	_ =	shalt  }
0x51: {  	_ =	shalt  }
0x52: {  	_ =	shalt  }
0x53: {  	_ =	shalt  }
0x54: {  	_ =	shalt  }
0x55: {  	_ =	shalt  }
0x56: {  	_ =	shalt  }
0x57: {  	_ =	shalt  }
0x58: {  	_ =	shalt  }
0x59: {  	_ =	shalt  }
0x5a: {  	_ =	shalt  }
0x5b: {  	_ =	shalt  }
0x5c: {  	_ =	shalt  }
0x5d: {  	_ =	shalt  }
0x5e: {  	_ =	shalt  }
0x5f: {  	_ =	shalt  }
0x60: {  	_ =	shalt  }
0x61: {  	_ =	shalt  }
0x62: {  	_ =	shalt  }
0x63: {  	_ =	shalt  }
0x64: {  	_ =	shalt  }
0x65: {  	_ =	shalt  }
0x66: {  	_ =	shalt  }
0x67: {  	_ =	shalt  }
0x68: {  	_ =	shalt  }
0x69: {  	_ =	shalt  }
0x6a: {  	_ =	shalt  }
0x6b: {  	_ =	shalt  }
0x6c: {  	_ =	shalt  }
0x6d: {  	_ =	shalt  }
0x6e: {  	_ =	shalt  }
0x6f: {  	_ =	shalt  }
0x70: {  	_ =	shalt  }
0x71: {  	_ =	shalt  }
0x72: {  	_ =	shalt  }
0x73: {  	_ =	shalt  }
0x74: {  	_ =	shalt  }
0x75: {  	_ =	shalt  }
0x76: {  	_ =	shalt  }
0x77: {  	_ =	shalt  }
0x78: {  	_ =	shalt  }
0x79: {  	_ =	shalt  }
0x7a: {  	_ =	shalt  }
0x7b: {  	_ =	shalt  }
0x7c: {  	_ =	shalt  }
0x7d: {  	_ =	shalt  }
0x7e: {  	_ =	shalt  }
0x7f: {  	_ =	shalt  }
0x80: {  	_ =	shalt  }
0x81: {  	_ =	shalt  }
0x82: {  	_ =	shalt  }
0x83: {  	_ =	shalt  }
0x84: {  	_ =	shalt  }
0x85: {  	_ =	shalt  }
0x86: {  	_ =	shalt  }
0x87: {  	_ =	shalt  }
.Lfunc_end0:
.L_simem_size_0:
called_computation_lowered:
.L_overlay_start_0:
0x88: {  	s2 =	sld [smem:$0x3FD9]  }
0x89: {  	s3 =	sld [smem:$0x3FFE];
	_ =	sdelay $0x1  }
0x8a: {  	s1 =	srdreg.scid  }
0x8b: {  	s0 =	sand.u32 $0x1, s1  }
0x8c: {  	s17 =	sshll.u32 s0, $0xA;
	s2 =	sadd.s32 s3, s2  }
0x8d: {  	s2 =	sadd.s32 s2, s17  }
0x8e: {  	[smem:$0x3FC6] =	sst s2  }
0x8f: {  	_ = 	snop  }
0x90: {  	s2 =	sld [smem:$0x3FC9]  }
0x91: {  	s18 =	sld [smem:$0x3FD0];
	(tm) =	ssettm $0x1  }
0x92: {  	s4 =	sld [smem:$0x3FFB];
	_ =	sdelay $0x3  }
0x93: {  	_ =	strace s4  }
0x94: {  	s4 =	sld [smem:$0x3FFC];
	_ =	sdelay $0x3  }
0x95: {  	_ =	strace s4  }
0x96: {  	s4 =	sld [smem:$0x3FFD];
	_ =	sdelay $0x3  }
0x97: {  	_ =	strace s4  }
0x98: {  	_ =	strace $0x8FFFFFFF  }
0x99: {  	s19 =	sld [smem:$0x3FDB];
	_ =	sdelay $0x1  }
0x9a: {  	s5 =	simm.s32 $_scs_section_size  }
0x9b: {  	s6 =	simm.s32 $_size__tile_overlayer_lowered;
	s7 =	simm.s32 $_tile_overlayer_lowered  }
0x9c: {  	s22 =	simm.s32 $0x1BFF;
	s21 =	sshll.u32 s7, $0x1;
	s4 =	sadd.s32 s5, s19  }
0x9d: {  	s8 =	simm.s32 $0x0;
	s20 =	sshll.u32 s6, $0x1;
	s6 =	sadd.s32 s21, s4  }
0x9e: {  	[timem:s8], [sflag:s22] =	dma.local [hbm:s6], s20  }
0x9f: {  	_ =	swait.ge [sflag:s22], s20  }
0xa0: {  	s5 =	ssub.s32 $0x0, s20;
	[sflag:s22] =	ssyncset.done $0x0  }
0xa1: {  	[sflag:s22] =	ssyncadd.s32 s5;
	_ =	sdelay $0x1  }
0xa2: {  	s23 =	simm.s32 $0x1B8B  }
0xa3: {  	_ =	swait.ge [sflag:s23], $0x1  }
0xa4: {  	[sflag:s23] =	ssyncset.done $0x0  }
0xa5: {  	s25 =	simm.s32 $0x1B8E;
	s24 =	sld [smem:$0x3FFE];
	[sflag:s23] =	ssyncadd.s32 $0xFFFFFFFF  }
0xa6: {  	s26 =	simm.s32 $execute0_lowered;
	[smem:$0x3FD2] =	sst s25  }
0xa7: {  	s6 =	sshll.u32 s26, $0x1;
	_ =	strace $0x80000046;
	[dreg:$0x1] =	wrdreg $0xFFFFFFFF  }
0xa8: {  	s28 =	simm.s32 $_size_execute0_lowered;
	s4 =	sadd.s32 s4, s6;
	[dreg:$0x0] =	wrdreg $0x0  }
0xa9: {  	s6 =	sshll.u32 s28, $0x1;
	[dreg:$0x2] =	wrdreg s4  }
0xaa: {  	[dreg:$0x3] =	wrdreg s6  }
0xab: {  	[dreg:$0x4] =	wrdreg $0xC0  }
0xac: {  	_ =	task [dreg:s8], $0x5FFFF  }
0xad: {  	[dreg:$0x1] =	wrdreg $0xFFFFFFFF  }
0xae: {  	[dreg:$0x0] =	wrdreg $0x60  }
0xaf: {  	[dreg:$0x2] =	wrdreg s2  }
0xb0: {  	[dreg:$0x3] =	wrdreg s24  }
0xb1: {  	[dreg:$0x4] =	wrdreg s18  }
0xb2: {  	[dreg:$0x5] =	wrdreg $0x1A8000  }
0xb3: {  	[dreg:$0x6] =	wrdreg $0x9  }
0xb4: {  	_ =	task.clear_ibuf [dreg:s8], $0x7FFFF;
	_ =	strace $0x90000046  }
0xb5: {  	s29 =	simm.s32 $0x9;
	_ =	strace $0x80000048  }
0xb6: {  	_ =	swait.ge [sflag:s29], $0x1  }
0xb7: {  	[sflag:s29] =	ssyncadd.s32 $0xFFFFFFFF  }
0xb8: {  	_ =	strace $0x90000048  }
0xb9: {  	_ =	sfence  }
0xba: {  	s30 =	sld [smem:$0x0];
	_ =	sdelay $0x2  }
0xbb: {  	s31 =	sshll.u32 s1, $0xD;
	s1 =	sshrl.u32 s1, $0x2  }
0xbc: {  	s3 =	sand.u32 $0x4000, s31;
	s1 =	sadd.s32 s1, s30  }
0xbd: {  	s0 =	sor.u32 s3, s0;
	s1 =	sshll.u32 s1, $0x11  }
0xbe: {  	s0 =	sor.u32 s1, s0  }
0xbf: {  	s0 =	sadd.s32 $0x8F2B, s0  }
0xc0: {  	[sflag:s0] =	ssyncadd.remote.s32 $0x1  }
0xc1: {  	_ =	sfence.sel $0xFFFF  }
0xc2: {  	[dreg:$0x0] =	wrdreg $0xFFFFFFFF;
	(pc) =	sbr.abs _section_cstart, $3  }
0xc3: {  	[dreg:$0x1] =	wrdreg $0xFFFFFFFF  }
0xc4: {  	_ =	task.clear_ibuf [dreg:s8], $0x2FFFF;
	_ =	strace $0x9FFFFFFF  }
0xc5: {  	(tm) =	ssettm $0x7FFFFFFF  }
tec
execute0_lowered:
.L_overlay_start_1:
0x0: {  	(tag) =	ssettag $0x1  }
0x1: {  	s1 =	rddreg [dreg:$0x0]  }
0x2: {  	s0 =	rddreg [dreg:$0x1]  }
0x3: {  	s3 =	rddreg [dreg:$0x2]  }
0x4: {  	s2 =	rddreg [dreg:$0x3];
	s4 =	simm.s32 $0x0  }
0x5: {  	s13 =	stileid.u32;
	s6 =	srdreg.scid;
	s31 =	simm.s32 $0x5  }
0x6: {  	s28 =	simm.s32 $0x1A400;
	[smem:$0x7FF] =	sst s4;
	s5 =	sadd.s32 $0xC00, s0  }
0x7: {  	s7 =	sadd.s32 $0xAA00, s0;
	s6 =	sand.u32 $0x1, s6;
	s24 =	sshll.u32 s13, $0x1  }
0x8: {  	s8 =	sshll.u32 s13, $0xA;
	s10 =	sshll.u32 s13, $0xD;
	s11 =	sshll.u32 s13, $0x6  }
0x9: {  	_ =	strace $0x80000047;
	[dreg:$0x11] =	wrdreg s7;
	s7 =	sor.u32 s6, s24  }
0xa: {  	s9 =	ssub.s32 $0x2, s6;
	s26 =	sadd.s32 s10, s2;
	s21 =	smul.u32 $0x2710, s7  }
0xb: {  	s11 =	sor.u32 $0x1C0D, s11;
	s12 =	smul.u32 $0x27100, s7;
	[dreg:$0x12] =	wrdreg s26  }
0xc: {  	s8 =	sadd.s32 s8, s0;
	s25 =	sshrl.u32 s9, $0x1;
	[dreg:$0x13] =	wrdreg s11  }
0xd: {  	s0 =	ssub.s32 s9, s25;
	s10 =	sadd.s32 s1, s12;
	s12 =	sshrl.u32 s21, $0x3  }
0xe: {  	s14 =	sadd.s32 $0x28, s21;
	s18 =	sadd.s32 $0xC8, s21;
	s22 =	sadd.s32 $0x118, s21  }
0xf: {  	s24 =	sadd.s32 $0x168, s21;
	s26 =	sadd.s32 $0x320, s21;
	[dreg:$0x14] =	wrdreg s10  }
0x10: {  	s0 =	smax.u32 s0, $0x1;
	s19 =	sshll.u32 s18, $0x4;
	[dreg:$0x5] =	wrdreg s26  }
0x11: {  	s23 =	sshrl.u32 s22, $0x3;
	s22 =	simm.s32 $0xDC00;
	[smem:$0x7F8] =	sst s0  }
0x12: {  	s25 =	sshrl.u32 s24, $0x3;
	s24 =	simm.s32 $0xF000;
	[dreg:$0x9] =	wrdreg s22  }
0x13: {  	s20 =	sshrl.u32 s18, $0x3;
	s10 =	simm.s32 $0x14000;
	[dreg:$0xa] =	wrdreg s24  }
0x14: {  	s18 =	sshll.u32 s13, $0x8;
	s13 =	simm.s32 $0x15400;
	[dreg:$0xd] =	wrdreg s10  }
0x15: {  	s12 =	sadd.s32 s5, s12;
	s15 =	sshrl.u32 s14, $0x3;
	[dreg:$0xe] =	wrdreg s13  }
0x16: {  	s29 =	simm.s32 $0x19200;
	s9 =	sadd.s32 s5, s15;
	[dreg:$0x15] =	wrdreg s12  }
0x17: {  	s30 =	simm.s32 $0x19400;
	s14 =	sadd.s32 $0xA, s12;
	[dreg:$0x16] =	wrdreg s9  }
0x18: {  	s6 =	sshll.u32 s6, $0xE;
	s15 =	sadd.s32 $0x3E8, s21;
	[dreg:$0x17] =	wrdreg s14  }
0x19: {  	s16 =	sadd.s32 $0x78, s21;
	s22 =	sadd.s32 $0x14, s12;
	[dreg:$0x6] =	wrdreg s15  }
0x1a: {  	s17 =	sshrl.u32 s16, $0x3;
	s24 =	sadd.s32 $0x28, s12;
	[smem:$0x7F9] =	sst s22  }
0x1b: {  	s6 =	sadd.s32 s6, s8;
	s9 =	sadd.s32 s5, s17;
	[smem:$0x7FB] =	sst s24  }
0x1c: {  	s7 =	sshll.u32 s7, $0x4;
	s17 =	sadd.s32 $0x4B0, s21;
	[dreg:$0x18] =	wrdreg s9  }
0x1d: {  	s8 =	simm.s32 $0x0;
	s15 =	simm.s32 $0x16800;
	[dreg:$0x7] =	wrdreg s17  }
0x1e: {  	s7 =	sand.u32 $0x70, s7;
	s9 =	sadd.s32 s1, s19;
	[dreg:$0xf] =	wrdreg s15  }
0x1f: {  	s16 =	sadd.s32 $0x190, s21;
	s17 =	simm.s32 $0x17C00;
	[dreg:$0x19] =	wrdreg s9  }
0x20: {  	s26 =	sshrl.u32 s16, $0x3;
	s9 =	sadd.s32 s5, s20;
	[dreg:$0x10] =	wrdreg s17  }
0x21: {  	s19 =	sand.u32 $0xC00, s18;
	s20 =	simm.s32 $0x1A300;
	[dreg:$0x1a] =	wrdreg s9  }
0x22: {  	s3 =	sadd.s32 s3, s19;
	s19 =	sadd.s32 s5, s26;
	[dreg:$0x8] =	wrdreg s20  }
0x23: {  	s10 =	simm.s32 $0xD;
	s26 =	sadd.s32 $0x46, s12;
	[dreg:$0x1f] =	wrdreg s19  }
0x24: {  	s14 =	smov.u32 s1;
	s9 =	sadd.s32 s5, s23;
	[smem:$0x7FD] =	sst s26  }
0x25: {  	s22 =	simm.s32 $0x28;
	s3 =	sadd.s32 s7, s3;
	[dreg:$0x1b] =	wrdreg s9  }
0x26: {  	s24 =	simm.s32 $0x9;
	s20 =	sadd.s32 $0xAE00, s6;
	[dreg:$0x1e] =	wrdreg s3  }
0x27: {  	s18 =	sadd.s32 $0x208, s21;
	s9 =	sadd.s32 s5, s25;
	[smem:$0x7F7] =	sst s20  }
0x28: {  	s23 =	sshll.u32 s16, $0x4;
	s25 =	simm.s32 $0x10400;
	[dreg:$0x1c] =	wrdreg s9  }
0x29: {  	s16 =	sadd.s32 $0x1B8, s21;
	s9 =	sadd.s32 s1, s23;
	[dreg:$0xb] =	wrdreg s25  }
0x2a: {  	s7 =	sshrl.u32 s16, $0x3;
	s1 =	simm.s32 $0x11800;
	[dreg:$0x1d] =	wrdreg s9  }
0x2b: {  	s3 =	sshrl.u32 s18, $0x3;
	s7 =	sadd.s32 s5, s7;
	[dreg:$0xc] =	wrdreg s1  }
0x2c: {  	s26 =	simm.s32 $0x7;
	s3 =	sadd.s32 s5, s3;
	[smem:$0x7F5] =	sst s7  }
0x2d: {  	s6 =	simm.s32 $0x8;
	s23 =	sadd.s32 $0x1E, s12;
	[smem:$0x7F6] =	sst s3  }
0x2e: {  	s18 =	simm.s32 $0x19480;
	s25 =	sadd.s32 $0x3C, s12;
	[smem:$0x7FA] =	sst s23  }
0x2f: {  	s12 =	simm.s32 $0x19000;
	[smem:$0x7FC] =	sst s25;
	s23 =	simm.s32 $0x6  }
0x30: {  	v0 =	vimm.f32 $0.0e+00;
	v1 =	vimm.f32 $1.000000000e+00;
	s7 =	simm.s32 $0xA;
	s9 =	simm.s32 $0xB;
	s25 =	simm.s32 $0x19E00  }
.LBB2_1:
0x31: {  	[smem:$0x7F3] =	sst s8  }
0x32: {  	s0 =	rddreg [dreg:$0x12]  }
0x33: {  	s20 =	rddreg [dreg:$0x11];
	s0 =	sshrl.u32 s0, $0x3  }
0x34: {  	[smem:$0x7F4] =	sst s0  }
0x35: {  	[spmem:s0], [sflag:s11] =	dma.local [hbm:s20], $0x400  }
0x36: {  	_ =	swait.ge [sflag:s10], $0x400  }
0x37: {  	[sflag:s10] =	ssyncset.done $0x0  }
0x38: {  	s8 =	simm.s32 $0x40;
	s16 =	simm.s32 $0x0;
	[sflag:s10] =	ssyncadd.s32 $0xFFFFFC00  }
.LBB2_2:
0x39: {  	p0 =	sne.s32 s8, $0xFC0;
	[tilespmem:s16+$0x1A400] =	vst v0;
	s16 =	smov.u32 s8;
	s8 =	sadd.s32 $0x40, s8  }
.Ltmp0:
0x3a: {  	(pc) =	sbr.rel @p0 .LBB2_2-.Ltmp0, $2  }
0x3b: {  	_ =	sdelay $0x2  }
0x3c: {  	s16 =	sshra.s32 s16, $0x2  }
0x3d: {  	[tilespmem:s16+$0x1A400] =	vst v0  }
0x3e: {  	[bflag:$0x0] =	sbarrier.arrive $0xFFFF  }
0x3f: {  	s0 =	rddreg [dreg:$0x14]  }
0x40: {  	s16 =	simm.s32 $0x0;
	s20 =	rddreg [dreg:$0x15]  }
0x41: {  	[tilespmem:s16], [sflag:$0x1] =	stream.linear.gather [hbm4b:s0+s16], $0x6400, $0x38;
	[tilespmem:$0x1C800] =	vst v63  }
0x42: {  	s8 =	rddreg [dreg:$0x16]  }
0x43: {  	[tilespmem:s12], [sflag:$0x5] =	stream.linear.gather [hbm4b:s20+s16], $0x28, $0x38;
	[tilespmem:$0x1C800] =	vst v63  }
0x44: {  	s11 =	simm.s32 $0x19080;
	s3 =	rddreg [dreg:$0x17]  }
0x45: {  	[tilespmem:s11], [sflag:$0x5] =	stream.linear.gather [hbm4b:s8+s16], $0x28, $0x38;
	[tilespmem:$0x1C800] =	vst v63  }
0x46: {  	s1 =	simm.s32 $0x19100;
	s10 =	rddreg [dreg:$0x18]  }
0x47: {  	[tilespmem:s1], [sflag:$0x5] =	stream.linear.gather [hbm4b:s3+s16], $0x28, $0x38;
	[tilespmem:$0x1C800] =	vst v63  }
0x48: {  	s13 =	simm.s32 $0x19180;
	s15 =	sld [smem:$0x7F9]  }
0x49: {  	[tilespmem:s13], [sflag:$0x5] =	stream.linear.gather [hbm4b:s10+s16], $0x28, $0x38;
	[tilespmem:$0x1C800] =	vst v63  }
0x4a: {  	s17 =	simm.s32 $0x19200  }
0x4b: {  	[tilespmem:s17], [sflag:$0x5] =	stream.linear.gather [hbm4b:s15+s16], $0x28, $0x38;
	[tilespmem:$0x1C800] =	vst v63  }
0x4c: {  	s19 =	simm.s32 $0x1A000;
	s0 =	rddreg [dreg:$0x1a]  }
0x4d: {  	[tilespmem:s19], [sflag:$0x5] =	stream.linear.gather [hbm4b:s20+s16], $0xD0, $0x38;
	[tilespmem:$0x1C800] =	vst v63  }
0x4e: {  	s1 =	simm.s32 $0x6400;
	s20 =	rddreg [dreg:$0x19]  }
0x4f: {  	[tilespmem:s1], [sflag:$0x2] =	stream.linear.gather [hbm4b:s20+s16], $0x6400, $0x38;
	[tilespmem:$0x1C800] =	vst v63  }
0x50: {  	s3 =	simm.s32 $0x19400;
	s10 =	sld [smem:$0x7FA]  }
0x51: {  	[tilespmem:s3], [sflag:$0x6] =	stream.linear.gather [hbm4b:s0+s16], $0x28, $0x38;
	[tilespmem:$0x1C800] =	vst v63  }
0x52: {  	s13 =	rddreg [dreg:$0x1b];
	s3 =	simm.s32 $0x19480  }
0x53: {  	[tilespmem:s3], [sflag:$0x6] =	stream.linear.gather [hbm4b:s10+s16], $0x28, $0x38;
	[tilespmem:$0x1C800] =	vst v63  }
0x54: {  	s15 =	simm.s32 $0x19500;
	s17 =	sld [smem:$0x7FB]  }
0x55: {  	[tilespmem:s15], [sflag:$0x6] =	stream.linear.gather [hbm4b:s13+s16], $0x28, $0x38;
	[tilespmem:$0x1C800] =	vst v63  }
0x56: {  	s19 =	simm.s32 $0x19580  }
0x57: {  	[tilespmem:s19], [sflag:$0x6] =	stream.linear.gather [hbm4b:s17+s16], $0x28, $0x38;
	[tilespmem:$0x1C800] =	vst v63  }
0x58: {  	s20 =	rddreg [dreg:$0x1c];
	s1 =	simm.s32 $0x19600  }
0x59: {  	[tilespmem:s1], [sflag:$0x6] =	stream.linear.gather [hbm4b:s20+s16], $0x28, $0x38;
	[tilespmem:$0x1C800] =	vst v63  }
0x5a: {  	s10 =	simm.s32 $0x1A100;
	s13 =	rddreg [dreg:$0x1d]  }
0x5b: {  	[tilespmem:s10], [sflag:$0x6] =	stream.linear.gather [hbm4b:s0+s16], $0xD0, $0x38;
	[tilespmem:$0x1C800] =	vst v63  }
0x5c: {  	s15 =	simm.s32 $0xC800;
	s19 =	sld [smem:$0x7F5]  }
0x5d: {  	[tilespmem:s15], [sflag:$0x3] =	stream.linear.gather [hbm4b:s13+s16], $0x6400, $0x38;
	[tilespmem:$0x1C800] =	vst v63  }
0x5e: {  	s17 =	simm.s32 $0x19800;
	s0 =	rddreg [dreg:$0x1f]  }
0x5f: {  	[tilespmem:s17], [sflag:$0x7] =	stream.linear.gather [hbm4b:s0+s16], $0x28, $0x38;
	[tilespmem:$0x1C800] =	vst v63  }
0x60: {  	s3 =	sld [smem:$0x7FC];
	s20 =	simm.s32 $0x19880  }
0x61: {  	[tilespmem:s20], [sflag:$0x7] =	stream.linear.gather [hbm4b:s19+s16], $0x28, $0x38;
	[tilespmem:$0x1C800] =	vst v63  }
0x62: {  	s10 =	simm.s32 $0x19900;
	s13 =	sld [smem:$0x7F6]  }
0x63: {  	[tilespmem:s10], [sflag:$0x7] =	stream.linear.gather [hbm4b:s3+s16], $0x28, $0x38;
	[tilespmem:$0x1C800] =	vst v63  }
0x64: {  	s15 =	simm.s32 $0x19980;
	s17 =	sld [smem:$0x7FD]  }
0x65: {  	[tilespmem:s15], [sflag:$0x7] =	stream.linear.gather [hbm4b:s13+s16], $0x28, $0x38;
	[tilespmem:$0x1C800] =	vst v63  }
0x66: {  	s19 =	simm.s32 $0x19A00  }
0x67: {  	[tilespmem:s19], [sflag:$0x7] =	stream.linear.gather [hbm4b:s17+s16], $0x28, $0x38;
	[tilespmem:$0x1C800] =	vst v63  }
0x68: {  	s20 =	simm.s32 $0x1A200  }
0x69: {  	[tilespmem:s20], [sflag:$0x7] =	stream.linear.gather [hbm4b:s0+s16], $0xD0, $0x38;
	[tilespmem:$0x1C800] =	vst v63  }
.LBB2_4:
0x6a: {  	s0 =	simm.s32 $0x1  }
0x6b: {  	_ =	swait.ge [sflag:s0], $0x6400  }
0x6c: {  	[sflag:s0] =	ssyncset.done $0x0  }
0x6d: {  	[sflag:s0] =	ssyncadd.s32 $0xFFFF9C00  }
0x6e: {  	_ =	swait.ge [sflag:s31], $0x28  }
0x6f: {  	[sflag:s31] =	ssyncset.done $0x0  }
0x70: {  	[sflag:s31] =	ssyncadd.s32 $0xFFFFFFD8  }
0x71: {  	_ =	swait.ge [sflag:s31], $0x28  }
0x72: {  	[sflag:s31] =	ssyncset.done $0x0  }
0x73: {  	[sflag:s31] =	ssyncadd.s32 $0xFFFFFFD8  }
0x74: {  	_ =	swait.ge [sflag:s31], $0x28  }
0x75: {  	[sflag:s31] =	ssyncset.done $0x0  }
0x76: {  	[sflag:s31] =	ssyncadd.s32 $0xFFFFFFD8  }
0x77: {  	_ =	swait.ge [sflag:s31], $0x28  }
0x78: {  	[sflag:s31] =	ssyncset.done $0x0  }
0x79: {  	[sflag:s31] =	ssyncadd.s32 $0xFFFFFFD8  }
0x7a: {  	_ =	swait.ge [sflag:s31], $0x28  }
0x7b: {  	[sflag:s31] =	ssyncset.done $0x0  }
0x7c: {  	[sflag:s31] =	ssyncadd.s32 $0xFFFFFFD8  }
0x7d: {  	_ =	swait.ge [sflag:s31], $0xD0  }
0x7e: {  	p0 =	seq.s32 s16, $0x0;
	[sflag:s31] =	ssyncset.done $0x0  }
0x7f: {  	s8 =	simm.s32 @!p0 $0xC;
	[sflag:s31] =	ssyncadd.s32 $0xFFFFFF30  }
0x80: {  	_ =	swait.ge @!p0 [sflag:s8], $0x1400  }
0x81: {  	[sflag:s8] =	ssyncset.done @!p0 $0x0  }
0x82: {  	[sflag:s8] =	ssyncadd.s32 @!p0 $0xFFFFEC00  }
0x83: {  	_ =	swait.ge @!p0 [sflag:s8], $0x1400  }
0x84: {  	[sflag:s8] =	ssyncset.done @!p0 $0x0  }
0x85: {  	[sflag:s8] =	ssyncadd.s32 @!p0 $0xFFFFEC00  }
0x86: {  	_ =	swait.ge @!p0 [sflag:s8], $0x1400  }
0x87: {  	[sflag:s8] =	ssyncset.done @!p0 $0x0  }
0x88: {  	[sflag:s8] =	ssyncadd.s32 @!p0 $0xFFFFEC00  }
0x89: {  	_ =	swait.ge @!p0 [sflag:s8], $0x1400  }
0x8a: {  	s10 =	sadd.s32 @!p0 $0x258, s16;
	[sflag:s8] =	ssyncset.done @!p0 $0x0  }
0x8b: {  	s1 =	simm.s32 $0x12C00;
	s10 =	simm.s32 @p0 $0x258;
	[sflag:s8] =	ssyncadd.s32 @!p0 $0xFFFFEC00  }
0x8c: {  	s10 =	sadd.s32 s21, s10;
	s0 =	smov.u32 s21;
	_ =	swait.ge @!p0 [sflag:s8], $0x1400  }
0x8d: {  	s20 =	sshll.u32 s10, $0x4;
	s3 =	sshrl.u32 s10, $0x3;
	[sflag:s8] =	ssyncset.done @!p0 $0x0  }
0x8e: {  	s15 =	sadd.s32 $0x28, s10;
	s21 =	sadd.s32 s14, s20;
	[sflag:s8] =	ssyncadd.s32 @!p0 $0xFFFFEC00  }
0x8f: {  	[tilespmem:s1], [sflag:$0x4] =	stream.linear.gather [hbm4b:s21+s4], $0x6400, $0x38;
	[tilespmem:$0x1C800] =	vst v63  }
0x90: {  	s13 =	simm.s32 $0x19C00;
	s8 =	sadd.s32 s5, s3;
	s21 =	sshrl.u32 s15, $0x3  }
0x91: {  	[tilespmem:s13], [sflag:$0x8] =	stream.linear.gather [hbm4b:s8+s4], $0x28, $0x38;
	[tilespmem:$0x1C800] =	vst v63  }
0x92: {  	s17 =	simm.s32 $0x19C80;
	s10 =	sadd.s32 $0x78, s10;
	s21 =	sadd.s32 s5, s21  }
0x93: {  	[tilespmem:s17], [sflag:$0x8] =	stream.linear.gather [hbm4b:s21+s4], $0x28, $0x38;
	[tilespmem:$0x1C800] =	vst v63  }
0x94: {  	s20 =	simm.s32 $0x19D00;
	s10 =	sshrl.u32 s10, $0x3;
	s19 =	sadd.s32 $0xA, s8  }
0x95: {  	[tilespmem:s20], [sflag:$0x8] =	stream.linear.gather [hbm4b:s19+s4], $0x28, $0x38;
	[tilespmem:$0x1C800] =	vst v63  }
0x96: {  	s10 =	sadd.s32 s5, s10;
	s21 =	simm.s32 $0x19D80  }
0x97: {  	[tilespmem:s21], [sflag:$0x8] =	stream.linear.gather [hbm4b:s10+s4], $0x28, $0x38;
	[tilespmem:$0x1C800] =	vst v63  }
0x98: {  	s3 =	sadd.s32 $0x14, s8  }
0x99: {  	[tilespmem:s25], [sflag:$0x8] =	stream.linear.gather [hbm4b:s3+s4], $0x28, $0x38;
	[tilespmem:$0x1C800] =	vst v63  }
0x9a: {  	s13 =	rddreg [dreg:$0x8]  }
0x9b: {  	[tilespmem:s13], [sflag:$0x8] =	stream.linear.gather [hbm4b:s8+s4], $0xD0, $0x38;
	[tilespmem:$0x1C800] =	vst v63  }
0x9c: {  	_ = 	snop  }
0x9d: {  	[spmem:s2] =	stream.indirect.scatter.add.f32 [tilespmem:s4], [sflag:$0x9], $0x80, s12, s22, $0xb8;
	[tilespmem:$0x1C800] =	vst v63  }
0x9e: {  	s15 =	simm.s32 $0x1400  }
0x9f: {  	[spmem:s2] =	stream.indirect.scatter.add.f32 [tilespmem:s15], [sflag:$0x9], $0x80, s11, s22, $0xb8;
	[tilespmem:$0x1C800] =	vst v63  }
0xa0: {  	s17 =	simm.s32 $0x2800;
	s13 =	simm.s32 $0x19100  }
0xa1: {  	[spmem:s2] =	stream.indirect.scatter.add.f32 [tilespmem:s17], [sflag:$0x9], $0x80, s13, s22, $0xb8;
	[tilespmem:$0x1C800] =	vst v63  }
0xa2: {  	s19 =	simm.s32 $0x3C00;
	s15 =	simm.s32 $0x19180  }
0xa3: {  	[spmem:s2] =	stream.indirect.scatter.add.f32 [tilespmem:s19], [sflag:$0x9], $0x80, s15, s22, $0xb8;
	[tilespmem:$0x1C800] =	vst v63  }
0xa4: {  	s20 =	simm.s32 $0x5000;
	s17 =	simm.s32 $0x19200  }
0xa5: {  	[spmem:s2] =	stream.indirect.scatter.add.f32 [tilespmem:s20], [sflag:$0x9], $0x80, s17, s22, $0xb8;
	[tilespmem:$0x1C800] =	vst v63  }
0xa6: {  	v2 =	vld [tilespmem:$0x1A000];
	_ =	sdelay $0x7  }
0xa7: {  	[tilespmem:v2+s28+$0x0] =	vst.idx.add.f32.msk $0xffff, v1  }
0xa8: {  	v2 =	vld [tilespmem:$0x1A010];
	_ =	sdelay $0x7  }
0xa9: {  	[tilespmem:v2+s28+$0x0] =	vst.idx.add.f32.msk $0xffff, v1  }
0xaa: {  	v2 =	vld [tilespmem:$0x1A020];
	_ =	sdelay $0x7  }
0xab: {  	[tilespmem:v2+s28+$0x0] =	vst.idx.add.f32.msk $0xffff, v1  }
0xac: {  	v2 =	vld [tilespmem:$0x1A030];
	_ =	sdelay $0x7  }
0xad: {  	[tilespmem:v2+s28+$0x0] =	vst.idx.add.f32.msk $0xffff, v1  }
0xae: {  	v2 =	vld [tilespmem:$0x1A040];
	_ =	sdelay $0x7  }
0xaf: {  	[tilespmem:v2+s28+$0x0] =	vst.idx.add.f32.msk $0xffff, v1  }
0xb0: {  	v2 =	vld [tilespmem:$0x1A050];
	_ =	sdelay $0x7  }
0xb1: {  	[tilespmem:v2+s28+$0x0] =	vst.idx.add.f32.msk $0xffff, v1  }
0xb2: {  	v2 =	vld [tilespmem:$0x1A060];
	_ =	sdelay $0x7  }
0xb3: {  	[tilespmem:v2+s28+$0x0] =	vst.idx.add.f32.msk $0xffff, v1  }
0xb4: {  	v2 =	vld [tilespmem:$0x1A070];
	_ =	sdelay $0x7  }
0xb5: {  	[tilespmem:v2+s28+$0x0] =	vst.idx.add.f32.msk $0xffff, v1  }
0xb6: {  	v2 =	vld [tilespmem:$0x1A080];
	_ =	sdelay $0x7  }
0xb7: {  	[tilespmem:v2+s28+$0x0] =	vst.idx.add.f32.msk $0xffff, v1  }
0xb8: {  	v2 =	vld [tilespmem:$0x1A090];
	_ =	sdelay $0x7  }
0xb9: {  	[tilespmem:v2+s28+$0x0] =	vst.idx.add.f32.msk $0xffff, v1  }
0xba: {  	v2 =	vld [tilespmem:$0x1A0A0];
	_ =	sdelay $0x7  }
0xbb: {  	[tilespmem:v2+s28+$0x0] =	vst.idx.add.f32.msk $0xffff, v1  }
0xbc: {  	v2 =	vld [tilespmem:$0x1A0B0];
	_ =	sdelay $0x7  }
0xbd: {  	[tilespmem:v2+s28+$0x0] =	vst.idx.add.f32.msk $0xffff, v1  }
0xbe: {  	v2 =	vld [tilespmem:$0x1A0C0];
	_ =	sdelay $0x7  }
0xbf: {  	s21 =	simm.s32 $0x2;
	[tilespmem:v2+s28+$0x0] =	vst.idx.add.f32.msk $0xff, v1  }
0xc0: {  	_ =	swait.ge [sflag:s21], $0x6400  }
0xc1: {  	[sflag:s21] =	ssyncset.done $0x0  }
0xc2: {  	[sflag:s21] =	ssyncadd.s32 $0xFFFF9C00  }
0xc3: {  	_ =	swait.ge [sflag:s23], $0x28  }
0xc4: {  	[sflag:s23] =	ssyncset.done $0x0  }
0xc5: {  	[sflag:s23] =	ssyncadd.s32 $0xFFFFFFD8  }
0xc6: {  	_ =	swait.ge [sflag:s23], $0x28  }
0xc7: {  	[sflag:s23] =	ssyncset.done $0x0  }
0xc8: {  	[sflag:s23] =	ssyncadd.s32 $0xFFFFFFD8  }
0xc9: {  	_ =	swait.ge [sflag:s23], $0x28  }
0xca: {  	[sflag:s23] =	ssyncset.done $0x0  }
0xcb: {  	[sflag:s23] =	ssyncadd.s32 $0xFFFFFFD8  }
0xcc: {  	_ =	swait.ge [sflag:s23], $0x28  }
0xcd: {  	[sflag:s23] =	ssyncset.done $0x0  }
0xce: {  	[sflag:s23] =	ssyncadd.s32 $0xFFFFFFD8  }
0xcf: {  	_ =	swait.ge [sflag:s23], $0x28  }
0xd0: {  	[sflag:s23] =	ssyncset.done $0x0  }
0xd1: {  	[sflag:s23] =	ssyncadd.s32 $0xFFFFFFD8  }
0xd2: {  	_ =	swait.ge [sflag:s23], $0xD0  }
0xd3: {  	[sflag:s23] =	ssyncset.done $0x0  }
0xd4: {  	[sflag:s23] =	ssyncadd.s32 $0xFFFFFF30  }
0xd5: {  	_ =	swait.ge [sflag:s24], $0x1400  }
0xd6: {  	[sflag:s24] =	ssyncset.done $0x0  }
0xd7: {  	[sflag:s24] =	ssyncadd.s32 $0xFFFFEC00  }
0xd8: {  	_ =	swait.ge [sflag:s24], $0x1400  }
0xd9: {  	[sflag:s24] =	ssyncset.done $0x0  }
0xda: {  	[sflag:s24] =	ssyncadd.s32 $0xFFFFEC00  }
0xdb: {  	_ =	swait.ge [sflag:s24], $0x1400  }
0xdc: {  	[sflag:s24] =	ssyncset.done $0x0  }
0xdd: {  	[sflag:s24] =	ssyncadd.s32 $0xFFFFEC00  }
0xde: {  	_ =	swait.ge [sflag:s24], $0x1400  }
0xdf: {  	[sflag:s24] =	ssyncset.done $0x0  }
0xe0: {  	[sflag:s24] =	ssyncadd.s32 $0xFFFFEC00  }
0xe1: {  	s8 =	smov.u32 s16;
	_ =	swait.ge [sflag:s24], $0x1400  }
0xe2: {  	s8 =	simm.s32 @p0 $0x0;
	s3 =	rddreg [dreg:$0x5]  }
0xe3: {  	s10 =	sadd.s32 s8, s3  }
0xe4: {  	[sflag:s24] =	ssyncset.done $0x0;
	s19 =	sshll.u32 s10, $0x4  }
0xe5: {  	[sflag:s24] =	ssyncadd.s32 $0xFFFFEC00;
	s20 =	sshrl.u32 s10, $0x3;
	s21 =	sadd.s32 s14, s19  }
0xe6: {  	[tilespmem:s4], [sflag:$0x1] =	stream.linear.gather [hbm4b:s21+s4], $0x6400, $0x38;
	[tilespmem:$0x1C800] =	vst v63  }
0xe7: {  	s1 =	sadd.s32 $0x28, s10;
	s21 =	sadd.s32 s5, s20  }
0xe8: {  	[tilespmem:s12], [sflag:$0x5] =	stream.linear.gather [hbm4b:s21+s4], $0x28, $0x38;
	[tilespmem:$0x1C800] =	vst v63  }
0xe9: {  	s12 =	sshrl.u32 s1, $0x3  }
0xea: {  	s10 =	sadd.s32 $0x78, s10;
	s12 =	sadd.s32 s5, s12  }
0xeb: {  	[tilespmem:s11], [sflag:$0x5] =	stream.linear.gather [hbm4b:s12+s4], $0x28, $0x38;
	[tilespmem:$0x1C800] =	vst v63  }
0xec: {  	s10 =	sshrl.u32 s10, $0x3;
	s3 =	sadd.s32 $0xA, s21  }
0xed: {  	[tilespmem:s13], [sflag:$0x5] =	stream.linear.gather [hbm4b:s3+s4], $0x28, $0x38;
	[tilespmem:$0x1C800] =	vst v63  }
0xee: {  	s10 =	sadd.s32 s5, s10  }
0xef: {  	[tilespmem:s15], [sflag:$0x5] =	stream.linear.gather [hbm4b:s10+s4], $0x28, $0x38;
	[tilespmem:$0x1C800] =	vst v63  }
0xf0: {  	s11 =	sadd.s32 $0x14, s21  }
0xf1: {  	[tilespmem:s17], [sflag:$0x5] =	stream.linear.gather [hbm4b:s11+s4], $0x28, $0x38;
	[tilespmem:$0x1C800] =	vst v63  }
0xf2: {  	s12 =	simm.s32 $0x1A000  }
0xf3: {  	[tilespmem:s12], [sflag:$0x5] =	stream.linear.gather [hbm4b:s21+s4], $0xD0, $0x38;
	[tilespmem:$0x1C800] =	vst v63  }
0xf4: {  	s11 =	simm.s32 $0x6400;
	s21 =	simm.s32 $0x19400  }
0xf5: {  	[spmem:s2] =	stream.indirect.scatter.add.f32 [tilespmem:s11], [sflag:$0xA], $0x80, s21, s22, $0xb8;
	[tilespmem:$0x1C800] =	vst v63  }
0xf6: {  	s19 =	simm.s32 $0x19480;
	s13 =	simm.s32 $0x7800  }
0xf7: {  	[spmem:s2] =	stream.indirect.scatter.add.f32 [tilespmem:s13], [sflag:$0xA], $0x80, s19, s22, $0xb8;
	[tilespmem:$0x1C800] =	vst v63  }
0xf8: {  	s20 =	simm.s32 $0x19500;
	s15 =	simm.s32 $0x8C00  }
0xf9: {  	[spmem:s2] =	stream.indirect.scatter.add.f32 [tilespmem:s15], [sflag:$0xA], $0x80, s20, s22, $0xb8;
	[tilespmem:$0x1C800] =	vst v63  }
0xfa: {  	s17 =	simm.s32 $0xA000;
	s13 =	simm.s32 $0x19580  }
0xfb: {  	[spmem:s2] =	stream.indirect.scatter.add.f32 [tilespmem:s17], [sflag:$0xA], $0x80, s13, s22, $0xb8;
	[tilespmem:$0x1C800] =	vst v63  }
0xfc: {  	s12 =	simm.s32 $0xB400;
	s17 =	simm.s32 $0x19600  }
0xfd: {  	[spmem:s2] =	stream.indirect.scatter.add.f32 [tilespmem:s12], [sflag:$0xA], $0x80, s17, s22, $0xb8;
	[tilespmem:$0x1C800] =	vst v63  }
0xfe: {  	v2 =	vld [tilespmem:$0x1A100];
	_ =	sdelay $0x7  }
0xff: {  	[tilespmem:v2+s28+$0x0] =	vst.idx.add.f32.msk $0xffff, v1  }
0x100: {  	v2 =	vld [tilespmem:$0x1A110];
	_ =	sdelay $0x7  }
0x101: {  	[tilespmem:v2+s28+$0x0] =	vst.idx.add.f32.msk $0xffff, v1  }
0x102: {  	v2 =	vld [tilespmem:$0x1A120];
	_ =	sdelay $0x7  }
0x103: {  	[tilespmem:v2+s28+$0x0] =	vst.idx.add.f32.msk $0xffff, v1  }
0x104: {  	v2 =	vld [tilespmem:$0x1A130];
	_ =	sdelay $0x7  }
0x105: {  	[tilespmem:v2+s28+$0x0] =	vst.idx.add.f32.msk $0xffff, v1  }
0x106: {  	v2 =	vld [tilespmem:$0x1A140];
	_ =	sdelay $0x7  }
0x107: {  	[tilespmem:v2+s28+$0x0] =	vst.idx.add.f32.msk $0xffff, v1  }
0x108: {  	v2 =	vld [tilespmem:$0x1A150];
	_ =	sdelay $0x7  }
0x109: {  	[tilespmem:v2+s28+$0x0] =	vst.idx.add.f32.msk $0xffff, v1  }
0x10a: {  	v2 =	vld [tilespmem:$0x1A160];
	_ =	sdelay $0x7  }
0x10b: {  	[tilespmem:v2+s28+$0x0] =	vst.idx.add.f32.msk $0xffff, v1  }
0x10c: {  	v2 =	vld [tilespmem:$0x1A170];
	_ =	sdelay $0x7  }
0x10d: {  	[tilespmem:v2+s28+$0x0] =	vst.idx.add.f32.msk $0xffff, v1  }
0x10e: {  	v2 =	vld [tilespmem:$0x1A180];
	_ =	sdelay $0x7  }
0x10f: {  	[tilespmem:v2+s28+$0x0] =	vst.idx.add.f32.msk $0xffff, v1  }
0x110: {  	v2 =	vld [tilespmem:$0x1A190];
	_ =	sdelay $0x7  }
0x111: {  	[tilespmem:v2+s28+$0x0] =	vst.idx.add.f32.msk $0xffff, v1  }
0x112: {  	v2 =	vld [tilespmem:$0x1A1A0];
	_ =	sdelay $0x7  }
0x113: {  	[tilespmem:v2+s28+$0x0] =	vst.idx.add.f32.msk $0xffff, v1  }
0x114: {  	v2 =	vld [tilespmem:$0x1A1B0];
	_ =	sdelay $0x7  }
0x115: {  	[tilespmem:v2+s28+$0x0] =	vst.idx.add.f32.msk $0xffff, v1  }
0x116: {  	v2 =	vld [tilespmem:$0x1A1C0];
	_ =	sdelay $0x7  }
0x117: {  	s15 =	simm.s32 $0x3;
	[tilespmem:v2+s28+$0x0] =	vst.idx.add.f32.msk $0xff, v1  }
0x118: {  	_ =	swait.ge [sflag:s15], $0x6400  }
0x119: {  	[sflag:s15] =	ssyncset.done $0x0  }
0x11a: {  	[sflag:s15] =	ssyncadd.s32 $0xFFFF9C00  }
0x11b: {  	_ =	swait.ge [sflag:s26], $0x28  }
0x11c: {  	[sflag:s26] =	ssyncset.done $0x0  }
0x11d: {  	[sflag:s26] =	ssyncadd.s32 $0xFFFFFFD8  }
0x11e: {  	_ =	swait.ge [sflag:s26], $0x28  }
0x11f: {  	[sflag:s26] =	ssyncset.done $0x0  }
0x120: {  	[sflag:s26] =	ssyncadd.s32 $0xFFFFFFD8  }
0x121: {  	_ =	swait.ge [sflag:s26], $0x28  }
0x122: {  	[sflag:s26] =	ssyncset.done $0x0  }
0x123: {  	[sflag:s26] =	ssyncadd.s32 $0xFFFFFFD8  }
0x124: {  	_ =	swait.ge [sflag:s26], $0x28  }
0x125: {  	[sflag:s26] =	ssyncset.done $0x0  }
0x126: {  	[sflag:s26] =	ssyncadd.s32 $0xFFFFFFD8  }
0x127: {  	_ =	swait.ge [sflag:s26], $0x28  }
0x128: {  	[sflag:s26] =	ssyncset.done $0x0  }
0x129: {  	[sflag:s26] =	ssyncadd.s32 $0xFFFFFFD8  }
0x12a: {  	_ =	swait.ge [sflag:s26], $0xD0  }
0x12b: {  	[sflag:s26] =	ssyncset.done $0x0  }
0x12c: {  	[sflag:s26] =	ssyncadd.s32 $0xFFFFFF30  }
0x12d: {  	_ =	swait.ge [sflag:s7], $0x1400  }
0x12e: {  	[sflag:s7] =	ssyncset.done $0x0  }
0x12f: {  	[sflag:s7] =	ssyncadd.s32 $0xFFFFEC00  }
0x130: {  	_ =	swait.ge [sflag:s7], $0x1400  }
0x131: {  	[sflag:s7] =	ssyncset.done $0x0  }
0x132: {  	[sflag:s7] =	ssyncadd.s32 $0xFFFFEC00  }
0x133: {  	_ =	swait.ge [sflag:s7], $0x1400  }
0x134: {  	[sflag:s7] =	ssyncset.done $0x0  }
0x135: {  	[sflag:s7] =	ssyncadd.s32 $0xFFFFEC00  }
0x136: {  	_ =	swait.ge [sflag:s7], $0x1400  }
0x137: {  	[sflag:s7] =	ssyncset.done $0x0  }
0x138: {  	[sflag:s7] =	ssyncadd.s32 $0xFFFFEC00  }
0x139: {  	_ =	swait.ge [sflag:s7], $0x1400  }
0x13a: {  	s12 =	rddreg [dreg:$0x6]  }
0x13b: {  	s10 =	sadd.s32 s8, s12  }
0x13c: {  	[sflag:s7] =	ssyncset.done $0x0;
	s15 =	sshll.u32 s10, $0x4  }
0x13d: {  	[sflag:s7] =	ssyncadd.s32 $0xFFFFEC00;
	s12 =	sadd.s32 s14, s15  }
0x13e: {  	[tilespmem:s11], [sflag:$0x2] =	stream.linear.gather [hbm4b:s12+s4], $0x6400, $0x38;
	[tilespmem:$0x1C800] =	vst v63  }
0x13f: {  	s11 =	sshrl.u32 s10, $0x3  }
0x140: {  	s12 =	sadd.s32 s5, s11;
	s11 =	sadd.s32 $0x28, s10  }
0x141: {  	[tilespmem:s21], [sflag:$0x6] =	stream.linear.gather [hbm4b:s12+s4], $0x28, $0x38;
	[tilespmem:$0x1C800] =	vst v63  }
0x142: {  	s21 =	sshrl.u32 s11, $0x3  }
0x143: {  	s10 =	sadd.s32 $0x78, s10;
	s21 =	sadd.s32 s5, s21  }
0x144: {  	[tilespmem:s19], [sflag:$0x6] =	stream.linear.gather [hbm4b:s21+s4], $0x28, $0x38;
	[tilespmem:$0x1C800] =	vst v63  }
0x145: {  	s11 =	sadd.s32 $0xA, s12;
	s10 =	sshrl.u32 s10, $0x3  }
0x146: {  	[tilespmem:s20], [sflag:$0x6] =	stream.linear.gather [hbm4b:s11+s4], $0x28, $0x38;
	[tilespmem:$0x1C800] =	vst v63  }
0x147: {  	s10 =	sadd.s32 s5, s10  }
0x148: {  	[tilespmem:s13], [sflag:$0x6] =	stream.linear.gather [hbm4b:s10+s4], $0x28, $0x38;
	[tilespmem:$0x1C800] =	vst v63  }
0x149: {  	s21 =	sadd.s32 $0x14, s12  }
0x14a: {  	[tilespmem:s17], [sflag:$0x6] =	stream.linear.gather [hbm4b:s21+s4], $0x28, $0x38;
	[tilespmem:$0x1C800] =	vst v63  }
0x14b: {  	s11 =	simm.s32 $0x1A100  }
0x14c: {  	[tilespmem:s11], [sflag:$0x6] =	stream.linear.gather [hbm4b:s12+s4], $0xD0, $0x38;
	[tilespmem:$0x1C800] =	vst v63  }
0x14d: {  	s17 =	simm.s32 $0x19800;
	s12 =	simm.s32 $0xC800  }
0x14e: {  	[spmem:s2] =	stream.indirect.scatter.add.f32 [tilespmem:s12], [sflag:$0xB], $0x80, s17, s22, $0xb8;
	[tilespmem:$0x1C800] =	vst v63  }
0x14f: {  	s10 =	rddreg [dreg:$0x9];
	s21 =	simm.s32 $0x19880  }
0x150: {  	[spmem:s2] =	stream.indirect.scatter.add.f32 [tilespmem:s10], [sflag:$0xB], $0x80, s21, s22, $0xb8;
	[tilespmem:$0x1C800] =	vst v63  }
0x151: {  	s12 =	rddreg [dreg:$0xa];
	s17 =	simm.s32 $0x19900  }
0x152: {  	[spmem:s2] =	stream.indirect.scatter.add.f32 [tilespmem:s12], [sflag:$0xB], $0x80, s17, s22, $0xb8;
	[tilespmem:$0x1C800] =	vst v63  }
0x153: {  	s10 =	rddreg [dreg:$0xb];
	s21 =	simm.s32 $0x19980  }
0x154: {  	[spmem:s2] =	stream.indirect.scatter.add.f32 [tilespmem:s10], [sflag:$0xB], $0x80, s21, s22, $0xb8;
	[tilespmem:$0x1C800] =	vst v63  }
0x155: {  	s12 =	rddreg [dreg:$0xc];
	s17 =	simm.s32 $0x19A00  }
0x156: {  	[spmem:s2] =	stream.indirect.scatter.add.f32 [tilespmem:s12], [sflag:$0xB], $0x80, s17, s22, $0xb8;
	[tilespmem:$0x1C800] =	vst v63  }
0x157: {  	v2 =	vld [tilespmem:$0x1A200];
	_ =	sdelay $0x7  }
0x158: {  	[tilespmem:v2+s28+$0x0] =	vst.idx.add.f32.msk $0xffff, v1  }
0x159: {  	v2 =	vld [tilespmem:$0x1A210];
	_ =	sdelay $0x7  }
0x15a: {  	[tilespmem:v2+s28+$0x0] =	vst.idx.add.f32.msk $0xffff, v1  }
0x15b: {  	v2 =	vld [tilespmem:$0x1A220];
	_ =	sdelay $0x7  }
0x15c: {  	[tilespmem:v2+s28+$0x0] =	vst.idx.add.f32.msk $0xffff, v1  }
0x15d: {  	v2 =	vld [tilespmem:$0x1A230];
	_ =	sdelay $0x7  }
0x15e: {  	[tilespmem:v2+s28+$0x0] =	vst.idx.add.f32.msk $0xffff, v1  }
0x15f: {  	v2 =	vld [tilespmem:$0x1A240];
	_ =	sdelay $0x7  }
0x160: {  	[tilespmem:v2+s28+$0x0] =	vst.idx.add.f32.msk $0xffff, v1  }
0x161: {  	v2 =	vld [tilespmem:$0x1A250];
	_ =	sdelay $0x7  }
0x162: {  	[tilespmem:v2+s28+$0x0] =	vst.idx.add.f32.msk $0xffff, v1  }
0x163: {  	v2 =	vld [tilespmem:$0x1A260];
	_ =	sdelay $0x7  }
0x164: {  	[tilespmem:v2+s28+$0x0] =	vst.idx.add.f32.msk $0xffff, v1  }
0x165: {  	v2 =	vld [tilespmem:$0x1A270];
	_ =	sdelay $0x7  }
0x166: {  	[tilespmem:v2+s28+$0x0] =	vst.idx.add.f32.msk $0xffff, v1  }
0x167: {  	v2 =	vld [tilespmem:$0x1A280];
	_ =	sdelay $0x7  }
0x168: {  	[tilespmem:v2+s28+$0x0] =	vst.idx.add.f32.msk $0xffff, v1  }
0x169: {  	v2 =	vld [tilespmem:$0x1A290];
	_ =	sdelay $0x7  }
0x16a: {  	[tilespmem:v2+s28+$0x0] =	vst.idx.add.f32.msk $0xffff, v1  }
0x16b: {  	v2 =	vld [tilespmem:$0x1A2A0];
	_ =	sdelay $0x7  }
0x16c: {  	[tilespmem:v2+s28+$0x0] =	vst.idx.add.f32.msk $0xffff, v1  }
0x16d: {  	v2 =	vld [tilespmem:$0x1A2B0];
	_ =	sdelay $0x7  }
0x16e: {  	[tilespmem:v2+s28+$0x0] =	vst.idx.add.f32.msk $0xffff, v1  }
0x16f: {  	v2 =	vld [tilespmem:$0x1A2C0];
	_ =	sdelay $0x7  }
0x170: {  	s21 =	simm.s32 $0x4;
	[tilespmem:v2+s28+$0x0] =	vst.idx.add.f32.msk $0xff, v1  }
0x171: {  	_ =	swait.ge [sflag:s21], $0x6400  }
0x172: {  	[sflag:s21] =	ssyncset.done $0x0  }
0x173: {  	[sflag:s21] =	ssyncadd.s32 $0xFFFF9C00  }
0x174: {  	_ =	swait.ge [sflag:s6], $0x28  }
0x175: {  	[sflag:s6] =	ssyncset.done $0x0  }
0x176: {  	[sflag:s6] =	ssyncadd.s32 $0xFFFFFFD8  }
0x177: {  	_ =	swait.ge [sflag:s6], $0x28  }
0x178: {  	[sflag:s6] =	ssyncset.done $0x0  }
0x179: {  	[sflag:s6] =	ssyncadd.s32 $0xFFFFFFD8  }
0x17a: {  	_ =	swait.ge [sflag:s6], $0x28  }
0x17b: {  	[sflag:s6] =	ssyncset.done $0x0  }
0x17c: {  	[sflag:s6] =	ssyncadd.s32 $0xFFFFFFD8  }
0x17d: {  	_ =	swait.ge [sflag:s6], $0x28  }
0x17e: {  	[sflag:s6] =	ssyncset.done $0x0  }
0x17f: {  	[sflag:s6] =	ssyncadd.s32 $0xFFFFFFD8  }
0x180: {  	_ =	swait.ge [sflag:s6], $0x28  }
0x181: {  	[sflag:s6] =	ssyncset.done $0x0  }
0x182: {  	[sflag:s6] =	ssyncadd.s32 $0xFFFFFFD8  }
0x183: {  	_ =	swait.ge [sflag:s6], $0xD0  }
0x184: {  	[sflag:s6] =	ssyncset.done $0x0  }
0x185: {  	[sflag:s6] =	ssyncadd.s32 $0xFFFFFF30  }
0x186: {  	_ =	swait.ge [sflag:s9], $0x1400  }
0x187: {  	[sflag:s9] =	ssyncset.done $0x0  }
0x188: {  	[sflag:s9] =	ssyncadd.s32 $0xFFFFEC00  }
0x189: {  	_ =	swait.ge [sflag:s9], $0x1400  }
0x18a: {  	[sflag:s9] =	ssyncset.done $0x0  }
0x18b: {  	[sflag:s9] =	ssyncadd.s32 $0xFFFFEC00  }
0x18c: {  	_ =	swait.ge [sflag:s9], $0x1400  }
0x18d: {  	[sflag:s9] =	ssyncset.done $0x0  }
0x18e: {  	[sflag:s9] =	ssyncadd.s32 $0xFFFFEC00  }
0x18f: {  	_ =	swait.ge [sflag:s9], $0x1400  }
0x190: {  	[sflag:s9] =	ssyncset.done $0x0  }
0x191: {  	[sflag:s9] =	ssyncadd.s32 $0xFFFFEC00  }
0x192: {  	_ =	swait.ge [sflag:s9], $0x1400  }
0x193: {  	p0 =	seq.s32 s16, $0x2260;
	s10 =	rddreg [dreg:$0x7]  }
0x194: {  	s8 =	sadd.s32 @!p0 s8, s10  }
0x195: {  	s12 =	simm.s32 @!p0 $0x0;
	[sflag:s9] =	ssyncset.done $0x0;
	s10 =	sshll.u32 @!p0 s8, $0x4  }
0x196: {  	s21 =	simm.s32 @!p0 $0xC800;
	[sflag:s9] =	ssyncadd.s32 $0xFFFFEC00;
	s10 =	sadd.s32 @!p0 s14, s10  }
0x197: {  	[tilespmem:s21], [sflag:$0x3] =	stream.linear.gather @!p0 [hbm4b:s10+s12], $0x6400, $0x38;
	[tilespmem:$0x1C800] =	vst v63  }
0x198: {  	s10 =	sshrl.u32 @!p0 s8, $0x3  }
0x199: {  	s21 =	simm.s32 @!p0 $0x19800;
	s10 =	sadd.s32 @!p0 s5, s10  }
0x19a: {  	[tilespmem:s21], [sflag:$0x7] =	stream.linear.gather @!p0 [hbm4b:s10+s12], $0x28, $0x38;
	[tilespmem:$0x1C800] =	vst v63  }
0x19b: {  	s21 =	sadd.s32 @!p0 $0x28, s8  }
0x19c: {  	s21 =	sshrl.u32 @!p0 s21, $0x3  }
0x19d: {  	s11 =	simm.s32 @!p0 $0x19880;
	s8 =	sadd.s32 @!p0 $0x78, s8;
	s21 =	sadd.s32 @!p0 s5, s21  }
0x19e: {  	[tilespmem:s11], [sflag:$0x7] =	stream.linear.gather @!p0 [hbm4b:s21+s12], $0x28, $0x38;
	[tilespmem:$0x1C800] =	vst v63  }
0x19f: {  	s8 =	sshrl.u32 @!p0 s8, $0x3;
	s11 =	sadd.s32 @!p0 $0xA, s10;
	s21 =	simm.s32 @!p0 $0x19900  }
0x1a0: {  	[tilespmem:s21], [sflag:$0x7] =	stream.linear.gather @!p0 [hbm4b:s11+s12], $0x28, $0x38;
	[tilespmem:$0x1C800] =	vst v63  }
0x1a1: {  	s8 =	sadd.s32 @!p0 s5, s8;
	s11 =	simm.s32 @!p0 $0x19980  }
0x1a2: {  	[tilespmem:s11], [sflag:$0x7] =	stream.linear.gather @!p0 [hbm4b:s8+s12], $0x28, $0x38;
	[tilespmem:$0x1C800] =	vst v63  }
0x1a3: {  	s8 =	sadd.s32 @!p0 $0x14, s10;
	s11 =	simm.s32 @!p0 $0x19A00  }
0x1a4: {  	[tilespmem:s11], [sflag:$0x7] =	stream.linear.gather @!p0 [hbm4b:s8+s12], $0x28, $0x38;
	[tilespmem:$0x1C800] =	vst v63  }
0x1a5: {  	s8 =	simm.s32 @!p0 $0x1A200  }
0x1a6: {  	[tilespmem:s8], [sflag:$0x7] =	stream.linear.gather @!p0 [hbm4b:s10+s12], $0xD0, $0x38;
	[tilespmem:$0x1C800] =	vst v63  }
0x1a7: {  	s17 =	simm.s32 $0x19C00;
	s10 =	simm.s32 $0x12C00  }
0x1a8: {  	[spmem:s2] =	stream.indirect.scatter.add.f32 [tilespmem:s10], [sflag:$0xC], $0x80, s17, s22, $0xb8;
	[tilespmem:$0x1C800] =	vst v63  }
0x1a9: {  	s8 =	rddreg [dreg:$0xd];
	s17 =	simm.s32 $0x19C80  }
0x1aa: {  	[spmem:s2] =	stream.indirect.scatter.add.f32 [tilespmem:s8], [sflag:$0xC], $0x80, s17, s22, $0xb8;
	[tilespmem:$0x1C800] =	vst v63  }
0x1ab: {  	s10 =	rddreg [dreg:$0xe];
	s17 =	simm.s32 $0x19D00  }
0x1ac: {  	[spmem:s2] =	stream.indirect.scatter.add.f32 [tilespmem:s10], [sflag:$0xC], $0x80, s17, s22, $0xb8;
	[tilespmem:$0x1C800] =	vst v63  }
0x1ad: {  	s8 =	rddreg [dreg:$0xf];
	s17 =	simm.s32 $0x19D80  }
0x1ae: {  	[spmem:s2] =	stream.indirect.scatter.add.f32 [tilespmem:s8], [sflag:$0xC], $0x80, s17, s22, $0xb8;
	[tilespmem:$0x1C800] =	vst v63  }
0x1af: {  	s10 =	rddreg [dreg:$0x10]  }
0x1b0: {  	[spmem:s2] =	stream.indirect.scatter.add.f32 [tilespmem:s10], [sflag:$0xC], $0x80, s25, s22, $0xb8;
	[tilespmem:$0x1C800] =	vst v63  }
0x1b1: {  	v2 =	vld [tilespmem:$0x1A300];
	_ =	sdelay $0x7  }
0x1b2: {  	[tilespmem:v2+s28+$0x0] =	vst.idx.add.f32.msk $0xffff, v1  }
0x1b3: {  	v2 =	vld [tilespmem:$0x1A310];
	_ =	sdelay $0x7  }
0x1b4: {  	[tilespmem:v2+s28+$0x0] =	vst.idx.add.f32.msk $0xffff, v1  }
0x1b5: {  	v2 =	vld [tilespmem:$0x1A320];
	_ =	sdelay $0x7  }
0x1b6: {  	[tilespmem:v2+s28+$0x0] =	vst.idx.add.f32.msk $0xffff, v1  }
0x1b7: {  	v2 =	vld [tilespmem:$0x1A330];
	_ =	sdelay $0x7  }
0x1b8: {  	[tilespmem:v2+s28+$0x0] =	vst.idx.add.f32.msk $0xffff, v1  }
0x1b9: {  	v2 =	vld [tilespmem:$0x1A340];
	_ =	sdelay $0x7  }
0x1ba: {  	[tilespmem:v2+s28+$0x0] =	vst.idx.add.f32.msk $0xffff, v1  }
0x1bb: {  	v2 =	vld [tilespmem:$0x1A350];
	_ =	sdelay $0x7  }
0x1bc: {  	[tilespmem:v2+s28+$0x0] =	vst.idx.add.f32.msk $0xffff, v1  }
0x1bd: {  	v2 =	vld [tilespmem:$0x1A360];
	_ =	sdelay $0x7  }
0x1be: {  	[tilespmem:v2+s28+$0x0] =	vst.idx.add.f32.msk $0xffff, v1  }
0x1bf: {  	v2 =	vld [tilespmem:$0x1A370];
	_ =	sdelay $0x7  }
0x1c0: {  	[tilespmem:v2+s28+$0x0] =	vst.idx.add.f32.msk $0xffff, v1  }
0x1c1: {  	v2 =	vld [tilespmem:$0x1A380];
	_ =	sdelay $0x7  }
0x1c2: {  	[tilespmem:v2+s28+$0x0] =	vst.idx.add.f32.msk $0xffff, v1  }
0x1c3: {  	v2 =	vld [tilespmem:$0x1A390];
	_ =	sdelay $0x7  }
0x1c4: {  	[tilespmem:v2+s28+$0x0] =	vst.idx.add.f32.msk $0xffff, v1  }
0x1c5: {  	v2 =	vld [tilespmem:$0x1A3A0];
	_ =	sdelay $0x7  }
0x1c6: {  	[tilespmem:v2+s28+$0x0] =	vst.idx.add.f32.msk $0xffff, v1  }
0x1c7: {  	v2 =	vld [tilespmem:$0x1A3B0];
	_ =	sdelay $0x7  }
0x1c8: {  	[tilespmem:v2+s28+$0x0] =	vst.idx.add.f32.msk $0xffff, v1  }
0x1c9: {  	v2 =	vld [tilespmem:$0x1A3C0];
	_ =	sdelay $0x1  }
0x1ca: {  	s16 =	sadd.s32 $0x320, s16  }
0x1cb: {  	p0 =	sne.s32 s16, $0x2580  }
.Ltmp1:
0x1cc: {  	_ = 	snop;
	(pc) =	sbr.rel @p0 .LBB2_4-.Ltmp1, $4  }
0x1cd: {  	_ = 	snop  }
0x1ce: {  	s1 =	simm.s32 $0x19100;
	s3 =	simm.s32 $0x19180;
	s15 =	simm.s32 $0x6400  }
0x1cf: {  	s19 =	simm.s32 $0x19500;
	s20 =	simm.s32 $0x19580;
	s13 =	simm.s32 $0x19600  }
0x1d0: {  	s21 =	smov.u32 s0;
	s11 =	simm.s32 $0x19080;
	s12 =	simm.s32 $0x19000;
	[tilespmem:v2+s28+$0x0] =	vst.idx.add.f32.msk $0xff, v1  }
0x1d1: {  	s0 =	simm.s32 $0x1  }
0x1d2: {  	_ =	swait.ge [sflag:s0], $0x6400  }
0x1d3: {  	[sflag:s0] =	ssyncset.done $0x0  }
0x1d4: {  	[sflag:s0] =	ssyncadd.s32 $0xFFFF9C00  }
0x1d5: {  	_ =	swait.ge [sflag:s31], $0x28  }
0x1d6: {  	[sflag:s31] =	ssyncset.done $0x0  }
0x1d7: {  	[sflag:s31] =	ssyncadd.s32 $0xFFFFFFD8  }
0x1d8: {  	_ =	swait.ge [sflag:s31], $0x28  }
0x1d9: {  	[sflag:s31] =	ssyncset.done $0x0  }
0x1da: {  	[sflag:s31] =	ssyncadd.s32 $0xFFFFFFD8  }
0x1db: {  	_ =	swait.ge [sflag:s31], $0x28  }
0x1dc: {  	[sflag:s31] =	ssyncset.done $0x0  }
0x1dd: {  	[sflag:s31] =	ssyncadd.s32 $0xFFFFFFD8  }
0x1de: {  	_ =	swait.ge [sflag:s31], $0x28  }
0x1df: {  	[sflag:s31] =	ssyncset.done $0x0  }
0x1e0: {  	[sflag:s31] =	ssyncadd.s32 $0xFFFFFFD8  }
0x1e1: {  	_ =	swait.ge [sflag:s31], $0x28  }
0x1e2: {  	[sflag:s31] =	ssyncset.done $0x0  }
0x1e3: {  	[sflag:s31] =	ssyncadd.s32 $0xFFFFFFD8  }
0x1e4: {  	_ =	swait.ge [sflag:s31], $0xD0  }
0x1e5: {  	[sflag:s31] =	ssyncset.done $0x0  }
0x1e6: {  	s8 =	simm.s32 $0xC;
	[sflag:s31] =	ssyncadd.s32 $0xFFFFFF30  }
0x1e7: {  	_ =	swait.ge [sflag:s8], $0x1400  }
0x1e8: {  	[sflag:s8] =	ssyncset.done $0x0  }
0x1e9: {  	[sflag:s8] =	ssyncadd.s32 $0xFFFFEC00  }
0x1ea: {  	_ =	swait.ge [sflag:s8], $0x1400  }
0x1eb: {  	[sflag:s8] =	ssyncset.done $0x0  }
0x1ec: {  	[sflag:s8] =	ssyncadd.s32 $0xFFFFEC00  }
0x1ed: {  	_ =	swait.ge [sflag:s8], $0x1400  }
0x1ee: {  	[sflag:s8] =	ssyncset.done $0x0  }
0x1ef: {  	[sflag:s8] =	ssyncadd.s32 $0xFFFFEC00  }
0x1f0: {  	_ =	swait.ge [sflag:s8], $0x1400  }
0x1f1: {  	[sflag:s8] =	ssyncset.done $0x0  }
0x1f2: {  	[sflag:s8] =	ssyncadd.s32 $0xFFFFEC00  }
0x1f3: {  	_ =	swait.ge [sflag:s8], $0x1400  }
0x1f4: {  	[sflag:s8] =	ssyncset.done $0x0  }
0x1f5: {  	[sflag:s8] =	ssyncadd.s32 $0xFFFFEC00  }
0x1f6: {  	[spmem:s2] =	stream.indirect.scatter.add.f32 [tilespmem:s4], [sflag:$0x9], $0x80, s12, s22, $0xb8;
	[tilespmem:$0x1C800] =	vst v63  }
0x1f7: {  	s10 =	simm.s32 $0x1400  }
0x1f8: {  	[spmem:s2] =	stream.indirect.scatter.add.f32 [tilespmem:s10], [sflag:$0x9], $0x80, s11, s22, $0xb8;
	[tilespmem:$0x1C800] =	vst v63  }
0x1f9: {  	s11 =	simm.s32 $0x2800  }
0x1fa: {  	[spmem:s2] =	stream.indirect.scatter.add.f32 [tilespmem:s11], [sflag:$0x9], $0x80, s1, s22, $0xb8;
	[tilespmem:$0x1C800] =	vst v63  }
0x1fb: {  	s16 =	simm.s32 $0x3C00  }
0x1fc: {  	[spmem:s2] =	stream.indirect.scatter.add.f32 [tilespmem:s16], [sflag:$0x9], $0x80, s3, s22, $0xb8;
	[tilespmem:$0x1C800] =	vst v63  }
0x1fd: {  	s17 =	simm.s32 $0x5000  }
0x1fe: {  	[spmem:s2] =	stream.indirect.scatter.add.f32 [tilespmem:s17], [sflag:$0x9], $0x80, s29, s22, $0xb8;
	[tilespmem:$0x1C800] =	vst v63  }
0x1ff: {  	v2 =	vld [tilespmem:$0x1A000];
	_ =	sdelay $0x7  }
0x200: {  	[tilespmem:v2+s28+$0x0] =	vst.idx.add.f32.msk $0xffff, v1  }
0x201: {  	v2 =	vld [tilespmem:$0x1A010];
	_ =	sdelay $0x7  }
0x202: {  	[tilespmem:v2+s28+$0x0] =	vst.idx.add.f32.msk $0xffff, v1  }
0x203: {  	v2 =	vld [tilespmem:$0x1A020];
	_ =	sdelay $0x7  }
0x204: {  	[tilespmem:v2+s28+$0x0] =	vst.idx.add.f32.msk $0xffff, v1  }
0x205: {  	v2 =	vld [tilespmem:$0x1A030];
	_ =	sdelay $0x7  }
0x206: {  	[tilespmem:v2+s28+$0x0] =	vst.idx.add.f32.msk $0xffff, v1  }
0x207: {  	v2 =	vld [tilespmem:$0x1A040];
	_ =	sdelay $0x7  }
0x208: {  	[tilespmem:v2+s28+$0x0] =	vst.idx.add.f32.msk $0xffff, v1  }
0x209: {  	v2 =	vld [tilespmem:$0x1A050];
	_ =	sdelay $0x7  }
0x20a: {  	[tilespmem:v2+s28+$0x0] =	vst.idx.add.f32.msk $0xffff, v1  }
0x20b: {  	v2 =	vld [tilespmem:$0x1A060];
	_ =	sdelay $0x7  }
0x20c: {  	[tilespmem:v2+s28+$0x0] =	vst.idx.add.f32.msk $0xffff, v1  }
0x20d: {  	v2 =	vld [tilespmem:$0x1A070];
	_ =	sdelay $0x7  }
0x20e: {  	[tilespmem:v2+s28+$0x0] =	vst.idx.add.f32.msk $0xffff, v1  }
0x20f: {  	v2 =	vld [tilespmem:$0x1A080];
	_ =	sdelay $0x7  }
0x210: {  	[tilespmem:v2+s28+$0x0] =	vst.idx.add.f32.msk $0xffff, v1  }
0x211: {  	v2 =	vld [tilespmem:$0x1A090];
	_ =	sdelay $0x7  }
0x212: {  	[tilespmem:v2+s28+$0x0] =	vst.idx.add.f32.msk $0xffff, v1  }
0x213: {  	v2 =	vld [tilespmem:$0x1A0A0];
	_ =	sdelay $0x7  }
0x214: {  	[tilespmem:v2+s28+$0x0] =	vst.idx.add.f32.msk $0xffff, v1  }
0x215: {  	v2 =	vld [tilespmem:$0x1A0B0];
	_ =	sdelay $0x7  }
0x216: {  	[tilespmem:v2+s28+$0x0] =	vst.idx.add.f32.msk $0xffff, v1  }
0x217: {  	v2 =	vld [tilespmem:$0x1A0C0];
	_ =	sdelay $0x7  }
0x218: {  	s1 =	simm.s32 $0x2;
	[tilespmem:v2+s28+$0x0] =	vst.idx.add.f32.msk $0xff, v1  }
0x219: {  	_ =	swait.ge [sflag:s1], $0x6400  }
0x21a: {  	[sflag:s1] =	ssyncset.done $0x0  }
0x21b: {  	[sflag:s1] =	ssyncadd.s32 $0xFFFF9C00  }
0x21c: {  	_ =	swait.ge [sflag:s23], $0x28  }
0x21d: {  	[sflag:s23] =	ssyncset.done $0x0  }
0x21e: {  	[sflag:s23] =	ssyncadd.s32 $0xFFFFFFD8  }
0x21f: {  	_ =	swait.ge [sflag:s23], $0x28  }
0x220: {  	[sflag:s23] =	ssyncset.done $0x0  }
0x221: {  	[sflag:s23] =	ssyncadd.s32 $0xFFFFFFD8  }
0x222: {  	_ =	swait.ge [sflag:s23], $0x28  }
0x223: {  	[sflag:s23] =	ssyncset.done $0x0  }
0x224: {  	[sflag:s23] =	ssyncadd.s32 $0xFFFFFFD8  }
0x225: {  	_ =	swait.ge [sflag:s23], $0x28  }
0x226: {  	[sflag:s23] =	ssyncset.done $0x0  }
0x227: {  	[sflag:s23] =	ssyncadd.s32 $0xFFFFFFD8  }
0x228: {  	_ =	swait.ge [sflag:s23], $0x28  }
0x229: {  	[sflag:s23] =	ssyncset.done $0x0  }
0x22a: {  	[sflag:s23] =	ssyncadd.s32 $0xFFFFFFD8  }
0x22b: {  	_ =	swait.ge [sflag:s23], $0xD0  }
0x22c: {  	[sflag:s23] =	ssyncset.done $0x0  }
0x22d: {  	[sflag:s23] =	ssyncadd.s32 $0xFFFFFF30  }
0x22e: {  	[spmem:s2] =	stream.indirect.scatter.add.f32 [tilespmem:s15], [sflag:$0xA], $0x80, s30, s22, $0xb8;
	[tilespmem:$0x1C800] =	vst v63  }
0x22f: {  	s3 =	simm.s32 $0x7800  }
0x230: {  	[spmem:s2] =	stream.indirect.scatter.add.f32 [tilespmem:s3], [sflag:$0xA], $0x80, s18, s22, $0xb8;
	[tilespmem:$0x1C800] =	vst v63  }
0x231: {  	s8 =	simm.s32 $0x8C00  }
0x232: {  	[spmem:s2] =	stream.indirect.scatter.add.f32 [tilespmem:s8], [sflag:$0xA], $0x80, s19, s22, $0xb8;
	[tilespmem:$0x1C800] =	vst v63  }
0x233: {  	s10 =	simm.s32 $0xA000  }
0x234: {  	[spmem:s2] =	stream.indirect.scatter.add.f32 [tilespmem:s10], [sflag:$0xA], $0x80, s20, s22, $0xb8;
	[tilespmem:$0x1C800] =	vst v63  }
0x235: {  	s11 =	simm.s32 $0xB400  }
0x236: {  	[spmem:s2] =	stream.indirect.scatter.add.f32 [tilespmem:s11], [sflag:$0xA], $0x80, s13, s22, $0xb8;
	[tilespmem:$0x1C800] =	vst v63  }
0x237: {  	v2 =	vld [tilespmem:$0x1A100];
	_ =	sdelay $0x7  }
0x238: {  	[tilespmem:v2+s28+$0x0] =	vst.idx.add.f32.msk $0xffff, v1  }
0x239: {  	v2 =	vld [tilespmem:$0x1A110];
	_ =	sdelay $0x7  }
0x23a: {  	[tilespmem:v2+s28+$0x0] =	vst.idx.add.f32.msk $0xffff, v1  }
0x23b: {  	v2 =	vld [tilespmem:$0x1A120];
	_ =	sdelay $0x7  }
0x23c: {  	[tilespmem:v2+s28+$0x0] =	vst.idx.add.f32.msk $0xffff, v1  }
0x23d: {  	v2 =	vld [tilespmem:$0x1A130];
	_ =	sdelay $0x7  }
0x23e: {  	[tilespmem:v2+s28+$0x0] =	vst.idx.add.f32.msk $0xffff, v1  }
0x23f: {  	v2 =	vld [tilespmem:$0x1A140];
	_ =	sdelay $0x7  }
0x240: {  	[tilespmem:v2+s28+$0x0] =	vst.idx.add.f32.msk $0xffff, v1  }
0x241: {  	v2 =	vld [tilespmem:$0x1A150];
	_ =	sdelay $0x7  }
0x242: {  	[tilespmem:v2+s28+$0x0] =	vst.idx.add.f32.msk $0xffff, v1  }
0x243: {  	v2 =	vld [tilespmem:$0x1A160];
	_ =	sdelay $0x7  }
0x244: {  	[tilespmem:v2+s28+$0x0] =	vst.idx.add.f32.msk $0xffff, v1  }
0x245: {  	v2 =	vld [tilespmem:$0x1A170];
	_ =	sdelay $0x7  }
0x246: {  	[tilespmem:v2+s28+$0x0] =	vst.idx.add.f32.msk $0xffff, v1  }
0x247: {  	v2 =	vld [tilespmem:$0x1A180];
	_ =	sdelay $0x7  }
0x248: {  	[tilespmem:v2+s28+$0x0] =	vst.idx.add.f32.msk $0xffff, v1  }
0x249: {  	v2 =	vld [tilespmem:$0x1A190];
	_ =	sdelay $0x7  }
0x24a: {  	[tilespmem:v2+s28+$0x0] =	vst.idx.add.f32.msk $0xffff, v1  }
0x24b: {  	v2 =	vld [tilespmem:$0x1A1A0];
	_ =	sdelay $0x7  }
0x24c: {  	[tilespmem:v2+s28+$0x0] =	vst.idx.add.f32.msk $0xffff, v1  }
0x24d: {  	v2 =	vld [tilespmem:$0x1A1B0];
	_ =	sdelay $0x7  }
0x24e: {  	[tilespmem:v2+s28+$0x0] =	vst.idx.add.f32.msk $0xffff, v1  }
0x24f: {  	v2 =	vld [tilespmem:$0x1A1C0];
	_ =	sdelay $0x7  }
0x250: {  	[tilespmem:v2+s28+$0x0] =	vst.idx.add.f32.msk $0xff, v1  }
0x251: {  	_ =	swait.ge [sflag:s24], $0x1400  }
0x252: {  	[sflag:s24] =	ssyncset.done $0x0  }
0x253: {  	[sflag:s24] =	ssyncadd.s32 $0xFFFFEC00  }
0x254: {  	_ =	swait.ge [sflag:s24], $0x1400  }
0x255: {  	[sflag:s24] =	ssyncset.done $0x0  }
0x256: {  	[sflag:s24] =	ssyncadd.s32 $0xFFFFEC00  }
0x257: {  	_ =	swait.ge [sflag:s24], $0x1400  }
0x258: {  	[sflag:s24] =	ssyncset.done $0x0  }
0x259: {  	[sflag:s24] =	ssyncadd.s32 $0xFFFFEC00  }
0x25a: {  	_ =	swait.ge [sflag:s24], $0x1400  }
0x25b: {  	[sflag:s24] =	ssyncset.done $0x0  }
0x25c: {  	[sflag:s24] =	ssyncadd.s32 $0xFFFFEC00  }
0x25d: {  	_ =	swait.ge [sflag:s24], $0x1400  }
0x25e: {  	[sflag:s24] =	ssyncset.done $0x0  }
0x25f: {  	[sflag:s24] =	ssyncadd.s32 $0xFFFFEC00  }
0x260: {  	_ =	swait.ge [sflag:s7], $0x1400  }
0x261: {  	[sflag:s7] =	ssyncset.done $0x0  }
0x262: {  	[sflag:s7] =	ssyncadd.s32 $0xFFFFEC00  }
0x263: {  	_ =	swait.ge [sflag:s7], $0x1400  }
0x264: {  	[sflag:s7] =	ssyncset.done $0x0  }
0x265: {  	[sflag:s7] =	ssyncadd.s32 $0xFFFFEC00  }
0x266: {  	_ =	swait.ge [sflag:s7], $0x1400  }
0x267: {  	[sflag:s7] =	ssyncset.done $0x0  }
0x268: {  	[sflag:s7] =	ssyncadd.s32 $0xFFFFEC00  }
0x269: {  	_ =	swait.ge [sflag:s7], $0x1400  }
0x26a: {  	[sflag:s7] =	ssyncset.done $0x0  }
0x26b: {  	[sflag:s7] =	ssyncadd.s32 $0xFFFFEC00  }
0x26c: {  	_ =	swait.ge [sflag:s7], $0x1400  }
0x26d: {  	[sflag:s7] =	ssyncset.done $0x0  }
0x26e: {  	[sflag:s7] =	ssyncadd.s32 $0xFFFFEC00  }
0x26f: {  	[bflag:$0x0] =	sbarrier.arrive $0xFFFF  }
0x270: {  	s13 =	sld [smem:$0x7F7]  }
0x271: {  	s8 =	sld [smem:$0x7F4];
	_ =	sdelay $0x1  }
0x272: {  	s10 =	simm.s32 $0xD;
	s11 =	rddreg [dreg:$0x13]  }
0x273: {  	[hbm:s13], [sflag:s11] =	dma.local [spmem:s8], $0x400  }
0x274: {  	_ =	swait.ge [sflag:s10], $0x400  }
0x275: {  	s16 =	simm.s32 $0x80;
	[sflag:s10] =	ssyncset.done $0x0  }
0x276: {  	s17 =	simm.s32 $0x400;
	s15 =	rddreg [dreg:$0x1e];
	[sflag:s10] =	ssyncadd.s32 $0xFFFFFC00  }
0x277: {  	[hbm4b:s15+s16] =	stream.strided.scatter [tilespmem:s28], [sflag:$0xD], $0x400, s17, s16, $0x38;
	[tilespmem:$0x1C800] =	vst v63  }
0x278: {  	_ =	swait.ge [sflag:s10], $0x400  }
0x279: {  	s19 =	sld [smem:$0x7F3]  }
0x27a: {  	s20 =	sld [smem:$0x7F8];
	_ =	sdelay $0x1  }
0x27b: {  	s8 =	sadd.s32 $0x1, s19  }
0x27c: {  	p0 =	sne.s32 s8, s20  }
.Ltmp2:
0x27d: {  	_ = 	snop;
	(pc) =	sbr.rel @p0 .LBB2_1-.Ltmp2, $3  }
0x27e: {  	_ =	sdelay $0x1  }
0x27f: {  	[sflag:s10] =	ssyncset.done $0x0  }
0x280: {  	[sflag:s10] =	ssyncadd.s32 $0xFFFFFC00  }
0x281: {  	_ =	sfence.sel $0x180000  }
0x282: {  	[bflag:$0x0] =	sbarrier.arrive $0xFFFF  }
0x283: {  	_ =	strace $0x90000047  }
0x284: {  	s0 =	stileid.u32;
	[bflag:$0x2] =	sbarrier.arrive $0xFFFF  }
0x285: {  	p0 =	sne.s32 s0, $0x0;
	s0 =	rddreg [dreg:$0x4]  }
0x286: {  	s0 =	sadd.s32 @!p0 $0x100000, s0  }
0x287: {  	[sflag:s0] =	ssyncadd.tile.s32 @!p0 $0x1;
	_ =	shalt  }
.Lfunc_end2:
_tile_overlayer_lowered:
.L_overlay_start_2:
0x288: {  	(tag) =	ssettag $0x2  }
0x289: {  	s0 =	rddreg [dreg:$0x0];
	s2 =	stileid.u32  }
0x28a: {  	s1 =	rddreg [dreg:$0x1];
	p0 =	sne.s32 s2, $0x0  }
0x28b: {  	s3 =	rddreg [dreg:$0x2];
	[bflag:$0x3] =	sbarrier.arrive $0xFFFF;
	s2 =	simm.s32 @!p0 $0x1C0D  }
0x28c: {  	[timem:s3], [sflag:s2] =	dma.local @!p0 [hbm:s0], s1  }
0x28d: {  	s0 =	simm.s32 @!p0 $0xD  }
0x28e: {  	_ =	swait.ge @!p0 [sflag:s0], s1  }
0x28f: {  	s1 =	ssub.s32 @!p0 $0x0, s1;
	[sflag:s0] =	ssyncset.done @!p0 $0x0  }
0x290: {  	[sflag:s0] =	ssyncadd.s32 @!p0 s1  }
0x291: {  	[bflag:$0x3] =	sbarrier.arrive $0xFFFF  }
0x292: {  	_ =	shalt  }

</sc_bundles>
